<compile_context>
chip_gen: v7x
topology: tpu7x:2x2x1
jax: 0.10.2.dev20260603
libtpu: 0.0.44.dev20260713+nightly
codegen_flags: <defaults>
</compile_context>

<pallas_src>
import functools

import jax
import jax.numpy as jnp
from jax import lax
from jax.experimental import pallas as pl
from jax.experimental.pallas import tpu as pltpu
from jax.experimental.pallas import tpu_sc as plsc

B, T, V = 32, 16, 100000
N = B * T
NS = 16
ROWS = N // NS
L = 16
CHUNKS = ROWS // L
SEG = 128


_SCRATCH = [
    pltpu.VMEM((T, B), jnp.int32),
    pltpu.VMEM((T, B), jnp.float32),
    pltpu.VMEM((ROWS, 8, SEG), jnp.float32),
    pltpu.VMEM((ROWS, 8, SEG), jnp.float32),
    pltpu.VMEM((2, L), jnp.float32),
    pltpu.VMEM((L,), jnp.float32),
    pltpu.VMEM((NS, 2, L), jnp.float32),
    pltpu.HBM((NS, 2, L), jnp.float32),
    pltpu.SemaphoreType.DMA,
    pltpu.SemaphoreType.DMA,
    pltpu.SemaphoreType.DMA,
]


def _nll_body(fine_hbm, final_hbm, tgt_hbm, msk_hbm, out_hbm,
              tgt_all, msk_all, fine_seg, final_seg, stage_v, res_v, red_v,
              bounce_hbm, sem_a, sem_b, sem_c):
    sid = lax.axis_index("s")

    pltpu.sync_copy(tgt_hbm, tgt_all)
    msk_cp = pltpu.make_async_copy(msk_hbm, msk_all, sem_c)
    msk_cp.start()

    lane = lax.iota(jnp.int32, L)
    subl = lane & 7
    lacc = jnp.zeros((L,), jnp.float32)
    macc = jnp.zeros((L,), jnp.float32)
    tchunks = []
    descs = []
    for k in range(CHUNKS):
        b = sid * CHUNKS + k
        bvec = jnp.broadcast_to(b, (L,)).astype(jnp.int32)
        tchunk = plsc.load_gather(tgt_all, [lane, bvec])
        tchunks.append(tchunk)
        for j in range(L):
            t0 = j & ~7
            c0 = pl.multiple_of((tchunk[j] >> 7) << 7, SEG)
            r = k * L + j
            d1 = pltpu.make_async_copy(
                fine_hbm.at[b, pl.ds(t0, 8), pl.ds(c0, SEG)],
                fine_seg.at[r], sem_a)
            d2 = pltpu.make_async_copy(
                final_hbm.at[b, pl.ds(t0, 8), pl.ds(c0, SEG)],
                final_seg.at[r], sem_b)
            d1.start()
            d2.start()
            descs.append(d1)
            descs.append(d2)
    msk_cp.wait()
    for d in descs:
        d.wait()

    for k in range(CHUNKS):
        b = sid * CHUNKS + k
        bvec = jnp.broadcast_to(b, (L,)).astype(jnp.int32)
        tchunk = tchunks[k]
        colv = tchunk & 127
        rowv = lane + (k * L)
        fvals = plsc.load_gather(fine_seg, [rowv, subl, colv])
        gvals = plsc.load_gather(final_seg, [rowv, subl, colv])
        m = plsc.load_gather(msk_all, [lane, bvec])
        lacc = lacc + (fvals + gvals) * m
        macc = macc + m

    stage_v[0] = lacc
    stage_v[1] = macc
    pltpu.sync_copy(stage_v, bounce_hbm.at[sid])
    plsc.subcore_barrier()

    @pl.when(sid == 0)
    def _finish():
        pltpu.sync_copy(bounce_hbm, red_v)
        lsum = jnp.zeros((L,), jnp.float32)
        msum = jnp.zeros((L,), jnp.float32)
        for r in range(NS):
            lsum = lsum + red_v[r, 0]
            msum = msum + red_v[r, 1]
        ltot = plsc.cumsum(lsum)[L - 1]
        mtot = plsc.cumsum(msum)[L - 1]
        res_v[...] = jnp.broadcast_to(-ltot, (L,)) / jnp.broadcast_to(mtot, (L,))
        pltpu.sync_copy(res_v, out_hbm)


@functools.cache
def _nll_kernel():
    mesh = plsc.VectorSubcoreMesh(
        core_axis_name="c", subcore_axis_name="s", num_cores=1, num_subcores=NS)
    return functools.partial(
        pl.kernel,
        out_type=jax.ShapeDtypeStruct((L,), jnp.float32),
        mesh=mesh,
        scratch_types=_SCRATCH,
        compiler_params=pltpu.CompilerParams(needs_layout_passes=False),
    )(_nll_body)


def kernel(input_fine, input_final, target, mask):
    out = _nll_kernel()(input_fine, input_final, target.T, mask.T)
    return out[0]

# --- scband reference (transcript-rebuilt; emitter-appended) ---
"""Pipeline reference for scband-c2f-language-model-criterion-52853867545282 (READ-ONLY COPY).

The authoritative reference and input builder live on the scoring server;
editing this copy changes nothing except your own understanding.
"""

import jax, jax.numpy as jnp
import numpy as np

B, T, V = 32, 16, 100000

def setup_inputs(seed: int = 0) -> dict:
    key = jax.random.key(seed)
    k1, k2, k3, k4 = jax.random.split(key, 4)
    input_fine = jax.random.normal(k1, (B, T, V), dtype=jnp.float32)
    input_final = jax.random.normal(k2, (B, T, V), dtype=jnp.float32)
    target = jax.random.randint(k3, (B, T), 0, V, dtype=jnp.int32)
    mask = jax.random.uniform(k4, (B, T), dtype=jnp.float32)
    return {"input_fine": input_fine, "input_final": input_final, "target": target, "mask": mask}

def _masked_nll(inp, target, mask):
    # inp: [B, Tm, V]; target/mask: [B, T] with T >= Tm
    Tm = inp.shape[1]
    Vc = inp.shape[2]
    t = target[:, :Tm].reshape(-1, 1)
    m = mask[:, :Tm].reshape(-1, 1)
    flat = inp.reshape(-1, Vc)
    out = jnp.take_along_axis(flat, t, axis=1)
    return -jnp.sum(out * m) / jnp.sum(m)

def reference(input_fine, input_final, target, mask):
    loss_fine = _masked_nll(input_fine, target, mask)
    loss_final = _masked_nll(input_final, target, mask)
    return loss_fine + loss_final

if __name__ == "__main__":
    import jax
    _d = setup_inputs()
    print(jax.jit(kernel)(*tuple(_d.values())))

</pallas_src>

<mosaic_0001>
#map = affine_map<(d0, d1) -> (0, 0, 0)>
#map1 = affine_map<(d0, d1) -> (0, 0)>
#map2 = affine_map<(d0, d1) -> (0)>
module attributes {stable_mosaic.version = 14 : i64} {
  func.func @_nll_body(%arg0: i32, %arg1: i32, %arg2: memref<32x16x100000xf32, #tpu.memory_space<hbm>>, %arg3: memref<32x16x100000xf32, #tpu.memory_space<hbm>>, %arg4: memref<16x32xi32, #tpu.memory_space<hbm>>, %arg5: memref<16x32xf32, #tpu.memory_space<hbm>>, %arg6: memref<16xf32, #tpu.memory_space<hbm>>, %arg7: memref<16x32xi32, #tpu.memory_space<vmem>>, %arg8: memref<16x32xf32, #tpu.memory_space<vmem>>, %arg9: memref<32x8x128xf32, #tpu.memory_space<vmem>>, %arg10: memref<32x8x128xf32, #tpu.memory_space<vmem>>, %arg11: memref<2x16xf32, #tpu.memory_space<vmem>>, %arg12: memref<16xf32, #tpu.memory_space<vmem>>, %arg13: memref<16x2x16xf32, #tpu.memory_space<vmem>>, %arg14: memref<16x2x16xf32, #tpu.memory_space<hbm>>, %arg15: memref<!tpu.dma_semaphore, #tpu.memory_space<semaphore_mem>>, %arg16: memref<!tpu.dma_semaphore, #tpu.memory_space<semaphore_mem>>, %arg17: memref<!tpu.dma_semaphore, #tpu.memory_space<semaphore_mem>>) attributes {dimension_semantics = [#tpu.dimension_semantics<core_parallel>, #tpu.dimension_semantics<subcore_parallel>], iteration_bounds = array<i64: 1, 16>, scalar_prefetch = 0 : i64, scratch_operands = 11 : i64, tpu.core_type = #tpu.core_type<sc_vector_subcore>, window_params = [{transform_indices = #map}, {transform_indices = #map}, {transform_indices = #map1}, {transform_indices = #map1}, {transform_indices = #map2}]} {
    "tpu.region"() ({
      %run_scoped3A = tpu.sem_alloc : memref<!tpu.dma_semaphore, #tpu.memory_space<semaphore_mem>>
      tpu.enqueue_dma source(%arg4 : memref<16x32xi32, #tpu.memory_space<hbm>>) target(%arg7 : memref<16x32xi32, #tpu.memory_space<vmem>>) target_semaphore(%run_scoped3A : memref<!tpu.dma_semaphore, #tpu.memory_space<semaphore_mem>>)
      tpu.wait_dma2 semaphore(%run_scoped3A : memref<!tpu.dma_semaphore, #tpu.memory_space<semaphore_mem>>) src(%arg4 : memref<16x32xi32, #tpu.memory_space<hbm>>) dst(%arg7 : memref<16x32xi32, #tpu.memory_space<vmem>>)
      tpu.yield
    }) : () -> ()
    tpu.enqueue_dma source(%arg5 : memref<16x32xf32, #tpu.memory_space<hbm>>) target(%arg8 : memref<16x32xf32, #tpu.memory_space<vmem>>) target_semaphore(%arg17 : memref<!tpu.dma_semaphore, #tpu.memory_space<semaphore_mem>>)
    %iota3A = tpu.iota {dimensions = array<i32: 0>} : vector<16xi32>
    %and3A = arith.constant 7 : i32
    %and3A_0 = vector.broadcast %and3A : i32 to vector<16xi32>
    %and3A_1 = arith.andi %iota3A, %and3A_0 : vector<16xi32>
    %broadcast_in_dim3A = arith.constant 0.000000e+00 : f32
    %broadcast_in_dim3A_2 = vector.broadcast %broadcast_in_dim3A : f32 to vector<16xf32>
    %broadcast_in_dim3A_3 = arith.constant 0.000000e+00 : f32
    %broadcast_in_dim3A_4 = vector.broadcast %broadcast_in_dim3A_3 : f32 to vector<16xf32>
    %mul3A = arith.constant 2 : i32
    %mul3A_5 = arith.muli %arg1, %mul3A : i32
    %add3A = arith.constant 0 : i32
    %add3A_6 = arith.addi %mul3A_5, %add3A : i32
    %broadcast_in_dim3A_7 = vector.broadcast %add3A_6 : i32 to vector<16xi32>
    %gather3A = tpu.vector_load_idx %arg7[%iota3A, %broadcast_in_dim3A_7] : memref<16x32xi32, #tpu.memory_space<vmem>>[vector<16xi32>, vector<16xi32>], vector<16xi32>,
    %slice3A = vector.extract_strided_slice %gather3A {offsets = [0], sizes = [1], strides = [1]} : vector<16xi32> to vector<1xi32>
    %squeeze3A = vector.extract %slice3A[0] : i32 from vector<1xi32>
    %shift_right_arithmetic3A = arith.constant 7 : i32
    %shift_right_arithmetic3A_8 = arith.shrsi %squeeze3A, %shift_right_arithmetic3A : i32
    %shift_left3A = arith.constant 7 : i32
    %shift_left3A_9 = arith.shli %shift_right_arithmetic3A_8, %shift_left3A : i32
    %multiple_of3A = tpu.assume_multiple %shift_left3A_9, 128 : i32
    %dma_start3A = arith.constant 0 : i32
    %dma_start3A_10 = arith.constant 0 : i32
    %dma_start3A_11 = arith.constant 0 : i32
    %dma_start3A_12 = tpu.memref_slice %arg9[%dma_start3A, %dma_start3A_10, %dma_start3A_11] : memref<32x8x128xf32, #tpu.memory_space<vmem>> -> memref<1x8x128xf32, #tpu.memory_space<vmem>>
    %dma_start3A_13 = tpu.memref_squeeze %dma_start3A_12 : memref<1x8x128xf32, #tpu.memory_space<vmem>> -> memref<8x128xf32, #tpu.memory_space<vmem>>
    %dma_start3A_14 = arith.constant 0 : i32
    %dma_start3A_15 = tpu.memref_slice %arg2[%add3A_6, %dma_start3A_14, %multiple_of3A] : memref<32x16x100000xf32, #tpu.memory_space<hbm>> -> memref<1x8x128xf32, #tpu.memory_space<hbm>>
    %dma_start3A_16 = tpu.memref_squeeze %dma_start3A_15 : memref<1x8x128xf32, #tpu.memory_space<hbm>> -> memref<8x128xf32, #tpu.memory_space<hbm>>
    %dma_start3A_17 = arith.constant 0 : i32
    %dma_start3A_18 = arith.constant 0 : i32
    %dma_start3A_19 = tpu.memref_slice %arg9[%dma_start3A, %dma_start3A_17, %dma_start3A_18] : memref<32x8x128xf32, #tpu.memory_space<vmem>> -> memref<1x8x128xf32, #tpu.memory_space<vmem>>
    %dma_start3A_20 = tpu.memref_squeeze %dma_start3A_19 : memref<1x8x128xf32, #tpu.memory_space<vmem>> -> memref<8x128xf32, #tpu.memory_space<vmem>>
    %dma_start3A_21 = arith.constant 0 : i32
    %dma_start3A_22 = tpu.memref_slice %arg2[%add3A_6, %dma_start3A_21, %multiple_of3A] : memref<32x16x100000xf32, #tpu.memory_space<hbm>> -> memref<1x8x128xf32, #tpu.memory_space<hbm>>
    %dma_start3A_23 = tpu.memref_squeeze %dma_start3A_22 : memref<1x8x128xf32, #tpu.memory_space<hbm>> -> memref<8x128xf32, #tpu.memory_space<hbm>>
    tpu.enqueue_dma source(%dma_start3A_23 : memref<8x128xf32, #tpu.memory_space<hbm>>) target(%dma_start3A_20 : memref<8x128xf32, #tpu.memory_space<vmem>>) target_semaphore(%arg15 : memref<!tpu.dma_semaphore, #tpu.memory_space<semaphore_mem>>)
    %dma_start3A_24 = arith.constant 0 : i32
    %dma_start3A_25 = arith.constant 0 : i32
    %dma_start3A_26 = arith.constant 0 : i32
    %dma_start3A_27 = tpu.memref_slice %arg10[%dma_start3A_24, %dma_start3A_25, %dma_start3A_26] : memref<32x8x128xf32, #tpu.memory_space<vmem>> -> memref<1x8x128xf32, #tpu.memory_space<vmem>>
    %dma_start3A_28 = tpu.memref_squeeze %dma_start3A_27 : memref<1x8x128xf32, #tpu.memory_space<vmem>> -> memref<8x128xf32, #tpu.memory_space<vmem>>
    %dma_start3A_29 = arith.constant 0 : i32
    %dma_start3A_30 = tpu.memref_slice %arg3[%add3A_6, %dma_start3A_29, %multiple_of3A] : memref<32x16x100000xf32, #tpu.memory_space<hbm>> -> memref<1x8x128xf32, #tpu.memory_space<hbm>>
    %dma_start3A_31 = tpu.memref_squeeze %dma_start3A_30 : memref<1x8x128xf32, #tpu.memory_space<hbm>> -> memref<8x128xf32, #tpu.memory_space<hbm>>
    %dma_start3A_32 = arith.constant 0 : i32
    %dma_start3A_33 = arith.constant 0 : i32
    %dma_start3A_34 = tpu.memref_slice %arg10[%dma_start3A_24, %dma_start3A_32, %dma_start3A_33] : memref<32x8x128xf32, #tpu.memory_space<vmem>> -> memref<1x8x128xf32, #tpu.memory_space<vmem>>
    %dma_start3A_35 = tpu.memref_squeeze %dma_start3A_34 : memref<1x8x128xf32, #tpu.memory_space<vmem>> -> memref<8x128xf32, #tpu.memory_space<vmem>>
    %dma_start3A_36 = arith.constant 0 : i32
    %dma_start3A_37 = tpu.memref_slice %arg3[%add3A_6, %dma_start3A_36, %multiple_of3A] : memref<32x16x100000xf32, #tpu.memory_space<hbm>> -> memref<1x8x128xf32, #tpu.memory_space<hbm>>
    %dma_start3A_38 = tpu.memref_squeeze %dma_start3A_37 : memref<1x8x128xf32, #tpu.memory_space<hbm>> -> memref<8x128xf32, #tpu.memory_space<hbm>>
    tpu.enqueue_dma source(%dma_start3A_38 : memref<8x128xf32, #tpu.memory_space<hbm>>) target(%dma_start3A_35 : memref<8x128xf32, #tpu.memory_space<vmem>>) target_semaphore(%arg16 : memref<!tpu.dma_semaphore, #tpu.memory_space<semaphore_mem>>)
    %slice3A_39 = vector.extract_strided_slice %gather3A {offsets = [1], sizes = [1], strides = [1]} : vector<16xi32> to vector<1xi32>
    %squeeze3A_40 = vector.extract %slice3A_39[0] : i32 from vector<1xi32>
    %shift_right_arithmetic3A_41 = arith.constant 7 : i32
    %shift_right_arithmetic3A_42 = arith.shrsi %squeeze3A_40, %shift_right_arithmetic3A_41 : i32
    %shift_left3A_43 = arith.constant 7 : i32
    %shift_left3A_44 = arith.shli %shift_right_arithmetic3A_42, %shift_left3A_43 : i32
    %multiple_of3A_45 = tpu.assume_multiple %shift_left3A_44, 128 : i32
    %dma_start3A_46 = arith.constant 1 : i32
    %dma_start3A_47 = arith.constant 0 : i32
    %dma_start3A_48 = arith.constant 0 : i32
    %dma_start3A_49 = tpu.memref_slice %arg9[%dma_start3A_46, %dma_start3A_47, %dma_start3A_48] : memref<32x8x128xf32, #tpu.memory_space<vmem>> -> memref<1x8x128xf32, #tpu.memory_space<vmem>>
    %dma_start3A_50 = tpu.memref_squeeze %dma_start3A_49 : memref<1x8x128xf32, #tpu.memory_space<vmem>> -> memref<8x128xf32, #tpu.memory_space<vmem>>
    %dma_start3A_51 = arith.constant 0 : i32
    %dma_start3A_52 = tpu.memref_slice %arg2[%add3A_6, %dma_start3A_51, %multiple_of3A_45] : memref<32x16x100000xf32, #tpu.memory_space<hbm>> -> memref<1x8x128xf32, #tpu.memory_space<hbm>>
    %dma_start3A_53 = tpu.memref_squeeze %dma_start3A_52 : memref<1x8x128xf32, #tpu.memory_space<hbm>> -> memref<8x128xf32, #tpu.memory_space<hbm>>
    %dma_start3A_54 = arith.constant 0 : i32
    %dma_start3A_55 = arith.constant 0 : i32
    %dma_start3A_56 = tpu.memref_slice %arg9[%dma_start3A_46, %dma_start3A_54, %dma_start3A_55] : memref<32x8x128xf32, #tpu.memory_space<vmem>> -> memref<1x8x128xf32, #tpu.memory_space<vmem>>
    %dma_start3A_57 = tpu.memref_squeeze %dma_start3A_56 : memref<1x8x128xf32, #tpu.memory_space<vmem>> -> memref<8x128xf32, #tpu.memory_space<vmem>>
    %dma_start3A_58 = arith.constant 0 : i32
    %dma_start3A_59 = tpu.memref_slice %arg2[%add3A_6, %dma_start3A_58, %multiple_of3A_45] : memref<32x16x100000xf32, #tpu.memory_space<hbm>> -> memref<1x8x128xf32, #tpu.memory_space<hbm>>
    %dma_start3A_60 = tpu.memref_squeeze %dma_start3A_59 : memref<1x8x128xf32, #tpu.memory_space<hbm>> -> memref<8x128xf32, #tpu.memory_space<hbm>>
    tpu.enqueue_dma source(%dma_start3A_60 : memref<8x128xf32, #tpu.memory_space<hbm>>) target(%dma_start3A_57 : memref<8x128xf32, #tpu.memory_space<vmem>>) target_semaphore(%arg15 : memref<!tpu.dma_semaphore, #tpu.memory_space<semaphore_mem>>)
    %dma_start3A_61 = arith.constant 1 : i32
    %dma_start3A_62 = arith.constant 0 : i32
    %dma_start3A_63 = arith.constant 0 : i32
    %dma_start3A_64 = tpu.memref_slice %arg10[%dma_start3A_61, %dma_start3A_62, %dma_start3A_63] : memref<32x8x128xf32, #tpu.memory_space<vmem>> -> memref<1x8x128xf32, #tpu.memory_space<vmem>>
    %dma_start3A_65 = tpu.memref_squeeze %dma_start3A_64 : memref<1x8x128xf32, #tpu.memory_space<vmem>> -> memref<8x128xf32, #tpu.memory_space<vmem>>
    %dma_start3A_66 = arith.constant 0 : i32
    %dma_start3A_67 = tpu.memref_slice %arg3[%add3A_6, %dma_start3A_66, %multiple_of3A_45] : memref<32x16x100000xf32, #tpu.memory_space<hbm>> -> memref<1x8x128xf32, #tpu.memory_space<hbm>>
    %dma_start3A_68 = tpu.memref_squeeze %dma_start3A_67 : memref<1x8x128xf32, #tpu.memory_space<hbm>> -> memref<8x128xf32, #tpu.memory_space<hbm>>
    %dma_start3A_69 = arith.constant 0 : i32
    %dma_start3A_70 = arith.constant 0 : i32
    %dma_start3A_71 = tpu.memref_slice %arg10[%dma_start3A_61, %dma_start3A_69, %dma_start3A_70] : memref<32x8x128xf32, #tpu.memory_space<vmem>> -> memref<1x8x128xf32, #tpu.memory_space<vmem>>
    %dma_start3A_72 = tpu.memref_squeeze %dma_start3A_71 : memref<1x8x128xf32, #tpu.memory_space<vmem>> -> memref<8x128xf32, #tpu.memory_space<vmem>>
    %dma_start3A_73 = arith.constant 0 : i32
    %dma_start3A_74 = tpu.memref_slice %arg3[%add3A_6, %dma_start3A_73, %multiple_of3A_45] : memref<32x16x100000xf32, #tpu.memory_space<hbm>> -> memref<1x8x128xf32, #tpu.memory_space<hbm>>
    %dma_start3A_75 = tpu.memref_squeeze %dma_start3A_74 : memref<1x8x128xf32, #tpu.memory_space<hbm>> -> memref<8x128xf32, #tpu.memory_space<hbm>>
    tpu.enqueue_dma source(%dma_start3A_75 : memref<8x128xf32, #tpu.memory_space<hbm>>) target(%dma_start3A_72 : memref<8x128xf32, #tpu.memory_space<vmem>>) target_semaphore(%arg16 : memref<!tpu.dma_semaphore, #tpu.memory_space<semaphore_mem>>)
    %slice3A_76 = vector.extract_strided_slice %gather3A {offsets = [2], sizes = [1], strides = [1]} : vector<16xi32> to vector<1xi32>
    %squeeze3A_77 = vector.extract %slice3A_76[0] : i32 from vector<1xi32>
    %shift_right_arithmetic3A_78 = arith.constant 7 : i32
    %shift_right_arithmetic3A_79 = arith.shrsi %squeeze3A_77, %shift_right_arithmetic3A_78 : i32
    %shift_left3A_80 = arith.constant 7 : i32
    %shift_left3A_81 = arith.shli %shift_right_arithmetic3A_79, %shift_left3A_80 : i32
    %multiple_of3A_82 = tpu.assume_multiple %shift_left3A_81, 128 : i32
    %dma_start3A_83 = arith.constant 2 : i32
    %dma_start3A_84 = arith.constant 0 : i32
    %dma_start3A_85 = arith.constant 0 : i32
    %dma_start3A_86 = tpu.memref_slice %arg9[%dma_start3A_83, %dma_start3A_84, %dma_start3A_85] : memref<32x8x128xf32, #tpu.memory_space<vmem>> -> memref<1x8x128xf32, #tpu.memory_space<vmem>>
    %dma_start3A_87 = tpu.memref_squeeze %dma_start3A_86 : memref<1x8x128xf32, #tpu.memory_space<vmem>> -> memref<8x128xf32, #tpu.memory_space<vmem>>
    %dma_start3A_88 = arith.constant 0 : i32
    %dma_start3A_89 = tpu.memref_slice %arg2[%add3A_6, %dma_start3A_88, %multiple_of3A_82] : memref<32x16x100000xf32, #tpu.memory_space<hbm>> -> memref<1x8x128xf32, #tpu.memory_space<hbm>>
    %dma_start3A_90 = tpu.memref_squeeze %dma_start3A_89 : memref<1x8x128xf32, #tpu.memory_space<hbm>> -> memref<8x128xf32, #tpu.memory_space<hbm>>
    %dma_start3A_91 = arith.constant 0 : i32
    %dma_start3A_92 = arith.constant 0 : i32
    %dma_start3A_93 = tpu.memref_slice %arg9[%dma_start3A_83, %dma_start3A_91, %dma_start3A_92] : memref<32x8x128xf32, #tpu.memory_space<vmem>> -> memref<1x8x128xf32, #tpu.memory_space<vmem>>
    %dma_start3A_94 = tpu.memref_squeeze %dma_start3A_93 : memref<1x8x128xf32, #tpu.memory_space<vmem>> -> memref<8x128xf32, #tpu.memory_space<vmem>>
    %dma_start3A_95 = arith.constant 0 : i32
    %dma_start3A_96 = tpu.memref_slice %arg2[%add3A_6, %dma_start3A_95, %multiple_of3A_82] : memref<32x16x100000xf32, #tpu.memory_space<hbm>> -> memref<1x8x128xf32, #tpu.memory_space<hbm>>
    %dma_start3A_97 = tpu.memref_squeeze %dma_start3A_96 : memref<1x8x128xf32, #tpu.memory_space<hbm>> -> memref<8x128xf32, #tpu.memory_space<hbm>>
    tpu.enqueue_dma source(%dma_start3A_97 : memref<8x128xf32, #tpu.memory_space<hbm>>) target(%dma_start3A_94 : memref<8x128xf32, #tpu.memory_space<vmem>>) target_semaphore(%arg15 : memref<!tpu.dma_semaphore, #tpu.memory_space<semaphore_mem>>)
    %dma_start3A_98 = arith.constant 2 : i32
    %dma_start3A_99 = arith.constant 0 : i32
    %dma_start3A_100 = arith.constant 0 : i32
    %dma_start3A_101 = tpu.memref_slice %arg10[%dma_start3A_98, %dma_start3A_99, %dma_start3A_100] : memref<32x8x128xf32, #tpu.memory_space<vmem>> -> memref<1x8x128xf32, #tpu.memory_space<vmem>>
    %dma_start3A_102 = tpu.memref_squeeze %dma_start3A_101 : memref<1x8x128xf32, #tpu.memory_space<vmem>> -> memref<8x128xf32, #tpu.memory_space<vmem>>
    %dma_start3A_103 = arith.constant 0 : i32
    %dma_start3A_104 = tpu.memref_slice %arg3[%add3A_6, %dma_start3A_103, %multiple_of3A_82] : memref<32x16x100000xf32, #tpu.memory_space<hbm>> -> memref<1x8x128xf32, #tpu.memory_space<hbm>>
    %dma_start3A_105 = tpu.memref_squeeze %dma_start3A_104 : memref<1x8x128xf32, #tpu.memory_space<hbm>> -> memref<8x128xf32, #tpu.memory_space<hbm>>
    %dma_start3A_106 = arith.constant 0 : i32
    %dma_start3A_107 = arith.constant 0 : i32
    %dma_start3A_108 = tpu.memref_slice %arg10[%dma_start3A_98, %dma_start3A_106, %dma_start3A_107] : memref<32x8x128xf32, #tpu.memory_space<vmem>> -> memref<1x8x128xf32, #tpu.memory_space<vmem>>
    %dma_start3A_109 = tpu.memref_squeeze %dma_start3A_108 : memref<1x8x128xf32, #tpu.memory_space<vmem>> -> memref<8x128xf32, #tpu.memory_space<vmem>>
    %dma_start3A_110 = arith.constant 0 : i32
    %dma_start3A_111 = tpu.memref_slice %arg3[%add3A_6, %dma_start3A_110, %multiple_of3A_82] : memref<32x16x100000xf32, #tpu.memory_space<hbm>> -> memref<1x8x128xf32, #tpu.memory_space<hbm>>
    %dma_start3A_112 = tpu.memref_squeeze %dma_start3A_111 : memref<1x8x128xf32, #tpu.memory_space<hbm>> -> memref<8x128xf32, #tpu.memory_space<hbm>>
    tpu.enqueue_dma source(%dma_start3A_112 : memref<8x128xf32, #tpu.memory_space<hbm>>) target(%dma_start3A_109 : memref<8x128xf32, #tpu.memory_space<vmem>>) target_semaphore(%arg16 : memref<!tpu.dma_semaphore, #tpu.memory_space<semaphore_mem>>)
    %slice3A_113 = vector.extract_strided_slice %gather3A {offsets = [3], sizes = [1], strides = [1]} : vector<16xi32> to vector<1xi32>
    %squeeze3A_114 = vector.extract %slice3A_113[0] : i32 from vector<1xi32>
    %shift_right_arithmetic3A_115 = arith.constant 7 : i32
    %shift_right_arithmetic3A_116 = arith.shrsi %squeeze3A_114, %shift_right_arithmetic3A_115 : i32
    %shift_left3A_117 = arith.constant 7 : i32
    %shift_left3A_118 = arith.shli %shift_right_arithmetic3A_116, %shift_left3A_117 : i32
    %multiple_of3A_119 = tpu.assume_multiple %shift_left3A_118, 128 : i32
    %dma_start3A_120 = arith.constant 3 : i32
    %dma_start3A_121 = arith.constant 0 : i32
    %dma_start3A_122 = arith.constant 0 : i32
    %dma_start3A_123 = tpu.memref_slice %arg9[%dma_start3A_120, %dma_start3A_121, %dma_start3A_122] : memref<32x8x128xf32, #tpu.memory_space<vmem>> -> memref<1x8x128xf32, #tpu.memory_space<vmem>>
    %dma_start3A_124 = tpu.memref_squeeze %dma_start3A_123 : memref<1x8x128xf32, #tpu.memory_space<vmem>> -> memref<8x128xf32, #tpu.memory_space<vmem>>
    %dma_start3A_125 = arith.constant 0 : i32
    %dma_start3A_126 = tpu.memref_slice %arg2[%add3A_6, %dma_start3A_125, %multiple_of3A_119] : memref<32x16x100000xf32, #tpu.memory_space<hbm>> -> memref<1x8x128xf32, #tpu.memory_space<hbm>>
    %dma_start3A_127 = tpu.memref_squeeze %dma_start3A_126 : memref<1x8x128xf32, #tpu.memory_space<hbm>> -> memref<8x128xf32, #tpu.memory_space<hbm>>
    %dma_start3A_128 = arith.constant 0 : i32
    %dma_start3A_129 = arith.constant 0 : i32
    %dma_start3A_130 = tpu.memref_slice %arg9[%dma_start3A_120, %dma_start3A_128, %dma_start3A_129] : memref<32x8x128xf32, #tpu.memory_space<vmem>> -> memref<1x8x128xf32, #tpu.memory_space<vmem>>
    %dma_start3A_131 = tpu.memref_squeeze %dma_start3A_130 : memref<1x8x128xf32, #tpu.memory_space<vmem>> -> memref<8x128xf32, #tpu.memory_space<vmem>>
    %dma_start3A_132 = arith.constant 0 : i32
    %dma_start3A_133 = tpu.memref_slice %arg2[%add3A_6, %dma_start3A_132, %multiple_of3A_119] : memref<32x16x100000xf32, #tpu.memory_space<hbm>> -> memref<1x8x128xf32, #tpu.memory_space<hbm>>
    %dma_start3A_134 = tpu.memref_squeeze %dma_start3A_133 : memref<1x8x128xf32, #tpu.memory_space<hbm>> -> memref<8x128xf32, #tpu.memory_space<hbm>>
    tpu.enqueue_dma source(%dma_start3A_134 : memref<8x128xf32, #tpu.memory_space<hbm>>) target(%dma_start3A_131 : memref<8x128xf32, #tpu.memory_space<vmem>>) target_semaphore(%arg15 : memref<!tpu.dma_semaphore, #tpu.memory_space<semaphore_mem>>)
    %dma_start3A_135 = arith.constant 3 : i32
    %dma_start3A_136 = arith.constant 0 : i32
    %dma_start3A_137 = arith.constant 0 : i32
    %dma_start3A_138 = tpu.memref_slice %arg10[%dma_start3A_135, %dma_start3A_136, %dma_start3A_137] : memref<32x8x128xf32, #tpu.memory_space<vmem>> -> memref<1x8x128xf32, #tpu.memory_space<vmem>>
    %dma_start3A_139 = tpu.memref_squeeze %dma_start3A_138 : memref<1x8x128xf32, #tpu.memory_space<vmem>> -> memref<8x128xf32, #tpu.memory_space<vmem>>
    %dma_start3A_140 = arith.constant 0 : i32
    %dma_start3A_141 = tpu.memref_slice %arg3[%add3A_6, %dma_start3A_140, %multiple_of3A_119] : memref<32x16x100000xf32, #tpu.memory_space<hbm>> -> memref<1x8x128xf32, #tpu.memory_space<hbm>>
    %dma_start3A_142 = tpu.memref_squeeze %dma_start3A_141 : memref<1x8x128xf32, #tpu.memory_space<hbm>> -> memref<8x128xf32, #tpu.memory_space<hbm>>
    %dma_start3A_143 = arith.constant 0 : i32
    %dma_start3A_144 = arith.constant 0 : i32
    %dma_start3A_145 = tpu.memref_slice %arg10[%dma_start3A_135, %dma_start3A_143, %dma_start3A_144] : memref<32x8x128xf32, #tpu.memory_space<vmem>> -> memref<1x8x128xf32, #tpu.memory_space<vmem>>
    %dma_start3A_146 = tpu.memref_squeeze %dma_start3A_145 : memref<1x8x128xf32, #tpu.memory_space<vmem>> -> memref<8x128xf32, #tpu.memory_space<vmem>>
    %dma_start3A_147 = arith.constant 0 : i32
    %dma_start3A_148 = tpu.memref_slice %arg3[%add3A_6, %dma_start3A_147, %multiple_of3A_119] : memref<32x16x100000xf32, #tpu.memory_space<hbm>> -> memref<1x8x128xf32, #tpu.memory_space<hbm>>
    %dma_start3A_149 = tpu.memref_squeeze %dma_start3A_148 : memref<1x8x128xf32, #tpu.memory_space<hbm>> -> memref<8x128xf32, #tpu.memory_space<hbm>>
    tpu.enqueue_dma source(%dma_start3A_149 : memref<8x128xf32, #tpu.memory_space<hbm>>) target(%dma_start3A_146 : memref<8x128xf32, #tpu.memory_space<vmem>>) target_semaphore(%arg16 : memref<!tpu.dma_semaphore, #tpu.memory_space<semaphore_mem>>)
    %slice3A_150 = vector.extract_strided_slice %gather3A {offsets = [4], sizes = [1], strides = [1]} : vector<16xi32> to vector<1xi32>
    %squeeze3A_151 = vector.extract %slice3A_150[0] : i32 from vector<1xi32>
    %shift_right_arithmetic3A_152 = arith.constant 7 : i32
    %shift_right_arithmetic3A_153 = arith.shrsi %squeeze3A_151, %shift_right_arithmetic3A_152 : i32
    %shift_left3A_154 = arith.constant 7 : i32
    %shift_left3A_155 = arith.shli %shift_right_arithmetic3A_153, %shift_left3A_154 : i32
    %multiple_of3A_156 = tpu.assume_multiple %shift_left3A_155, 128 : i32
    %dma_start3A_157 = arith.constant 4 : i32
    %dma_start3A_158 = arith.constant 0 : i32
    %dma_start3A_159 = arith.constant 0 : i32
    %dma_start3A_160 = tpu.memref_slice %arg9[%dma_start3A_157, %dma_start3A_158, %dma_start3A_159] : memref<32x8x128xf32, #tpu.memory_space<vmem>> -> memref<1x8x128xf32, #tpu.memory_space<vmem>>
    %dma_start3A_161 = tpu.memref_squeeze %dma_start3A_160 : memref<1x8x128xf32, #tpu.memory_space<vmem>> -> memref<8x128xf32, #tpu.memory_space<vmem>>
    %dma_start3A_162 = arith.constant 0 : i32
    %dma_start3A_163 = tpu.memref_slice %arg2[%add3A_6, %dma_start3A_162, %multiple_of3A_156] : memref<32x16x100000xf32, #tpu.memory_space<hbm>> -> memref<1x8x128xf32, #tpu.memory_space<hbm>>
    %dma_start3A_164 = tpu.memref_squeeze %dma_start3A_163 : memref<1x8x128xf32, #tpu.memory_space<hbm>> -> memref<8x128xf32, #tpu.memory_space<hbm>>
    %dma_start3A_165 = arith.constant 0 : i32
    %dma_start3A_166 = arith.constant 0 : i32
    %dma_start3A_167 = tpu.memref_slice %arg9[%dma_start3A_157, %dma_start3A_165, %dma_start3A_166] : memref<32x8x128xf32, #tpu.memory_space<vmem>> -> memref<1x8x128xf32, #tpu.memory_space<vmem>>
    %dma_start3A_168 = tpu.memref_squeeze %dma_start3A_167 : memref<1x8x128xf32, #tpu.memory_space<vmem>> -> memref<8x128xf32, #tpu.memory_space<vmem>>
    %dma_start3A_169 = arith.constant 0 : i32
    %dma_start3A_170 = tpu.memref_slice %arg2[%add3A_6, %dma_start3A_169, %multiple_of3A_156] : memref<32x16x100000xf32, #tpu.memory_space<hbm>> -> memref<1x8x128xf32, #tpu.memory_space<hbm>>
    %dma_start3A_171 = tpu.memref_squeeze %dma_start3A_170 : memref<1x8x128xf32, #tpu.memory_space<hbm>> -> memref<8x128xf32, #tpu.memory_space<hbm>>
    tpu.enqueue_dma source(%dma_start3A_171 : memref<8x128xf32, #tpu.memory_space<hbm>>) target(%dma_start3A_168 : memref<8x128xf32, #tpu.memory_space<vmem>>) target_semaphore(%arg15 : memref<!tpu.dma_semaphore, #tpu.memory_space<semaphore_mem>>)
    %dma_start3A_172 = arith.constant 4 : i32
    %dma_start3A_173 = arith.constant 0 : i32
    %dma_start3A_174 = arith.constant 0 : i32
    %dma_start3A_175 = tpu.memref_slice %arg10[%dma_start3A_172, %dma_start3A_173, %dma_start3A_174] : memref<32x8x128xf32, #tpu.memory_space<vmem>> -> memref<1x8x128xf32, #tpu.memory_space<vmem>>
    %dma_start3A_176 = tpu.memref_squeeze %dma_start3A_175 : memref<1x8x128xf32, #tpu.memory_space<vmem>> -> memref<8x128xf32, #tpu.memory_space<vmem>>
    %dma_start3A_177 = arith.constant 0 : i32
    %dma_start3A_178 = tpu.memref_slice %arg3[%add3A_6, %dma_start3A_177, %multiple_of3A_156] : memref<32x16x100000xf32, #tpu.memory_space<hbm>> -> memref<1x8x128xf32, #tpu.memory_space<hbm>>
    %dma_start3A_179 = tpu.memref_squeeze %dma_start3A_178 : memref<1x8x128xf32, #tpu.memory_space<hbm>> -> memref<8x128xf32, #tpu.memory_space<hbm>>
    %dma_start3A_180 = arith.constant 0 : i32
    %dma_start3A_181 = arith.constant 0 : i32
    %dma_start3A_182 = tpu.memref_slice %arg10[%dma_start3A_172, %dma_start3A_180, %dma_start3A_181] : memref<32x8x128xf32, #tpu.memory_space<vmem>> -> memref<1x8x128xf32, #tpu.memory_space<vmem>>
    %dma_start3A_183 = tpu.memref_squeeze %dma_start3A_182 : memref<1x8x128xf32, #tpu.memory_space<vmem>> -> memref<8x128xf32, #tpu.memory_space<vmem>>
    %dma_start3A_184 = arith.constant 0 : i32
    %dma_start3A_185 = tpu.memref_slice %arg3[%add3A_6, %dma_start3A_184, %multiple_of3A_156] : memref<32x16x100000xf32, #tpu.memory_space<hbm>> -> memref<1x8x128xf32, #tpu.memory_space<hbm>>
    %dma_start3A_186 = tpu.memref_squeeze %dma_start3A_185 : memref<1x8x128xf32, #tpu.memory_space<hbm>> -> memref<8x128xf32, #tpu.memory_space<hbm>>
    tpu.enqueue_dma source(%dma_start3A_186 : memref<8x128xf32, #tpu.memory_space<hbm>>) target(%dma_start3A_183 : memref<8x128xf32, #tpu.memory_space<vmem>>) target_semaphore(%arg16 : memref<!tpu.dma_semaphore, #tpu.memory_space<semaphore_mem>>)
    %slice3A_187 = vector.extract_strided_slice %gather3A {offsets = [5], sizes = [1], strides = [1]} : vector<16xi32> to vector<1xi32>
    %squeeze3A_188 = vector.extract %slice3A_187[0] : i32 from vector<1xi32>
    %shift_right_arithmetic3A_189 = arith.constant 7 : i32
    %shift_right_arithmetic3A_190 = arith.shrsi %squeeze3A_188, %shift_right_arithmetic3A_189 : i32
    %shift_left3A_191 = arith.constant 7 : i32
    %shift_left3A_192 = arith.shli %shift_right_arithmetic3A_190, %shift_left3A_191 : i32
    %multiple_of3A_193 = tpu.assume_multiple %shift_left3A_192, 128 : i32
    %dma_start3A_194 = arith.constant 5 : i32
    %dma_start3A_195 = arith.constant 0 : i32
    %dma_start3A_196 = arith.constant 0 : i32
    %dma_start3A_197 = tpu.memref_slice %arg9[%dma_start3A_194, %dma_start3A_195, %dma_start3A_196] : memref<32x8x128xf32, #tpu.memory_space<vmem>> -> memref<1x8x128xf32, #tpu.memory_space<vmem>>
    %dma_start3A_198 = tpu.memref_squeeze %dma_start3A_197 : memref<1x8x128xf32, #tpu.memory_space<vmem>> -> memref<8x128xf32, #tpu.memory_space<vmem>>
    %dma_start3A_199 = arith.constant 0 : i32
    %dma_start3A_200 = tpu.memref_slice %arg2[%add3A_6, %dma_start3A_199, %multiple_of3A_193] : memref<32x16x100000xf32, #tpu.memory_space<hbm>> -> memref<1x8x128xf32, #tpu.memory_space<hbm>>
    %dma_start3A_201 = tpu.memref_squeeze %dma_start3A_200 : memref<1x8x128xf32, #tpu.memory_space<hbm>> -> memref<8x128xf32, #tpu.memory_space<hbm>>
    %dma_start3A_202 = arith.constant 0 : i32
    %dma_start3A_203 = arith.constant 0 : i32
    %dma_start3A_204 = tpu.memref_slice %arg9[%dma_start3A_194, %dma_start3A_202, %dma_start3A_203] : memref<32x8x128xf32, #tpu.memory_space<vmem>> -> memref<1x8x128xf32, #tpu.memory_space<vmem>>
    %dma_start3A_205 = tpu.memref_squeeze %dma_start3A_204 : memref<1x8x128xf32, #tpu.memory_space<vmem>> -> memref<8x128xf32, #tpu.memory_space<vmem>>
    %dma_start3A_206 = arith.constant 0 : i32
    %dma_start3A_207 = tpu.memref_slice %arg2[%add3A_6, %dma_start3A_206, %multiple_of3A_193] : memref<32x16x100000xf32, #tpu.memory_space<hbm>> -> memref<1x8x128xf32, #tpu.memory_space<hbm>>
    %dma_start3A_208 = tpu.memref_squeeze %dma_start3A_207 : memref<1x8x128xf32, #tpu.memory_space<hbm>> -> memref<8x128xf32, #tpu.memory_space<hbm>>
    tpu.enqueue_dma source(%dma_start3A_208 : memref<8x128xf32, #tpu.memory_space<hbm>>) target(%dma_start3A_205 : memref<8x128xf32, #tpu.memory_space<vmem>>) target_semaphore(%arg15 : memref<!tpu.dma_semaphore, #tpu.memory_space<semaphore_mem>>)
    %dma_start3A_209 = arith.constant 5 : i32
    %dma_start3A_210 = arith.constant 0 : i32
    %dma_start3A_211 = arith.constant 0 : i32
    %dma_start3A_212 = tpu.memref_slice %arg10[%dma_start3A_209, %dma_start3A_210, %dma_start3A_211] : memref<32x8x128xf32, #tpu.memory_space<vmem>> -> memref<1x8x128xf32, #tpu.memory_space<vmem>>
    %dma_start3A_213 = tpu.memref_squeeze %dma_start3A_212 : memref<1x8x128xf32, #tpu.memory_space<vmem>> -> memref<8x128xf32, #tpu.memory_space<vmem>>
    %dma_start3A_214 = arith.constant 0 : i32
    %dma_start3A_215 = tpu.memref_slice %arg3[%add3A_6, %dma_start3A_214, %multiple_of3A_193] : memref<32x16x100000xf32, #tpu.memory_space<hbm>> -> memref<1x8x128xf32, #tpu.memory_space<hbm>>
    %dma_start3A_216 = tpu.memref_squeeze %dma_start3A_215 : memref<1x8x128xf32, #tpu.memory_space<hbm>> -> memref<8x128xf32, #tpu.memory_space<hbm>>
    %dma_start3A_217 = arith.constant 0 : i32
    %dma_start3A_218 = arith.constant 0 : i32
    %dma_start3A_219 = tpu.memref_slice %arg10[%dma_start3A_209, %dma_start3A_217, %dma_start3A_218] : memref<32x8x128xf32, #tpu.memory_space<vmem>> -> memref<1x8x128xf32, #tpu.memory_space<vmem>>
    %dma_start3A_220 = tpu.memref_squeeze %dma_start3A_219 : memref<1x8x128xf32, #tpu.memory_space<vmem>> -> memref<8x128xf32, #tpu.memory_space<vmem>>
    %dma_start3A_221 = arith.constant 0 : i32
    %dma_start3A_222 = tpu.memref_slice %arg3[%add3A_6, %dma_start3A_221, %multiple_of3A_193] : memref<32x16x100000xf32, #tpu.memory_space<hbm>> -> memref<1x8x128xf32, #tpu.memory_space<hbm>>
    %dma_start3A_223 = tpu.memref_squeeze %dma_start3A_222 : memref<1x8x128xf32, #tpu.memory_space<hbm>> -> memref<8x128xf32, #tpu.memory_space<hbm>>
    tpu.enqueue_dma source(%dma_start3A_223 : memref<8x128xf32, #tpu.memory_space<hbm>>) target(%dma_start3A_220 : memref<8x128xf32, #tpu.memory_space<vmem>>) target_semaphore(%arg16 : memref<!tpu.dma_semaphore, #tpu.memory_space<semaphore_mem>>)
    %slice3A_224 = vector.extract_strided_slice %gather3A {offsets = [6], sizes = [1], strides = [1]} : vector<16xi32> to vector<1xi32>
    %squeeze3A_225 = vector.extract %slice3A_224[0] : i32 from vector<1xi32>
    %shift_right_arithmetic3A_226 = arith.constant 7 : i32
    %shift_right_arithmetic3A_227 = arith.shrsi %squeeze3A_225, %shift_right_arithmetic3A_226 : i32
    %shift_left3A_228 = arith.constant 7 : i32
    %shift_left3A_229 = arith.shli %shift_right_arithmetic3A_227, %shift_left3A_228 : i32
    %multiple_of3A_230 = tpu.assume_multiple %shift_left3A_229, 128 : i32
    %dma_start3A_231 = arith.constant 6 : i32
    %dma_start3A_232 = arith.constant 0 : i32
    %dma_start3A_233 = arith.constant 0 : i32
    %dma_start3A_234 = tpu.memref_slice %arg9[%dma_start3A_231, %dma_start3A_232, %dma_start3A_233] : memref<32x8x128xf32, #tpu.memory_space<vmem>> -> memref<1x8x128xf32, #tpu.memory_space<vmem>>
    %dma_start3A_235 = tpu.memref_squeeze %dma_start3A_234 : memref<1x8x128xf32, #tpu.memory_space<vmem>> -> memref<8x128xf32, #tpu.memory_space<vmem>>
    %dma_start3A_236 = arith.constant 0 : i32
    %dma_start3A_237 = tpu.memref_slice %arg2[%add3A_6, %dma_start3A_236, %multiple_of3A_230] : memref<32x16x100000xf32, #tpu.memory_space<hbm>> -> memref<1x8x128xf32, #tpu.memory_space<hbm>>
    %dma_start3A_238 = tpu.memref_squeeze %dma_start3A_237 : memref<1x8x128xf32, #tpu.memory_space<hbm>> -> memref<8x128xf32, #tpu.memory_space<hbm>>
    %dma_start3A_239 = arith.constant 0 : i32
    %dma_start3A_240 = arith.constant 0 : i32
    %dma_start3A_241 = tpu.memref_slice %arg9[%dma_start3A_231, %dma_start3A_239, %dma_start3A_240] : memref<32x8x128xf32, #tpu.memory_space<vmem>> -> memref<1x8x128xf32, #tpu.memory_space<vmem>>
    %dma_start3A_242 = tpu.memref_squeeze %dma_start3A_241 : memref<1x8x128xf32, #tpu.memory_space<vmem>> -> memref<8x128xf32, #tpu.memory_space<vmem>>
    %dma_start3A_243 = arith.constant 0 : i32
    %dma_start3A_244 = tpu.memref_slice %arg2[%add3A_6, %dma_start3A_243, %multiple_of3A_230] : memref<32x16x100000xf32, #tpu.memory_space<hbm>> -> memref<1x8x128xf32, #tpu.memory_space<hbm>>
    %dma_start3A_245 = tpu.memref_squeeze %dma_start3A_244 : memref<1x8x128xf32, #tpu.memory_space<hbm>> -> memref<8x128xf32, #tpu.memory_space<hbm>>
    tpu.enqueue_dma source(%dma_start3A_245 : memref<8x128xf32, #tpu.memory_space<hbm>>) target(%dma_start3A_242 : memref<8x128xf32, #tpu.memory_space<vmem>>) target_semaphore(%arg15 : memref<!tpu.dma_semaphore, #tpu.memory_space<semaphore_mem>>)
    %dma_start3A_246 = arith.constant 6 : i32
    %dma_start3A_247 = arith.constant 0 : i32
    %dma_start3A_248 = arith.constant 0 : i32
    %dma_start3A_249 = tpu.memref_slice %arg10[%dma_start3A_246, %dma_start3A_247, %dma_start3A_248] : memref<32x8x128xf32, #tpu.memory_space<vmem>> -> memref<1x8x128xf32, #tpu.memory_space<vmem>>
    %dma_start3A_250 = tpu.memref_squeeze %dma_start3A_249 : memref<1x8x128xf32, #tpu.memory_space<vmem>> -> memref<8x128xf32, #tpu.memory_space<vmem>>
    %dma_start3A_251 = arith.constant 0 : i32
    %dma_start3A_252 = tpu.memref_slice %arg3[%add3A_6, %dma_start3A_251, %multiple_of3A_230] : memref<32x16x100000xf32, #tpu.memory_space<hbm>> -> memref<1x8x128xf32, #tpu.memory_space<hbm>>
    %dma_start3A_253 = tpu.memref_squeeze %dma_start3A_252 : memref<1x8x128xf32, #tpu.memory_space<hbm>> -> memref<8x128xf32, #tpu.memory_space<hbm>>
    %dma_start3A_254 = arith.constant 0 : i32
    %dma_start3A_255 = arith.constant 0 : i32
    %dma_start3A_256 = tpu.memref_slice %arg10[%dma_start3A_246, %dma_start3A_254, %dma_start3A_255] : memref<32x8x128xf32, #tpu.memory_space<vmem>> -> memref<1x8x128xf32, #tpu.memory_space<vmem>>
    %dma_start3A_257 = tpu.memref_squeeze %dma_start3A_256 : memref<1x8x128xf32, #tpu.memory_space<vmem>> -> memref<8x128xf32, #tpu.memory_space<vmem>>
    %dma_start3A_258 = arith.constant 0 : i32
    %dma_start3A_259 = tpu.memref_slice %arg3[%add3A_6, %dma_start3A_258, %multiple_of3A_230] : memref<32x16x100000xf32, #tpu.memory_space<hbm>> -> memref<1x8x128xf32, #tpu.memory_space<hbm>>
    %dma_start3A_260 = tpu.memref_squeeze %dma_start3A_259 : memref<1x8x128xf32, #tpu.memory_space<hbm>> -> memref<8x128xf32, #tpu.memory_space<hbm>>
    tpu.enqueue_dma source(%dma_start3A_260 : memref<8x128xf32, #tpu.memory_space<hbm>>) target(%dma_start3A_257 : memref<8x128xf32, #tpu.memory_space<vmem>>) target_semaphore(%arg16 : memref<!tpu.dma_semaphore, #tpu.memory_space<semaphore_mem>>)
    %slice3A_261 = vector.extract_strided_slice %gather3A {offsets = [7], sizes = [1], strides = [1]} : vector<16xi32> to vector<1xi32>
    %squeeze3A_262 = vector.extract %slice3A_261[0] : i32 from vector<1xi32>
    %shift_right_arithmetic3A_263 = arith.constant 7 : i32
    %shift_right_arithmetic3A_264 = arith.shrsi %squeeze3A_262, %shift_right_arithmetic3A_263 : i32
    %shift_left3A_265 = arith.constant 7 : i32
    %shift_left3A_266 = arith.shli %shift_right_arithmetic3A_264, %shift_left3A_265 : i32
    %multiple_of3A_267 = tpu.assume_multiple %shift_left3A_266, 128 : i32
    %dma_start3A_268 = arith.constant 7 : i32
    %dma_start3A_269 = arith.constant 0 : i32
    %dma_start3A_270 = arith.constant 0 : i32
    %dma_start3A_271 = tpu.memref_slice %arg9[%dma_start3A_268, %dma_start3A_269, %dma_start3A_270] : memref<32x8x128xf32, #tpu.memory_space<vmem>> -> memref<1x8x128xf32, #tpu.memory_space<vmem>>
    %dma_start3A_272 = tpu.memref_squeeze %dma_start3A_271 : memref<1x8x128xf32, #tpu.memory_space<vmem>> -> memref<8x128xf32, #tpu.memory_space<vmem>>
    %dma_start3A_273 = arith.constant 0 : i32
    %dma_start3A_274 = tpu.memref_slice %arg2[%add3A_6, %dma_start3A_273, %multiple_of3A_267] : memref<32x16x100000xf32, #tpu.memory_space<hbm>> -> memref<1x8x128xf32, #tpu.memory_space<hbm>>
    %dma_start3A_275 = tpu.memref_squeeze %dma_start3A_274 : memref<1x8x128xf32, #tpu.memory_space<hbm>> -> memref<8x128xf32, #tpu.memory_space<hbm>>
    %dma_start3A_276 = arith.constant 0 : i32
    %dma_start3A_277 = arith.constant 0 : i32
    %dma_start3A_278 = tpu.memref_slice %arg9[%dma_start3A_268, %dma_start3A_276, %dma_start3A_277] : memref<32x8x128xf32, #tpu.memory_space<vmem>> -> memref<1x8x128xf32, #tpu.memory_space<vmem>>
    %dma_start3A_279 = tpu.memref_squeeze %dma_start3A_278 : memref<1x8x128xf32, #tpu.memory_space<vmem>> -> memref<8x128xf32, #tpu.memory_space<vmem>>
    %dma_start3A_280 = arith.constant 0 : i32
    %dma_start3A_281 = tpu.memref_slice %arg2[%add3A_6, %dma_start3A_280, %multiple_of3A_267] : memref<32x16x100000xf32, #tpu.memory_space<hbm>> -> memref<1x8x128xf32, #tpu.memory_space<hbm>>
    %dma_start3A_282 = tpu.memref_squeeze %dma_start3A_281 : memref<1x8x128xf32, #tpu.memory_space<hbm>> -> memref<8x128xf32, #tpu.memory_space<hbm>>
    tpu.enqueue_dma source(%dma_start3A_282 : memref<8x128xf32, #tpu.memory_space<hbm>>) target(%dma_start3A_279 : memref<8x128xf32, #tpu.memory_space<vmem>>) target_semaphore(%arg15 : memref<!tpu.dma_semaphore, #tpu.memory_space<semaphore_mem>>)
    %dma_start3A_283 = arith.constant 7 : i32
    %dma_start3A_284 = arith.constant 0 : i32
    %dma_start3A_285 = arith.constant 0 : i32
    %dma_start3A_286 = tpu.memref_slice %arg10[%dma_start3A_283, %dma_start3A_284, %dma_start3A_285] : memref<32x8x128xf32, #tpu.memory_space<vmem>> -> memref<1x8x128xf32, #tpu.memory_space<vmem>>
    %dma_start3A_287 = tpu.memref_squeeze %dma_start3A_286 : memref<1x8x128xf32, #tpu.memory_space<vmem>> -> memref<8x128xf32, #tpu.memory_space<vmem>>
    %dma_start3A_288 = arith.constant 0 : i32
    %dma_start3A_289 = tpu.memref_slice %arg3[%add3A_6, %dma_start3A_288, %multiple_of3A_267] : memref<32x16x100000xf32, #tpu.memory_space<hbm>> -> memref<1x8x128xf32, #tpu.memory_space<hbm>>
    %dma_start3A_290 = tpu.memref_squeeze %dma_start3A_289 : memref<1x8x128xf32, #tpu.memory_space<hbm>> -> memref<8x128xf32, #tpu.memory_space<hbm>>
    %dma_start3A_291 = arith.constant 0 : i32
    %dma_start3A_292 = arith.constant 0 : i32
    %dma_start3A_293 = tpu.memref_slice %arg10[%dma_start3A_283, %dma_start3A_291, %dma_start3A_292] : memref<32x8x128xf32, #tpu.memory_space<vmem>> -> memref<1x8x128xf32, #tpu.memory_space<vmem>>
    %dma_start3A_294 = tpu.memref_squeeze %dma_start3A_293 : memref<1x8x128xf32, #tpu.memory_space<vmem>> -> memref<8x128xf32, #tpu.memory_space<vmem>>
    %dma_start3A_295 = arith.constant 0 : i32
    %dma_start3A_296 = tpu.memref_slice %arg3[%add3A_6, %dma_start3A_295, %multiple_of3A_267] : memref<32x16x100000xf32, #tpu.memory_space<hbm>> -> memref<1x8x128xf32, #tpu.memory_space<hbm>>
    %dma_start3A_297 = tpu.memref_squeeze %dma_start3A_296 : memref<1x8x128xf32, #tpu.memory_space<hbm>> -> memref<8x128xf32, #tpu.memory_space<hbm>>
    tpu.enqueue_dma source(%dma_start3A_297 : memref<8x128xf32, #tpu.memory_space<hbm>>) target(%dma_start3A_294 : memref<8x128xf32, #tpu.memory_space<vmem>>) target_semaphore(%arg16 : memref<!tpu.dma_semaphore, #tpu.memory_space<semaphore_mem>>)
    %slice3A_298 = vector.extract_strided_slice %gather3A {offsets = [8], sizes = [1], strides = [1]} : vector<16xi32> to vector<1xi32>
    %squeeze3A_299 = vector.extract %slice3A_298[0] : i32 from vector<1xi32>
    %shift_right_arithmetic3A_300 = arith.constant 7 : i32
    %shift_right_arithmetic3A_301 = arith.shrsi %squeeze3A_299, %shift_right_arithmetic3A_300 : i32
    %shift_left3A_302 = arith.constant 7 : i32
    %shift_left3A_303 = arith.shli %shift_right_arithmetic3A_301, %shift_left3A_302 : i32
    %multiple_of3A_304 = tpu.assume_multiple %shift_left3A_303, 128 : i32
    %dma_start3A_305 = arith.constant 8 : i32
    %dma_start3A_306 = arith.constant 0 : i32
    %dma_start3A_307 = arith.constant 0 : i32
    %dma_start3A_308 = tpu.memref_slice %arg9[%dma_start3A_305, %dma_start3A_306, %dma_start3A_307] : memref<32x8x128xf32, #tpu.memory_space<vmem>> -> memref<1x8x128xf32, #tpu.memory_space<vmem>>
    %dma_start3A_309 = tpu.memref_squeeze %dma_start3A_308 : memref<1x8x128xf32, #tpu.memory_space<vmem>> -> memref<8x128xf32, #tpu.memory_space<vmem>>
    %dma_start3A_310 = arith.constant 8 : i32
    %dma_start3A_311 = tpu.memref_slice %arg2[%add3A_6, %dma_start3A_310, %multiple_of3A_304] : memref<32x16x100000xf32, #tpu.memory_space<hbm>> -> memref<1x8x128xf32, #tpu.memory_space<hbm>>
    %dma_start3A_312 = tpu.memref_squeeze %dma_start3A_311 : memref<1x8x128xf32, #tpu.memory_space<hbm>> -> memref<8x128xf32, #tpu.memory_space<hbm>>
    %dma_start3A_313 = arith.constant 0 : i32
    %dma_start3A_314 = arith.constant 0 : i32
    %dma_start3A_315 = tpu.memref_slice %arg9[%dma_start3A_305, %dma_start3A_313, %dma_start3A_314] : memref<32x8x128xf32, #tpu.memory_space<vmem>> -> memref<1x8x128xf32, #tpu.memory_space<vmem>>
    %dma_start3A_316 = tpu.memref_squeeze %dma_start3A_315 : memref<1x8x128xf32, #tpu.memory_space<vmem>> -> memref<8x128xf32, #tpu.memory_space<vmem>>
    %dma_start3A_317 = arith.constant 8 : i32
    %dma_start3A_318 = tpu.memref_slice %arg2[%add3A_6, %dma_start3A_317, %multiple_of3A_304] : memref<32x16x100000xf32, #tpu.memory_space<hbm>> -> memref<1x8x128xf32, #tpu.memory_space<hbm>>
    %dma_start3A_319 = tpu.memref_squeeze %dma_start3A_318 : memref<1x8x128xf32, #tpu.memory_space<hbm>> -> memref<8x128xf32, #tpu.memory_space<hbm>>
    tpu.enqueue_dma source(%dma_start3A_319 : memref<8x128xf32, #tpu.memory_space<hbm>>) target(%dma_start3A_316 : memref<8x128xf32, #tpu.memory_space<vmem>>) target_semaphore(%arg15 : memref<!tpu.dma_semaphore, #tpu.memory_space<semaphore_mem>>)
    %dma_start3A_320 = arith.constant 8 : i32
    %dma_start3A_321 = arith.constant 0 : i32
    %dma_start3A_322 = arith.constant 0 : i32
    %dma_start3A_323 = tpu.memref_slice %arg10[%dma_start3A_320, %dma_start3A_321, %dma_start3A_322] : memref<32x8x128xf32, #tpu.memory_space<vmem>> -> memref<1x8x128xf32, #tpu.memory_space<vmem>>
    %dma_start3A_324 = tpu.memref_squeeze %dma_start3A_323 : memref<1x8x128xf32, #tpu.memory_space<vmem>> -> memref<8x128xf32, #tpu.memory_space<vmem>>
    %dma_start3A_325 = arith.constant 8 : i32
    %dma_start3A_326 = tpu.memref_slice %arg3[%add3A_6, %dma_start3A_325, %multiple_of3A_304] : memref<32x16x100000xf32, #tpu.memory_space<hbm>> -> memref<1x8x128xf32, #tpu.memory_space<hbm>>
    %dma_start3A_327 = tpu.memref_squeeze %dma_start3A_326 : memref<1x8x128xf32, #tpu.memory_space<hbm>> -> memref<8x128xf32, #tpu.memory_space<hbm>>
    %dma_start3A_328 = arith.constant 0 : i32
    %dma_start3A_329 = arith.constant 0 : i32
    %dma_start3A_330 = tpu.memref_slice %arg10[%dma_start3A_320, %dma_start3A_328, %dma_start3A_329] : memref<32x8x128xf32, #tpu.memory_space<vmem>> -> memref<1x8x128xf32, #tpu.memory_space<vmem>>
    %dma_start3A_331 = tpu.memref_squeeze %dma_start3A_330 : memref<1x8x128xf32, #tpu.memory_space<vmem>> -> memref<8x128xf32, #tpu.memory_space<vmem>>
    %dma_start3A_332 = arith.constant 8 : i32
    %dma_start3A_333 = tpu.memref_slice %arg3[%add3A_6, %dma_start3A_332, %multiple_of3A_304] : memref<32x16x100000xf32, #tpu.memory_space<hbm>> -> memref<1x8x128xf32, #tpu.memory_space<hbm>>
    %dma_start3A_334 = tpu.memref_squeeze %dma_start3A_333 : memref<1x8x128xf32, #tpu.memory_space<hbm>> -> memref<8x128xf32, #tpu.memory_space<hbm>>
    tpu.enqueue_dma source(%dma_start3A_334 : memref<8x128xf32, #tpu.memory_space<hbm>>) target(%dma_start3A_331 : memref<8x128xf32, #tpu.memory_space<vmem>>) target_semaphore(%arg16 : memref<!tpu.dma_semaphore, #tpu.memory_space<semaphore_mem>>)
    %slice3A_335 = vector.extract_strided_slice %gather3A {offsets = [9], sizes = [1], strides = [1]} : vector<16xi32> to vector<1xi32>
    %squeeze3A_336 = vector.extract %slice3A_335[0] : i32 from vector<1xi32>
    %shift_right_arithmetic3A_337 = arith.constant 7 : i32
    %shift_right_arithmetic3A_338 = arith.shrsi %squeeze3A_336, %shift_right_arithmetic3A_337 : i32
    %shift_left3A_339 = arith.constant 7 : i32
    %shift_left3A_340 = arith.shli %shift_right_arithmetic3A_338, %shift_left3A_339 : i32
    %multiple_of3A_341 = tpu.assume_multiple %shift_left3A_340, 128 : i32
    %dma_start3A_342 = arith.constant 9 : i32
    %dma_start3A_343 = arith.constant 0 : i32
    %dma_start3A_344 = arith.constant 0 : i32
    %dma_start3A_345 = tpu.memref_slice %arg9[%dma_start3A_342, %dma_start3A_343, %dma_start3A_344] : memref<32x8x128xf32, #tpu.memory_space<vmem>> -> memref<1x8x128xf32, #tpu.memory_space<vmem>>
    %dma_start3A_346 = tpu.memref_squeeze %dma_start3A_345 : memref<1x8x128xf32, #tpu.memory_space<vmem>> -> memref<8x128xf32, #tpu.memory_space<vmem>>
    %dma_start3A_347 = arith.constant 8 : i32
    %dma_start3A_348 = tpu.memref_slice %arg2[%add3A_6, %dma_start3A_347, %multiple_of3A_341] : memref<32x16x100000xf32, #tpu.memory_space<hbm>> -> memref<1x8x128xf32, #tpu.memory_space<hbm>>
    %dma_start3A_349 = tpu.memref_squeeze %dma_start3A_348 : memref<1x8x128xf32, #tpu.memory_space<hbm>> -> memref<8x128xf32, #tpu.memory_space<hbm>>
    %dma_start3A_350 = arith.constant 0 : i32
    %dma_start3A_351 = arith.constant 0 : i32
    %dma_start3A_352 = tpu.memref_slice %arg9[%dma_start3A_342, %dma_start3A_350, %dma_start3A_351] : memref<32x8x128xf32, #tpu.memory_space<vmem>> -> memref<1x8x128xf32, #tpu.memory_space<vmem>>
    %dma_start3A_353 = tpu.memref_squeeze %dma_start3A_352 : memref<1x8x128xf32, #tpu.memory_space<vmem>> -> memref<8x128xf32, #tpu.memory_space<vmem>>
    %dma_start3A_354 = arith.constant 8 : i32
    %dma_start3A_355 = tpu.memref_slice %arg2[%add3A_6, %dma_start3A_354, %multiple_of3A_341] : memref<32x16x100000xf32, #tpu.memory_space<hbm>> -> memref<1x8x128xf32, #tpu.memory_space<hbm>>
    %dma_start3A_356 = tpu.memref_squeeze %dma_start3A_355 : memref<1x8x128xf32, #tpu.memory_space<hbm>> -> memref<8x128xf32, #tpu.memory_space<hbm>>
    tpu.enqueue_dma source(%dma_start3A_356 : memref<8x128xf32, #tpu.memory_space<hbm>>) target(%dma_start3A_353 : memref<8x128xf32, #tpu.memory_space<vmem>>) target_semaphore(%arg15 : memref<!tpu.dma_semaphore, #tpu.memory_space<semaphore_mem>>)
    %dma_start3A_357 = arith.constant 9 : i32
    %dma_start3A_358 = arith.constant 0 : i32
    %dma_start3A_359 = arith.constant 0 : i32
    %dma_start3A_360 = tpu.memref_slice %arg10[%dma_start3A_357, %dma_start3A_358, %dma_start3A_359] : memref<32x8x128xf32, #tpu.memory_space<vmem>> -> memref<1x8x128xf32, #tpu.memory_space<vmem>>
    %dma_start3A_361 = tpu.memref_squeeze %dma_start3A_360 : memref<1x8x128xf32, #tpu.memory_space<vmem>> -> memref<8x128xf32, #tpu.memory_space<vmem>>
    %dma_start3A_362 = arith.constant 8 : i32
    %dma_start3A_363 = tpu.memref_slice %arg3[%add3A_6, %dma_start3A_362, %multiple_of3A_341] : memref<32x16x100000xf32, #tpu.memory_space<hbm>> -> memref<1x8x128xf32, #tpu.memory_space<hbm>>
    %dma_start3A_364 = tpu.memref_squeeze %dma_start3A_363 : memref<1x8x128xf32, #tpu.memory_space<hbm>> -> memref<8x128xf32, #tpu.memory_space<hbm>>
    %dma_start3A_365 = arith.constant 0 : i32
    %dma_start3A_366 = arith.constant 0 : i32
    %dma_start3A_367 = tpu.memref_slice %arg10[%dma_start3A_357, %dma_start3A_365, %dma_start3A_366] : memref<32x8x128xf32, #tpu.memory_space<vmem>> -> memref<1x8x128xf32, #tpu.memory_space<vmem>>
    %dma_start3A_368 = tpu.memref_squeeze %dma_start3A_367 : memref<1x8x128xf32, #tpu.memory_space<vmem>> -> memref<8x128xf32, #tpu.memory_space<vmem>>
    %dma_start3A_369 = arith.constant 8 : i32
    %dma_start3A_370 = tpu.memref_slice %arg3[%add3A_6, %dma_start3A_369, %multiple_of3A_341] : memref<32x16x100000xf32, #tpu.memory_space<hbm>> -> memref<1x8x128xf32, #tpu.memory_space<hbm>>
    %dma_start3A_371 = tpu.memref_squeeze %dma_start3A_370 : memref<1x8x128xf32, #tpu.memory_space<hbm>> -> memref<8x128xf32, #tpu.memory_space<hbm>>
    tpu.enqueue_dma source(%dma_start3A_371 : memref<8x128xf32, #tpu.memory_space<hbm>>) target(%dma_start3A_368 : memref<8x128xf32, #tpu.memory_space<vmem>>) target_semaphore(%arg16 : memref<!tpu.dma_semaphore, #tpu.memory_space<semaphore_mem>>)
    %slice3A_372 = vector.extract_strided_slice %gather3A {offsets = [10], sizes = [1], strides = [1]} : vector<16xi32> to vector<1xi32>
    %squeeze3A_373 = vector.extract %slice3A_372[0] : i32 from vector<1xi32>
    %shift_right_arithmetic3A_374 = arith.constant 7 : i32
    %shift_right_arithmetic3A_375 = arith.shrsi %squeeze3A_373, %shift_right_arithmetic3A_374 : i32
    %shift_left3A_376 = arith.constant 7 : i32
    %shift_left3A_377 = arith.shli %shift_right_arithmetic3A_375, %shift_left3A_376 : i32
    %multiple_of3A_378 = tpu.assume_multiple %shift_left3A_377, 128 : i32
    %dma_start3A_379 = arith.constant 10 : i32
    %dma_start3A_380 = arith.constant 0 : i32
    %dma_start3A_381 = arith.constant 0 : i32
    %dma_start3A_382 = tpu.memref_slice %arg9[%dma_start3A_379, %dma_start3A_380, %dma_start3A_381] : memref<32x8x128xf32, #tpu.memory_space<vmem>> -> memref<1x8x128xf32, #tpu.memory_space<vmem>>
    %dma_start3A_383 = tpu.memref_squeeze %dma_start3A_382 : memref<1x8x128xf32, #tpu.memory_space<vmem>> -> memref<8x128xf32, #tpu.memory_space<vmem>>
    %dma_start3A_384 = arith.constant 8 : i32
    %dma_start3A_385 = tpu.memref_slice %arg2[%add3A_6, %dma_start3A_384, %multiple_of3A_378] : memref<32x16x100000xf32, #tpu.memory_space<hbm>> -> memref<1x8x128xf32, #tpu.memory_space<hbm>>
    %dma_start3A_386 = tpu.memref_squeeze %dma_start3A_385 : memref<1x8x128xf32, #tpu.memory_space<hbm>> -> memref<8x128xf32, #tpu.memory_space<hbm>>
    %dma_start3A_387 = arith.constant 0 : i32
    %dma_start3A_388 = arith.constant 0 : i32
    %dma_start3A_389 = tpu.memref_slice %arg9[%dma_start3A_379, %dma_start3A_387, %dma_start3A_388] : memref<32x8x128xf32, #tpu.memory_space<vmem>> -> memref<1x8x128xf32, #tpu.memory_space<vmem>>
    %dma_start3A_390 = tpu.memref_squeeze %dma_start3A_389 : memref<1x8x128xf32, #tpu.memory_space<vmem>> -> memref<8x128xf32, #tpu.memory_space<vmem>>
    %dma_start3A_391 = arith.constant 8 : i32
    %dma_start3A_392 = tpu.memref_slice %arg2[%add3A_6, %dma_start3A_391, %multiple_of3A_378] : memref<32x16x100000xf32, #tpu.memory_space<hbm>> -> memref<1x8x128xf32, #tpu.memory_space<hbm>>
    %dma_start3A_393 = tpu.memref_squeeze %dma_start3A_392 : memref<1x8x128xf32, #tpu.memory_space<hbm>> -> memref<8x128xf32, #tpu.memory_space<hbm>>
    tpu.enqueue_dma source(%dma_start3A_393 : memref<8x128xf32, #tpu.memory_space<hbm>>) target(%dma_start3A_390 : memref<8x128xf32, #tpu.memory_space<vmem>>) target_semaphore(%arg15 : memref<!tpu.dma_semaphore, #tpu.memory_space<semaphore_mem>>)
    %dma_start3A_394 = arith.constant 10 : i32
    %dma_start3A_395 = arith.constant 0 : i32
    %dma_start3A_396 = arith.constant 0 : i32
    %dma_start3A_397 = tpu.memref_slice %arg10[%dma_start3A_394, %dma_start3A_395, %dma_start3A_396] : memref<32x8x128xf32, #tpu.memory_space<vmem>> -> memref<1x8x128xf32, #tpu.memory_space<vmem>>
    %dma_start3A_398 = tpu.memref_squeeze %dma_start3A_397 : memref<1x8x128xf32, #tpu.memory_space<vmem>> -> memref<8x128xf32, #tpu.memory_space<vmem>>
    %dma_start3A_399 = arith.constant 8 : i32
    %dma_start3A_400 = tpu.memref_slice %arg3[%add3A_6, %dma_start3A_399, %multiple_of3A_378] : memref<32x16x100000xf32, #tpu.memory_space<hbm>> -> memref<1x8x128xf32, #tpu.memory_space<hbm>>
    %dma_start3A_401 = tpu.memref_squeeze %dma_start3A_400 : memref<1x8x128xf32, #tpu.memory_space<hbm>> -> memref<8x128xf32, #tpu.memory_space<hbm>>
    %dma_start3A_402 = arith.constant 0 : i32
    %dma_start3A_403 = arith.constant 0 : i32
    %dma_start3A_404 = tpu.memref_slice %arg10[%dma_start3A_394, %dma_start3A_402, %dma_start3A_403] : memref<32x8x128xf32, #tpu.memory_space<vmem>> -> memref<1x8x128xf32, #tpu.memory_space<vmem>>
    %dma_start3A_405 = tpu.memref_squeeze %dma_start3A_404 : memref<1x8x128xf32, #tpu.memory_space<vmem>> -> memref<8x128xf32, #tpu.memory_space<vmem>>
    %dma_start3A_406 = arith.constant 8 : i32
    %dma_start3A_407 = tpu.memref_slice %arg3[%add3A_6, %dma_start3A_406, %multiple_of3A_378] : memref<32x16x100000xf32, #tpu.memory_space<hbm>> -> memref<1x8x128xf32, #tpu.memory_space<hbm>>
    %dma_start3A_408 = tpu.memref_squeeze %dma_start3A_407 : memref<1x8x128xf32, #tpu.memory_space<hbm>> -> memref<8x128xf32, #tpu.memory_space<hbm>>
    tpu.enqueue_dma source(%dma_start3A_408 : memref<8x128xf32, #tpu.memory_space<hbm>>) target(%dma_start3A_405 : memref<8x128xf32, #tpu.memory_space<vmem>>) target_semaphore(%arg16 : memref<!tpu.dma_semaphore, #tpu.memory_space<semaphore_mem>>)
    %slice3A_409 = vector.extract_strided_slice %gather3A {offsets = [11], sizes = [1], strides = [1]} : vector<16xi32> to vector<1xi32>
    %squeeze3A_410 = vector.extract %slice3A_409[0] : i32 from vector<1xi32>
    %shift_right_arithmetic3A_411 = arith.constant 7 : i32
    %shift_right_arithmetic3A_412 = arith.shrsi %squeeze3A_410, %shift_right_arithmetic3A_411 : i32
    %shift_left3A_413 = arith.constant 7 : i32
    %shift_left3A_414 = arith.shli %shift_right_arithmetic3A_412, %shift_left3A_413 : i32
    %multiple_of3A_415 = tpu.assume_multiple %shift_left3A_414, 128 : i32
    %dma_start3A_416 = arith.constant 11 : i32
    %dma_start3A_417 = arith.constant 0 : i32
    %dma_start3A_418 = arith.constant 0 : i32
    %dma_start3A_419 = tpu.memref_slice %arg9[%dma_start3A_416, %dma_start3A_417, %dma_start3A_418] : memref<32x8x128xf32, #tpu.memory_space<vmem>> -> memref<1x8x128xf32, #tpu.memory_space<vmem>>
    %dma_start3A_420 = tpu.memref_squeeze %dma_start3A_419 : memref<1x8x128xf32, #tpu.memory_space<vmem>> -> memref<8x128xf32, #tpu.memory_space<vmem>>
    %dma_start3A_421 = arith.constant 8 : i32
    %dma_start3A_422 = tpu.memref_slice %arg2[%add3A_6, %dma_start3A_421, %multiple_of3A_415] : memref<32x16x100000xf32, #tpu.memory_space<hbm>> -> memref<1x8x128xf32, #tpu.memory_space<hbm>>
    %dma_start3A_423 = tpu.memref_squeeze %dma_start3A_422 : memref<1x8x128xf32, #tpu.memory_space<hbm>> -> memref<8x128xf32, #tpu.memory_space<hbm>>
    %dma_start3A_424 = arith.constant 0 : i32
    %dma_start3A_425 = arith.constant 0 : i32
    %dma_start3A_426 = tpu.memref_slice %arg9[%dma_start3A_416, %dma_start3A_424, %dma_start3A_425] : memref<32x8x128xf32, #tpu.memory_space<vmem>> -> memref<1x8x128xf32, #tpu.memory_space<vmem>>
    %dma_start3A_427 = tpu.memref_squeeze %dma_start3A_426 : memref<1x8x128xf32, #tpu.memory_space<vmem>> -> memref<8x128xf32, #tpu.memory_space<vmem>>
    %dma_start3A_428 = arith.constant 8 : i32
    %dma_start3A_429 = tpu.memref_slice %arg2[%add3A_6, %dma_start3A_428, %multiple_of3A_415] : memref<32x16x100000xf32, #tpu.memory_space<hbm>> -> memref<1x8x128xf32, #tpu.memory_space<hbm>>
    %dma_start3A_430 = tpu.memref_squeeze %dma_start3A_429 : memref<1x8x128xf32, #tpu.memory_space<hbm>> -> memref<8x128xf32, #tpu.memory_space<hbm>>
    tpu.enqueue_dma source(%dma_start3A_430 : memref<8x128xf32, #tpu.memory_space<hbm>>) target(%dma_start3A_427 : memref<8x128xf32, #tpu.memory_space<vmem>>) target_semaphore(%arg15 : memref<!tpu.dma_semaphore, #tpu.memory_space<semaphore_mem>>)
    %dma_start3A_431 = arith.constant 11 : i32
    %dma_start3A_432 = arith.constant 0 : i32
    %dma_start3A_433 = arith.constant 0 : i32
    %dma_start3A_434 = tpu.memref_slice %arg10[%dma_start3A_431, %dma_start3A_432, %dma_start3A_433] : memref<32x8x128xf32, #tpu.memory_space<vmem>> -> memref<1x8x128xf32, #tpu.memory_space<vmem>>
    %dma_start3A_435 = tpu.memref_squeeze %dma_start3A_434 : memref<1x8x128xf32, #tpu.memory_space<vmem>> -> memref<8x128xf32, #tpu.memory_space<vmem>>
    %dma_start3A_436 = arith.constant 8 : i32
    %dma_start3A_437 = tpu.memref_slice %arg3[%add3A_6, %dma_start3A_436, %multiple_of3A_415] : memref<32x16x100000xf32, #tpu.memory_space<hbm>> -> memref<1x8x128xf32, #tpu.memory_space<hbm>>
    %dma_start3A_438 = tpu.memref_squeeze %dma_start3A_437 : memref<1x8x128xf32, #tpu.memory_space<hbm>> -> memref<8x128xf32, #tpu.memory_space<hbm>>
    %dma_start3A_439 = arith.constant 0 : i32
    %dma_start3A_440 = arith.constant 0 : i32
    %dma_start3A_441 = tpu.memref_slice %arg10[%dma_start3A_431, %dma_start3A_439, %dma_start3A_440] : memref<32x8x128xf32, #tpu.memory_space<vmem>> -> memref<1x8x128xf32, #tpu.memory_space<vmem>>
    %dma_start3A_442 = tpu.memref_squeeze %dma_start3A_441 : memref<1x8x128xf32, #tpu.memory_space<vmem>> -> memref<8x128xf32, #tpu.memory_space<vmem>>
    %dma_start3A_443 = arith.constant 8 : i32
    %dma_start3A_444 = tpu.memref_slice %arg3[%add3A_6, %dma_start3A_443, %multiple_of3A_415] : memref<32x16x100000xf32, #tpu.memory_space<hbm>> -> memref<1x8x128xf32, #tpu.memory_space<hbm>>
    %dma_start3A_445 = tpu.memref_squeeze %dma_start3A_444 : memref<1x8x128xf32, #tpu.memory_space<hbm>> -> memref<8x128xf32, #tpu.memory_space<hbm>>
    tpu.enqueue_dma source(%dma_start3A_445 : memref<8x128xf32, #tpu.memory_space<hbm>>) target(%dma_start3A_442 : memref<8x128xf32, #tpu.memory_space<vmem>>) target_semaphore(%arg16 : memref<!tpu.dma_semaphore, #tpu.memory_space<semaphore_mem>>)
    %slice3A_446 = vector.extract_strided_slice %gather3A {offsets = [12], sizes = [1], strides = [1]} : vector<16xi32> to vector<1xi32>
    %squeeze3A_447 = vector.extract %slice3A_446[0] : i32 from vector<1xi32>
    %shift_right_arithmetic3A_448 = arith.constant 7 : i32
    %shift_right_arithmetic3A_449 = arith.shrsi %squeeze3A_447, %shift_right_arithmetic3A_448 : i32
    %shift_left3A_450 = arith.constant 7 : i32
    %shift_left3A_451 = arith.shli %shift_right_arithmetic3A_449, %shift_left3A_450 : i32
    %multiple_of3A_452 = tpu.assume_multiple %shift_left3A_451, 128 : i32
    %dma_start3A_453 = arith.constant 12 : i32
    %dma_start3A_454 = arith.constant 0 : i32
    %dma_start3A_455 = arith.constant 0 : i32
    %dma_start3A_456 = tpu.memref_slice %arg9[%dma_start3A_453, %dma_start3A_454, %dma_start3A_455] : memref<32x8x128xf32, #tpu.memory_space<vmem>> -> memref<1x8x128xf32, #tpu.memory_space<vmem>>
    %dma_start3A_457 = tpu.memref_squeeze %dma_start3A_456 : memref<1x8x128xf32, #tpu.memory_space<vmem>> -> memref<8x128xf32, #tpu.memory_space<vmem>>
    %dma_start3A_458 = arith.constant 8 : i32
    %dma_start3A_459 = tpu.memref_slice %arg2[%add3A_6, %dma_start3A_458, %multiple_of3A_452] : memref<32x16x100000xf32, #tpu.memory_space<hbm>> -> memref<1x8x128xf32, #tpu.memory_space<hbm>>
    %dma_start3A_460 = tpu.memref_squeeze %dma_start3A_459 : memref<1x8x128xf32, #tpu.memory_space<hbm>> -> memref<8x128xf32, #tpu.memory_space<hbm>>
    %dma_start3A_461 = arith.constant 0 : i32
    %dma_start3A_462 = arith.constant 0 : i32
    %dma_start3A_463 = tpu.memref_slice %arg9[%dma_start3A_453, %dma_start3A_461, %dma_start3A_462] : memref<32x8x128xf32, #tpu.memory_space<vmem>> -> memref<1x8x128xf32, #tpu.memory_space<vmem>>
    %dma_start3A_464 = tpu.memref_squeeze %dma_start3A_463 : memref<1x8x128xf32, #tpu.memory_space<vmem>> -> memref<8x128xf32, #tpu.memory_space<vmem>>
    %dma_start3A_465 = arith.constant 8 : i32
    %dma_start3A_466 = tpu.memref_slice %arg2[%add3A_6, %dma_start3A_465, %multiple_of3A_452] : memref<32x16x100000xf32, #tpu.memory_space<hbm>> -> memref<1x8x128xf32, #tpu.memory_space<hbm>>
    %dma_start3A_467 = tpu.memref_squeeze %dma_start3A_466 : memref<1x8x128xf32, #tpu.memory_space<hbm>> -> memref<8x128xf32, #tpu.memory_space<hbm>>
    tpu.enqueue_dma source(%dma_start3A_467 : memref<8x128xf32, #tpu.memory_space<hbm>>) target(%dma_start3A_464 : memref<8x128xf32, #tpu.memory_space<vmem>>) target_semaphore(%arg15 : memref<!tpu.dma_semaphore, #tpu.memory_space<semaphore_mem>>)
    %dma_start3A_468 = arith.constant 12 : i32
    %dma_start3A_469 = arith.constant 0 : i32
    %dma_start3A_470 = arith.constant 0 : i32
    %dma_start3A_471 = tpu.memref_slice %arg10[%dma_start3A_468, %dma_start3A_469, %dma_start3A_470] : memref<32x8x128xf32, #tpu.memory_space<vmem>> -> memref<1x8x128xf32, #tpu.memory_space<vmem>>
    %dma_start3A_472 = tpu.memref_squeeze %dma_start3A_471 : memref<1x8x128xf32, #tpu.memory_space<vmem>> -> memref<8x128xf32, #tpu.memory_space<vmem>>
    %dma_start3A_473 = arith.constant 8 : i32
    %dma_start3A_474 = tpu.memref_slice %arg3[%add3A_6, %dma_start3A_473, %multiple_of3A_452] : memref<32x16x100000xf32, #tpu.memory_space<hbm>> -> memref<1x8x128xf32, #tpu.memory_space<hbm>>
    %dma_start3A_475 = tpu.memref_squeeze %dma_start3A_474 : memref<1x8x128xf32, #tpu.memory_space<hbm>> -> memref<8x128xf32, #tpu.memory_space<hbm>>
    %dma_start3A_476 = arith.constant 0 : i32
    %dma_start3A_477 = arith.constant 0 : i32
    %dma_start3A_478 = tpu.memref_slice %arg10[%dma_start3A_468, %dma_start3A_476, %dma_start3A_477] : memref<32x8x128xf32, #tpu.memory_space<vmem>> -> memref<1x8x128xf32, #tpu.memory_space<vmem>>
    %dma_start3A_479 = tpu.memref_squeeze %dma_start3A_478 : memref<1x8x128xf32, #tpu.memory_space<vmem>> -> memref<8x128xf32, #tpu.memory_space<vmem>>
    %dma_start3A_480 = arith.constant 8 : i32
    %dma_start3A_481 = tpu.memref_slice %arg3[%add3A_6, %dma_start3A_480, %multiple_of3A_452] : memref<32x16x100000xf32, #tpu.memory_space<hbm>> -> memref<1x8x128xf32, #tpu.memory_space<hbm>>
    %dma_start3A_482 = tpu.memref_squeeze %dma_start3A_481 : memref<1x8x128xf32, #tpu.memory_space<hbm>> -> memref<8x128xf32, #tpu.memory_space<hbm>>
    tpu.enqueue_dma source(%dma_start3A_482 : memref<8x128xf32, #tpu.memory_space<hbm>>) target(%dma_start3A_479 : memref<8x128xf32, #tpu.memory_space<vmem>>) target_semaphore(%arg16 : memref<!tpu.dma_semaphore, #tpu.memory_space<semaphore_mem>>)
    %slice3A_483 = vector.extract_strided_slice %gather3A {offsets = [13], sizes = [1], strides = [1]} : vector<16xi32> to vector<1xi32>
    %squeeze3A_484 = vector.extract %slice3A_483[0] : i32 from vector<1xi32>
    %shift_right_arithmetic3A_485 = arith.constant 7 : i32
    %shift_right_arithmetic3A_486 = arith.shrsi %squeeze3A_484, %shift_right_arithmetic3A_485 : i32
    %shift_left3A_487 = arith.constant 7 : i32
    %shift_left3A_488 = arith.shli %shift_right_arithmetic3A_486, %shift_left3A_487 : i32
    %multiple_of3A_489 = tpu.assume_multiple %shift_left3A_488, 128 : i32
    %dma_start3A_490 = arith.constant 13 : i32
    %dma_start3A_491 = arith.constant 0 : i32
    %dma_start3A_492 = arith.constant 0 : i32
    %dma_start3A_493 = tpu.memref_slice %arg9[%dma_start3A_490, %dma_start3A_491, %dma_start3A_492] : memref<32x8x128xf32, #tpu.memory_space<vmem>> -> memref<1x8x128xf32, #tpu.memory_space<vmem>>
    %dma_start3A_494 = tpu.memref_squeeze %dma_start3A_493 : memref<1x8x128xf32, #tpu.memory_space<vmem>> -> memref<8x128xf32, #tpu.memory_space<vmem>>
    %dma_start3A_495 = arith.constant 8 : i32
    %dma_start3A_496 = tpu.memref_slice %arg2[%add3A_6, %dma_start3A_495, %multiple_of3A_489] : memref<32x16x100000xf32, #tpu.memory_space<hbm>> -> memref<1x8x128xf32, #tpu.memory_space<hbm>>
    %dma_start3A_497 = tpu.memref_squeeze %dma_start3A_496 : memref<1x8x128xf32, #tpu.memory_space<hbm>> -> memref<8x128xf32, #tpu.memory_space<hbm>>
    %dma_start3A_498 = arith.constant 0 : i32
    %dma_start3A_499 = arith.constant 0 : i32
    %dma_start3A_500 = tpu.memref_slice %arg9[%dma_start3A_490, %dma_start3A_498, %dma_start3A_499] : memref<32x8x128xf32, #tpu.memory_space<vmem>> -> memref<1x8x128xf32, #tpu.memory_space<vmem>>
    %dma_start3A_501 = tpu.memref_squeeze %dma_start3A_500 : memref<1x8x128xf32, #tpu.memory_space<vmem>> -> memref<8x128xf32, #tpu.memory_space<vmem>>
    %dma_start3A_502 = arith.constant 8 : i32
    %dma_start3A_503 = tpu.memref_slice %arg2[%add3A_6, %dma_start3A_502, %multiple_of3A_489] : memref<32x16x100000xf32, #tpu.memory_space<hbm>> -> memref<1x8x128xf32, #tpu.memory_space<hbm>>
    %dma_start3A_504 = tpu.memref_squeeze %dma_start3A_503 : memref<1x8x128xf32, #tpu.memory_space<hbm>> -> memref<8x128xf32, #tpu.memory_space<hbm>>
    tpu.enqueue_dma source(%dma_start3A_504 : memref<8x128xf32, #tpu.memory_space<hbm>>) target(%dma_start3A_501 : memref<8x128xf32, #tpu.memory_space<vmem>>) target_semaphore(%arg15 : memref<!tpu.dma_semaphore, #tpu.memory_space<semaphore_mem>>)
    %dma_start3A_505 = arith.constant 13 : i32
    %dma_start3A_506 = arith.constant 0 : i32
    %dma_start3A_507 = arith.constant 0 : i32
    %dma_start3A_508 = tpu.memref_slice %arg10[%dma_start3A_505, %dma_start3A_506, %dma_start3A_507] : memref<32x8x128xf32, #tpu.memory_space<vmem>> -> memref<1x8x128xf32, #tpu.memory_space<vmem>>
    %dma_start3A_509 = tpu.memref_squeeze %dma_start3A_508 : memref<1x8x128xf32, #tpu.memory_space<vmem>> -> memref<8x128xf32, #tpu.memory_space<vmem>>
    %dma_start3A_510 = arith.constant 8 : i32
    %dma_start3A_511 = tpu.memref_slice %arg3[%add3A_6, %dma_start3A_510, %multiple_of3A_489] : memref<32x16x100000xf32, #tpu.memory_space<hbm>> -> memref<1x8x128xf32, #tpu.memory_space<hbm>>
    %dma_start3A_512 = tpu.memref_squeeze %dma_start3A_511 : memref<1x8x128xf32, #tpu.memory_space<hbm>> -> memref<8x128xf32, #tpu.memory_space<hbm>>
    %dma_start3A_513 = arith.constant 0 : i32
    %dma_start3A_514 = arith.constant 0 : i32
    %dma_start3A_515 = tpu.memref_slice %arg10[%dma_start3A_505, %dma_start3A_513, %dma_start3A_514] : memref<32x8x128xf32, #tpu.memory_space<vmem>> -> memref<1x8x128xf32, #tpu.memory_space<vmem>>
    %dma_start3A_516 = tpu.memref_squeeze %dma_start3A_515 : memref<1x8x128xf32, #tpu.memory_space<vmem>> -> memref<8x128xf32, #tpu.memory_space<vmem>>
    %dma_start3A_517 = arith.constant 8 : i32
    %dma_start3A_518 = tpu.memref_slice %arg3[%add3A_6, %dma_start3A_517, %multiple_of3A_489] : memref<32x16x100000xf32, #tpu.memory_space<hbm>> -> memref<1x8x128xf32, #tpu.memory_space<hbm>>
    %dma_start3A_519 = tpu.memref_squeeze %dma_start3A_518 : memref<1x8x128xf32, #tpu.memory_space<hbm>> -> memref<8x128xf32, #tpu.memory_space<hbm>>
    tpu.enqueue_dma source(%dma_start3A_519 : memref<8x128xf32, #tpu.memory_space<hbm>>) target(%dma_start3A_516 : memref<8x128xf32, #tpu.memory_space<vmem>>) target_semaphore(%arg16 : memref<!tpu.dma_semaphore, #tpu.memory_space<semaphore_mem>>)
    %slice3A_520 = vector.extract_strided_slice %gather3A {offsets = [14], sizes = [1], strides = [1]} : vector<16xi32> to vector<1xi32>
    %squeeze3A_521 = vector.extract %slice3A_520[0] : i32 from vector<1xi32>
    %shift_right_arithmetic3A_522 = arith.constant 7 : i32
    %shift_right_arithmetic3A_523 = arith.shrsi %squeeze3A_521, %shift_right_arithmetic3A_522 : i32
    %shift_left3A_524 = arith.constant 7 : i32
    %shift_left3A_525 = arith.shli %shift_right_arithmetic3A_523, %shift_left3A_524 : i32
    %multiple_of3A_526 = tpu.assume_multiple %shift_left3A_525, 128 : i32
    %dma_start3A_527 = arith.constant 14 : i32
    %dma_start3A_528 = arith.constant 0 : i32
    %dma_start3A_529 = arith.constant 0 : i32
    %dma_start3A_530 = tpu.memref_slice %arg9[%dma_start3A_527, %dma_start3A_528, %dma_start3A_529] : memref<32x8x128xf32, #tpu.memory_space<vmem>> -> memref<1x8x128xf32, #tpu.memory_space<vmem>>
    %dma_start3A_531 = tpu.memref_squeeze %dma_start3A_530 : memref<1x8x128xf32, #tpu.memory_space<vmem>> -> memref<8x128xf32, #tpu.memory_space<vmem>>
    %dma_start3A_532 = arith.constant 8 : i32
    %dma_start3A_533 = tpu.memref_slice %arg2[%add3A_6, %dma_start3A_532, %multiple_of3A_526] : memref<32x16x100000xf32, #tpu.memory_space<hbm>> -> memref<1x8x128xf32, #tpu.memory_space<hbm>>
    %dma_start3A_534 = tpu.memref_squeeze %dma_start3A_533 : memref<1x8x128xf32, #tpu.memory_space<hbm>> -> memref<8x128xf32, #tpu.memory_space<hbm>>
    %dma_start3A_535 = arith.constant 0 : i32
    %dma_start3A_536 = arith.constant 0 : i32
    %dma_start3A_537 = tpu.memref_slice %arg9[%dma_start3A_527, %dma_start3A_535, %dma_start3A_536] : memref<32x8x128xf32, #tpu.memory_space<vmem>> -> memref<1x8x128xf32, #tpu.memory_space<vmem>>
    %dma_start3A_538 = tpu.memref_squeeze %dma_start3A_537 : memref<1x8x128xf32, #tpu.memory_space<vmem>> -> memref<8x128xf32, #tpu.memory_space<vmem>>
    %dma_start3A_539 = arith.constant 8 : i32
    %dma_start3A_540 = tpu.memref_slice %arg2[%add3A_6, %dma_start3A_539, %multiple_of3A_526] : memref<32x16x100000xf32, #tpu.memory_space<hbm>> -> memref<1x8x128xf32, #tpu.memory_space<hbm>>
    %dma_start3A_541 = tpu.memref_squeeze %dma_start3A_540 : memref<1x8x128xf32, #tpu.memory_space<hbm>> -> memref<8x128xf32, #tpu.memory_space<hbm>>
    tpu.enqueue_dma source(%dma_start3A_541 : memref<8x128xf32, #tpu.memory_space<hbm>>) target(%dma_start3A_538 : memref<8x128xf32, #tpu.memory_space<vmem>>) target_semaphore(%arg15 : memref<!tpu.dma_semaphore, #tpu.memory_space<semaphore_mem>>)
    %dma_start3A_542 = arith.constant 14 : i32
    %dma_start3A_543 = arith.constant 0 : i32
    %dma_start3A_544 = arith.constant 0 : i32
    %dma_start3A_545 = tpu.memref_slice %arg10[%dma_start3A_542, %dma_start3A_543, %dma_start3A_544] : memref<32x8x128xf32, #tpu.memory_space<vmem>> -> memref<1x8x128xf32, #tpu.memory_space<vmem>>
    %dma_start3A_546 = tpu.memref_squeeze %dma_start3A_545 : memref<1x8x128xf32, #tpu.memory_space<vmem>> -> memref<8x128xf32, #tpu.memory_space<vmem>>
    %dma_start3A_547 = arith.constant 8 : i32
    %dma_start3A_548 = tpu.memref_slice %arg3[%add3A_6, %dma_start3A_547, %multiple_of3A_526] : memref<32x16x100000xf32, #tpu.memory_space<hbm>> -> memref<1x8x128xf32, #tpu.memory_space<hbm>>
    %dma_start3A_549 = tpu.memref_squeeze %dma_start3A_548 : memref<1x8x128xf32, #tpu.memory_space<hbm>> -> memref<8x128xf32, #tpu.memory_space<hbm>>
    %dma_start3A_550 = arith.constant 0 : i32
    %dma_start3A_551 = arith.constant 0 : i32
    %dma_start3A_552 = tpu.memref_slice %arg10[%dma_start3A_542, %dma_start3A_550, %dma_start3A_551] : memref<32x8x128xf32, #tpu.memory_space<vmem>> -> memref<1x8x128xf32, #tpu.memory_space<vmem>>
    %dma_start3A_553 = tpu.memref_squeeze %dma_start3A_552 : memref<1x8x128xf32, #tpu.memory_space<vmem>> -> memref<8x128xf32, #tpu.memory_space<vmem>>
    %dma_start3A_554 = arith.constant 8 : i32
    %dma_start3A_555 = tpu.memref_slice %arg3[%add3A_6, %dma_start3A_554, %multiple_of3A_526] : memref<32x16x100000xf32, #tpu.memory_space<hbm>> -> memref<1x8x128xf32, #tpu.memory_space<hbm>>
    %dma_start3A_556 = tpu.memref_squeeze %dma_start3A_555 : memref<1x8x128xf32, #tpu.memory_space<hbm>> -> memref<8x128xf32, #tpu.memory_space<hbm>>
    tpu.enqueue_dma source(%dma_start3A_556 : memref<8x128xf32, #tpu.memory_space<hbm>>) target(%dma_start3A_553 : memref<8x128xf32, #tpu.memory_space<vmem>>) target_semaphore(%arg16 : memref<!tpu.dma_semaphore, #tpu.memory_space<semaphore_mem>>)
    %slice3A_557 = vector.extract_strided_slice %gather3A {offsets = [15], sizes = [1], strides = [1]} : vector<16xi32> to vector<1xi32>
    %squeeze3A_558 = vector.extract %slice3A_557[0] : i32 from vector<1xi32>
    %shift_right_arithmetic3A_559 = arith.constant 7 : i32
    %shift_right_arithmetic3A_560 = arith.shrsi %squeeze3A_558, %shift_right_arithmetic3A_559 : i32
    %shift_left3A_561 = arith.constant 7 : i32
    %shift_left3A_562 = arith.shli %shift_right_arithmetic3A_560, %shift_left3A_561 : i32
    %multiple_of3A_563 = tpu.assume_multiple %shift_left3A_562, 128 : i32
    %dma_start3A_564 = arith.constant 15 : i32
    %dma_start3A_565 = arith.constant 0 : i32
    %dma_start3A_566 = arith.constant 0 : i32
    %dma_start3A_567 = tpu.memref_slice %arg9[%dma_start3A_564, %dma_start3A_565, %dma_start3A_566] : memref<32x8x128xf32, #tpu.memory_space<vmem>> -> memref<1x8x128xf32, #tpu.memory_space<vmem>>
    %dma_start3A_568 = tpu.memref_squeeze %dma_start3A_567 : memref<1x8x128xf32, #tpu.memory_space<vmem>> -> memref<8x128xf32, #tpu.memory_space<vmem>>
    %dma_start3A_569 = arith.constant 8 : i32
    %dma_start3A_570 = tpu.memref_slice %arg2[%add3A_6, %dma_start3A_569, %multiple_of3A_563] : memref<32x16x100000xf32, #tpu.memory_space<hbm>> -> memref<1x8x128xf32, #tpu.memory_space<hbm>>
    %dma_start3A_571 = tpu.memref_squeeze %dma_start3A_570 : memref<1x8x128xf32, #tpu.memory_space<hbm>> -> memref<8x128xf32, #tpu.memory_space<hbm>>
    %dma_start3A_572 = arith.constant 0 : i32
    %dma_start3A_573 = arith.constant 0 : i32
    %dma_start3A_574 = tpu.memref_slice %arg9[%dma_start3A_564, %dma_start3A_572, %dma_start3A_573] : memref<32x8x128xf32, #tpu.memory_space<vmem>> -> memref<1x8x128xf32, #tpu.memory_space<vmem>>
    %dma_start3A_575 = tpu.memref_squeeze %dma_start3A_574 : memref<1x8x128xf32, #tpu.memory_space<vmem>> -> memref<8x128xf32, #tpu.memory_space<vmem>>
    %dma_start3A_576 = arith.constant 8 : i32
    %dma_start3A_577 = tpu.memref_slice %arg2[%add3A_6, %dma_start3A_576, %multiple_of3A_563] : memref<32x16x100000xf32, #tpu.memory_space<hbm>> -> memref<1x8x128xf32, #tpu.memory_space<hbm>>
    %dma_start3A_578 = tpu.memref_squeeze %dma_start3A_577 : memref<1x8x128xf32, #tpu.memory_space<hbm>> -> memref<8x128xf32, #tpu.memory_space<hbm>>
    tpu.enqueue_dma source(%dma_start3A_578 : memref<8x128xf32, #tpu.memory_space<hbm>>) target(%dma_start3A_575 : memref<8x128xf32, #tpu.memory_space<vmem>>) target_semaphore(%arg15 : memref<!tpu.dma_semaphore, #tpu.memory_space<semaphore_mem>>)
    %dma_start3A_579 = arith.constant 15 : i32
    %dma_start3A_580 = arith.constant 0 : i32
    %dma_start3A_581 = arith.constant 0 : i32
    %dma_start3A_582 = tpu.memref_slice %arg10[%dma_start3A_579, %dma_start3A_580, %dma_start3A_581] : memref<32x8x128xf32, #tpu.memory_space<vmem>> -> memref<1x8x128xf32, #tpu.memory_space<vmem>>
    %dma_start3A_583 = tpu.memref_squeeze %dma_start3A_582 : memref<1x8x128xf32, #tpu.memory_space<vmem>> -> memref<8x128xf32, #tpu.memory_space<vmem>>
    %dma_start3A_584 = arith.constant 8 : i32
    %dma_start3A_585 = tpu.memref_slice %arg3[%add3A_6, %dma_start3A_584, %multiple_of3A_563] : memref<32x16x100000xf32, #tpu.memory_space<hbm>> -> memref<1x8x128xf32, #tpu.memory_space<hbm>>
    %dma_start3A_586 = tpu.memref_squeeze %dma_start3A_585 : memref<1x8x128xf32, #tpu.memory_space<hbm>> -> memref<8x128xf32, #tpu.memory_space<hbm>>
    %dma_start3A_587 = arith.constant 0 : i32
    %dma_start3A_588 = arith.constant 0 : i32
    %dma_start3A_589 = tpu.memref_slice %arg10[%dma_start3A_579, %dma_start3A_587, %dma_start3A_588] : memref<32x8x128xf32, #tpu.memory_space<vmem>> -> memref<1x8x128xf32, #tpu.memory_space<vmem>>
    %dma_start3A_590 = tpu.memref_squeeze %dma_start3A_589 : memref<1x8x128xf32, #tpu.memory_space<vmem>> -> memref<8x128xf32, #tpu.memory_space<vmem>>
    %dma_start3A_591 = arith.constant 8 : i32
    %dma_start3A_592 = tpu.memref_slice %arg3[%add3A_6, %dma_start3A_591, %multiple_of3A_563] : memref<32x16x100000xf32, #tpu.memory_space<hbm>> -> memref<1x8x128xf32, #tpu.memory_space<hbm>>
    %dma_start3A_593 = tpu.memref_squeeze %dma_start3A_592 : memref<1x8x128xf32, #tpu.memory_space<hbm>> -> memref<8x128xf32, #tpu.memory_space<hbm>>
    tpu.enqueue_dma source(%dma_start3A_593 : memref<8x128xf32, #tpu.memory_space<hbm>>) target(%dma_start3A_590 : memref<8x128xf32, #tpu.memory_space<vmem>>) target_semaphore(%arg16 : memref<!tpu.dma_semaphore, #tpu.memory_space<semaphore_mem>>)
    %mul3A_594 = arith.constant 2 : i32
    %mul3A_595 = arith.muli %arg1, %mul3A_594 : i32
    %add3A_596 = arith.constant 1 : i32
    %add3A_597 = arith.addi %mul3A_595, %add3A_596 : i32
    %broadcast_in_dim3A_598 = vector.broadcast %add3A_597 : i32 to vector<16xi32>
    %gather3A_599 = tpu.vector_load_idx %arg7[%iota3A, %broadcast_in_dim3A_598] : memref<16x32xi32, #tpu.memory_space<vmem>>[vector<16xi32>, vector<16xi32>], vector<16xi32>,
    %slice3A_600 = vector.extract_strided_slice %gather3A_599 {offsets = [0], sizes = [1], strides = [1]} : vector<16xi32> to vector<1xi32>
    %squeeze3A_601 = vector.extract %slice3A_600[0] : i32 from vector<1xi32>
    %shift_right_arithmetic3A_602 = arith.constant 7 : i32
    %shift_right_arithmetic3A_603 = arith.shrsi %squeeze3A_601, %shift_right_arithmetic3A_602 : i32
    %shift_left3A_604 = arith.constant 7 : i32
    %shift_left3A_605 = arith.shli %shift_right_arithmetic3A_603, %shift_left3A_604 : i32
    %multiple_of3A_606 = tpu.assume_multiple %shift_left3A_605, 128 : i32
    %dma_start3A_607 = arith.constant 16 : i32
    %dma_start3A_608 = arith.constant 0 : i32
    %dma_start3A_609 = arith.constant 0 : i32
    %dma_start3A_610 = tpu.memref_slice %arg9[%dma_start3A_607, %dma_start3A_608, %dma_start3A_609] : memref<32x8x128xf32, #tpu.memory_space<vmem>> -> memref<1x8x128xf32, #tpu.memory_space<vmem>>
    %dma_start3A_611 = tpu.memref_squeeze %dma_start3A_610 : memref<1x8x128xf32, #tpu.memory_space<vmem>> -> memref<8x128xf32, #tpu.memory_space<vmem>>
    %dma_start3A_612 = arith.constant 0 : i32
    %dma_start3A_613 = tpu.memref_slice %arg2[%add3A_597, %dma_start3A_612, %multiple_of3A_606] : memref<32x16x100000xf32, #tpu.memory_space<hbm>> -> memref<1x8x128xf32, #tpu.memory_space<hbm>>
    %dma_start3A_614 = tpu.memref_squeeze %dma_start3A_613 : memref<1x8x128xf32, #tpu.memory_space<hbm>> -> memref<8x128xf32, #tpu.memory_space<hbm>>
    %dma_start3A_615 = arith.constant 0 : i32
    %dma_start3A_616 = arith.constant 0 : i32
    %dma_start3A_617 = tpu.memref_slice %arg9[%dma_start3A_607, %dma_start3A_615, %dma_start3A_616] : memref<32x8x128xf32, #tpu.memory_space<vmem>> -> memref<1x8x128xf32, #tpu.memory_space<vmem>>
    %dma_start3A_618 = tpu.memref_squeeze %dma_start3A_617 : memref<1x8x128xf32, #tpu.memory_space<vmem>> -> memref<8x128xf32, #tpu.memory_space<vmem>>
    %dma_start3A_619 = arith.constant 0 : i32
    %dma_start3A_620 = tpu.memref_slice %arg2[%add3A_597, %dma_start3A_619, %multiple_of3A_606] : memref<32x16x100000xf32, #tpu.memory_space<hbm>> -> memref<1x8x128xf32, #tpu.memory_space<hbm>>
    %dma_start3A_621 = tpu.memref_squeeze %dma_start3A_620 : memref<1x8x128xf32, #tpu.memory_space<hbm>> -> memref<8x128xf32, #tpu.memory_space<hbm>>
    tpu.enqueue_dma source(%dma_start3A_621 : memref<8x128xf32, #tpu.memory_space<hbm>>) target(%dma_start3A_618 : memref<8x128xf32, #tpu.memory_space<vmem>>) target_semaphore(%arg15 : memref<!tpu.dma_semaphore, #tpu.memory_space<semaphore_mem>>)
    %dma_start3A_622 = arith.constant 16 : i32
    %dma_start3A_623 = arith.constant 0 : i32
    %dma_start3A_624 = arith.constant 0 : i32
    %dma_start3A_625 = tpu.memref_slice %arg10[%dma_start3A_622, %dma_start3A_623, %dma_start3A_624] : memref<32x8x128xf32, #tpu.memory_space<vmem>> -> memref<1x8x128xf32, #tpu.memory_space<vmem>>
    %dma_start3A_626 = tpu.memref_squeeze %dma_start3A_625 : memref<1x8x128xf32, #tpu.memory_space<vmem>> -> memref<8x128xf32, #tpu.memory_space<vmem>>
    %dma_start3A_627 = arith.constant 0 : i32
    %dma_start3A_628 = tpu.memref_slice %arg3[%add3A_597, %dma_start3A_627, %multiple_of3A_606] : memref<32x16x100000xf32, #tpu.memory_space<hbm>> -> memref<1x8x128xf32, #tpu.memory_space<hbm>>
    %dma_start3A_629 = tpu.memref_squeeze %dma_start3A_628 : memref<1x8x128xf32, #tpu.memory_space<hbm>> -> memref<8x128xf32, #tpu.memory_space<hbm>>
    %dma_start3A_630 = arith.constant 0 : i32
    %dma_start3A_631 = arith.constant 0 : i32
    %dma_start3A_632 = tpu.memref_slice %arg10[%dma_start3A_622, %dma_start3A_630, %dma_start3A_631] : memref<32x8x128xf32, #tpu.memory_space<vmem>> -> memref<1x8x128xf32, #tpu.memory_space<vmem>>
    %dma_start3A_633 = tpu.memref_squeeze %dma_start3A_632 : memref<1x8x128xf32, #tpu.memory_space<vmem>> -> memref<8x128xf32, #tpu.memory_space<vmem>>
    %dma_start3A_634 = arith.constant 0 : i32
    %dma_start3A_635 = tpu.memref_slice %arg3[%add3A_597, %dma_start3A_634, %multiple_of3A_606] : memref<32x16x100000xf32, #tpu.memory_space<hbm>> -> memref<1x8x128xf32, #tpu.memory_space<hbm>>
    %dma_start3A_636 = tpu.memref_squeeze %dma_start3A_635 : memref<1x8x128xf32, #tpu.memory_space<hbm>> -> memref<8x128xf32, #tpu.memory_space<hbm>>
    tpu.enqueue_dma source(%dma_start3A_636 : memref<8x128xf32, #tpu.memory_space<hbm>>) target(%dma_start3A_633 : memref<8x128xf32, #tpu.memory_space<vmem>>) target_semaphore(%arg16 : memref<!tpu.dma_semaphore, #tpu.memory_space<semaphore_mem>>)
    %slice3A_637 = vector.extract_strided_slice %gather3A_599 {offsets = [1], sizes = [1], strides = [1]} : vector<16xi32> to vector<1xi32>
    %squeeze3A_638 = vector.extract %slice3A_637[0] : i32 from vector<1xi32>
    %shift_right_arithmetic3A_639 = arith.constant 7 : i32
    %shift_right_arithmetic3A_640 = arith.shrsi %squeeze3A_638, %shift_right_arithmetic3A_639 : i32
    %shift_left3A_641 = arith.constant 7 : i32
    %shift_left3A_642 = arith.shli %shift_right_arithmetic3A_640, %shift_left3A_641 : i32
    %multiple_of3A_643 = tpu.assume_multiple %shift_left3A_642, 128 : i32
    %dma_start3A_644 = arith.constant 17 : i32
    %dma_start3A_645 = arith.constant 0 : i32
    %dma_start3A_646 = arith.constant 0 : i32
    %dma_start3A_647 = tpu.memref_slice %arg9[%dma_start3A_644, %dma_start3A_645, %dma_start3A_646] : memref<32x8x128xf32, #tpu.memory_space<vmem>> -> memref<1x8x128xf32, #tpu.memory_space<vmem>>
    %dma_start3A_648 = tpu.memref_squeeze %dma_start3A_647 : memref<1x8x128xf32, #tpu.memory_space<vmem>> -> memref<8x128xf32, #tpu.memory_space<vmem>>
    %dma_start3A_649 = arith.constant 0 : i32
    %dma_start3A_650 = tpu.memref_slice %arg2[%add3A_597, %dma_start3A_649, %multiple_of3A_643] : memref<32x16x100000xf32, #tpu.memory_space<hbm>> -> memref<1x8x128xf32, #tpu.memory_space<hbm>>
    %dma_start3A_651 = tpu.memref_squeeze %dma_start3A_650 : memref<1x8x128xf32, #tpu.memory_space<hbm>> -> memref<8x128xf32, #tpu.memory_space<hbm>>
    %dma_start3A_652 = arith.constant 0 : i32
    %dma_start3A_653 = arith.constant 0 : i32
    %dma_start3A_654 = tpu.memref_slice %arg9[%dma_start3A_644, %dma_start3A_652, %dma_start3A_653] : memref<32x8x128xf32, #tpu.memory_space<vmem>> -> memref<1x8x128xf32, #tpu.memory_space<vmem>>
    %dma_start3A_655 = tpu.memref_squeeze %dma_start3A_654 : memref<1x8x128xf32, #tpu.memory_space<vmem>> -> memref<8x128xf32, #tpu.memory_space<vmem>>
    %dma_start3A_656 = arith.constant 0 : i32
    %dma_start3A_657 = tpu.memref_slice %arg2[%add3A_597, %dma_start3A_656, %multiple_of3A_643] : memref<32x16x100000xf32, #tpu.memory_space<hbm>> -> memref<1x8x128xf32, #tpu.memory_space<hbm>>
    %dma_start3A_658 = tpu.memref_squeeze %dma_start3A_657 : memref<1x8x128xf32, #tpu.memory_space<hbm>> -> memref<8x128xf32, #tpu.memory_space<hbm>>
    tpu.enqueue_dma source(%dma_start3A_658 : memref<8x128xf32, #tpu.memory_space<hbm>>) target(%dma_start3A_655 : memref<8x128xf32, #tpu.memory_space<vmem>>) target_semaphore(%arg15 : memref<!tpu.dma_semaphore, #tpu.memory_space<semaphore_mem>>)
    %dma_start3A_659 = arith.constant 17 : i32
    %dma_start3A_660 = arith.constant 0 : i32
    %dma_start3A_661 = arith.constant 0 : i32
    %dma_start3A_662 = tpu.memref_slice %arg10[%dma_start3A_659, %dma_start3A_660, %dma_start3A_661] : memref<32x8x128xf32, #tpu.memory_space<vmem>> -> memref<1x8x128xf32, #tpu.memory_space<vmem>>
    %dma_start3A_663 = tpu.memref_squeeze %dma_start3A_662 : memref<1x8x128xf32, #tpu.memory_space<vmem>> -> memref<8x128xf32, #tpu.memory_space<vmem>>
    %dma_start3A_664 = arith.constant 0 : i32
    %dma_start3A_665 = tpu.memref_slice %arg3[%add3A_597, %dma_start3A_664, %multiple_of3A_643] : memref<32x16x100000xf32, #tpu.memory_space<hbm>> -> memref<1x8x128xf32, #tpu.memory_space<hbm>>
    %dma_start3A_666 = tpu.memref_squeeze %dma_start3A_665 : memref<1x8x128xf32, #tpu.memory_space<hbm>> -> memref<8x128xf32, #tpu.memory_space<hbm>>
    %dma_start3A_667 = arith.constant 0 : i32
    %dma_start3A_668 = arith.constant 0 : i32
    %dma_start3A_669 = tpu.memref_slice %arg10[%dma_start3A_659, %dma_start3A_667, %dma_start3A_668] : memref<32x8x128xf32, #tpu.memory_space<vmem>> -> memref<1x8x128xf32, #tpu.memory_space<vmem>>
    %dma_start3A_670 = tpu.memref_squeeze %dma_start3A_669 : memref<1x8x128xf32, #tpu.memory_space<vmem>> -> memref<8x128xf32, #tpu.memory_space<vmem>>
    %dma_start3A_671 = arith.constant 0 : i32
    %dma_start3A_672 = tpu.memref_slice %arg3[%add3A_597, %dma_start3A_671, %multiple_of3A_643] : memref<32x16x100000xf32, #tpu.memory_space<hbm>> -> memref<1x8x128xf32, #tpu.memory_space<hbm>>
    %dma_start3A_673 = tpu.memref_squeeze %dma_start3A_672 : memref<1x8x128xf32, #tpu.memory_space<hbm>> -> memref<8x128xf32, #tpu.memory_space<hbm>>
    tpu.enqueue_dma source(%dma_start3A_673 : memref<8x128xf32, #tpu.memory_space<hbm>>) target(%dma_start3A_670 : memref<8x128xf32, #tpu.memory_space<vmem>>) target_semaphore(%arg16 : memref<!tpu.dma_semaphore, #tpu.memory_space<semaphore_mem>>)
    %slice3A_674 = vector.extract_strided_slice %gather3A_599 {offsets = [2], sizes = [1], strides = [1]} : vector<16xi32> to vector<1xi32>
    %squeeze3A_675 = vector.extract %slice3A_674[0] : i32 from vector<1xi32>
    %shift_right_arithmetic3A_676 = arith.constant 7 : i32
    %shift_right_arithmetic3A_677 = arith.shrsi %squeeze3A_675, %shift_right_arithmetic3A_676 : i32
    %shift_left3A_678 = arith.constant 7 : i32
    %shift_left3A_679 = arith.shli %shift_right_arithmetic3A_677, %shift_left3A_678 : i32
    %multiple_of3A_680 = tpu.assume_multiple %shift_left3A_679, 128 : i32
    %dma_start3A_681 = arith.constant 18 : i32
    %dma_start3A_682 = arith.constant 0 : i32
    %dma_start3A_683 = arith.constant 0 : i32
    %dma_start3A_684 = tpu.memref_slice %arg9[%dma_start3A_681, %dma_start3A_682, %dma_start3A_683] : memref<32x8x128xf32, #tpu.memory_space<vmem>> -> memref<1x8x128xf32, #tpu.memory_space<vmem>>
    %dma_start3A_685 = tpu.memref_squeeze %dma_start3A_684 : memref<1x8x128xf32, #tpu.memory_space<vmem>> -> memref<8x128xf32, #tpu.memory_space<vmem>>
    %dma_start3A_686 = arith.constant 0 : i32
    %dma_start3A_687 = tpu.memref_slice %arg2[%add3A_597, %dma_start3A_686, %multiple_of3A_680] : memref<32x16x100000xf32, #tpu.memory_space<hbm>> -> memref<1x8x128xf32, #tpu.memory_space<hbm>>
    %dma_start3A_688 = tpu.memref_squeeze %dma_start3A_687 : memref<1x8x128xf32, #tpu.memory_space<hbm>> -> memref<8x128xf32, #tpu.memory_space<hbm>>
    %dma_start3A_689 = arith.constant 0 : i32
    %dma_start3A_690 = arith.constant 0 : i32
    %dma_start3A_691 = tpu.memref_slice %arg9[%dma_start3A_681, %dma_start3A_689, %dma_start3A_690] : memref<32x8x128xf32, #tpu.memory_space<vmem>> -> memref<1x8x128xf32, #tpu.memory_space<vmem>>
    %dma_start3A_692 = tpu.memref_squeeze %dma_start3A_691 : memref<1x8x128xf32, #tpu.memory_space<vmem>> -> memref<8x128xf32, #tpu.memory_space<vmem>>
    %dma_start3A_693 = arith.constant 0 : i32
    %dma_start3A_694 = tpu.memref_slice %arg2[%add3A_597, %dma_start3A_693, %multiple_of3A_680] : memref<32x16x100000xf32, #tpu.memory_space<hbm>> -> memref<1x8x128xf32, #tpu.memory_space<hbm>>
    %dma_start3A_695 = tpu.memref_squeeze %dma_start3A_694 : memref<1x8x128xf32, #tpu.memory_space<hbm>> -> memref<8x128xf32, #tpu.memory_space<hbm>>
    tpu.enqueue_dma source(%dma_start3A_695 : memref<8x128xf32, #tpu.memory_space<hbm>>) target(%dma_start3A_692 : memref<8x128xf32, #tpu.memory_space<vmem>>) target_semaphore(%arg15 : memref<!tpu.dma_semaphore, #tpu.memory_space<semaphore_mem>>)
    %dma_start3A_696 = arith.constant 18 : i32
    %dma_start3A_697 = arith.constant 0 : i32
    %dma_start3A_698 = arith.constant 0 : i32
    %dma_start3A_699 = tpu.memref_slice %arg10[%dma_start3A_696, %dma_start3A_697, %dma_start3A_698] : memref<32x8x128xf32, #tpu.memory_space<vmem>> -> memref<1x8x128xf32, #tpu.memory_space<vmem>>
    %dma_start3A_700 = tpu.memref_squeeze %dma_start3A_699 : memref<1x8x128xf32, #tpu.memory_space<vmem>> -> memref<8x128xf32, #tpu.memory_space<vmem>>
    %dma_start3A_701 = arith.constant 0 : i32
    %dma_start3A_702 = tpu.memref_slice %arg3[%add3A_597, %dma_start3A_701, %multiple_of3A_680] : memref<32x16x100000xf32, #tpu.memory_space<hbm>> -> memref<1x8x128xf32, #tpu.memory_space<hbm>>
    %dma_start3A_703 = tpu.memref_squeeze %dma_start3A_702 : memref<1x8x128xf32, #tpu.memory_space<hbm>> -> memref<8x128xf32, #tpu.memory_space<hbm>>
    %dma_start3A_704 = arith.constant 0 : i32
    %dma_start3A_705 = arith.constant 0 : i32
    %dma_start3A_706 = tpu.memref_slice %arg10[%dma_start3A_696, %dma_start3A_704, %dma_start3A_705] : memref<32x8x128xf32, #tpu.memory_space<vmem>> -> memref<1x8x128xf32, #tpu.memory_space<vmem>>
    %dma_start3A_707 = tpu.memref_squeeze %dma_start3A_706 : memref<1x8x128xf32, #tpu.memory_space<vmem>> -> memref<8x128xf32, #tpu.memory_space<vmem>>
    %dma_start3A_708 = arith.constant 0 : i32
    %dma_start3A_709 = tpu.memref_slice %arg3[%add3A_597, %dma_start3A_708, %multiple_of3A_680] : memref<32x16x100000xf32, #tpu.memory_space<hbm>> -> memref<1x8x128xf32, #tpu.memory_space<hbm>>
    %dma_start3A_710 = tpu.memref_squeeze %dma_start3A_709 : memref<1x8x128xf32, #tpu.memory_space<hbm>> -> memref<8x128xf32, #tpu.memory_space<hbm>>
    tpu.enqueue_dma source(%dma_start3A_710 : memref<8x128xf32, #tpu.memory_space<hbm>>) target(%dma_start3A_707 : memref<8x128xf32, #tpu.memory_space<vmem>>) target_semaphore(%arg16 : memref<!tpu.dma_semaphore, #tpu.memory_space<semaphore_mem>>)
    %slice3A_711 = vector.extract_strided_slice %gather3A_599 {offsets = [3], sizes = [1], strides = [1]} : vector<16xi32> to vector<1xi32>
    %squeeze3A_712 = vector.extract %slice3A_711[0] : i32 from vector<1xi32>
    %shift_right_arithmetic3A_713 = arith.constant 7 : i32
    %shift_right_arithmetic3A_714 = arith.shrsi %squeeze3A_712, %shift_right_arithmetic3A_713 : i32
    %shift_left3A_715 = arith.constant 7 : i32
    %shift_left3A_716 = arith.shli %shift_right_arithmetic3A_714, %shift_left3A_715 : i32
    %multiple_of3A_717 = tpu.assume_multiple %shift_left3A_716, 128 : i32
    %dma_start3A_718 = arith.constant 19 : i32
    %dma_start3A_719 = arith.constant 0 : i32
    %dma_start3A_720 = arith.constant 0 : i32
    %dma_start3A_721 = tpu.memref_slice %arg9[%dma_start3A_718, %dma_start3A_719, %dma_start3A_720] : memref<32x8x128xf32, #tpu.memory_space<vmem>> -> memref<1x8x128xf32, #tpu.memory_space<vmem>>
    %dma_start3A_722 = tpu.memref_squeeze %dma_start3A_721 : memref<1x8x128xf32, #tpu.memory_space<vmem>> -> memref<8x128xf32, #tpu.memory_space<vmem>>
    %dma_start3A_723 = arith.constant 0 : i32
    %dma_start3A_724 = tpu.memref_slice %arg2[%add3A_597, %dma_start3A_723, %multiple_of3A_717] : memref<32x16x100000xf32, #tpu.memory_space<hbm>> -> memref<1x8x128xf32, #tpu.memory_space<hbm>>
    %dma_start3A_725 = tpu.memref_squeeze %dma_start3A_724 : memref<1x8x128xf32, #tpu.memory_space<hbm>> -> memref<8x128xf32, #tpu.memory_space<hbm>>
    %dma_start3A_726 = arith.constant 0 : i32
    %dma_start3A_727 = arith.constant 0 : i32
    %dma_start3A_728 = tpu.memref_slice %arg9[%dma_start3A_718, %dma_start3A_726, %dma_start3A_727] : memref<32x8x128xf32, #tpu.memory_space<vmem>> -> memref<1x8x128xf32, #tpu.memory_space<vmem>>
    %dma_start3A_729 = tpu.memref_squeeze %dma_start3A_728 : memref<1x8x128xf32, #tpu.memory_space<vmem>> -> memref<8x128xf32, #tpu.memory_space<vmem>>
    %dma_start3A_730 = arith.constant 0 : i32
    %dma_start3A_731 = tpu.memref_slice %arg2[%add3A_597, %dma_start3A_730, %multiple_of3A_717] : memref<32x16x100000xf32, #tpu.memory_space<hbm>> -> memref<1x8x128xf32, #tpu.memory_space<hbm>>
    %dma_start3A_732 = tpu.memref_squeeze %dma_start3A_731 : memref<1x8x128xf32, #tpu.memory_space<hbm>> -> memref<8x128xf32, #tpu.memory_space<hbm>>
    tpu.enqueue_dma source(%dma_start3A_732 : memref<8x128xf32, #tpu.memory_space<hbm>>) target(%dma_start3A_729 : memref<8x128xf32, #tpu.memory_space<vmem>>) target_semaphore(%arg15 : memref<!tpu.dma_semaphore, #tpu.memory_space<semaphore_mem>>)
    %dma_start3A_733 = arith.constant 19 : i32
    %dma_start3A_734 = arith.constant 0 : i32
    %dma_start3A_735 = arith.constant 0 : i32
    %dma_start3A_736 = tpu.memref_slice %arg10[%dma_start3A_733, %dma_start3A_734, %dma_start3A_735] : memref<32x8x128xf32, #tpu.memory_space<vmem>> -> memref<1x8x128xf32, #tpu.memory_space<vmem>>
    %dma_start3A_737 = tpu.memref_squeeze %dma_start3A_736 : memref<1x8x128xf32, #tpu.memory_space<vmem>> -> memref<8x128xf32, #tpu.memory_space<vmem>>
    %dma_start3A_738 = arith.constant 0 : i32
    %dma_start3A_739 = tpu.memref_slice %arg3[%add3A_597, %dma_start3A_738, %multiple_of3A_717] : memref<32x16x100000xf32, #tpu.memory_space<hbm>> -> memref<1x8x128xf32, #tpu.memory_space<hbm>>
    %dma_start3A_740 = tpu.memref_squeeze %dma_start3A_739 : memref<1x8x128xf32, #tpu.memory_space<hbm>> -> memref<8x128xf32, #tpu.memory_space<hbm>>
    %dma_start3A_741 = arith.constant 0 : i32
    %dma_start3A_742 = arith.constant 0 : i32
    %dma_start3A_743 = tpu.memref_slice %arg10[%dma_start3A_733, %dma_start3A_741, %dma_start3A_742] : memref<32x8x128xf32, #tpu.memory_space<vmem>> -> memref<1x8x128xf32, #tpu.memory_space<vmem>>
    %dma_start3A_744 = tpu.memref_squeeze %dma_start3A_743 : memref<1x8x128xf32, #tpu.memory_space<vmem>> -> memref<8x128xf32, #tpu.memory_space<vmem>>
    %dma_start3A_745 = arith.constant 0 : i32
    %dma_start3A_746 = tpu.memref_slice %arg3[%add3A_597, %dma_start3A_745, %multiple_of3A_717] : memref<32x16x100000xf32, #tpu.memory_space<hbm>> -> memref<1x8x128xf32, #tpu.memory_space<hbm>>
    %dma_start3A_747 = tpu.memref_squeeze %dma_start3A_746 : memref<1x8x128xf32, #tpu.memory_space<hbm>> -> memref<8x128xf32, #tpu.memory_space<hbm>>
    tpu.enqueue_dma source(%dma_start3A_747 : memref<8x128xf32, #tpu.memory_space<hbm>>) target(%dma_start3A_744 : memref<8x128xf32, #tpu.memory_space<vmem>>) target_semaphore(%arg16 : memref<!tpu.dma_semaphore, #tpu.memory_space<semaphore_mem>>)
    %slice3A_748 = vector.extract_strided_slice %gather3A_599 {offsets = [4], sizes = [1], strides = [1]} : vector<16xi32> to vector<1xi32>
    %squeeze3A_749 = vector.extract %slice3A_748[0] : i32 from vector<1xi32>
    %shift_right_arithmetic3A_750 = arith.constant 7 : i32
    %shift_right_arithmetic3A_751 = arith.shrsi %squeeze3A_749, %shift_right_arithmetic3A_750 : i32
    %shift_left3A_752 = arith.constant 7 : i32
    %shift_left3A_753 = arith.shli %shift_right_arithmetic3A_751, %shift_left3A_752 : i32
    %multiple_of3A_754 = tpu.assume_multiple %shift_left3A_753, 128 : i32
    %dma_start3A_755 = arith.constant 20 : i32
    %dma_start3A_756 = arith.constant 0 : i32
    %dma_start3A_757 = arith.constant 0 : i32
    %dma_start3A_758 = tpu.memref_slice %arg9[%dma_start3A_755, %dma_start3A_756, %dma_start3A_757] : memref<32x8x128xf32, #tpu.memory_space<vmem>> -> memref<1x8x128xf32, #tpu.memory_space<vmem>>
    %dma_start3A_759 = tpu.memref_squeeze %dma_start3A_758 : memref<1x8x128xf32, #tpu.memory_space<vmem>> -> memref<8x128xf32, #tpu.memory_space<vmem>>
    %dma_start3A_760 = arith.constant 0 : i32
    %dma_start3A_761 = tpu.memref_slice %arg2[%add3A_597, %dma_start3A_760, %multiple_of3A_754] : memref<32x16x100000xf32, #tpu.memory_space<hbm>> -> memref<1x8x128xf32, #tpu.memory_space<hbm>>
    %dma_start3A_762 = tpu.memref_squeeze %dma_start3A_761 : memref<1x8x128xf32, #tpu.memory_space<hbm>> -> memref<8x128xf32, #tpu.memory_space<hbm>>
    %dma_start3A_763 = arith.constant 0 : i32
    %dma_start3A_764 = arith.constant 0 : i32
    %dma_start3A_765 = tpu.memref_slice %arg9[%dma_start3A_755, %dma_start3A_763, %dma_start3A_764] : memref<32x8x128xf32, #tpu.memory_space<vmem>> -> memref<1x8x128xf32, #tpu.memory_space<vmem>>
    %dma_start3A_766 = tpu.memref_squeeze %dma_start3A_765 : memref<1x8x128xf32, #tpu.memory_space<vmem>> -> memref<8x128xf32, #tpu.memory_space<vmem>>
    %dma_start3A_767 = arith.constant 0 : i32
    %dma_start3A_768 = tpu.memref_slice %arg2[%add3A_597, %dma_start3A_767, %multiple_of3A_754] : memref<32x16x100000xf32, #tpu.memory_space<hbm>> -> memref<1x8x128xf32, #tpu.memory_space<hbm>>
    %dma_start3A_769 = tpu.memref_squeeze %dma_start3A_768 : memref<1x8x128xf32, #tpu.memory_space<hbm>> -> memref<8x128xf32, #tpu.memory_space<hbm>>
    tpu.enqueue_dma source(%dma_start3A_769 : memref<8x128xf32, #tpu.memory_space<hbm>>) target(%dma_start3A_766 : memref<8x128xf32, #tpu.memory_space<vmem>>) target_semaphore(%arg15 : memref<!tpu.dma_semaphore, #tpu.memory_space<semaphore_mem>>)
    %dma_start3A_770 = arith.constant 20 : i32
    %dma_start3A_771 = arith.constant 0 : i32
    %dma_start3A_772 = arith.constant 0 : i32
    %dma_start3A_773 = tpu.memref_slice %arg10[%dma_start3A_770, %dma_start3A_771, %dma_start3A_772] : memref<32x8x128xf32, #tpu.memory_space<vmem>> -> memref<1x8x128xf32, #tpu.memory_space<vmem>>
    %dma_start3A_774 = tpu.memref_squeeze %dma_start3A_773 : memref<1x8x128xf32, #tpu.memory_space<vmem>> -> memref<8x128xf32, #tpu.memory_space<vmem>>
    %dma_start3A_775 = arith.constant 0 : i32
    %dma_start3A_776 = tpu.memref_slice %arg3[%add3A_597, %dma_start3A_775, %multiple_of3A_754] : memref<32x16x100000xf32, #tpu.memory_space<hbm>> -> memref<1x8x128xf32, #tpu.memory_space<hbm>>
    %dma_start3A_777 = tpu.memref_squeeze %dma_start3A_776 : memref<1x8x128xf32, #tpu.memory_space<hbm>> -> memref<8x128xf32, #tpu.memory_space<hbm>>
    %dma_start3A_778 = arith.constant 0 : i32
    %dma_start3A_779 = arith.constant 0 : i32
    %dma_start3A_780 = tpu.memref_slice %arg10[%dma_start3A_770, %dma_start3A_778, %dma_start3A_779] : memref<32x8x128xf32, #tpu.memory_space<vmem>> -> memref<1x8x128xf32, #tpu.memory_space<vmem>>
    %dma_start3A_781 = tpu.memref_squeeze %dma_start3A_780 : memref<1x8x128xf32, #tpu.memory_space<vmem>> -> memref<8x128xf32, #tpu.memory_space<vmem>>
    %dma_start3A_782 = arith.constant 0 : i32
    %dma_start3A_783 = tpu.memref_slice %arg3[%add3A_597, %dma_start3A_782, %multiple_of3A_754] : memref<32x16x100000xf32, #tpu.memory_space<hbm>> -> memref<1x8x128xf32, #tpu.memory_space<hbm>>
    %dma_start3A_784 = tpu.memref_squeeze %dma_start3A_783 : memref<1x8x128xf32, #tpu.memory_space<hbm>> -> memref<8x128xf32, #tpu.memory_space<hbm>>
    tpu.enqueue_dma source(%dma_start3A_784 : memref<8x128xf32, #tpu.memory_space<hbm>>) target(%dma_start3A_781 : memref<8x128xf32, #tpu.memory_space<vmem>>) target_semaphore(%arg16 : memref<!tpu.dma_semaphore, #tpu.memory_space<semaphore_mem>>)
    %slice3A_785 = vector.extract_strided_slice %gather3A_599 {offsets = [5], sizes = [1], strides = [1]} : vector<16xi32> to vector<1xi32>
    %squeeze3A_786 = vector.extract %slice3A_785[0] : i32 from vector<1xi32>
    %shift_right_arithmetic3A_787 = arith.constant 7 : i32
    %shift_right_arithmetic3A_788 = arith.shrsi %squeeze3A_786, %shift_right_arithmetic3A_787 : i32
    %shift_left3A_789 = arith.constant 7 : i32
    %shift_left3A_790 = arith.shli %shift_right_arithmetic3A_788, %shift_left3A_789 : i32
    %multiple_of3A_791 = tpu.assume_multiple %shift_left3A_790, 128 : i32
    %dma_start3A_792 = arith.constant 21 : i32
    %dma_start3A_793 = arith.constant 0 : i32
    %dma_start3A_794 = arith.constant 0 : i32
    %dma_start3A_795 = tpu.memref_slice %arg9[%dma_start3A_792, %dma_start3A_793, %dma_start3A_794] : memref<32x8x128xf32, #tpu.memory_space<vmem>> -> memref<1x8x128xf32, #tpu.memory_space<vmem>>
    %dma_start3A_796 = tpu.memref_squeeze %dma_start3A_795 : memref<1x8x128xf32, #tpu.memory_space<vmem>> -> memref<8x128xf32, #tpu.memory_space<vmem>>
    %dma_start3A_797 = arith.constant 0 : i32
    %dma_start3A_798 = tpu.memref_slice %arg2[%add3A_597, %dma_start3A_797, %multiple_of3A_791] : memref<32x16x100000xf32, #tpu.memory_space<hbm>> -> memref<1x8x128xf32, #tpu.memory_space<hbm>>
    %dma_start3A_799 = tpu.memref_squeeze %dma_start3A_798 : memref<1x8x128xf32, #tpu.memory_space<hbm>> -> memref<8x128xf32, #tpu.memory_space<hbm>>
    %dma_start3A_800 = arith.constant 0 : i32
    %dma_start3A_801 = arith.constant 0 : i32
    %dma_start3A_802 = tpu.memref_slice %arg9[%dma_start3A_792, %dma_start3A_800, %dma_start3A_801] : memref<32x8x128xf32, #tpu.memory_space<vmem>> -> memref<1x8x128xf32, #tpu.memory_space<vmem>>
    %dma_start3A_803 = tpu.memref_squeeze %dma_start3A_802 : memref<1x8x128xf32, #tpu.memory_space<vmem>> -> memref<8x128xf32, #tpu.memory_space<vmem>>
    %dma_start3A_804 = arith.constant 0 : i32
    %dma_start3A_805 = tpu.memref_slice %arg2[%add3A_597, %dma_start3A_804, %multiple_of3A_791] : memref<32x16x100000xf32, #tpu.memory_space<hbm>> -> memref<1x8x128xf32, #tpu.memory_space<hbm>>
    %dma_start3A_806 = tpu.memref_squeeze %dma_start3A_805 : memref<1x8x128xf32, #tpu.memory_space<hbm>> -> memref<8x128xf32, #tpu.memory_space<hbm>>
    tpu.enqueue_dma source(%dma_start3A_806 : memref<8x128xf32, #tpu.memory_space<hbm>>) target(%dma_start3A_803 : memref<8x128xf32, #tpu.memory_space<vmem>>) target_semaphore(%arg15 : memref<!tpu.dma_semaphore, #tpu.memory_space<semaphore_mem>>)
    %dma_start3A_807 = arith.constant 21 : i32
    %dma_start3A_808 = arith.constant 0 : i32
    %dma_start3A_809 = arith.constant 0 : i32
    %dma_start3A_810 = tpu.memref_slice %arg10[%dma_start3A_807, %dma_start3A_808, %dma_start3A_809] : memref<32x8x128xf32, #tpu.memory_space<vmem>> -> memref<1x8x128xf32, #tpu.memory_space<vmem>>
    %dma_start3A_811 = tpu.memref_squeeze %dma_start3A_810 : memref<1x8x128xf32, #tpu.memory_space<vmem>> -> memref<8x128xf32, #tpu.memory_space<vmem>>
    %dma_start3A_812 = arith.constant 0 : i32
    %dma_start3A_813 = tpu.memref_slice %arg3[%add3A_597, %dma_start3A_812, %multiple_of3A_791] : memref<32x16x100000xf32, #tpu.memory_space<hbm>> -> memref<1x8x128xf32, #tpu.memory_space<hbm>>
    %dma_start3A_814 = tpu.memref_squeeze %dma_start3A_813 : memref<1x8x128xf32, #tpu.memory_space<hbm>> -> memref<8x128xf32, #tpu.memory_space<hbm>>
    %dma_start3A_815 = arith.constant 0 : i32
    %dma_start3A_816 = arith.constant 0 : i32
    %dma_start3A_817 = tpu.memref_slice %arg10[%dma_start3A_807, %dma_start3A_815, %dma_start3A_816] : memref<32x8x128xf32, #tpu.memory_space<vmem>> -> memref<1x8x128xf32, #tpu.memory_space<vmem>>
    %dma_start3A_818 = tpu.memref_squeeze %dma_start3A_817 : memref<1x8x128xf32, #tpu.memory_space<vmem>> -> memref<8x128xf32, #tpu.memory_space<vmem>>
    %dma_start3A_819 = arith.constant 0 : i32
    %dma_start3A_820 = tpu.memref_slice %arg3[%add3A_597, %dma_start3A_819, %multiple_of3A_791] : memref<32x16x100000xf32, #tpu.memory_space<hbm>> -> memref<1x8x128xf32, #tpu.memory_space<hbm>>
    %dma_start3A_821 = tpu.memref_squeeze %dma_start3A_820 : memref<1x8x128xf32, #tpu.memory_space<hbm>> -> memref<8x128xf32, #tpu.memory_space<hbm>>
    tpu.enqueue_dma source(%dma_start3A_821 : memref<8x128xf32, #tpu.memory_space<hbm>>) target(%dma_start3A_818 : memref<8x128xf32, #tpu.memory_space<vmem>>) target_semaphore(%arg16 : memref<!tpu.dma_semaphore, #tpu.memory_space<semaphore_mem>>)
    %slice3A_822 = vector.extract_strided_slice %gather3A_599 {offsets = [6], sizes = [1], strides = [1]} : vector<16xi32> to vector<1xi32>
    %squeeze3A_823 = vector.extract %slice3A_822[0] : i32 from vector<1xi32>
    %shift_right_arithmetic3A_824 = arith.constant 7 : i32
    %shift_right_arithmetic3A_825 = arith.shrsi %squeeze3A_823, %shift_right_arithmetic3A_824 : i32
    %shift_left3A_826 = arith.constant 7 : i32
    %shift_left3A_827 = arith.shli %shift_right_arithmetic3A_825, %shift_left3A_826 : i32
    %multiple_of3A_828 = tpu.assume_multiple %shift_left3A_827, 128 : i32
    %dma_start3A_829 = arith.constant 22 : i32
    %dma_start3A_830 = arith.constant 0 : i32
    %dma_start3A_831 = arith.constant 0 : i32
    %dma_start3A_832 = tpu.memref_slice %arg9[%dma_start3A_829, %dma_start3A_830, %dma_start3A_831] : memref<32x8x128xf32, #tpu.memory_space<vmem>> -> memref<1x8x128xf32, #tpu.memory_space<vmem>>
    %dma_start3A_833 = tpu.memref_squeeze %dma_start3A_832 : memref<1x8x128xf32, #tpu.memory_space<vmem>> -> memref<8x128xf32, #tpu.memory_space<vmem>>
    %dma_start3A_834 = arith.constant 0 : i32
    %dma_start3A_835 = tpu.memref_slice %arg2[%add3A_597, %dma_start3A_834, %multiple_of3A_828] : memref<32x16x100000xf32, #tpu.memory_space<hbm>> -> memref<1x8x128xf32, #tpu.memory_space<hbm>>
    %dma_start3A_836 = tpu.memref_squeeze %dma_start3A_835 : memref<1x8x128xf32, #tpu.memory_space<hbm>> -> memref<8x128xf32, #tpu.memory_space<hbm>>
    %dma_start3A_837 = arith.constant 0 : i32
    %dma_start3A_838 = arith.constant 0 : i32
    %dma_start3A_839 = tpu.memref_slice %arg9[%dma_start3A_829, %dma_start3A_837, %dma_start3A_838] : memref<32x8x128xf32, #tpu.memory_space<vmem>> -> memref<1x8x128xf32, #tpu.memory_space<vmem>>
    %dma_start3A_840 = tpu.memref_squeeze %dma_start3A_839 : memref<1x8x128xf32, #tpu.memory_space<vmem>> -> memref<8x128xf32, #tpu.memory_space<vmem>>
    %dma_start3A_841 = arith.constant 0 : i32
    %dma_start3A_842 = tpu.memref_slice %arg2[%add3A_597, %dma_start3A_841, %multiple_of3A_828] : memref<32x16x100000xf32, #tpu.memory_space<hbm>> -> memref<1x8x128xf32, #tpu.memory_space<hbm>>
    %dma_start3A_843 = tpu.memref_squeeze %dma_start3A_842 : memref<1x8x128xf32, #tpu.memory_space<hbm>> -> memref<8x128xf32, #tpu.memory_space<hbm>>
    tpu.enqueue_dma source(%dma_start3A_843 : memref<8x128xf32, #tpu.memory_space<hbm>>) target(%dma_start3A_840 : memref<8x128xf32, #tpu.memory_space<vmem>>) target_semaphore(%arg15 : memref<!tpu.dma_semaphore, #tpu.memory_space<semaphore_mem>>)
    %dma_start3A_844 = arith.constant 22 : i32
    %dma_start3A_845 = arith.constant 0 : i32
    %dma_start3A_846 = arith.constant 0 : i32
    %dma_start3A_847 = tpu.memref_slice %arg10[%dma_start3A_844, %dma_start3A_845, %dma_start3A_846] : memref<32x8x128xf32, #tpu.memory_space<vmem>> -> memref<1x8x128xf32, #tpu.memory_space<vmem>>
    %dma_start3A_848 = tpu.memref_squeeze %dma_start3A_847 : memref<1x8x128xf32, #tpu.memory_space<vmem>> -> memref<8x128xf32, #tpu.memory_space<vmem>>
    %dma_start3A_849 = arith.constant 0 : i32
    %dma_start3A_850 = tpu.memref_slice %arg3[%add3A_597, %dma_start3A_849, %multiple_of3A_828] : memref<32x16x100000xf32, #tpu.memory_space<hbm>> -> memref<1x8x128xf32, #tpu.memory_space<hbm>>
    %dma_start3A_851 = tpu.memref_squeeze %dma_start3A_850 : memref<1x8x128xf32, #tpu.memory_space<hbm>> -> memref<8x128xf32, #tpu.memory_space<hbm>>
    %dma_start3A_852 = arith.constant 0 : i32
    %dma_start3A_853 = arith.constant 0 : i32
    %dma_start3A_854 = tpu.memref_slice %arg10[%dma_start3A_844, %dma_start3A_852, %dma_start3A_853] : memref<32x8x128xf32, #tpu.memory_space<vmem>> -> memref<1x8x128xf32, #tpu.memory_space<vmem>>
    %dma_start3A_855 = tpu.memref_squeeze %dma_start3A_854 : memref<1x8x128xf32, #tpu.memory_space<vmem>> -> memref<8x128xf32, #tpu.memory_space<vmem>>
    %dma_start3A_856 = arith.constant 0 : i32
    %dma_start3A_857 = tpu.memref_slice %arg3[%add3A_597, %dma_start3A_856, %multiple_of3A_828] : memref<32x16x100000xf32, #tpu.memory_space<hbm>> -> memref<1x8x128xf32, #tpu.memory_space<hbm>>
    %dma_start3A_858 = tpu.memref_squeeze %dma_start3A_857 : memref<1x8x128xf32, #tpu.memory_space<hbm>> -> memref<8x128xf32, #tpu.memory_space<hbm>>
    tpu.enqueue_dma source(%dma_start3A_858 : memref<8x128xf32, #tpu.memory_space<hbm>>) target(%dma_start3A_855 : memref<8x128xf32, #tpu.memory_space<vmem>>) target_semaphore(%arg16 : memref<!tpu.dma_semaphore, #tpu.memory_space<semaphore_mem>>)
    %slice3A_859 = vector.extract_strided_slice %gather3A_599 {offsets = [7], sizes = [1], strides = [1]} : vector<16xi32> to vector<1xi32>
    %squeeze3A_860 = vector.extract %slice3A_859[0] : i32 from vector<1xi32>
    %shift_right_arithmetic3A_861 = arith.constant 7 : i32
    %shift_right_arithmetic3A_862 = arith.shrsi %squeeze3A_860, %shift_right_arithmetic3A_861 : i32
    %shift_left3A_863 = arith.constant 7 : i32
    %shift_left3A_864 = arith.shli %shift_right_arithmetic3A_862, %shift_left3A_863 : i32
    %multiple_of3A_865 = tpu.assume_multiple %shift_left3A_864, 128 : i32
    %dma_start3A_866 = arith.constant 23 : i32
    %dma_start3A_867 = arith.constant 0 : i32
    %dma_start3A_868 = arith.constant 0 : i32
    %dma_start3A_869 = tpu.memref_slice %arg9[%dma_start3A_866, %dma_start3A_867, %dma_start3A_868] : memref<32x8x128xf32, #tpu.memory_space<vmem>> -> memref<1x8x128xf32, #tpu.memory_space<vmem>>
    %dma_start3A_870 = tpu.memref_squeeze %dma_start3A_869 : memref<1x8x128xf32, #tpu.memory_space<vmem>> -> memref<8x128xf32, #tpu.memory_space<vmem>>
    %dma_start3A_871 = arith.constant 0 : i32
    %dma_start3A_872 = tpu.memref_slice %arg2[%add3A_597, %dma_start3A_871, %multiple_of3A_865] : memref<32x16x100000xf32, #tpu.memory_space<hbm>> -> memref<1x8x128xf32, #tpu.memory_space<hbm>>
    %dma_start3A_873 = tpu.memref_squeeze %dma_start3A_872 : memref<1x8x128xf32, #tpu.memory_space<hbm>> -> memref<8x128xf32, #tpu.memory_space<hbm>>
    %dma_start3A_874 = arith.constant 0 : i32
    %dma_start3A_875 = arith.constant 0 : i32
    %dma_start3A_876 = tpu.memref_slice %arg9[%dma_start3A_866, %dma_start3A_874, %dma_start3A_875] : memref<32x8x128xf32, #tpu.memory_space<vmem>> -> memref<1x8x128xf32, #tpu.memory_space<vmem>>
    %dma_start3A_877 = tpu.memref_squeeze %dma_start3A_876 : memref<1x8x128xf32, #tpu.memory_space<vmem>> -> memref<8x128xf32, #tpu.memory_space<vmem>>
    %dma_start3A_878 = arith.constant 0 : i32
    %dma_start3A_879 = tpu.memref_slice %arg2[%add3A_597, %dma_start3A_878, %multiple_of3A_865] : memref<32x16x100000xf32, #tpu.memory_space<hbm>> -> memref<1x8x128xf32, #tpu.memory_space<hbm>>
    %dma_start3A_880 = tpu.memref_squeeze %dma_start3A_879 : memref<1x8x128xf32, #tpu.memory_space<hbm>> -> memref<8x128xf32, #tpu.memory_space<hbm>>
    tpu.enqueue_dma source(%dma_start3A_880 : memref<8x128xf32, #tpu.memory_space<hbm>>) target(%dma_start3A_877 : memref<8x128xf32, #tpu.memory_space<vmem>>) target_semaphore(%arg15 : memref<!tpu.dma_semaphore, #tpu.memory_space<semaphore_mem>>)
    %dma_start3A_881 = arith.constant 23 : i32
    %dma_start3A_882 = arith.constant 0 : i32
    %dma_start3A_883 = arith.constant 0 : i32
    %dma_start3A_884 = tpu.memref_slice %arg10[%dma_start3A_881, %dma_start3A_882, %dma_start3A_883] : memref<32x8x128xf32, #tpu.memory_space<vmem>> -> memref<1x8x128xf32, #tpu.memory_space<vmem>>
    %dma_start3A_885 = tpu.memref_squeeze %dma_start3A_884 : memref<1x8x128xf32, #tpu.memory_space<vmem>> -> memref<8x128xf32, #tpu.memory_space<vmem>>
    %dma_start3A_886 = arith.constant 0 : i32
    %dma_start3A_887 = tpu.memref_slice %arg3[%add3A_597, %dma_start3A_886, %multiple_of3A_865] : memref<32x16x100000xf32, #tpu.memory_space<hbm>> -> memref<1x8x128xf32, #tpu.memory_space<hbm>>
    %dma_start3A_888 = tpu.memref_squeeze %dma_start3A_887 : memref<1x8x128xf32, #tpu.memory_space<hbm>> -> memref<8x128xf32, #tpu.memory_space<hbm>>
    %dma_start3A_889 = arith.constant 0 : i32
    %dma_start3A_890 = arith.constant 0 : i32
    %dma_start3A_891 = tpu.memref_slice %arg10[%dma_start3A_881, %dma_start3A_889, %dma_start3A_890] : memref<32x8x128xf32, #tpu.memory_space<vmem>> -> memref<1x8x128xf32, #tpu.memory_space<vmem>>
    %dma_start3A_892 = tpu.memref_squeeze %dma_start3A_891 : memref<1x8x128xf32, #tpu.memory_space<vmem>> -> memref<8x128xf32, #tpu.memory_space<vmem>>
    %dma_start3A_893 = arith.constant 0 : i32
    %dma_start3A_894 = tpu.memref_slice %arg3[%add3A_597, %dma_start3A_893, %multiple_of3A_865] : memref<32x16x100000xf32, #tpu.memory_space<hbm>> -> memref<1x8x128xf32, #tpu.memory_space<hbm>>
    %dma_start3A_895 = tpu.memref_squeeze %dma_start3A_894 : memref<1x8x128xf32, #tpu.memory_space<hbm>> -> memref<8x128xf32, #tpu.memory_space<hbm>>
    tpu.enqueue_dma source(%dma_start3A_895 : memref<8x128xf32, #tpu.memory_space<hbm>>) target(%dma_start3A_892 : memref<8x128xf32, #tpu.memory_space<vmem>>) target_semaphore(%arg16 : memref<!tpu.dma_semaphore, #tpu.memory_space<semaphore_mem>>)
    %slice3A_896 = vector.extract_strided_slice %gather3A_599 {offsets = [8], sizes = [1], strides = [1]} : vector<16xi32> to vector<1xi32>
    %squeeze3A_897 = vector.extract %slice3A_896[0] : i32 from vector<1xi32>
    %shift_right_arithmetic3A_898 = arith.constant 7 : i32
    %shift_right_arithmetic3A_899 = arith.shrsi %squeeze3A_897, %shift_right_arithmetic3A_898 : i32
    %shift_left3A_900 = arith.constant 7 : i32
    %shift_left3A_901 = arith.shli %shift_right_arithmetic3A_899, %shift_left3A_900 : i32
    %multiple_of3A_902 = tpu.assume_multiple %shift_left3A_901, 128 : i32
    %dma_start3A_903 = arith.constant 24 : i32
    %dma_start3A_904 = arith.constant 0 : i32
    %dma_start3A_905 = arith.constant 0 : i32
    %dma_start3A_906 = tpu.memref_slice %arg9[%dma_start3A_903, %dma_start3A_904, %dma_start3A_905] : memref<32x8x128xf32, #tpu.memory_space<vmem>> -> memref<1x8x128xf32, #tpu.memory_space<vmem>>
    %dma_start3A_907 = tpu.memref_squeeze %dma_start3A_906 : memref<1x8x128xf32, #tpu.memory_space<vmem>> -> memref<8x128xf32, #tpu.memory_space<vmem>>
    %dma_start3A_908 = arith.constant 8 : i32
    %dma_start3A_909 = tpu.memref_slice %arg2[%add3A_597, %dma_start3A_908, %multiple_of3A_902] : memref<32x16x100000xf32, #tpu.memory_space<hbm>> -> memref<1x8x128xf32, #tpu.memory_space<hbm>>
    %dma_start3A_910 = tpu.memref_squeeze %dma_start3A_909 : memref<1x8x128xf32, #tpu.memory_space<hbm>> -> memref<8x128xf32, #tpu.memory_space<hbm>>
    %dma_start3A_911 = arith.constant 0 : i32
    %dma_start3A_912 = arith.constant 0 : i32
    %dma_start3A_913 = tpu.memref_slice %arg9[%dma_start3A_903, %dma_start3A_911, %dma_start3A_912] : memref<32x8x128xf32, #tpu.memory_space<vmem>> -> memref<1x8x128xf32, #tpu.memory_space<vmem>>
    %dma_start3A_914 = tpu.memref_squeeze %dma_start3A_913 : memref<1x8x128xf32, #tpu.memory_space<vmem>> -> memref<8x128xf32, #tpu.memory_space<vmem>>
    %dma_start3A_915 = arith.constant 8 : i32
    %dma_start3A_916 = tpu.memref_slice %arg2[%add3A_597, %dma_start3A_915, %multiple_of3A_902] : memref<32x16x100000xf32, #tpu.memory_space<hbm>> -> memref<1x8x128xf32, #tpu.memory_space<hbm>>
    %dma_start3A_917 = tpu.memref_squeeze %dma_start3A_916 : memref<1x8x128xf32, #tpu.memory_space<hbm>> -> memref<8x128xf32, #tpu.memory_space<hbm>>
    tpu.enqueue_dma source(%dma_start3A_917 : memref<8x128xf32, #tpu.memory_space<hbm>>) target(%dma_start3A_914 : memref<8x128xf32, #tpu.memory_space<vmem>>) target_semaphore(%arg15 : memref<!tpu.dma_semaphore, #tpu.memory_space<semaphore_mem>>)
    %dma_start3A_918 = arith.constant 24 : i32
    %dma_start3A_919 = arith.constant 0 : i32
    %dma_start3A_920 = arith.constant 0 : i32
    %dma_start3A_921 = tpu.memref_slice %arg10[%dma_start3A_918, %dma_start3A_919, %dma_start3A_920] : memref<32x8x128xf32, #tpu.memory_space<vmem>> -> memref<1x8x128xf32, #tpu.memory_space<vmem>>
    %dma_start3A_922 = tpu.memref_squeeze %dma_start3A_921 : memref<1x8x128xf32, #tpu.memory_space<vmem>> -> memref<8x128xf32, #tpu.memory_space<vmem>>
    %dma_start3A_923 = arith.constant 8 : i32
    %dma_start3A_924 = tpu.memref_slice %arg3[%add3A_597, %dma_start3A_923, %multiple_of3A_902] : memref<32x16x100000xf32, #tpu.memory_space<hbm>> -> memref<1x8x128xf32, #tpu.memory_space<hbm>>
    %dma_start3A_925 = tpu.memref_squeeze %dma_start3A_924 : memref<1x8x128xf32, #tpu.memory_space<hbm>> -> memref<8x128xf32, #tpu.memory_space<hbm>>
    %dma_start3A_926 = arith.constant 0 : i32
    %dma_start3A_927 = arith.constant 0 : i32
    %dma_start3A_928 = tpu.memref_slice %arg10[%dma_start3A_918, %dma_start3A_926, %dma_start3A_927] : memref<32x8x128xf32, #tpu.memory_space<vmem>> -> memref<1x8x128xf32, #tpu.memory_space<vmem>>
    %dma_start3A_929 = tpu.memref_squeeze %dma_start3A_928 : memref<1x8x128xf32, #tpu.memory_space<vmem>> -> memref<8x128xf32, #tpu.memory_space<vmem>>
    %dma_start3A_930 = arith.constant 8 : i32
    %dma_start3A_931 = tpu.memref_slice %arg3[%add3A_597, %dma_start3A_930, %multiple_of3A_902] : memref<32x16x100000xf32, #tpu.memory_space<hbm>> -> memref<1x8x128xf32, #tpu.memory_space<hbm>>
    %dma_start3A_932 = tpu.memref_squeeze %dma_start3A_931 : memref<1x8x128xf32, #tpu.memory_space<hbm>> -> memref<8x128xf32, #tpu.memory_space<hbm>>
    tpu.enqueue_dma source(%dma_start3A_932 : memref<8x128xf32, #tpu.memory_space<hbm>>) target(%dma_start3A_929 : memref<8x128xf32, #tpu.memory_space<vmem>>) target_semaphore(%arg16 : memref<!tpu.dma_semaphore, #tpu.memory_space<semaphore_mem>>)
    %slice3A_933 = vector.extract_strided_slice %gather3A_599 {offsets = [9], sizes = [1], strides = [1]} : vector<16xi32> to vector<1xi32>
    %squeeze3A_934 = vector.extract %slice3A_933[0] : i32 from vector<1xi32>
    %shift_right_arithmetic3A_935 = arith.constant 7 : i32
    %shift_right_arithmetic3A_936 = arith.shrsi %squeeze3A_934, %shift_right_arithmetic3A_935 : i32
    %shift_left3A_937 = arith.constant 7 : i32
    %shift_left3A_938 = arith.shli %shift_right_arithmetic3A_936, %shift_left3A_937 : i32
    %multiple_of3A_939 = tpu.assume_multiple %shift_left3A_938, 128 : i32
    %dma_start3A_940 = arith.constant 25 : i32
    %dma_start3A_941 = arith.constant 0 : i32
    %dma_start3A_942 = arith.constant 0 : i32
    %dma_start3A_943 = tpu.memref_slice %arg9[%dma_start3A_940, %dma_start3A_941, %dma_start3A_942] : memref<32x8x128xf32, #tpu.memory_space<vmem>> -> memref<1x8x128xf32, #tpu.memory_space<vmem>>
    %dma_start3A_944 = tpu.memref_squeeze %dma_start3A_943 : memref<1x8x128xf32, #tpu.memory_space<vmem>> -> memref<8x128xf32, #tpu.memory_space<vmem>>
    %dma_start3A_945 = arith.constant 8 : i32
    %dma_start3A_946 = tpu.memref_slice %arg2[%add3A_597, %dma_start3A_945, %multiple_of3A_939] : memref<32x16x100000xf32, #tpu.memory_space<hbm>> -> memref<1x8x128xf32, #tpu.memory_space<hbm>>
    %dma_start3A_947 = tpu.memref_squeeze %dma_start3A_946 : memref<1x8x128xf32, #tpu.memory_space<hbm>> -> memref<8x128xf32, #tpu.memory_space<hbm>>
    %dma_start3A_948 = arith.constant 0 : i32
    %dma_start3A_949 = arith.constant 0 : i32
    %dma_start3A_950 = tpu.memref_slice %arg9[%dma_start3A_940, %dma_start3A_948, %dma_start3A_949] : memref<32x8x128xf32, #tpu.memory_space<vmem>> -> memref<1x8x128xf32, #tpu.memory_space<vmem>>
    %dma_start3A_951 = tpu.memref_squeeze %dma_start3A_950 : memref<1x8x128xf32, #tpu.memory_space<vmem>> -> memref<8x128xf32, #tpu.memory_space<vmem>>
    %dma_start3A_952 = arith.constant 8 : i32
    %dma_start3A_953 = tpu.memref_slice %arg2[%add3A_597, %dma_start3A_952, %multiple_of3A_939] : memref<32x16x100000xf32, #tpu.memory_space<hbm>> -> memref<1x8x128xf32, #tpu.memory_space<hbm>>
    %dma_start3A_954 = tpu.memref_squeeze %dma_start3A_953 : memref<1x8x128xf32, #tpu.memory_space<hbm>> -> memref<8x128xf32, #tpu.memory_space<hbm>>
    tpu.enqueue_dma source(%dma_start3A_954 : memref<8x128xf32, #tpu.memory_space<hbm>>) target(%dma_start3A_951 : memref<8x128xf32, #tpu.memory_space<vmem>>) target_semaphore(%arg15 : memref<!tpu.dma_semaphore, #tpu.memory_space<semaphore_mem>>)
    %dma_start3A_955 = arith.constant 25 : i32
    %dma_start3A_956 = arith.constant 0 : i32
    %dma_start3A_957 = arith.constant 0 : i32
    %dma_start3A_958 = tpu.memref_slice %arg10[%dma_start3A_955, %dma_start3A_956, %dma_start3A_957] : memref<32x8x128xf32, #tpu.memory_space<vmem>> -> memref<1x8x128xf32, #tpu.memory_space<vmem>>
    %dma_start3A_959 = tpu.memref_squeeze %dma_start3A_958 : memref<1x8x128xf32, #tpu.memory_space<vmem>> -> memref<8x128xf32, #tpu.memory_space<vmem>>
    %dma_start3A_960 = arith.constant 8 : i32
    %dma_start3A_961 = tpu.memref_slice %arg3[%add3A_597, %dma_start3A_960, %multiple_of3A_939] : memref<32x16x100000xf32, #tpu.memory_space<hbm>> -> memref<1x8x128xf32, #tpu.memory_space<hbm>>
    %dma_start3A_962 = tpu.memref_squeeze %dma_start3A_961 : memref<1x8x128xf32, #tpu.memory_space<hbm>> -> memref<8x128xf32, #tpu.memory_space<hbm>>
    %dma_start3A_963 = arith.constant 0 : i32
    %dma_start3A_964 = arith.constant 0 : i32
    %dma_start3A_965 = tpu.memref_slice %arg10[%dma_start3A_955, %dma_start3A_963, %dma_start3A_964] : memref<32x8x128xf32, #tpu.memory_space<vmem>> -> memref<1x8x128xf32, #tpu.memory_space<vmem>>
    %dma_start3A_966 = tpu.memref_squeeze %dma_start3A_965 : memref<1x8x128xf32, #tpu.memory_space<vmem>> -> memref<8x128xf32, #tpu.memory_space<vmem>>
    %dma_start3A_967 = arith.constant 8 : i32
    %dma_start3A_968 = tpu.memref_slice %arg3[%add3A_597, %dma_start3A_967, %multiple_of3A_939] : memref<32x16x100000xf32, #tpu.memory_space<hbm>> -> memref<1x8x128xf32, #tpu.memory_space<hbm>>
    %dma_start3A_969 = tpu.memref_squeeze %dma_start3A_968 : memref<1x8x128xf32, #tpu.memory_space<hbm>> -> memref<8x128xf32, #tpu.memory_space<hbm>>
    tpu.enqueue_dma source(%dma_start3A_969 : memref<8x128xf32, #tpu.memory_space<hbm>>) target(%dma_start3A_966 : memref<8x128xf32, #tpu.memory_space<vmem>>) target_semaphore(%arg16 : memref<!tpu.dma_semaphore, #tpu.memory_space<semaphore_mem>>)
    %slice3A_970 = vector.extract_strided_slice %gather3A_599 {offsets = [10], sizes = [1], strides = [1]} : vector<16xi32> to vector<1xi32>
    %squeeze3A_971 = vector.extract %slice3A_970[0] : i32 from vector<1xi32>
    %shift_right_arithmetic3A_972 = arith.constant 7 : i32
    %shift_right_arithmetic3A_973 = arith.shrsi %squeeze3A_971, %shift_right_arithmetic3A_972 : i32
    %shift_left3A_974 = arith.constant 7 : i32
    %shift_left3A_975 = arith.shli %shift_right_arithmetic3A_973, %shift_left3A_974 : i32
    %multiple_of3A_976 = tpu.assume_multiple %shift_left3A_975, 128 : i32
    %dma_start3A_977 = arith.constant 26 : i32
    %dma_start3A_978 = arith.constant 0 : i32
    %dma_start3A_979 = arith.constant 0 : i32
    %dma_start3A_980 = tpu.memref_slice %arg9[%dma_start3A_977, %dma_start3A_978, %dma_start3A_979] : memref<32x8x128xf32, #tpu.memory_space<vmem>> -> memref<1x8x128xf32, #tpu.memory_space<vmem>>
    %dma_start3A_981 = tpu.memref_squeeze %dma_start3A_980 : memref<1x8x128xf32, #tpu.memory_space<vmem>> -> memref<8x128xf32, #tpu.memory_space<vmem>>
    %dma_start3A_982 = arith.constant 8 : i32
    %dma_start3A_983 = tpu.memref_slice %arg2[%add3A_597, %dma_start3A_982, %multiple_of3A_976] : memref<32x16x100000xf32, #tpu.memory_space<hbm>> -> memref<1x8x128xf32, #tpu.memory_space<hbm>>
    %dma_start3A_984 = tpu.memref_squeeze %dma_start3A_983 : memref<1x8x128xf32, #tpu.memory_space<hbm>> -> memref<8x128xf32, #tpu.memory_space<hbm>>
    %dma_start3A_985 = arith.constant 0 : i32
    %dma_start3A_986 = arith.constant 0 : i32
    %dma_start3A_987 = tpu.memref_slice %arg9[%dma_start3A_977, %dma_start3A_985, %dma_start3A_986] : memref<32x8x128xf32, #tpu.memory_space<vmem>> -> memref<1x8x128xf32, #tpu.memory_space<vmem>>
    %dma_start3A_988 = tpu.memref_squeeze %dma_start3A_987 : memref<1x8x128xf32, #tpu.memory_space<vmem>> -> memref<8x128xf32, #tpu.memory_space<vmem>>
    %dma_start3A_989 = arith.constant 8 : i32
    %dma_start3A_990 = tpu.memref_slice %arg2[%add3A_597, %dma_start3A_989, %multiple_of3A_976] : memref<32x16x100000xf32, #tpu.memory_space<hbm>> -> memref<1x8x128xf32, #tpu.memory_space<hbm>>
    %dma_start3A_991 = tpu.memref_squeeze %dma_start3A_990 : memref<1x8x128xf32, #tpu.memory_space<hbm>> -> memref<8x128xf32, #tpu.memory_space<hbm>>
    tpu.enqueue_dma source(%dma_start3A_991 : memref<8x128xf32, #tpu.memory_space<hbm>>) target(%dma_start3A_988 : memref<8x128xf32, #tpu.memory_space<vmem>>) target_semaphore(%arg15 : memref<!tpu.dma_semaphore, #tpu.memory_space<semaphore_mem>>)
    %dma_start3A_992 = arith.constant 26 : i32
    %dma_start3A_993 = arith.constant 0 : i32
    %dma_start3A_994 = arith.constant 0 : i32
    %dma_start3A_995 = tpu.memref_slice %arg10[%dma_start3A_992, %dma_start3A_993, %dma_start3A_994] : memref<32x8x128xf32, #tpu.memory_space<vmem>> -> memref<1x8x128xf32, #tpu.memory_space<vmem>>
    %dma_start3A_996 = tpu.memref_squeeze %dma_start3A_995 : memref<1x8x128xf32, #tpu.memory_space<vmem>> -> memref<8x128xf32, #tpu.memory_space<vmem>>
    %dma_start3A_997 = arith.constant 8 : i32
    %dma_start3A_998 = tpu.memref_slice %arg3[%add3A_597, %dma_start3A_997, %multiple_of3A_976] : memref<32x16x100000xf32, #tpu.memory_space<hbm>> -> memref<1x8x128xf32, #tpu.memory_space<hbm>>
    %dma_start3A_999 = tpu.memref_squeeze %dma_start3A_998 : memref<1x8x128xf32, #tpu.memory_space<hbm>> -> memref<8x128xf32, #tpu.memory_space<hbm>>
    %dma_start3A_1000 = arith.constant 0 : i32
    %dma_start3A_1001 = arith.constant 0 : i32
    %dma_start3A_1002 = tpu.memref_slice %arg10[%dma_start3A_992, %dma_start3A_1000, %dma_start3A_1001] : memref<32x8x128xf32, #tpu.memory_space<vmem>> -> memref<1x8x128xf32, #tpu.memory_space<vmem>>
    %dma_start3A_1003 = tpu.memref_squeeze %dma_start3A_1002 : memref<1x8x128xf32, #tpu.memory_space<vmem>> -> memref<8x128xf32, #tpu.memory_space<vmem>>
    %dma_start3A_1004 = arith.constant 8 : i32
    %dma_start3A_1005 = tpu.memref_slice %arg3[%add3A_597, %dma_start3A_1004, %multiple_of3A_976] : memref<32x16x100000xf32, #tpu.memory_space<hbm>> -> memref<1x8x128xf32, #tpu.memory_space<hbm>>
    %dma_start3A_1006 = tpu.memref_squeeze %dma_start3A_1005 : memref<1x8x128xf32, #tpu.memory_space<hbm>> -> memref<8x128xf32, #tpu.memory_space<hbm>>
    tpu.enqueue_dma source(%dma_start3A_1006 : memref<8x128xf32, #tpu.memory_space<hbm>>) target(%dma_start3A_1003 : memref<8x128xf32, #tpu.memory_space<vmem>>) target_semaphore(%arg16 : memref<!tpu.dma_semaphore, #tpu.memory_space<semaphore_mem>>)
    %slice3A_1007 = vector.extract_strided_slice %gather3A_599 {offsets = [11], sizes = [1], strides = [1]} : vector<16xi32> to vector<1xi32>
    %squeeze3A_1008 = vector.extract %slice3A_1007[0] : i32 from vector<1xi32>
    %shift_right_arithmetic3A_1009 = arith.constant 7 : i32
    %shift_right_arithmetic3A_1010 = arith.shrsi %squeeze3A_1008, %shift_right_arithmetic3A_1009 : i32
    %shift_left3A_1011 = arith.constant 7 : i32
    %shift_left3A_1012 = arith.shli %shift_right_arithmetic3A_1010, %shift_left3A_1011 : i32
    %multiple_of3A_1013 = tpu.assume_multiple %shift_left3A_1012, 128 : i32
    %dma_start3A_1014 = arith.constant 27 : i32
    %dma_start3A_1015 = arith.constant 0 : i32
    %dma_start3A_1016 = arith.constant 0 : i32
    %dma_start3A_1017 = tpu.memref_slice %arg9[%dma_start3A_1014, %dma_start3A_1015, %dma_start3A_1016] : memref<32x8x128xf32, #tpu.memory_space<vmem>> -> memref<1x8x128xf32, #tpu.memory_space<vmem>>
    %dma_start3A_1018 = tpu.memref_squeeze %dma_start3A_1017 : memref<1x8x128xf32, #tpu.memory_space<vmem>> -> memref<8x128xf32, #tpu.memory_space<vmem>>
    %dma_start3A_1019 = arith.constant 8 : i32
    %dma_start3A_1020 = tpu.memref_slice %arg2[%add3A_597, %dma_start3A_1019, %multiple_of3A_1013] : memref<32x16x100000xf32, #tpu.memory_space<hbm>> -> memref<1x8x128xf32, #tpu.memory_space<hbm>>
    %dma_start3A_1021 = tpu.memref_squeeze %dma_start3A_1020 : memref<1x8x128xf32, #tpu.memory_space<hbm>> -> memref<8x128xf32, #tpu.memory_space<hbm>>
    %dma_start3A_1022 = arith.constant 0 : i32
    %dma_start3A_1023 = arith.constant 0 : i32
    %dma_start3A_1024 = tpu.memref_slice %arg9[%dma_start3A_1014, %dma_start3A_1022, %dma_start3A_1023] : memref<32x8x128xf32, #tpu.memory_space<vmem>> -> memref<1x8x128xf32, #tpu.memory_space<vmem>>
    %dma_start3A_1025 = tpu.memref_squeeze %dma_start3A_1024 : memref<1x8x128xf32, #tpu.memory_space<vmem>> -> memref<8x128xf32, #tpu.memory_space<vmem>>
    %dma_start3A_1026 = arith.constant 8 : i32
    %dma_start3A_1027 = tpu.memref_slice %arg2[%add3A_597, %dma_start3A_1026, %multiple_of3A_1013] : memref<32x16x100000xf32, #tpu.memory_space<hbm>> -> memref<1x8x128xf32, #tpu.memory_space<hbm>>
    %dma_start3A_1028 = tpu.memref_squeeze %dma_start3A_1027 : memref<1x8x128xf32, #tpu.memory_space<hbm>> -> memref<8x128xf32, #tpu.memory_space<hbm>>
    tpu.enqueue_dma source(%dma_start3A_1028 : memref<8x128xf32, #tpu.memory_space<hbm>>) target(%dma_start3A_1025 : memref<8x128xf32, #tpu.memory_space<vmem>>) target_semaphore(%arg15 : memref<!tpu.dma_semaphore, #tpu.memory_space<semaphore_mem>>)
    %dma_start3A_1029 = arith.constant 27 : i32
    %dma_start3A_1030 = arith.constant 0 : i32
    %dma_start3A_1031 = arith.constant 0 : i32
    %dma_start3A_1032 = tpu.memref_slice %arg10[%dma_start3A_1029, %dma_start3A_1030, %dma_start3A_1031] : memref<32x8x128xf32, #tpu.memory_space<vmem>> -> memref<1x8x128xf32, #tpu.memory_space<vmem>>
    %dma_start3A_1033 = tpu.memref_squeeze %dma_start3A_1032 : memref<1x8x128xf32, #tpu.memory_space<vmem>> -> memref<8x128xf32, #tpu.memory_space<vmem>>
    %dma_start3A_1034 = arith.constant 8 : i32
    %dma_start3A_1035 = tpu.memref_slice %arg3[%add3A_597, %dma_start3A_1034, %multiple_of3A_1013] : memref<32x16x100000xf32, #tpu.memory_space<hbm>> -> memref<1x8x128xf32, #tpu.memory_space<hbm>>
    %dma_start3A_1036 = tpu.memref_squeeze %dma_start3A_1035 : memref<1x8x128xf32, #tpu.memory_space<hbm>> -> memref<8x128xf32, #tpu.memory_space<hbm>>
    %dma_start3A_1037 = arith.constant 0 : i32
    %dma_start3A_1038 = arith.constant 0 : i32
    %dma_start3A_1039 = tpu.memref_slice %arg10[%dma_start3A_1029, %dma_start3A_1037, %dma_start3A_1038] : memref<32x8x128xf32, #tpu.memory_space<vmem>> -> memref<1x8x128xf32, #tpu.memory_space<vmem>>
    %dma_start3A_1040 = tpu.memref_squeeze %dma_start3A_1039 : memref<1x8x128xf32, #tpu.memory_space<vmem>> -> memref<8x128xf32, #tpu.memory_space<vmem>>
    %dma_start3A_1041 = arith.constant 8 : i32
    %dma_start3A_1042 = tpu.memref_slice %arg3[%add3A_597, %dma_start3A_1041, %multiple_of3A_1013] : memref<32x16x100000xf32, #tpu.memory_space<hbm>> -> memref<1x8x128xf32, #tpu.memory_space<hbm>>
    %dma_start3A_1043 = tpu.memref_squeeze %dma_start3A_1042 : memref<1x8x128xf32, #tpu.memory_space<hbm>> -> memref<8x128xf32, #tpu.memory_space<hbm>>
    tpu.enqueue_dma source(%dma_start3A_1043 : memref<8x128xf32, #tpu.memory_space<hbm>>) target(%dma_start3A_1040 : memref<8x128xf32, #tpu.memory_space<vmem>>) target_semaphore(%arg16 : memref<!tpu.dma_semaphore, #tpu.memory_space<semaphore_mem>>)
    %slice3A_1044 = vector.extract_strided_slice %gather3A_599 {offsets = [12], sizes = [1], strides = [1]} : vector<16xi32> to vector<1xi32>
    %squeeze3A_1045 = vector.extract %slice3A_1044[0] : i32 from vector<1xi32>
    %shift_right_arithmetic3A_1046 = arith.constant 7 : i32
    %shift_right_arithmetic3A_1047 = arith.shrsi %squeeze3A_1045, %shift_right_arithmetic3A_1046 : i32
    %shift_left3A_1048 = arith.constant 7 : i32
    %shift_left3A_1049 = arith.shli %shift_right_arithmetic3A_1047, %shift_left3A_1048 : i32
    %multiple_of3A_1050 = tpu.assume_multiple %shift_left3A_1049, 128 : i32
    %dma_start3A_1051 = arith.constant 28 : i32
    %dma_start3A_1052 = arith.constant 0 : i32
    %dma_start3A_1053 = arith.constant 0 : i32
    %dma_start3A_1054 = tpu.memref_slice %arg9[%dma_start3A_1051, %dma_start3A_1052, %dma_start3A_1053] : memref<32x8x128xf32, #tpu.memory_space<vmem>> -> memref<1x8x128xf32, #tpu.memory_space<vmem>>
    %dma_start3A_1055 = tpu.memref_squeeze %dma_start3A_1054 : memref<1x8x128xf32, #tpu.memory_space<vmem>> -> memref<8x128xf32, #tpu.memory_space<vmem>>
    %dma_start3A_1056 = arith.constant 8 : i32
    %dma_start3A_1057 = tpu.memref_slice %arg2[%add3A_597, %dma_start3A_1056, %multiple_of3A_1050] : memref<32x16x100000xf32, #tpu.memory_space<hbm>> -> memref<1x8x128xf32, #tpu.memory_space<hbm>>
    %dma_start3A_1058 = tpu.memref_squeeze %dma_start3A_1057 : memref<1x8x128xf32, #tpu.memory_space<hbm>> -> memref<8x128xf32, #tpu.memory_space<hbm>>
    %dma_start3A_1059 = arith.constant 0 : i32
    %dma_start3A_1060 = arith.constant 0 : i32
    %dma_start3A_1061 = tpu.memref_slice %arg9[%dma_start3A_1051, %dma_start3A_1059, %dma_start3A_1060] : memref<32x8x128xf32, #tpu.memory_space<vmem>> -> memref<1x8x128xf32, #tpu.memory_space<vmem>>
    %dma_start3A_1062 = tpu.memref_squeeze %dma_start3A_1061 : memref<1x8x128xf32, #tpu.memory_space<vmem>> -> memref<8x128xf32, #tpu.memory_space<vmem>>
    %dma_start3A_1063 = arith.constant 8 : i32
    %dma_start3A_1064 = tpu.memref_slice %arg2[%add3A_597, %dma_start3A_1063, %multiple_of3A_1050] : memref<32x16x100000xf32, #tpu.memory_space<hbm>> -> memref<1x8x128xf32, #tpu.memory_space<hbm>>
    %dma_start3A_1065 = tpu.memref_squeeze %dma_start3A_1064 : memref<1x8x128xf32, #tpu.memory_space<hbm>> -> memref<8x128xf32, #tpu.memory_space<hbm>>
    tpu.enqueue_dma source(%dma_start3A_1065 : memref<8x128xf32, #tpu.memory_space<hbm>>) target(%dma_start3A_1062 : memref<8x128xf32, #tpu.memory_space<vmem>>) target_semaphore(%arg15 : memref<!tpu.dma_semaphore, #tpu.memory_space<semaphore_mem>>)
    %dma_start3A_1066 = arith.constant 28 : i32
    %dma_start3A_1067 = arith.constant 0 : i32
    %dma_start3A_1068 = arith.constant 0 : i32
    %dma_start3A_1069 = tpu.memref_slice %arg10[%dma_start3A_1066, %dma_start3A_1067, %dma_start3A_1068] : memref<32x8x128xf32, #tpu.memory_space<vmem>> -> memref<1x8x128xf32, #tpu.memory_space<vmem>>
    %dma_start3A_1070 = tpu.memref_squeeze %dma_start3A_1069 : memref<1x8x128xf32, #tpu.memory_space<vmem>> -> memref<8x128xf32, #tpu.memory_space<vmem>>
    %dma_start3A_1071 = arith.constant 8 : i32
    %dma_start3A_1072 = tpu.memref_slice %arg3[%add3A_597, %dma_start3A_1071, %multiple_of3A_1050] : memref<32x16x100000xf32, #tpu.memory_space<hbm>> -> memref<1x8x128xf32, #tpu.memory_space<hbm>>
    %dma_start3A_1073 = tpu.memref_squeeze %dma_start3A_1072 : memref<1x8x128xf32, #tpu.memory_space<hbm>> -> memref<8x128xf32, #tpu.memory_space<hbm>>
    %dma_start3A_1074 = arith.constant 0 : i32
    %dma_start3A_1075 = arith.constant 0 : i32
    %dma_start3A_1076 = tpu.memref_slice %arg10[%dma_start3A_1066, %dma_start3A_1074, %dma_start3A_1075] : memref<32x8x128xf32, #tpu.memory_space<vmem>> -> memref<1x8x128xf32, #tpu.memory_space<vmem>>
    %dma_start3A_1077 = tpu.memref_squeeze %dma_start3A_1076 : memref<1x8x128xf32, #tpu.memory_space<vmem>> -> memref<8x128xf32, #tpu.memory_space<vmem>>
    %dma_start3A_1078 = arith.constant 8 : i32
    %dma_start3A_1079 = tpu.memref_slice %arg3[%add3A_597, %dma_start3A_1078, %multiple_of3A_1050] : memref<32x16x100000xf32, #tpu.memory_space<hbm>> -> memref<1x8x128xf32, #tpu.memory_space<hbm>>
    %dma_start3A_1080 = tpu.memref_squeeze %dma_start3A_1079 : memref<1x8x128xf32, #tpu.memory_space<hbm>> -> memref<8x128xf32, #tpu.memory_space<hbm>>
    tpu.enqueue_dma source(%dma_start3A_1080 : memref<8x128xf32, #tpu.memory_space<hbm>>) target(%dma_start3A_1077 : memref<8x128xf32, #tpu.memory_space<vmem>>) target_semaphore(%arg16 : memref<!tpu.dma_semaphore, #tpu.memory_space<semaphore_mem>>)
    %slice3A_1081 = vector.extract_strided_slice %gather3A_599 {offsets = [13], sizes = [1], strides = [1]} : vector<16xi32> to vector<1xi32>
    %squeeze3A_1082 = vector.extract %slice3A_1081[0] : i32 from vector<1xi32>
    %shift_right_arithmetic3A_1083 = arith.constant 7 : i32
    %shift_right_arithmetic3A_1084 = arith.shrsi %squeeze3A_1082, %shift_right_arithmetic3A_1083 : i32
    %shift_left3A_1085 = arith.constant 7 : i32
    %shift_left3A_1086 = arith.shli %shift_right_arithmetic3A_1084, %shift_left3A_1085 : i32
    %multiple_of3A_1087 = tpu.assume_multiple %shift_left3A_1086, 128 : i32
    %dma_start3A_1088 = arith.constant 29 : i32
    %dma_start3A_1089 = arith.constant 0 : i32
    %dma_start3A_1090 = arith.constant 0 : i32
    %dma_start3A_1091 = tpu.memref_slice %arg9[%dma_start3A_1088, %dma_start3A_1089, %dma_start3A_1090] : memref<32x8x128xf32, #tpu.memory_space<vmem>> -> memref<1x8x128xf32, #tpu.memory_space<vmem>>
    %dma_start3A_1092 = tpu.memref_squeeze %dma_start3A_1091 : memref<1x8x128xf32, #tpu.memory_space<vmem>> -> memref<8x128xf32, #tpu.memory_space<vmem>>
    %dma_start3A_1093 = arith.constant 8 : i32
    %dma_start3A_1094 = tpu.memref_slice %arg2[%add3A_597, %dma_start3A_1093, %multiple_of3A_1087] : memref<32x16x100000xf32, #tpu.memory_space<hbm>> -> memref<1x8x128xf32, #tpu.memory_space<hbm>>
    %dma_start3A_1095 = tpu.memref_squeeze %dma_start3A_1094 : memref<1x8x128xf32, #tpu.memory_space<hbm>> -> memref<8x128xf32, #tpu.memory_space<hbm>>
    %dma_start3A_1096 = arith.constant 0 : i32
    %dma_start3A_1097 = arith.constant 0 : i32
    %dma_start3A_1098 = tpu.memref_slice %arg9[%dma_start3A_1088, %dma_start3A_1096, %dma_start3A_1097] : memref<32x8x128xf32, #tpu.memory_space<vmem>> -> memref<1x8x128xf32, #tpu.memory_space<vmem>>
    %dma_start3A_1099 = tpu.memref_squeeze %dma_start3A_1098 : memref<1x8x128xf32, #tpu.memory_space<vmem>> -> memref<8x128xf32, #tpu.memory_space<vmem>>
    %dma_start3A_1100 = arith.constant 8 : i32
    %dma_start3A_1101 = tpu.memref_slice %arg2[%add3A_597, %dma_start3A_1100, %multiple_of3A_1087] : memref<32x16x100000xf32, #tpu.memory_space<hbm>> -> memref<1x8x128xf32, #tpu.memory_space<hbm>>
    %dma_start3A_1102 = tpu.memref_squeeze %dma_start3A_1101 : memref<1x8x128xf32, #tpu.memory_space<hbm>> -> memref<8x128xf32, #tpu.memory_space<hbm>>
    tpu.enqueue_dma source(%dma_start3A_1102 : memref<8x128xf32, #tpu.memory_space<hbm>>) target(%dma_start3A_1099 : memref<8x128xf32, #tpu.memory_space<vmem>>) target_semaphore(%arg15 : memref<!tpu.dma_semaphore, #tpu.memory_space<semaphore_mem>>)
    %dma_start3A_1103 = arith.constant 29 : i32
    %dma_start3A_1104 = arith.constant 0 : i32
    %dma_start3A_1105 = arith.constant 0 : i32
    %dma_start3A_1106 = tpu.memref_slice %arg10[%dma_start3A_1103, %dma_start3A_1104, %dma_start3A_1105] : memref<32x8x128xf32, #tpu.memory_space<vmem>> -> memref<1x8x128xf32, #tpu.memory_space<vmem>>
    %dma_start3A_1107 = tpu.memref_squeeze %dma_start3A_1106 : memref<1x8x128xf32, #tpu.memory_space<vmem>> -> memref<8x128xf32, #tpu.memory_space<vmem>>
    %dma_start3A_1108 = arith.constant 8 : i32
    %dma_start3A_1109 = tpu.memref_slice %arg3[%add3A_597, %dma_start3A_1108, %multiple_of3A_1087] : memref<32x16x100000xf32, #tpu.memory_space<hbm>> -> memref<1x8x128xf32, #tpu.memory_space<hbm>>
    %dma_start3A_1110 = tpu.memref_squeeze %dma_start3A_1109 : memref<1x8x128xf32, #tpu.memory_space<hbm>> -> memref<8x128xf32, #tpu.memory_space<hbm>>
    %dma_start3A_1111 = arith.constant 0 : i32
    %dma_start3A_1112 = arith.constant 0 : i32
    %dma_start3A_1113 = tpu.memref_slice %arg10[%dma_start3A_1103, %dma_start3A_1111, %dma_start3A_1112] : memref<32x8x128xf32, #tpu.memory_space<vmem>> -> memref<1x8x128xf32, #tpu.memory_space<vmem>>
    %dma_start3A_1114 = tpu.memref_squeeze %dma_start3A_1113 : memref<1x8x128xf32, #tpu.memory_space<vmem>> -> memref<8x128xf32, #tpu.memory_space<vmem>>
    %dma_start3A_1115 = arith.constant 8 : i32
    %dma_start3A_1116 = tpu.memref_slice %arg3[%add3A_597, %dma_start3A_1115, %multiple_of3A_1087] : memref<32x16x100000xf32, #tpu.memory_space<hbm>> -> memref<1x8x128xf32, #tpu.memory_space<hbm>>
    %dma_start3A_1117 = tpu.memref_squeeze %dma_start3A_1116 : memref<1x8x128xf32, #tpu.memory_space<hbm>> -> memref<8x128xf32, #tpu.memory_space<hbm>>
    tpu.enqueue_dma source(%dma_start3A_1117 : memref<8x128xf32, #tpu.memory_space<hbm>>) target(%dma_start3A_1114 : memref<8x128xf32, #tpu.memory_space<vmem>>) target_semaphore(%arg16 : memref<!tpu.dma_semaphore, #tpu.memory_space<semaphore_mem>>)
    %slice3A_1118 = vector.extract_strided_slice %gather3A_599 {offsets = [14], sizes = [1], strides = [1]} : vector<16xi32> to vector<1xi32>
    %squeeze3A_1119 = vector.extract %slice3A_1118[0] : i32 from vector<1xi32>
    %shift_right_arithmetic3A_1120 = arith.constant 7 : i32
    %shift_right_arithmetic3A_1121 = arith.shrsi %squeeze3A_1119, %shift_right_arithmetic3A_1120 : i32
    %shift_left3A_1122 = arith.constant 7 : i32
    %shift_left3A_1123 = arith.shli %shift_right_arithmetic3A_1121, %shift_left3A_1122 : i32
    %multiple_of3A_1124 = tpu.assume_multiple %shift_left3A_1123, 128 : i32
    %dma_start3A_1125 = arith.constant 30 : i32
    %dma_start3A_1126 = arith.constant 0 : i32
    %dma_start3A_1127 = arith.constant 0 : i32
    %dma_start3A_1128 = tpu.memref_slice %arg9[%dma_start3A_1125, %dma_start3A_1126, %dma_start3A_1127] : memref<32x8x128xf32, #tpu.memory_space<vmem>> -> memref<1x8x128xf32, #tpu.memory_space<vmem>>
    %dma_start3A_1129 = tpu.memref_squeeze %dma_start3A_1128 : memref<1x8x128xf32, #tpu.memory_space<vmem>> -> memref<8x128xf32, #tpu.memory_space<vmem>>
    %dma_start3A_1130 = arith.constant 8 : i32
    %dma_start3A_1131 = tpu.memref_slice %arg2[%add3A_597, %dma_start3A_1130, %multiple_of3A_1124] : memref<32x16x100000xf32, #tpu.memory_space<hbm>> -> memref<1x8x128xf32, #tpu.memory_space<hbm>>
    %dma_start3A_1132 = tpu.memref_squeeze %dma_start3A_1131 : memref<1x8x128xf32, #tpu.memory_space<hbm>> -> memref<8x128xf32, #tpu.memory_space<hbm>>
    %dma_start3A_1133 = arith.constant 0 : i32
    %dma_start3A_1134 = arith.constant 0 : i32
    %dma_start3A_1135 = tpu.memref_slice %arg9[%dma_start3A_1125, %dma_start3A_1133, %dma_start3A_1134] : memref<32x8x128xf32, #tpu.memory_space<vmem>> -> memref<1x8x128xf32, #tpu.memory_space<vmem>>
    %dma_start3A_1136 = tpu.memref_squeeze %dma_start3A_1135 : memref<1x8x128xf32, #tpu.memory_space<vmem>> -> memref<8x128xf32, #tpu.memory_space<vmem>>
    %dma_start3A_1137 = arith.constant 8 : i32
    %dma_start3A_1138 = tpu.memref_slice %arg2[%add3A_597, %dma_start3A_1137, %multiple_of3A_1124] : memref<32x16x100000xf32, #tpu.memory_space<hbm>> -> memref<1x8x128xf32, #tpu.memory_space<hbm>>
    %dma_start3A_1139 = tpu.memref_squeeze %dma_start3A_1138 : memref<1x8x128xf32, #tpu.memory_space<hbm>> -> memref<8x128xf32, #tpu.memory_space<hbm>>
    tpu.enqueue_dma source(%dma_start3A_1139 : memref<8x128xf32, #tpu.memory_space<hbm>>) target(%dma_start3A_1136 : memref<8x128xf32, #tpu.memory_space<vmem>>) target_semaphore(%arg15 : memref<!tpu.dma_semaphore, #tpu.memory_space<semaphore_mem>>)
    %dma_start3A_1140 = arith.constant 30 : i32
    %dma_start3A_1141 = arith.constant 0 : i32
    %dma_start3A_1142 = arith.constant 0 : i32
    %dma_start3A_1143 = tpu.memref_slice %arg10[%dma_start3A_1140, %dma_start3A_1141, %dma_start3A_1142] : memref<32x8x128xf32, #tpu.memory_space<vmem>> -> memref<1x8x128xf32, #tpu.memory_space<vmem>>
    %dma_start3A_1144 = tpu.memref_squeeze %dma_start3A_1143 : memref<1x8x128xf32, #tpu.memory_space<vmem>> -> memref<8x128xf32, #tpu.memory_space<vmem>>
    %dma_start3A_1145 = arith.constant 8 : i32
    %dma_start3A_1146 = tpu.memref_slice %arg3[%add3A_597, %dma_start3A_1145, %multiple_of3A_1124] : memref<32x16x100000xf32, #tpu.memory_space<hbm>> -> memref<1x8x128xf32, #tpu.memory_space<hbm>>
    %dma_start3A_1147 = tpu.memref_squeeze %dma_start3A_1146 : memref<1x8x128xf32, #tpu.memory_space<hbm>> -> memref<8x128xf32, #tpu.memory_space<hbm>>
    %dma_start3A_1148 = arith.constant 0 : i32
    %dma_start3A_1149 = arith.constant 0 : i32
    %dma_start3A_1150 = tpu.memref_slice %arg10[%dma_start3A_1140, %dma_start3A_1148, %dma_start3A_1149] : memref<32x8x128xf32, #tpu.memory_space<vmem>> -> memref<1x8x128xf32, #tpu.memory_space<vmem>>
    %dma_start3A_1151 = tpu.memref_squeeze %dma_start3A_1150 : memref<1x8x128xf32, #tpu.memory_space<vmem>> -> memref<8x128xf32, #tpu.memory_space<vmem>>
    %dma_start3A_1152 = arith.constant 8 : i32
    %dma_start3A_1153 = tpu.memref_slice %arg3[%add3A_597, %dma_start3A_1152, %multiple_of3A_1124] : memref<32x16x100000xf32, #tpu.memory_space<hbm>> -> memref<1x8x128xf32, #tpu.memory_space<hbm>>
    %dma_start3A_1154 = tpu.memref_squeeze %dma_start3A_1153 : memref<1x8x128xf32, #tpu.memory_space<hbm>> -> memref<8x128xf32, #tpu.memory_space<hbm>>
    tpu.enqueue_dma source(%dma_start3A_1154 : memref<8x128xf32, #tpu.memory_space<hbm>>) target(%dma_start3A_1151 : memref<8x128xf32, #tpu.memory_space<vmem>>) target_semaphore(%arg16 : memref<!tpu.dma_semaphore, #tpu.memory_space<semaphore_mem>>)
    %slice3A_1155 = vector.extract_strided_slice %gather3A_599 {offsets = [15], sizes = [1], strides = [1]} : vector<16xi32> to vector<1xi32>
    %squeeze3A_1156 = vector.extract %slice3A_1155[0] : i32 from vector<1xi32>
    %shift_right_arithmetic3A_1157 = arith.constant 7 : i32
    %shift_right_arithmetic3A_1158 = arith.shrsi %squeeze3A_1156, %shift_right_arithmetic3A_1157 : i32
    %shift_left3A_1159 = arith.constant 7 : i32
    %shift_left3A_1160 = arith.shli %shift_right_arithmetic3A_1158, %shift_left3A_1159 : i32
    %multiple_of3A_1161 = tpu.assume_multiple %shift_left3A_1160, 128 : i32
    %dma_start3A_1162 = arith.constant 31 : i32
    %dma_start3A_1163 = arith.constant 0 : i32
    %dma_start3A_1164 = arith.constant 0 : i32
    %dma_start3A_1165 = tpu.memref_slice %arg9[%dma_start3A_1162, %dma_start3A_1163, %dma_start3A_1164] : memref<32x8x128xf32, #tpu.memory_space<vmem>> -> memref<1x8x128xf32, #tpu.memory_space<vmem>>
    %dma_start3A_1166 = tpu.memref_squeeze %dma_start3A_1165 : memref<1x8x128xf32, #tpu.memory_space<vmem>> -> memref<8x128xf32, #tpu.memory_space<vmem>>
    %dma_start3A_1167 = arith.constant 8 : i32
    %dma_start3A_1168 = tpu.memref_slice %arg2[%add3A_597, %dma_start3A_1167, %multiple_of3A_1161] : memref<32x16x100000xf32, #tpu.memory_space<hbm>> -> memref<1x8x128xf32, #tpu.memory_space<hbm>>
    %dma_start3A_1169 = tpu.memref_squeeze %dma_start3A_1168 : memref<1x8x128xf32, #tpu.memory_space<hbm>> -> memref<8x128xf32, #tpu.memory_space<hbm>>
    %dma_start3A_1170 = arith.constant 0 : i32
    %dma_start3A_1171 = arith.constant 0 : i32
    %dma_start3A_1172 = tpu.memref_slice %arg9[%dma_start3A_1162, %dma_start3A_1170, %dma_start3A_1171] : memref<32x8x128xf32, #tpu.memory_space<vmem>> -> memref<1x8x128xf32, #tpu.memory_space<vmem>>
    %dma_start3A_1173 = tpu.memref_squeeze %dma_start3A_1172 : memref<1x8x128xf32, #tpu.memory_space<vmem>> -> memref<8x128xf32, #tpu.memory_space<vmem>>
    %dma_start3A_1174 = arith.constant 8 : i32
    %dma_start3A_1175 = tpu.memref_slice %arg2[%add3A_597, %dma_start3A_1174, %multiple_of3A_1161] : memref<32x16x100000xf32, #tpu.memory_space<hbm>> -> memref<1x8x128xf32, #tpu.memory_space<hbm>>
    %dma_start3A_1176 = tpu.memref_squeeze %dma_start3A_1175 : memref<1x8x128xf32, #tpu.memory_space<hbm>> -> memref<8x128xf32, #tpu.memory_space<hbm>>
    tpu.enqueue_dma source(%dma_start3A_1176 : memref<8x128xf32, #tpu.memory_space<hbm>>) target(%dma_start3A_1173 : memref<8x128xf32, #tpu.memory_space<vmem>>) target_semaphore(%arg15 : memref<!tpu.dma_semaphore, #tpu.memory_space<semaphore_mem>>)
    %dma_start3A_1177 = arith.constant 31 : i32
    %dma_start3A_1178 = arith.constant 0 : i32
    %dma_start3A_1179 = arith.constant 0 : i32
    %dma_start3A_1180 = tpu.memref_slice %arg10[%dma_start3A_1177, %dma_start3A_1178, %dma_start3A_1179] : memref<32x8x128xf32, #tpu.memory_space<vmem>> -> memref<1x8x128xf32, #tpu.memory_space<vmem>>
    %dma_start3A_1181 = tpu.memref_squeeze %dma_start3A_1180 : memref<1x8x128xf32, #tpu.memory_space<vmem>> -> memref<8x128xf32, #tpu.memory_space<vmem>>
    %dma_start3A_1182 = arith.constant 8 : i32
    %dma_start3A_1183 = tpu.memref_slice %arg3[%add3A_597, %dma_start3A_1182, %multiple_of3A_1161] : memref<32x16x100000xf32, #tpu.memory_space<hbm>> -> memref<1x8x128xf32, #tpu.memory_space<hbm>>
    %dma_start3A_1184 = tpu.memref_squeeze %dma_start3A_1183 : memref<1x8x128xf32, #tpu.memory_space<hbm>> -> memref<8x128xf32, #tpu.memory_space<hbm>>
    %dma_start3A_1185 = arith.constant 0 : i32
    %dma_start3A_1186 = arith.constant 0 : i32
    %dma_start3A_1187 = tpu.memref_slice %arg10[%dma_start3A_1177, %dma_start3A_1185, %dma_start3A_1186] : memref<32x8x128xf32, #tpu.memory_space<vmem>> -> memref<1x8x128xf32, #tpu.memory_space<vmem>>
    %dma_start3A_1188 = tpu.memref_squeeze %dma_start3A_1187 : memref<1x8x128xf32, #tpu.memory_space<vmem>> -> memref<8x128xf32, #tpu.memory_space<vmem>>
    %dma_start3A_1189 = arith.constant 8 : i32
    %dma_start3A_1190 = tpu.memref_slice %arg3[%add3A_597, %dma_start3A_1189, %multiple_of3A_1161] : memref<32x16x100000xf32, #tpu.memory_space<hbm>> -> memref<1x8x128xf32, #tpu.memory_space<hbm>>
    %dma_start3A_1191 = tpu.memref_squeeze %dma_start3A_1190 : memref<1x8x128xf32, #tpu.memory_space<hbm>> -> memref<8x128xf32, #tpu.memory_space<hbm>>
    tpu.enqueue_dma source(%dma_start3A_1191 : memref<8x128xf32, #tpu.memory_space<hbm>>) target(%dma_start3A_1188 : memref<8x128xf32, #tpu.memory_space<vmem>>) target_semaphore(%arg16 : memref<!tpu.dma_semaphore, #tpu.memory_space<semaphore_mem>>)
    tpu.wait_dma2 semaphore(%arg17 : memref<!tpu.dma_semaphore, #tpu.memory_space<semaphore_mem>>) src(%arg5 : memref<16x32xf32, #tpu.memory_space<hbm>>) dst(%arg8 : memref<16x32xf32, #tpu.memory_space<vmem>>)
    %dma_wait3A = arith.constant 0 : i32
    %dma_wait3A_1192 = arith.constant 0 : i32
    %dma_wait3A_1193 = arith.constant 0 : i32
    %dma_wait3A_1194 = tpu.memref_slice %arg9[%dma_wait3A, %dma_wait3A_1192, %dma_wait3A_1193] : memref<32x8x128xf32, #tpu.memory_space<vmem>> -> memref<1x8x128xf32, #tpu.memory_space<vmem>>
    %dma_wait3A_1195 = tpu.memref_squeeze %dma_wait3A_1194 : memref<1x8x128xf32, #tpu.memory_space<vmem>> -> memref<8x128xf32, #tpu.memory_space<vmem>>
    %dma_wait3A_1196 = arith.constant 0 : i32
    %dma_wait3A_1197 = tpu.memref_slice %arg2[%add3A_6, %dma_wait3A_1196, %multiple_of3A] : memref<32x16x100000xf32, #tpu.memory_space<hbm>> -> memref<1x8x128xf32, #tpu.memory_space<hbm>>
    %dma_wait3A_1198 = tpu.memref_squeeze %dma_wait3A_1197 : memref<1x8x128xf32, #tpu.memory_space<hbm>> -> memref<8x128xf32, #tpu.memory_space<hbm>>
    %dma_wait3A_1199 = arith.constant 0 : i32
    %dma_wait3A_1200 = arith.constant 0 : i32
    %dma_wait3A_1201 = tpu.memref_slice %arg9[%dma_wait3A, %dma_wait3A_1199, %dma_wait3A_1200] : memref<32x8x128xf32, #tpu.memory_space<vmem>> -> memref<1x8x128xf32, #tpu.memory_space<vmem>>
    %dma_wait3A_1202 = tpu.memref_squeeze %dma_wait3A_1201 : memref<1x8x128xf32, #tpu.memory_space<vmem>> -> memref<8x128xf32, #tpu.memory_space<vmem>>
    %dma_wait3A_1203 = arith.constant 0 : i32
    %dma_wait3A_1204 = tpu.memref_slice %arg2[%add3A_6, %dma_wait3A_1203, %multiple_of3A] : memref<32x16x100000xf32, #tpu.memory_space<hbm>> -> memref<1x8x128xf32, #tpu.memory_space<hbm>>
    %dma_wait3A_1205 = tpu.memref_squeeze %dma_wait3A_1204 : memref<1x8x128xf32, #tpu.memory_space<hbm>> -> memref<8x128xf32, #tpu.memory_space<hbm>>
    tpu.wait_dma2 semaphore(%arg15 : memref<!tpu.dma_semaphore, #tpu.memory_space<semaphore_mem>>) src(%dma_wait3A_1205 : memref<8x128xf32, #tpu.memory_space<hbm>>) dst(%dma_wait3A_1202 : memref<8x128xf32, #tpu.memory_space<vmem>>)
    %dma_wait3A_1206 = arith.constant 0 : i32
    %dma_wait3A_1207 = arith.constant 0 : i32
    %dma_wait3A_1208 = arith.constant 0 : i32
    %dma_wait3A_1209 = tpu.memref_slice %arg10[%dma_wait3A_1206, %dma_wait3A_1207, %dma_wait3A_1208] : memref<32x8x128xf32, #tpu.memory_space<vmem>> -> memref<1x8x128xf32, #tpu.memory_space<vmem>>
    %dma_wait3A_1210 = tpu.memref_squeeze %dma_wait3A_1209 : memref<1x8x128xf32, #tpu.memory_space<vmem>> -> memref<8x128xf32, #tpu.memory_space<vmem>>
    %dma_wait3A_1211 = arith.constant 0 : i32
    %dma_wait3A_1212 = tpu.memref_slice %arg3[%add3A_6, %dma_wait3A_1211, %multiple_of3A] : memref<32x16x100000xf32, #tpu.memory_space<hbm>> -> memref<1x8x128xf32, #tpu.memory_space<hbm>>
    %dma_wait3A_1213 = tpu.memref_squeeze %dma_wait3A_1212 : memref<1x8x128xf32, #tpu.memory_space<hbm>> -> memref<8x128xf32, #tpu.memory_space<hbm>>
    %dma_wait3A_1214 = arith.constant 0 : i32
    %dma_wait3A_1215 = arith.constant 0 : i32
    %dma_wait3A_1216 = tpu.memref_slice %arg10[%dma_wait3A_1206, %dma_wait3A_1214, %dma_wait3A_1215] : memref<32x8x128xf32, #tpu.memory_space<vmem>> -> memref<1x8x128xf32, #tpu.memory_space<vmem>>
    %dma_wait3A_1217 = tpu.memref_squeeze %dma_wait3A_1216 : memref<1x8x128xf32, #tpu.memory_space<vmem>> -> memref<8x128xf32, #tpu.memory_space<vmem>>
    %dma_wait3A_1218 = arith.constant 0 : i32
    %dma_wait3A_1219 = tpu.memref_slice %arg3[%add3A_6, %dma_wait3A_1218, %multiple_of3A] : memref<32x16x100000xf32, #tpu.memory_space<hbm>> -> memref<1x8x128xf32, #tpu.memory_space<hbm>>
    %dma_wait3A_1220 = tpu.memref_squeeze %dma_wait3A_1219 : memref<1x8x128xf32, #tpu.memory_space<hbm>> -> memref<8x128xf32, #tpu.memory_space<hbm>>
    tpu.wait_dma2 semaphore(%arg16 : memref<!tpu.dma_semaphore, #tpu.memory_space<semaphore_mem>>) src(%dma_wait3A_1220 : memref<8x128xf32, #tpu.memory_space<hbm>>) dst(%dma_wait3A_1217 : memref<8x128xf32, #tpu.memory_space<vmem>>)
    %dma_wait3A_1221 = arith.constant 1 : i32
    %dma_wait3A_1222 = arith.constant 0 : i32
    %dma_wait3A_1223 = arith.constant 0 : i32
    %dma_wait3A_1224 = tpu.memref_slice %arg9[%dma_wait3A_1221, %dma_wait3A_1222, %dma_wait3A_1223] : memref<32x8x128xf32, #tpu.memory_space<vmem>> -> memref<1x8x128xf32, #tpu.memory_space<vmem>>
    %dma_wait3A_1225 = tpu.memref_squeeze %dma_wait3A_1224 : memref<1x8x128xf32, #tpu.memory_space<vmem>> -> memref<8x128xf32, #tpu.memory_space<vmem>>
    %dma_wait3A_1226 = arith.constant 0 : i32
    %dma_wait3A_1227 = tpu.memref_slice %arg2[%add3A_6, %dma_wait3A_1226, %multiple_of3A_45] : memref<32x16x100000xf32, #tpu.memory_space<hbm>> -> memref<1x8x128xf32, #tpu.memory_space<hbm>>
    %dma_wait3A_1228 = tpu.memref_squeeze %dma_wait3A_1227 : memref<1x8x128xf32, #tpu.memory_space<hbm>> -> memref<8x128xf32, #tpu.memory_space<hbm>>
    %dma_wait3A_1229 = arith.constant 0 : i32
    %dma_wait3A_1230 = arith.constant 0 : i32
    %dma_wait3A_1231 = tpu.memref_slice %arg9[%dma_wait3A_1221, %dma_wait3A_1229, %dma_wait3A_1230] : memref<32x8x128xf32, #tpu.memory_space<vmem>> -> memref<1x8x128xf32, #tpu.memory_space<vmem>>
    %dma_wait3A_1232 = tpu.memref_squeeze %dma_wait3A_1231 : memref<1x8x128xf32, #tpu.memory_space<vmem>> -> memref<8x128xf32, #tpu.memory_space<vmem>>
    %dma_wait3A_1233 = arith.constant 0 : i32
    %dma_wait3A_1234 = tpu.memref_slice %arg2[%add3A_6, %dma_wait3A_1233, %multiple_of3A_45] : memref<32x16x100000xf32, #tpu.memory_space<hbm>> -> memref<1x8x128xf32, #tpu.memory_space<hbm>>
    %dma_wait3A_1235 = tpu.memref_squeeze %dma_wait3A_1234 : memref<1x8x128xf32, #tpu.memory_space<hbm>> -> memref<8x128xf32, #tpu.memory_space<hbm>>
    tpu.wait_dma2 semaphore(%arg15 : memref<!tpu.dma_semaphore, #tpu.memory_space<semaphore_mem>>) src(%dma_wait3A_1235 : memref<8x128xf32, #tpu.memory_space<hbm>>) dst(%dma_wait3A_1232 : memref<8x128xf32, #tpu.memory_space<vmem>>)
    %dma_wait3A_1236 = arith.constant 1 : i32
    %dma_wait3A_1237 = arith.constant 0 : i32
    %dma_wait3A_1238 = arith.constant 0 : i32
    %dma_wait3A_1239 = tpu.memref_slice %arg10[%dma_wait3A_1236, %dma_wait3A_1237, %dma_wait3A_1238] : memref<32x8x128xf32, #tpu.memory_space<vmem>> -> memref<1x8x128xf32, #tpu.memory_space<vmem>>
    %dma_wait3A_1240 = tpu.memref_squeeze %dma_wait3A_1239 : memref<1x8x128xf32, #tpu.memory_space<vmem>> -> memref<8x128xf32, #tpu.memory_space<vmem>>
    %dma_wait3A_1241 = arith.constant 0 : i32
    %dma_wait3A_1242 = tpu.memref_slice %arg3[%add3A_6, %dma_wait3A_1241, %multiple_of3A_45] : memref<32x16x100000xf32, #tpu.memory_space<hbm>> -> memref<1x8x128xf32, #tpu.memory_space<hbm>>
    %dma_wait3A_1243 = tpu.memref_squeeze %dma_wait3A_1242 : memref<1x8x128xf32, #tpu.memory_space<hbm>> -> memref<8x128xf32, #tpu.memory_space<hbm>>
    %dma_wait3A_1244 = arith.constant 0 : i32
    %dma_wait3A_1245 = arith.constant 0 : i32
    %dma_wait3A_1246 = tpu.memref_slice %arg10[%dma_wait3A_1236, %dma_wait3A_1244, %dma_wait3A_1245] : memref<32x8x128xf32, #tpu.memory_space<vmem>> -> memref<1x8x128xf32, #tpu.memory_space<vmem>>
    %dma_wait3A_1247 = tpu.memref_squeeze %dma_wait3A_1246 : memref<1x8x128xf32, #tpu.memory_space<vmem>> -> memref<8x128xf32, #tpu.memory_space<vmem>>
    %dma_wait3A_1248 = arith.constant 0 : i32
    %dma_wait3A_1249 = tpu.memref_slice %arg3[%add3A_6, %dma_wait3A_1248, %multiple_of3A_45] : memref<32x16x100000xf32, #tpu.memory_space<hbm>> -> memref<1x8x128xf32, #tpu.memory_space<hbm>>
    %dma_wait3A_1250 = tpu.memref_squeeze %dma_wait3A_1249 : memref<1x8x128xf32, #tpu.memory_space<hbm>> -> memref<8x128xf32, #tpu.memory_space<hbm>>
    tpu.wait_dma2 semaphore(%arg16 : memref<!tpu.dma_semaphore, #tpu.memory_space<semaphore_mem>>) src(%dma_wait3A_1250 : memref<8x128xf32, #tpu.memory_space<hbm>>) dst(%dma_wait3A_1247 : memref<8x128xf32, #tpu.memory_space<vmem>>)
    %dma_wait3A_1251 = arith.constant 2 : i32
    %dma_wait3A_1252 = arith.constant 0 : i32
    %dma_wait3A_1253 = arith.constant 0 : i32
    %dma_wait3A_1254 = tpu.memref_slice %arg9[%dma_wait3A_1251, %dma_wait3A_1252, %dma_wait3A_1253] : memref<32x8x128xf32, #tpu.memory_space<vmem>> -> memref<1x8x128xf32, #tpu.memory_space<vmem>>
    %dma_wait3A_1255 = tpu.memref_squeeze %dma_wait3A_1254 : memref<1x8x128xf32, #tpu.memory_space<vmem>> -> memref<8x128xf32, #tpu.memory_space<vmem>>
    %dma_wait3A_1256 = arith.constant 0 : i32
    %dma_wait3A_1257 = tpu.memref_slice %arg2[%add3A_6, %dma_wait3A_1256, %multiple_of3A_82] : memref<32x16x100000xf32, #tpu.memory_space<hbm>> -> memref<1x8x128xf32, #tpu.memory_space<hbm>>
    %dma_wait3A_1258 = tpu.memref_squeeze %dma_wait3A_1257 : memref<1x8x128xf32, #tpu.memory_space<hbm>> -> memref<8x128xf32, #tpu.memory_space<hbm>>
    %dma_wait3A_1259 = arith.constant 0 : i32
    %dma_wait3A_1260 = arith.constant 0 : i32
    %dma_wait3A_1261 = tpu.memref_slice %arg9[%dma_wait3A_1251, %dma_wait3A_1259, %dma_wait3A_1260] : memref<32x8x128xf32, #tpu.memory_space<vmem>> -> memref<1x8x128xf32, #tpu.memory_space<vmem>>
    %dma_wait3A_1262 = tpu.memref_squeeze %dma_wait3A_1261 : memref<1x8x128xf32, #tpu.memory_space<vmem>> -> memref<8x128xf32, #tpu.memory_space<vmem>>
    %dma_wait3A_1263 = arith.constant 0 : i32
    %dma_wait3A_1264 = tpu.memref_slice %arg2[%add3A_6, %dma_wait3A_1263, %multiple_of3A_82] : memref<32x16x100000xf32, #tpu.memory_space<hbm>> -> memref<1x8x128xf32, #tpu.memory_space<hbm>>
    %dma_wait3A_1265 = tpu.memref_squeeze %dma_wait3A_1264 : memref<1x8x128xf32, #tpu.memory_space<hbm>> -> memref<8x128xf32, #tpu.memory_space<hbm>>
    tpu.wait_dma2 semaphore(%arg15 : memref<!tpu.dma_semaphore, #tpu.memory_space<semaphore_mem>>) src(%dma_wait3A_1265 : memref<8x128xf32, #tpu.memory_space<hbm>>) dst(%dma_wait3A_1262 : memref<8x128xf32, #tpu.memory_space<vmem>>)
    %dma_wait3A_1266 = arith.constant 2 : i32
    %dma_wait3A_1267 = arith.constant 0 : i32
    %dma_wait3A_1268 = arith.constant 0 : i32
    %dma_wait3A_1269 = tpu.memref_slice %arg10[%dma_wait3A_1266, %dma_wait3A_1267, %dma_wait3A_1268] : memref<32x8x128xf32, #tpu.memory_space<vmem>> -> memref<1x8x128xf32, #tpu.memory_space<vmem>>
    %dma_wait3A_1270 = tpu.memref_squeeze %dma_wait3A_1269 : memref<1x8x128xf32, #tpu.memory_space<vmem>> -> memref<8x128xf32, #tpu.memory_space<vmem>>
    %dma_wait3A_1271 = arith.constant 0 : i32
    %dma_wait3A_1272 = tpu.memref_slice %arg3[%add3A_6, %dma_wait3A_1271, %multiple_of3A_82] : memref<32x16x100000xf32, #tpu.memory_space<hbm>> -> memref<1x8x128xf32, #tpu.memory_space<hbm>>
    %dma_wait3A_1273 = tpu.memref_squeeze %dma_wait3A_1272 : memref<1x8x128xf32, #tpu.memory_space<hbm>> -> memref<8x128xf32, #tpu.memory_space<hbm>>
    %dma_wait3A_1274 = arith.constant 0 : i32
    %dma_wait3A_1275 = arith.constant 0 : i32
    %dma_wait3A_1276 = tpu.memref_slice %arg10[%dma_wait3A_1266, %dma_wait3A_1274, %dma_wait3A_1275] : memref<32x8x128xf32, #tpu.memory_space<vmem>> -> memref<1x8x128xf32, #tpu.memory_space<vmem>>
    %dma_wait3A_1277 = tpu.memref_squeeze %dma_wait3A_1276 : memref<1x8x128xf32, #tpu.memory_space<vmem>> -> memref<8x128xf32, #tpu.memory_space<vmem>>
    %dma_wait3A_1278 = arith.constant 0 : i32
    %dma_wait3A_1279 = tpu.memref_slice %arg3[%add3A_6, %dma_wait3A_1278, %multiple_of3A_82] : memref<32x16x100000xf32, #tpu.memory_space<hbm>> -> memref<1x8x128xf32, #tpu.memory_space<hbm>>
    %dma_wait3A_1280 = tpu.memref_squeeze %dma_wait3A_1279 : memref<1x8x128xf32, #tpu.memory_space<hbm>> -> memref<8x128xf32, #tpu.memory_space<hbm>>
    tpu.wait_dma2 semaphore(%arg16 : memref<!tpu.dma_semaphore, #tpu.memory_space<semaphore_mem>>) src(%dma_wait3A_1280 : memref<8x128xf32, #tpu.memory_space<hbm>>) dst(%dma_wait3A_1277 : memref<8x128xf32, #tpu.memory_space<vmem>>)
    %dma_wait3A_1281 = arith.constant 3 : i32
    %dma_wait3A_1282 = arith.constant 0 : i32
    %dma_wait3A_1283 = arith.constant 0 : i32
    %dma_wait3A_1284 = tpu.memref_slice %arg9[%dma_wait3A_1281, %dma_wait3A_1282, %dma_wait3A_1283] : memref<32x8x128xf32, #tpu.memory_space<vmem>> -> memref<1x8x128xf32, #tpu.memory_space<vmem>>
    %dma_wait3A_1285 = tpu.memref_squeeze %dma_wait3A_1284 : memref<1x8x128xf32, #tpu.memory_space<vmem>> -> memref<8x128xf32, #tpu.memory_space<vmem>>
    %dma_wait3A_1286 = arith.constant 0 : i32
    %dma_wait3A_1287 = tpu.memref_slice %arg2[%add3A_6, %dma_wait3A_1286, %multiple_of3A_119] : memref<32x16x100000xf32, #tpu.memory_space<hbm>> -> memref<1x8x128xf32, #tpu.memory_space<hbm>>
    %dma_wait3A_1288 = tpu.memref_squeeze %dma_wait3A_1287 : memref<1x8x128xf32, #tpu.memory_space<hbm>> -> memref<8x128xf32, #tpu.memory_space<hbm>>
    %dma_wait3A_1289 = arith.constant 0 : i32
    %dma_wait3A_1290 = arith.constant 0 : i32
    %dma_wait3A_1291 = tpu.memref_slice %arg9[%dma_wait3A_1281, %dma_wait3A_1289, %dma_wait3A_1290] : memref<32x8x128xf32, #tpu.memory_space<vmem>> -> memref<1x8x128xf32, #tpu.memory_space<vmem>>
    %dma_wait3A_1292 = tpu.memref_squeeze %dma_wait3A_1291 : memref<1x8x128xf32, #tpu.memory_space<vmem>> -> memref<8x128xf32, #tpu.memory_space<vmem>>
    %dma_wait3A_1293 = arith.constant 0 : i32
    %dma_wait3A_1294 = tpu.memref_slice %arg2[%add3A_6, %dma_wait3A_1293, %multiple_of3A_119] : memref<32x16x100000xf32, #tpu.memory_space<hbm>> -> memref<1x8x128xf32, #tpu.memory_space<hbm>>
    %dma_wait3A_1295 = tpu.memref_squeeze %dma_wait3A_1294 : memref<1x8x128xf32, #tpu.memory_space<hbm>> -> memref<8x128xf32, #tpu.memory_space<hbm>>
    tpu.wait_dma2 semaphore(%arg15 : memref<!tpu.dma_semaphore, #tpu.memory_space<semaphore_mem>>) src(%dma_wait3A_1295 : memref<8x128xf32, #tpu.memory_space<hbm>>) dst(%dma_wait3A_1292 : memref<8x128xf32, #tpu.memory_space<vmem>>)
    %dma_wait3A_1296 = arith.constant 3 : i32
    %dma_wait3A_1297 = arith.constant 0 : i32
    %dma_wait3A_1298 = arith.constant 0 : i32
    %dma_wait3A_1299 = tpu.memref_slice %arg10[%dma_wait3A_1296, %dma_wait3A_1297, %dma_wait3A_1298] : memref<32x8x128xf32, #tpu.memory_space<vmem>> -> memref<1x8x128xf32, #tpu.memory_space<vmem>>
    %dma_wait3A_1300 = tpu.memref_squeeze %dma_wait3A_1299 : memref<1x8x128xf32, #tpu.memory_space<vmem>> -> memref<8x128xf32, #tpu.memory_space<vmem>>
    %dma_wait3A_1301 = arith.constant 0 : i32
    %dma_wait3A_1302 = tpu.memref_slice %arg3[%add3A_6, %dma_wait3A_1301, %multiple_of3A_119] : memref<32x16x100000xf32, #tpu.memory_space<hbm>> -> memref<1x8x128xf32, #tpu.memory_space<hbm>>
    %dma_wait3A_1303 = tpu.memref_squeeze %dma_wait3A_1302 : memref<1x8x128xf32, #tpu.memory_space<hbm>> -> memref<8x128xf32, #tpu.memory_space<hbm>>
    %dma_wait3A_1304 = arith.constant 0 : i32
    %dma_wait3A_1305 = arith.constant 0 : i32
    %dma_wait3A_1306 = tpu.memref_slice %arg10[%dma_wait3A_1296, %dma_wait3A_1304, %dma_wait3A_1305] : memref<32x8x128xf32, #tpu.memory_space<vmem>> -> memref<1x8x128xf32, #tpu.memory_space<vmem>>
    %dma_wait3A_1307 = tpu.memref_squeeze %dma_wait3A_1306 : memref<1x8x128xf32, #tpu.memory_space<vmem>> -> memref<8x128xf32, #tpu.memory_space<vmem>>
    %dma_wait3A_1308 = arith.constant 0 : i32
    %dma_wait3A_1309 = tpu.memref_slice %arg3[%add3A_6, %dma_wait3A_1308, %multiple_of3A_119] : memref<32x16x100000xf32, #tpu.memory_space<hbm>> -> memref<1x8x128xf32, #tpu.memory_space<hbm>>
    %dma_wait3A_1310 = tpu.memref_squeeze %dma_wait3A_1309 : memref<1x8x128xf32, #tpu.memory_space<hbm>> -> memref<8x128xf32, #tpu.memory_space<hbm>>
    tpu.wait_dma2 semaphore(%arg16 : memref<!tpu.dma_semaphore, #tpu.memory_space<semaphore_mem>>) src(%dma_wait3A_1310 : memref<8x128xf32, #tpu.memory_space<hbm>>) dst(%dma_wait3A_1307 : memref<8x128xf32, #tpu.memory_space<vmem>>)
    %dma_wait3A_1311 = arith.constant 4 : i32
    %dma_wait3A_1312 = arith.constant 0 : i32
    %dma_wait3A_1313 = arith.constant 0 : i32
    %dma_wait3A_1314 = tpu.memref_slice %arg9[%dma_wait3A_1311, %dma_wait3A_1312, %dma_wait3A_1313] : memref<32x8x128xf32, #tpu.memory_space<vmem>> -> memref<1x8x128xf32, #tpu.memory_space<vmem>>
    %dma_wait3A_1315 = tpu.memref_squeeze %dma_wait3A_1314 : memref<1x8x128xf32, #tpu.memory_space<vmem>> -> memref<8x128xf32, #tpu.memory_space<vmem>>
    %dma_wait3A_1316 = arith.constant 0 : i32
    %dma_wait3A_1317 = tpu.memref_slice %arg2[%add3A_6, %dma_wait3A_1316, %multiple_of3A_156] : memref<32x16x100000xf32, #tpu.memory_space<hbm>> -> memref<1x8x128xf32, #tpu.memory_space<hbm>>
    %dma_wait3A_1318 = tpu.memref_squeeze %dma_wait3A_1317 : memref<1x8x128xf32, #tpu.memory_space<hbm>> -> memref<8x128xf32, #tpu.memory_space<hbm>>
    %dma_wait3A_1319 = arith.constant 0 : i32
    %dma_wait3A_1320 = arith.constant 0 : i32
    %dma_wait3A_1321 = tpu.memref_slice %arg9[%dma_wait3A_1311, %dma_wait3A_1319, %dma_wait3A_1320] : memref<32x8x128xf32, #tpu.memory_space<vmem>> -> memref<1x8x128xf32, #tpu.memory_space<vmem>>
    %dma_wait3A_1322 = tpu.memref_squeeze %dma_wait3A_1321 : memref<1x8x128xf32, #tpu.memory_space<vmem>> -> memref<8x128xf32, #tpu.memory_space<vmem>>
    %dma_wait3A_1323 = arith.constant 0 : i32
    %dma_wait3A_1324 = tpu.memref_slice %arg2[%add3A_6, %dma_wait3A_1323, %multiple_of3A_156] : memref<32x16x100000xf32, #tpu.memory_space<hbm>> -> memref<1x8x128xf32, #tpu.memory_space<hbm>>
    %dma_wait3A_1325 = tpu.memref_squeeze %dma_wait3A_1324 : memref<1x8x128xf32, #tpu.memory_space<hbm>> -> memref<8x128xf32, #tpu.memory_space<hbm>>
    tpu.wait_dma2 semaphore(%arg15 : memref<!tpu.dma_semaphore, #tpu.memory_space<semaphore_mem>>) src(%dma_wait3A_1325 : memref<8x128xf32, #tpu.memory_space<hbm>>) dst(%dma_wait3A_1322 : memref<8x128xf32, #tpu.memory_space<vmem>>)
    %dma_wait3A_1326 = arith.constant 4 : i32
    %dma_wait3A_1327 = arith.constant 0 : i32
    %dma_wait3A_1328 = arith.constant 0 : i32
    %dma_wait3A_1329 = tpu.memref_slice %arg10[%dma_wait3A_1326, %dma_wait3A_1327, %dma_wait3A_1328] : memref<32x8x128xf32, #tpu.memory_space<vmem>> -> memref<1x8x128xf32, #tpu.memory_space<vmem>>
    %dma_wait3A_1330 = tpu.memref_squeeze %dma_wait3A_1329 : memref<1x8x128xf32, #tpu.memory_space<vmem>> -> memref<8x128xf32, #tpu.memory_space<vmem>>
    %dma_wait3A_1331 = arith.constant 0 : i32
    %dma_wait3A_1332 = tpu.memref_slice %arg3[%add3A_6, %dma_wait3A_1331, %multiple_of3A_156] : memref<32x16x100000xf32, #tpu.memory_space<hbm>> -> memref<1x8x128xf32, #tpu.memory_space<hbm>>
    %dma_wait3A_1333 = tpu.memref_squeeze %dma_wait3A_1332 : memref<1x8x128xf32, #tpu.memory_space<hbm>> -> memref<8x128xf32, #tpu.memory_space<hbm>>
    %dma_wait3A_1334 = arith.constant 0 : i32
    %dma_wait3A_1335 = arith.constant 0 : i32
    %dma_wait3A_1336 = tpu.memref_slice %arg10[%dma_wait3A_1326, %dma_wait3A_1334, %dma_wait3A_1335] : memref<32x8x128xf32, #tpu.memory_space<vmem>> -> memref<1x8x128xf32, #tpu.memory_space<vmem>>
    %dma_wait3A_1337 = tpu.memref_squeeze %dma_wait3A_1336 : memref<1x8x128xf32, #tpu.memory_space<vmem>> -> memref<8x128xf32, #tpu.memory_space<vmem>>
    %dma_wait3A_1338 = arith.constant 0 : i32
    %dma_wait3A_1339 = tpu.memref_slice %arg3[%add3A_6, %dma_wait3A_1338, %multiple_of3A_156] : memref<32x16x100000xf32, #tpu.memory_space<hbm>> -> memref<1x8x128xf32, #tpu.memory_space<hbm>>
    %dma_wait3A_1340 = tpu.memref_squeeze %dma_wait3A_1339 : memref<1x8x128xf32, #tpu.memory_space<hbm>> -> memref<8x128xf32, #tpu.memory_space<hbm>>
    tpu.wait_dma2 semaphore(%arg16 : memref<!tpu.dma_semaphore, #tpu.memory_space<semaphore_mem>>) src(%dma_wait3A_1340 : memref<8x128xf32, #tpu.memory_space<hbm>>) dst(%dma_wait3A_1337 : memref<8x128xf32, #tpu.memory_space<vmem>>)
    %dma_wait3A_1341 = arith.constant 5 : i32
    %dma_wait3A_1342 = arith.constant 0 : i32
    %dma_wait3A_1343 = arith.constant 0 : i32
    %dma_wait3A_1344 = tpu.memref_slice %arg9[%dma_wait3A_1341, %dma_wait3A_1342, %dma_wait3A_1343] : memref<32x8x128xf32, #tpu.memory_space<vmem>> -> memref<1x8x128xf32, #tpu.memory_space<vmem>>
    %dma_wait3A_1345 = tpu.memref_squeeze %dma_wait3A_1344 : memref<1x8x128xf32, #tpu.memory_space<vmem>> -> memref<8x128xf32, #tpu.memory_space<vmem>>
    %dma_wait3A_1346 = arith.constant 0 : i32
    %dma_wait3A_1347 = tpu.memref_slice %arg2[%add3A_6, %dma_wait3A_1346, %multiple_of3A_193] : memref<32x16x100000xf32, #tpu.memory_space<hbm>> -> memref<1x8x128xf32, #tpu.memory_space<hbm>>
    %dma_wait3A_1348 = tpu.memref_squeeze %dma_wait3A_1347 : memref<1x8x128xf32, #tpu.memory_space<hbm>> -> memref<8x128xf32, #tpu.memory_space<hbm>>
    %dma_wait3A_1349 = arith.constant 0 : i32
    %dma_wait3A_1350 = arith.constant 0 : i32
    %dma_wait3A_1351 = tpu.memref_slice %arg9[%dma_wait3A_1341, %dma_wait3A_1349, %dma_wait3A_1350] : memref<32x8x128xf32, #tpu.memory_space<vmem>> -> memref<1x8x128xf32, #tpu.memory_space<vmem>>
    %dma_wait3A_1352 = tpu.memref_squeeze %dma_wait3A_1351 : memref<1x8x128xf32, #tpu.memory_space<vmem>> -> memref<8x128xf32, #tpu.memory_space<vmem>>
    %dma_wait3A_1353 = arith.constant 0 : i32
    %dma_wait3A_1354 = tpu.memref_slice %arg2[%add3A_6, %dma_wait3A_1353, %multiple_of3A_193] : memref<32x16x100000xf32, #tpu.memory_space<hbm>> -> memref<1x8x128xf32, #tpu.memory_space<hbm>>
    %dma_wait3A_1355 = tpu.memref_squeeze %dma_wait3A_1354 : memref<1x8x128xf32, #tpu.memory_space<hbm>> -> memref<8x128xf32, #tpu.memory_space<hbm>>
    tpu.wait_dma2 semaphore(%arg15 : memref<!tpu.dma_semaphore, #tpu.memory_space<semaphore_mem>>) src(%dma_wait3A_1355 : memref<8x128xf32, #tpu.memory_space<hbm>>) dst(%dma_wait3A_1352 : memref<8x128xf32, #tpu.memory_space<vmem>>)
    %dma_wait3A_1356 = arith.constant 5 : i32
    %dma_wait3A_1357 = arith.constant 0 : i32
    %dma_wait3A_1358 = arith.constant 0 : i32
    %dma_wait3A_1359 = tpu.memref_slice %arg10[%dma_wait3A_1356, %dma_wait3A_1357, %dma_wait3A_1358] : memref<32x8x128xf32, #tpu.memory_space<vmem>> -> memref<1x8x128xf32, #tpu.memory_space<vmem>>
    %dma_wait3A_1360 = tpu.memref_squeeze %dma_wait3A_1359 : memref<1x8x128xf32, #tpu.memory_space<vmem>> -> memref<8x128xf32, #tpu.memory_space<vmem>>
    %dma_wait3A_1361 = arith.constant 0 : i32
    %dma_wait3A_1362 = tpu.memref_slice %arg3[%add3A_6, %dma_wait3A_1361, %multiple_of3A_193] : memref<32x16x100000xf32, #tpu.memory_space<hbm>> -> memref<1x8x128xf32, #tpu.memory_space<hbm>>
    %dma_wait3A_1363 = tpu.memref_squeeze %dma_wait3A_1362 : memref<1x8x128xf32, #tpu.memory_space<hbm>> -> memref<8x128xf32, #tpu.memory_space<hbm>>
    %dma_wait3A_1364 = arith.constant 0 : i32
    %dma_wait3A_1365 = arith.constant 0 : i32
    %dma_wait3A_1366 = tpu.memref_slice %arg10[%dma_wait3A_1356, %dma_wait3A_1364, %dma_wait3A_1365] : memref<32x8x128xf32, #tpu.memory_space<vmem>> -> memref<1x8x128xf32, #tpu.memory_space<vmem>>
    %dma_wait3A_1367 = tpu.memref_squeeze %dma_wait3A_1366 : memref<1x8x128xf32, #tpu.memory_space<vmem>> -> memref<8x128xf32, #tpu.memory_space<vmem>>
    %dma_wait3A_1368 = arith.constant 0 : i32
    %dma_wait3A_1369 = tpu.memref_slice %arg3[%add3A_6, %dma_wait3A_1368, %multiple_of3A_193] : memref<32x16x100000xf32, #tpu.memory_space<hbm>> -> memref<1x8x128xf32, #tpu.memory_space<hbm>>
    %dma_wait3A_1370 = tpu.memref_squeeze %dma_wait3A_1369 : memref<1x8x128xf32, #tpu.memory_space<hbm>> -> memref<8x128xf32, #tpu.memory_space<hbm>>
    tpu.wait_dma2 semaphore(%arg16 : memref<!tpu.dma_semaphore, #tpu.memory_space<semaphore_mem>>) src(%dma_wait3A_1370 : memref<8x128xf32, #tpu.memory_space<hbm>>) dst(%dma_wait3A_1367 : memref<8x128xf32, #tpu.memory_space<vmem>>)
    %dma_wait3A_1371 = arith.constant 6 : i32
    %dma_wait3A_1372 = arith.constant 0 : i32
    %dma_wait3A_1373 = arith.constant 0 : i32
    %dma_wait3A_1374 = tpu.memref_slice %arg9[%dma_wait3A_1371, %dma_wait3A_1372, %dma_wait3A_1373] : memref<32x8x128xf32, #tpu.memory_space<vmem>> -> memref<1x8x128xf32, #tpu.memory_space<vmem>>
    %dma_wait3A_1375 = tpu.memref_squeeze %dma_wait3A_1374 : memref<1x8x128xf32, #tpu.memory_space<vmem>> -> memref<8x128xf32, #tpu.memory_space<vmem>>
    %dma_wait3A_1376 = arith.constant 0 : i32
    %dma_wait3A_1377 = tpu.memref_slice %arg2[%add3A_6, %dma_wait3A_1376, %multiple_of3A_230] : memref<32x16x100000xf32, #tpu.memory_space<hbm>> -> memref<1x8x128xf32, #tpu.memory_space<hbm>>
    %dma_wait3A_1378 = tpu.memref_squeeze %dma_wait3A_1377 : memref<1x8x128xf32, #tpu.memory_space<hbm>> -> memref<8x128xf32, #tpu.memory_space<hbm>>
    %dma_wait3A_1379 = arith.constant 0 : i32
    %dma_wait3A_1380 = arith.constant 0 : i32
    %dma_wait3A_1381 = tpu.memref_slice %arg9[%dma_wait3A_1371, %dma_wait3A_1379, %dma_wait3A_1380] : memref<32x8x128xf32, #tpu.memory_space<vmem>> -> memref<1x8x128xf32, #tpu.memory_space<vmem>>
    %dma_wait3A_1382 = tpu.memref_squeeze %dma_wait3A_1381 : memref<1x8x128xf32, #tpu.memory_space<vmem>> -> memref<8x128xf32, #tpu.memory_space<vmem>>
    %dma_wait3A_1383 = arith.constant 0 : i32
    %dma_wait3A_1384 = tpu.memref_slice %arg2[%add3A_6, %dma_wait3A_1383, %multiple_of3A_230] : memref<32x16x100000xf32, #tpu.memory_space<hbm>> -> memref<1x8x128xf32, #tpu.memory_space<hbm>>
    %dma_wait3A_1385 = tpu.memref_squeeze %dma_wait3A_1384 : memref<1x8x128xf32, #tpu.memory_space<hbm>> -> memref<8x128xf32, #tpu.memory_space<hbm>>
    tpu.wait_dma2 semaphore(%arg15 : memref<!tpu.dma_semaphore, #tpu.memory_space<semaphore_mem>>) src(%dma_wait3A_1385 : memref<8x128xf32, #tpu.memory_space<hbm>>) dst(%dma_wait3A_1382 : memref<8x128xf32, #tpu.memory_space<vmem>>)
    %dma_wait3A_1386 = arith.constant 6 : i32
    %dma_wait3A_1387 = arith.constant 0 : i32
    %dma_wait3A_1388 = arith.constant 0 : i32
    %dma_wait3A_1389 = tpu.memref_slice %arg10[%dma_wait3A_1386, %dma_wait3A_1387, %dma_wait3A_1388] : memref<32x8x128xf32, #tpu.memory_space<vmem>> -> memref<1x8x128xf32, #tpu.memory_space<vmem>>
    %dma_wait3A_1390 = tpu.memref_squeeze %dma_wait3A_1389 : memref<1x8x128xf32, #tpu.memory_space<vmem>> -> memref<8x128xf32, #tpu.memory_space<vmem>>
    %dma_wait3A_1391 = arith.constant 0 : i32
    %dma_wait3A_1392 = tpu.memref_slice %arg3[%add3A_6, %dma_wait3A_1391, %multiple_of3A_230] : memref<32x16x100000xf32, #tpu.memory_space<hbm>> -> memref<1x8x128xf32, #tpu.memory_space<hbm>>
    %dma_wait3A_1393 = tpu.memref_squeeze %dma_wait3A_1392 : memref<1x8x128xf32, #tpu.memory_space<hbm>> -> memref<8x128xf32, #tpu.memory_space<hbm>>
    %dma_wait3A_1394 = arith.constant 0 : i32
    %dma_wait3A_1395 = arith.constant 0 : i32
    %dma_wait3A_1396 = tpu.memref_slice %arg10[%dma_wait3A_1386, %dma_wait3A_1394, %dma_wait3A_1395] : memref<32x8x128xf32, #tpu.memory_space<vmem>> -> memref<1x8x128xf32, #tpu.memory_space<vmem>>
    %dma_wait3A_1397 = tpu.memref_squeeze %dma_wait3A_1396 : memref<1x8x128xf32, #tpu.memory_space<vmem>> -> memref<8x128xf32, #tpu.memory_space<vmem>>
    %dma_wait3A_1398 = arith.constant 0 : i32
    %dma_wait3A_1399 = tpu.memref_slice %arg3[%add3A_6, %dma_wait3A_1398, %multiple_of3A_230] : memref<32x16x100000xf32, #tpu.memory_space<hbm>> -> memref<1x8x128xf32, #tpu.memory_space<hbm>>
    %dma_wait3A_1400 = tpu.memref_squeeze %dma_wait3A_1399 : memref<1x8x128xf32, #tpu.memory_space<hbm>> -> memref<8x128xf32, #tpu.memory_space<hbm>>
    tpu.wait_dma2 semaphore(%arg16 : memref<!tpu.dma_semaphore, #tpu.memory_space<semaphore_mem>>) src(%dma_wait3A_1400 : memref<8x128xf32, #tpu.memory_space<hbm>>) dst(%dma_wait3A_1397 : memref<8x128xf32, #tpu.memory_space<vmem>>)
    %dma_wait3A_1401 = arith.constant 7 : i32
    %dma_wait3A_1402 = arith.constant 0 : i32
    %dma_wait3A_1403 = arith.constant 0 : i32
    %dma_wait3A_1404 = tpu.memref_slice %arg9[%dma_wait3A_1401, %dma_wait3A_1402, %dma_wait3A_1403] : memref<32x8x128xf32, #tpu.memory_space<vmem>> -> memref<1x8x128xf32, #tpu.memory_space<vmem>>
    %dma_wait3A_1405 = tpu.memref_squeeze %dma_wait3A_1404 : memref<1x8x128xf32, #tpu.memory_space<vmem>> -> memref<8x128xf32, #tpu.memory_space<vmem>>
    %dma_wait3A_1406 = arith.constant 0 : i32
    %dma_wait3A_1407 = tpu.memref_slice %arg2[%add3A_6, %dma_wait3A_1406, %multiple_of3A_267] : memref<32x16x100000xf32, #tpu.memory_space<hbm>> -> memref<1x8x128xf32, #tpu.memory_space<hbm>>
    %dma_wait3A_1408 = tpu.memref_squeeze %dma_wait3A_1407 : memref<1x8x128xf32, #tpu.memory_space<hbm>> -> memref<8x128xf32, #tpu.memory_space<hbm>>
    %dma_wait3A_1409 = arith.constant 0 : i32
    %dma_wait3A_1410 = arith.constant 0 : i32
    %dma_wait3A_1411 = tpu.memref_slice %arg9[%dma_wait3A_1401, %dma_wait3A_1409, %dma_wait3A_1410] : memref<32x8x128xf32, #tpu.memory_space<vmem>> -> memref<1x8x128xf32, #tpu.memory_space<vmem>>
    %dma_wait3A_1412 = tpu.memref_squeeze %dma_wait3A_1411 : memref<1x8x128xf32, #tpu.memory_space<vmem>> -> memref<8x128xf32, #tpu.memory_space<vmem>>
    %dma_wait3A_1413 = arith.constant 0 : i32
    %dma_wait3A_1414 = tpu.memref_slice %arg2[%add3A_6, %dma_wait3A_1413, %multiple_of3A_267] : memref<32x16x100000xf32, #tpu.memory_space<hbm>> -> memref<1x8x128xf32, #tpu.memory_space<hbm>>
    %dma_wait3A_1415 = tpu.memref_squeeze %dma_wait3A_1414 : memref<1x8x128xf32, #tpu.memory_space<hbm>> -> memref<8x128xf32, #tpu.memory_space<hbm>>
    tpu.wait_dma2 semaphore(%arg15 : memref<!tpu.dma_semaphore, #tpu.memory_space<semaphore_mem>>) src(%dma_wait3A_1415 : memref<8x128xf32, #tpu.memory_space<hbm>>) dst(%dma_wait3A_1412 : memref<8x128xf32, #tpu.memory_space<vmem>>)
    %dma_wait3A_1416 = arith.constant 7 : i32
    %dma_wait3A_1417 = arith.constant 0 : i32
    %dma_wait3A_1418 = arith.constant 0 : i32
    %dma_wait3A_1419 = tpu.memref_slice %arg10[%dma_wait3A_1416, %dma_wait3A_1417, %dma_wait3A_1418] : memref<32x8x128xf32, #tpu.memory_space<vmem>> -> memref<1x8x128xf32, #tpu.memory_space<vmem>>
    %dma_wait3A_1420 = tpu.memref_squeeze %dma_wait3A_1419 : memref<1x8x128xf32, #tpu.memory_space<vmem>> -> memref<8x128xf32, #tpu.memory_space<vmem>>
    %dma_wait3A_1421 = arith.constant 0 : i32
    %dma_wait3A_1422 = tpu.memref_slice %arg3[%add3A_6, %dma_wait3A_1421, %multiple_of3A_267] : memref<32x16x100000xf32, #tpu.memory_space<hbm>> -> memref<1x8x128xf32, #tpu.memory_space<hbm>>
    %dma_wait3A_1423 = tpu.memref_squeeze %dma_wait3A_1422 : memref<1x8x128xf32, #tpu.memory_space<hbm>> -> memref<8x128xf32, #tpu.memory_space<hbm>>
    %dma_wait3A_1424 = arith.constant 0 : i32
    %dma_wait3A_1425 = arith.constant 0 : i32
    %dma_wait3A_1426 = tpu.memref_slice %arg10[%dma_wait3A_1416, %dma_wait3A_1424, %dma_wait3A_1425] : memref<32x8x128xf32, #tpu.memory_space<vmem>> -> memref<1x8x128xf32, #tpu.memory_space<vmem>>
    %dma_wait3A_1427 = tpu.memref_squeeze %dma_wait3A_1426 : memref<1x8x128xf32, #tpu.memory_space<vmem>> -> memref<8x128xf32, #tpu.memory_space<vmem>>
    %dma_wait3A_1428 = arith.constant 0 : i32
    %dma_wait3A_1429 = tpu.memref_slice %arg3[%add3A_6, %dma_wait3A_1428, %multiple_of3A_267] : memref<32x16x100000xf32, #tpu.memory_space<hbm>> -> memref<1x8x128xf32, #tpu.memory_space<hbm>>
    %dma_wait3A_1430 = tpu.memref_squeeze %dma_wait3A_1429 : memref<1x8x128xf32, #tpu.memory_space<hbm>> -> memref<8x128xf32, #tpu.memory_space<hbm>>
    tpu.wait_dma2 semaphore(%arg16 : memref<!tpu.dma_semaphore, #tpu.memory_space<semaphore_mem>>) src(%dma_wait3A_1430 : memref<8x128xf32, #tpu.memory_space<hbm>>) dst(%dma_wait3A_1427 : memref<8x128xf32, #tpu.memory_space<vmem>>)
    %dma_wait3A_1431 = arith.constant 8 : i32
    %dma_wait3A_1432 = arith.constant 0 : i32
    %dma_wait3A_1433 = arith.constant 0 : i32
    %dma_wait3A_1434 = tpu.memref_slice %arg9[%dma_wait3A_1431, %dma_wait3A_1432, %dma_wait3A_1433] : memref<32x8x128xf32, #tpu.memory_space<vmem>> -> memref<1x8x128xf32, #tpu.memory_space<vmem>>
    %dma_wait3A_1435 = tpu.memref_squeeze %dma_wait3A_1434 : memref<1x8x128xf32, #tpu.memory_space<vmem>> -> memref<8x128xf32, #tpu.memory_space<vmem>>
    %dma_wait3A_1436 = arith.constant 8 : i32
    %dma_wait3A_1437 = tpu.memref_slice %arg2[%add3A_6, %dma_wait3A_1436, %multiple_of3A_304] : memref<32x16x100000xf32, #tpu.memory_space<hbm>> -> memref<1x8x128xf32, #tpu.memory_space<hbm>>
    %dma_wait3A_1438 = tpu.memref_squeeze %dma_wait3A_1437 : memref<1x8x128xf32, #tpu.memory_space<hbm>> -> memref<8x128xf32, #tpu.memory_space<hbm>>
    %dma_wait3A_1439 = arith.constant 0 : i32
    %dma_wait3A_1440 = arith.constant 0 : i32
    %dma_wait3A_1441 = tpu.memref_slice %arg9[%dma_wait3A_1431, %dma_wait3A_1439, %dma_wait3A_1440] : memref<32x8x128xf32, #tpu.memory_space<vmem>> -> memref<1x8x128xf32, #tpu.memory_space<vmem>>
    %dma_wait3A_1442 = tpu.memref_squeeze %dma_wait3A_1441 : memref<1x8x128xf32, #tpu.memory_space<vmem>> -> memref<8x128xf32, #tpu.memory_space<vmem>>
    %dma_wait3A_1443 = arith.constant 8 : i32
    %dma_wait3A_1444 = tpu.memref_slice %arg2[%add3A_6, %dma_wait3A_1443, %multiple_of3A_304] : memref<32x16x100000xf32, #tpu.memory_space<hbm>> -> memref<1x8x128xf32, #tpu.memory_space<hbm>>
    %dma_wait3A_1445 = tpu.memref_squeeze %dma_wait3A_1444 : memref<1x8x128xf32, #tpu.memory_space<hbm>> -> memref<8x128xf32, #tpu.memory_space<hbm>>
    tpu.wait_dma2 semaphore(%arg15 : memref<!tpu.dma_semaphore, #tpu.memory_space<semaphore_mem>>) src(%dma_wait3A_1445 : memref<8x128xf32, #tpu.memory_space<hbm>>) dst(%dma_wait3A_1442 : memref<8x128xf32, #tpu.memory_space<vmem>>)
    %dma_wait3A_1446 = arith.constant 8 : i32
    %dma_wait3A_1447 = arith.constant 0 : i32
    %dma_wait3A_1448 = arith.constant 0 : i32
    %dma_wait3A_1449 = tpu.memref_slice %arg10[%dma_wait3A_1446, %dma_wait3A_1447, %dma_wait3A_1448] : memref<32x8x128xf32, #tpu.memory_space<vmem>> -> memref<1x8x128xf32, #tpu.memory_space<vmem>>
    %dma_wait3A_1450 = tpu.memref_squeeze %dma_wait3A_1449 : memref<1x8x128xf32, #tpu.memory_space<vmem>> -> memref<8x128xf32, #tpu.memory_space<vmem>>
    %dma_wait3A_1451 = arith.constant 8 : i32
    %dma_wait3A_1452 = tpu.memref_slice %arg3[%add3A_6, %dma_wait3A_1451, %multiple_of3A_304] : memref<32x16x100000xf32, #tpu.memory_space<hbm>> -> memref<1x8x128xf32, #tpu.memory_space<hbm>>
    %dma_wait3A_1453 = tpu.memref_squeeze %dma_wait3A_1452 : memref<1x8x128xf32, #tpu.memory_space<hbm>> -> memref<8x128xf32, #tpu.memory_space<hbm>>
    %dma_wait3A_1454 = arith.constant 0 : i32
    %dma_wait3A_1455 = arith.constant 0 : i32
    %dma_wait3A_1456 = tpu.memref_slice %arg10[%dma_wait3A_1446, %dma_wait3A_1454, %dma_wait3A_1455] : memref<32x8x128xf32, #tpu.memory_space<vmem>> -> memref<1x8x128xf32, #tpu.memory_space<vmem>>
    %dma_wait3A_1457 = tpu.memref_squeeze %dma_wait3A_1456 : memref<1x8x128xf32, #tpu.memory_space<vmem>> -> memref<8x128xf32, #tpu.memory_space<vmem>>
    %dma_wait3A_1458 = arith.constant 8 : i32
    %dma_wait3A_1459 = tpu.memref_slice %arg3[%add3A_6, %dma_wait3A_1458, %multiple_of3A_304] : memref<32x16x100000xf32, #tpu.memory_space<hbm>> -> memref<1x8x128xf32, #tpu.memory_space<hbm>>
    %dma_wait3A_1460 = tpu.memref_squeeze %dma_wait3A_1459 : memref<1x8x128xf32, #tpu.memory_space<hbm>> -> memref<8x128xf32, #tpu.memory_space<hbm>>
    tpu.wait_dma2 semaphore(%arg16 : memref<!tpu.dma_semaphore, #tpu.memory_space<semaphore_mem>>) src(%dma_wait3A_1460 : memref<8x128xf32, #tpu.memory_space<hbm>>) dst(%dma_wait3A_1457 : memref<8x128xf32, #tpu.memory_space<vmem>>)
    %dma_wait3A_1461 = arith.constant 9 : i32
    %dma_wait3A_1462 = arith.constant 0 : i32
    %dma_wait3A_1463 = arith.constant 0 : i32
    %dma_wait3A_1464 = tpu.memref_slice %arg9[%dma_wait3A_1461, %dma_wait3A_1462, %dma_wait3A_1463] : memref<32x8x128xf32, #tpu.memory_space<vmem>> -> memref<1x8x128xf32, #tpu.memory_space<vmem>>
    %dma_wait3A_1465 = tpu.memref_squeeze %dma_wait3A_1464 : memref<1x8x128xf32, #tpu.memory_space<vmem>> -> memref<8x128xf32, #tpu.memory_space<vmem>>
    %dma_wait3A_1466 = arith.constant 8 : i32
    %dma_wait3A_1467 = tpu.memref_slice %arg2[%add3A_6, %dma_wait3A_1466, %multiple_of3A_341] : memref<32x16x100000xf32, #tpu.memory_space<hbm>> -> memref<1x8x128xf32, #tpu.memory_space<hbm>>
    %dma_wait3A_1468 = tpu.memref_squeeze %dma_wait3A_1467 : memref<1x8x128xf32, #tpu.memory_space<hbm>> -> memref<8x128xf32, #tpu.memory_space<hbm>>
    %dma_wait3A_1469 = arith.constant 0 : i32
    %dma_wait3A_1470 = arith.constant 0 : i32
    %dma_wait3A_1471 = tpu.memref_slice %arg9[%dma_wait3A_1461, %dma_wait3A_1469, %dma_wait3A_1470] : memref<32x8x128xf32, #tpu.memory_space<vmem>> -> memref<1x8x128xf32, #tpu.memory_space<vmem>>
    %dma_wait3A_1472 = tpu.memref_squeeze %dma_wait3A_1471 : memref<1x8x128xf32, #tpu.memory_space<vmem>> -> memref<8x128xf32, #tpu.memory_space<vmem>>
    %dma_wait3A_1473 = arith.constant 8 : i32
    %dma_wait3A_1474 = tpu.memref_slice %arg2[%add3A_6, %dma_wait3A_1473, %multiple_of3A_341] : memref<32x16x100000xf32, #tpu.memory_space<hbm>> -> memref<1x8x128xf32, #tpu.memory_space<hbm>>
    %dma_wait3A_1475 = tpu.memref_squeeze %dma_wait3A_1474 : memref<1x8x128xf32, #tpu.memory_space<hbm>> -> memref<8x128xf32, #tpu.memory_space<hbm>>
    tpu.wait_dma2 semaphore(%arg15 : memref<!tpu.dma_semaphore, #tpu.memory_space<semaphore_mem>>) src(%dma_wait3A_1475 : memref<8x128xf32, #tpu.memory_space<hbm>>) dst(%dma_wait3A_1472 : memref<8x128xf32, #tpu.memory_space<vmem>>)
    %dma_wait3A_1476 = arith.constant 9 : i32
    %dma_wait3A_1477 = arith.constant 0 : i32
    %dma_wait3A_1478 = arith.constant 0 : i32
    %dma_wait3A_1479 = tpu.memref_slice %arg10[%dma_wait3A_1476, %dma_wait3A_1477, %dma_wait3A_1478] : memref<32x8x128xf32, #tpu.memory_space<vmem>> -> memref<1x8x128xf32, #tpu.memory_space<vmem>>
    %dma_wait3A_1480 = tpu.memref_squeeze %dma_wait3A_1479 : memref<1x8x128xf32, #tpu.memory_space<vmem>> -> memref<8x128xf32, #tpu.memory_space<vmem>>
    %dma_wait3A_1481 = arith.constant 8 : i32
    %dma_wait3A_1482 = tpu.memref_slice %arg3[%add3A_6, %dma_wait3A_1481, %multiple_of3A_341] : memref<32x16x100000xf32, #tpu.memory_space<hbm>> -> memref<1x8x128xf32, #tpu.memory_space<hbm>>
    %dma_wait3A_1483 = tpu.memref_squeeze %dma_wait3A_1482 : memref<1x8x128xf32, #tpu.memory_space<hbm>> -> memref<8x128xf32, #tpu.memory_space<hbm>>
    %dma_wait3A_1484 = arith.constant 0 : i32
    %dma_wait3A_1485 = arith.constant 0 : i32
    %dma_wait3A_1486 = tpu.memref_slice %arg10[%dma_wait3A_1476, %dma_wait3A_1484, %dma_wait3A_1485] : memref<32x8x128xf32, #tpu.memory_space<vmem>> -> memref<1x8x128xf32, #tpu.memory_space<vmem>>
    %dma_wait3A_1487 = tpu.memref_squeeze %dma_wait3A_1486 : memref<1x8x128xf32, #tpu.memory_space<vmem>> -> memref<8x128xf32, #tpu.memory_space<vmem>>
    %dma_wait3A_1488 = arith.constant 8 : i32
    %dma_wait3A_1489 = tpu.memref_slice %arg3[%add3A_6, %dma_wait3A_1488, %multiple_of3A_341] : memref<32x16x100000xf32, #tpu.memory_space<hbm>> -> memref<1x8x128xf32, #tpu.memory_space<hbm>>
    %dma_wait3A_1490 = tpu.memref_squeeze %dma_wait3A_1489 : memref<1x8x128xf32, #tpu.memory_space<hbm>> -> memref<8x128xf32, #tpu.memory_space<hbm>>
    tpu.wait_dma2 semaphore(%arg16 : memref<!tpu.dma_semaphore, #tpu.memory_space<semaphore_mem>>) src(%dma_wait3A_1490 : memref<8x128xf32, #tpu.memory_space<hbm>>) dst(%dma_wait3A_1487 : memref<8x128xf32, #tpu.memory_space<vmem>>)
    %dma_wait3A_1491 = arith.constant 10 : i32
    %dma_wait3A_1492 = arith.constant 0 : i32
    %dma_wait3A_1493 = arith.constant 0 : i32
    %dma_wait3A_1494 = tpu.memref_slice %arg9[%dma_wait3A_1491, %dma_wait3A_1492, %dma_wait3A_1493] : memref<32x8x128xf32, #tpu.memory_space<vmem>> -> memref<1x8x128xf32, #tpu.memory_space<vmem>>
    %dma_wait3A_1495 = tpu.memref_squeeze %dma_wait3A_1494 : memref<1x8x128xf32, #tpu.memory_space<vmem>> -> memref<8x128xf32, #tpu.memory_space<vmem>>
    %dma_wait3A_1496 = arith.constant 8 : i32
    %dma_wait3A_1497 = tpu.memref_slice %arg2[%add3A_6, %dma_wait3A_1496, %multiple_of3A_378] : memref<32x16x100000xf32, #tpu.memory_space<hbm>> -> memref<1x8x128xf32, #tpu.memory_space<hbm>>
    %dma_wait3A_1498 = tpu.memref_squeeze %dma_wait3A_1497 : memref<1x8x128xf32, #tpu.memory_space<hbm>> -> memref<8x128xf32, #tpu.memory_space<hbm>>
    %dma_wait3A_1499 = arith.constant 0 : i32
    %dma_wait3A_1500 = arith.constant 0 : i32
    %dma_wait3A_1501 = tpu.memref_slice %arg9[%dma_wait3A_1491, %dma_wait3A_1499, %dma_wait3A_1500] : memref<32x8x128xf32, #tpu.memory_space<vmem>> -> memref<1x8x128xf32, #tpu.memory_space<vmem>>
    %dma_wait3A_1502 = tpu.memref_squeeze %dma_wait3A_1501 : memref<1x8x128xf32, #tpu.memory_space<vmem>> -> memref<8x128xf32, #tpu.memory_space<vmem>>
    %dma_wait3A_1503 = arith.constant 8 : i32
    %dma_wait3A_1504 = tpu.memref_slice %arg2[%add3A_6, %dma_wait3A_1503, %multiple_of3A_378] : memref<32x16x100000xf32, #tpu.memory_space<hbm>> -> memref<1x8x128xf32, #tpu.memory_space<hbm>>
    %dma_wait3A_1505 = tpu.memref_squeeze %dma_wait3A_1504 : memref<1x8x128xf32, #tpu.memory_space<hbm>> -> memref<8x128xf32, #tpu.memory_space<hbm>>
    tpu.wait_dma2 semaphore(%arg15 : memref<!tpu.dma_semaphore, #tpu.memory_space<semaphore_mem>>) src(%dma_wait3A_1505 : memref<8x128xf32, #tpu.memory_space<hbm>>) dst(%dma_wait3A_1502 : memref<8x128xf32, #tpu.memory_space<vmem>>)
    %dma_wait3A_1506 = arith.constant 10 : i32
    %dma_wait3A_1507 = arith.constant 0 : i32
    %dma_wait3A_1508 = arith.constant 0 : i32
    %dma_wait3A_1509 = tpu.memref_slice %arg10[%dma_wait3A_1506, %dma_wait3A_1507, %dma_wait3A_1508] : memref<32x8x128xf32, #tpu.memory_space<vmem>> -> memref<1x8x128xf32, #tpu.memory_space<vmem>>
    %dma_wait3A_1510 = tpu.memref_squeeze %dma_wait3A_1509 : memref<1x8x128xf32, #tpu.memory_space<vmem>> -> memref<8x128xf32, #tpu.memory_space<vmem>>
    %dma_wait3A_1511 = arith.constant 8 : i32
    %dma_wait3A_1512 = tpu.memref_slice %arg3[%add3A_6, %dma_wait3A_1511, %multiple_of3A_378] : memref<32x16x100000xf32, #tpu.memory_space<hbm>> -> memref<1x8x128xf32, #tpu.memory_space<hbm>>
    %dma_wait3A_1513 = tpu.memref_squeeze %dma_wait3A_1512 : memref<1x8x128xf32, #tpu.memory_space<hbm>> -> memref<8x128xf32, #tpu.memory_space<hbm>>
    %dma_wait3A_1514 = arith.constant 0 : i32
    %dma_wait3A_1515 = arith.constant 0 : i32
    %dma_wait3A_1516 = tpu.memref_slice %arg10[%dma_wait3A_1506, %dma_wait3A_1514, %dma_wait3A_1515] : memref<32x8x128xf32, #tpu.memory_space<vmem>> -> memref<1x8x128xf32, #tpu.memory_space<vmem>>
    %dma_wait3A_1517 = tpu.memref_squeeze %dma_wait3A_1516 : memref<1x8x128xf32, #tpu.memory_space<vmem>> -> memref<8x128xf32, #tpu.memory_space<vmem>>
    %dma_wait3A_1518 = arith.constant 8 : i32
    %dma_wait3A_1519 = tpu.memref_slice %arg3[%add3A_6, %dma_wait3A_1518, %multiple_of3A_378] : memref<32x16x100000xf32, #tpu.memory_space<hbm>> -> memref<1x8x128xf32, #tpu.memory_space<hbm>>
    %dma_wait3A_1520 = tpu.memref_squeeze %dma_wait3A_1519 : memref<1x8x128xf32, #tpu.memory_space<hbm>> -> memref<8x128xf32, #tpu.memory_space<hbm>>
    tpu.wait_dma2 semaphore(%arg16 : memref<!tpu.dma_semaphore, #tpu.memory_space<semaphore_mem>>) src(%dma_wait3A_1520 : memref<8x128xf32, #tpu.memory_space<hbm>>) dst(%dma_wait3A_1517 : memref<8x128xf32, #tpu.memory_space<vmem>>)
    %dma_wait3A_1521 = arith.constant 11 : i32
    %dma_wait3A_1522 = arith.constant 0 : i32
    %dma_wait3A_1523 = arith.constant 0 : i32
    %dma_wait3A_1524 = tpu.memref_slice %arg9[%dma_wait3A_1521, %dma_wait3A_1522, %dma_wait3A_1523] : memref<32x8x128xf32, #tpu.memory_space<vmem>> -> memref<1x8x128xf32, #tpu.memory_space<vmem>>
    %dma_wait3A_1525 = tpu.memref_squeeze %dma_wait3A_1524 : memref<1x8x128xf32, #tpu.memory_space<vmem>> -> memref<8x128xf32, #tpu.memory_space<vmem>>
    %dma_wait3A_1526 = arith.constant 8 : i32
    %dma_wait3A_1527 = tpu.memref_slice %arg2[%add3A_6, %dma_wait3A_1526, %multiple_of3A_415] : memref<32x16x100000xf32, #tpu.memory_space<hbm>> -> memref<1x8x128xf32, #tpu.memory_space<hbm>>
    %dma_wait3A_1528 = tpu.memref_squeeze %dma_wait3A_1527 : memref<1x8x128xf32, #tpu.memory_space<hbm>> -> memref<8x128xf32, #tpu.memory_space<hbm>>
    %dma_wait3A_1529 = arith.constant 0 : i32
    %dma_wait3A_1530 = arith.constant 0 : i32
    %dma_wait3A_1531 = tpu.memref_slice %arg9[%dma_wait3A_1521, %dma_wait3A_1529, %dma_wait3A_1530] : memref<32x8x128xf32, #tpu.memory_space<vmem>> -> memref<1x8x128xf32, #tpu.memory_space<vmem>>
    %dma_wait3A_1532 = tpu.memref_squeeze %dma_wait3A_1531 : memref<1x8x128xf32, #tpu.memory_space<vmem>> -> memref<8x128xf32, #tpu.memory_space<vmem>>
    %dma_wait3A_1533 = arith.constant 8 : i32
    %dma_wait3A_1534 = tpu.memref_slice %arg2[%add3A_6, %dma_wait3A_1533, %multiple_of3A_415] : memref<32x16x100000xf32, #tpu.memory_space<hbm>> -> memref<1x8x128xf32, #tpu.memory_space<hbm>>
    %dma_wait3A_1535 = tpu.memref_squeeze %dma_wait3A_1534 : memref<1x8x128xf32, #tpu.memory_space<hbm>> -> memref<8x128xf32, #tpu.memory_space<hbm>>
    tpu.wait_dma2 semaphore(%arg15 : memref<!tpu.dma_semaphore, #tpu.memory_space<semaphore_mem>>) src(%dma_wait3A_1535 : memref<8x128xf32, #tpu.memory_space<hbm>>) dst(%dma_wait3A_1532 : memref<8x128xf32, #tpu.memory_space<vmem>>)
    %dma_wait3A_1536 = arith.constant 11 : i32
    %dma_wait3A_1537 = arith.constant 0 : i32
    %dma_wait3A_1538 = arith.constant 0 : i32
    %dma_wait3A_1539 = tpu.memref_slice %arg10[%dma_wait3A_1536, %dma_wait3A_1537, %dma_wait3A_1538] : memref<32x8x128xf32, #tpu.memory_space<vmem>> -> memref<1x8x128xf32, #tpu.memory_space<vmem>>
    %dma_wait3A_1540 = tpu.memref_squeeze %dma_wait3A_1539 : memref<1x8x128xf32, #tpu.memory_space<vmem>> -> memref<8x128xf32, #tpu.memory_space<vmem>>
    %dma_wait3A_1541 = arith.constant 8 : i32
    %dma_wait3A_1542 = tpu.memref_slice %arg3[%add3A_6, %dma_wait3A_1541, %multiple_of3A_415] : memref<32x16x100000xf32, #tpu.memory_space<hbm>> -> memref<1x8x128xf32, #tpu.memory_space<hbm>>
    %dma_wait3A_1543 = tpu.memref_squeeze %dma_wait3A_1542 : memref<1x8x128xf32, #tpu.memory_space<hbm>> -> memref<8x128xf32, #tpu.memory_space<hbm>>
    %dma_wait3A_1544 = arith.constant 0 : i32
    %dma_wait3A_1545 = arith.constant 0 : i32
    %dma_wait3A_1546 = tpu.memref_slice %arg10[%dma_wait3A_1536, %dma_wait3A_1544, %dma_wait3A_1545] : memref<32x8x128xf32, #tpu.memory_space<vmem>> -> memref<1x8x128xf32, #tpu.memory_space<vmem>>
    %dma_wait3A_1547 = tpu.memref_squeeze %dma_wait3A_1546 : memref<1x8x128xf32, #tpu.memory_space<vmem>> -> memref<8x128xf32, #tpu.memory_space<vmem>>
    %dma_wait3A_1548 = arith.constant 8 : i32
    %dma_wait3A_1549 = tpu.memref_slice %arg3[%add3A_6, %dma_wait3A_1548, %multiple_of3A_415] : memref<32x16x100000xf32, #tpu.memory_space<hbm>> -> memref<1x8x128xf32, #tpu.memory_space<hbm>>
    %dma_wait3A_1550 = tpu.memref_squeeze %dma_wait3A_1549 : memref<1x8x128xf32, #tpu.memory_space<hbm>> -> memref<8x128xf32, #tpu.memory_space<hbm>>
    tpu.wait_dma2 semaphore(%arg16 : memref<!tpu.dma_semaphore, #tpu.memory_space<semaphore_mem>>) src(%dma_wait3A_1550 : memref<8x128xf32, #tpu.memory_space<hbm>>) dst(%dma_wait3A_1547 : memref<8x128xf32, #tpu.memory_space<vmem>>)
    %dma_wait3A_1551 = arith.constant 12 : i32
    %dma_wait3A_1552 = arith.constant 0 : i32
    %dma_wait3A_1553 = arith.constant 0 : i32
    %dma_wait3A_1554 = tpu.memref_slice %arg9[%dma_wait3A_1551, %dma_wait3A_1552, %dma_wait3A_1553] : memref<32x8x128xf32, #tpu.memory_space<vmem>> -> memref<1x8x128xf32, #tpu.memory_space<vmem>>
    %dma_wait3A_1555 = tpu.memref_squeeze %dma_wait3A_1554 : memref<1x8x128xf32, #tpu.memory_space<vmem>> -> memref<8x128xf32, #tpu.memory_space<vmem>>
    %dma_wait3A_1556 = arith.constant 8 : i32
    %dma_wait3A_1557 = tpu.memref_slice %arg2[%add3A_6, %dma_wait3A_1556, %multiple_of3A_452] : memref<32x16x100000xf32, #tpu.memory_space<hbm>> -> memref<1x8x128xf32, #tpu.memory_space<hbm>>
    %dma_wait3A_1558 = tpu.memref_squeeze %dma_wait3A_1557 : memref<1x8x128xf32, #tpu.memory_space<hbm>> -> memref<8x128xf32, #tpu.memory_space<hbm>>
    %dma_wait3A_1559 = arith.constant 0 : i32
    %dma_wait3A_1560 = arith.constant 0 : i32
    %dma_wait3A_1561 = tpu.memref_slice %arg9[%dma_wait3A_1551, %dma_wait3A_1559, %dma_wait3A_1560] : memref<32x8x128xf32, #tpu.memory_space<vmem>> -> memref<1x8x128xf32, #tpu.memory_space<vmem>>
    %dma_wait3A_1562 = tpu.memref_squeeze %dma_wait3A_1561 : memref<1x8x128xf32, #tpu.memory_space<vmem>> -> memref<8x128xf32, #tpu.memory_space<vmem>>
    %dma_wait3A_1563 = arith.constant 8 : i32
    %dma_wait3A_1564 = tpu.memref_slice %arg2[%add3A_6, %dma_wait3A_1563, %multiple_of3A_452] : memref<32x16x100000xf32, #tpu.memory_space<hbm>> -> memref<1x8x128xf32, #tpu.memory_space<hbm>>
    %dma_wait3A_1565 = tpu.memref_squeeze %dma_wait3A_1564 : memref<1x8x128xf32, #tpu.memory_space<hbm>> -> memref<8x128xf32, #tpu.memory_space<hbm>>
    tpu.wait_dma2 semaphore(%arg15 : memref<!tpu.dma_semaphore, #tpu.memory_space<semaphore_mem>>) src(%dma_wait3A_1565 : memref<8x128xf32, #tpu.memory_space<hbm>>) dst(%dma_wait3A_1562 : memref<8x128xf32, #tpu.memory_space<vmem>>)
    %dma_wait3A_1566 = arith.constant 12 : i32
    %dma_wait3A_1567 = arith.constant 0 : i32
    %dma_wait3A_1568 = arith.constant 0 : i32
    %dma_wait3A_1569 = tpu.memref_slice %arg10[%dma_wait3A_1566, %dma_wait3A_1567, %dma_wait3A_1568] : memref<32x8x128xf32, #tpu.memory_space<vmem>> -> memref<1x8x128xf32, #tpu.memory_space<vmem>>
    %dma_wait3A_1570 = tpu.memref_squeeze %dma_wait3A_1569 : memref<1x8x128xf32, #tpu.memory_space<vmem>> -> memref<8x128xf32, #tpu.memory_space<vmem>>
    %dma_wait3A_1571 = arith.constant 8 : i32
    %dma_wait3A_1572 = tpu.memref_slice %arg3[%add3A_6, %dma_wait3A_1571, %multiple_of3A_452] : memref<32x16x100000xf32, #tpu.memory_space<hbm>> -> memref<1x8x128xf32, #tpu.memory_space<hbm>>
    %dma_wait3A_1573 = tpu.memref_squeeze %dma_wait3A_1572 : memref<1x8x128xf32, #tpu.memory_space<hbm>> -> memref<8x128xf32, #tpu.memory_space<hbm>>
    %dma_wait3A_1574 = arith.constant 0 : i32
    %dma_wait3A_1575 = arith.constant 0 : i32
    %dma_wait3A_1576 = tpu.memref_slice %arg10[%dma_wait3A_1566, %dma_wait3A_1574, %dma_wait3A_1575] : memref<32x8x128xf32, #tpu.memory_space<vmem>> -> memref<1x8x128xf32, #tpu.memory_space<vmem>>
    %dma_wait3A_1577 = tpu.memref_squeeze %dma_wait3A_1576 : memref<1x8x128xf32, #tpu.memory_space<vmem>> -> memref<8x128xf32, #tpu.memory_space<vmem>>
    %dma_wait3A_1578 = arith.constant 8 : i32
    %dma_wait3A_1579 = tpu.memref_slice %arg3[%add3A_6, %dma_wait3A_1578, %multiple_of3A_452] : memref<32x16x100000xf32, #tpu.memory_space<hbm>> -> memref<1x8x128xf32, #tpu.memory_space<hbm>>
    %dma_wait3A_1580 = tpu.memref_squeeze %dma_wait3A_1579 : memref<1x8x128xf32, #tpu.memory_space<hbm>> -> memref<8x128xf32, #tpu.memory_space<hbm>>
    tpu.wait_dma2 semaphore(%arg16 : memref<!tpu.dma_semaphore, #tpu.memory_space<semaphore_mem>>) src(%dma_wait3A_1580 : memref<8x128xf32, #tpu.memory_space<hbm>>) dst(%dma_wait3A_1577 : memref<8x128xf32, #tpu.memory_space<vmem>>)
    %dma_wait3A_1581 = arith.constant 13 : i32
    %dma_wait3A_1582 = arith.constant 0 : i32
    %dma_wait3A_1583 = arith.constant 0 : i32
    %dma_wait3A_1584 = tpu.memref_slice %arg9[%dma_wait3A_1581, %dma_wait3A_1582, %dma_wait3A_1583] : memref<32x8x128xf32, #tpu.memory_space<vmem>> -> memref<1x8x128xf32, #tpu.memory_space<vmem>>
    %dma_wait3A_1585 = tpu.memref_squeeze %dma_wait3A_1584 : memref<1x8x128xf32, #tpu.memory_space<vmem>> -> memref<8x128xf32, #tpu.memory_space<vmem>>
    %dma_wait3A_1586 = arith.constant 8 : i32
    %dma_wait3A_1587 = tpu.memref_slice %arg2[%add3A_6, %dma_wait3A_1586, %multiple_of3A_489] : memref<32x16x100000xf32, #tpu.memory_space<hbm>> -> memref<1x8x128xf32, #tpu.memory_space<hbm>>
    %dma_wait3A_1588 = tpu.memref_squeeze %dma_wait3A_1587 : memref<1x8x128xf32, #tpu.memory_space<hbm>> -> memref<8x128xf32, #tpu.memory_space<hbm>>
    %dma_wait3A_1589 = arith.constant 0 : i32
    %dma_wait3A_1590 = arith.constant 0 : i32
    %dma_wait3A_1591 = tpu.memref_slice %arg9[%dma_wait3A_1581, %dma_wait3A_1589, %dma_wait3A_1590] : memref<32x8x128xf32, #tpu.memory_space<vmem>> -> memref<1x8x128xf32, #tpu.memory_space<vmem>>
    %dma_wait3A_1592 = tpu.memref_squeeze %dma_wait3A_1591 : memref<1x8x128xf32, #tpu.memory_space<vmem>> -> memref<8x128xf32, #tpu.memory_space<vmem>>
    %dma_wait3A_1593 = arith.constant 8 : i32
    %dma_wait3A_1594 = tpu.memref_slice %arg2[%add3A_6, %dma_wait3A_1593, %multiple_of3A_489] : memref<32x16x100000xf32, #tpu.memory_space<hbm>> -> memref<1x8x128xf32, #tpu.memory_space<hbm>>
    %dma_wait3A_1595 = tpu.memref_squeeze %dma_wait3A_1594 : memref<1x8x128xf32, #tpu.memory_space<hbm>> -> memref<8x128xf32, #tpu.memory_space<hbm>>
    tpu.wait_dma2 semaphore(%arg15 : memref<!tpu.dma_semaphore, #tpu.memory_space<semaphore_mem>>) src(%dma_wait3A_1595 : memref<8x128xf32, #tpu.memory_space<hbm>>) dst(%dma_wait3A_1592 : memref<8x128xf32, #tpu.memory_space<vmem>>)
    %dma_wait3A_1596 = arith.constant 13 : i32
    %dma_wait3A_1597 = arith.constant 0 : i32
    %dma_wait3A_1598 = arith.constant 0 : i32
    %dma_wait3A_1599 = tpu.memref_slice %arg10[%dma_wait3A_1596, %dma_wait3A_1597, %dma_wait3A_1598] : memref<32x8x128xf32, #tpu.memory_space<vmem>> -> memref<1x8x128xf32, #tpu.memory_space<vmem>>
    %dma_wait3A_1600 = tpu.memref_squeeze %dma_wait3A_1599 : memref<1x8x128xf32, #tpu.memory_space<vmem>> -> memref<8x128xf32, #tpu.memory_space<vmem>>
    %dma_wait3A_1601 = arith.constant 8 : i32
    %dma_wait3A_1602 = tpu.memref_slice %arg3[%add3A_6, %dma_wait3A_1601, %multiple_of3A_489] : memref<32x16x100000xf32, #tpu.memory_space<hbm>> -> memref<1x8x128xf32, #tpu.memory_space<hbm>>
    %dma_wait3A_1603 = tpu.memref_squeeze %dma_wait3A_1602 : memref<1x8x128xf32, #tpu.memory_space<hbm>> -> memref<8x128xf32, #tpu.memory_space<hbm>>
    %dma_wait3A_1604 = arith.constant 0 : i32
    %dma_wait3A_1605 = arith.constant 0 : i32
    %dma_wait3A_1606 = tpu.memref_slice %arg10[%dma_wait3A_1596, %dma_wait3A_1604, %dma_wait3A_1605] : memref<32x8x128xf32, #tpu.memory_space<vmem>> -> memref<1x8x128xf32, #tpu.memory_space<vmem>>
    %dma_wait3A_1607 = tpu.memref_squeeze %dma_wait3A_1606 : memref<1x8x128xf32, #tpu.memory_space<vmem>> -> memref<8x128xf32, #tpu.memory_space<vmem>>
    %dma_wait3A_1608 = arith.constant 8 : i32
    %dma_wait3A_1609 = tpu.memref_slice %arg3[%add3A_6, %dma_wait3A_1608, %multiple_of3A_489] : memref<32x16x100000xf32, #tpu.memory_space<hbm>> -> memref<1x8x128xf32, #tpu.memory_space<hbm>>
    %dma_wait3A_1610 = tpu.memref_squeeze %dma_wait3A_1609 : memref<1x8x128xf32, #tpu.memory_space<hbm>> -> memref<8x128xf32, #tpu.memory_space<hbm>>
    tpu.wait_dma2 semaphore(%arg16 : memref<!tpu.dma_semaphore, #tpu.memory_space<semaphore_mem>>) src(%dma_wait3A_1610 : memref<8x128xf32, #tpu.memory_space<hbm>>) dst(%dma_wait3A_1607 : memref<8x128xf32, #tpu.memory_space<vmem>>)
    %dma_wait3A_1611 = arith.constant 14 : i32
    %dma_wait3A_1612 = arith.constant 0 : i32
    %dma_wait3A_1613 = arith.constant 0 : i32
    %dma_wait3A_1614 = tpu.memref_slice %arg9[%dma_wait3A_1611, %dma_wait3A_1612, %dma_wait3A_1613] : memref<32x8x128xf32, #tpu.memory_space<vmem>> -> memref<1x8x128xf32, #tpu.memory_space<vmem>>
    %dma_wait3A_1615 = tpu.memref_squeeze %dma_wait3A_1614 : memref<1x8x128xf32, #tpu.memory_space<vmem>> -> memref<8x128xf32, #tpu.memory_space<vmem>>
    %dma_wait3A_1616 = arith.constant 8 : i32
    %dma_wait3A_1617 = tpu.memref_slice %arg2[%add3A_6, %dma_wait3A_1616, %multiple_of3A_526] : memref<32x16x100000xf32, #tpu.memory_space<hbm>> -> memref<1x8x128xf32, #tpu.memory_space<hbm>>
    %dma_wait3A_1618 = tpu.memref_squeeze %dma_wait3A_1617 : memref<1x8x128xf32, #tpu.memory_space<hbm>> -> memref<8x128xf32, #tpu.memory_space<hbm>>
    %dma_wait3A_1619 = arith.constant 0 : i32
    %dma_wait3A_1620 = arith.constant 0 : i32
    %dma_wait3A_1621 = tpu.memref_slice %arg9[%dma_wait3A_1611, %dma_wait3A_1619, %dma_wait3A_1620] : memref<32x8x128xf32, #tpu.memory_space<vmem>> -> memref<1x8x128xf32, #tpu.memory_space<vmem>>
    %dma_wait3A_1622 = tpu.memref_squeeze %dma_wait3A_1621 : memref<1x8x128xf32, #tpu.memory_space<vmem>> -> memref<8x128xf32, #tpu.memory_space<vmem>>
    %dma_wait3A_1623 = arith.constant 8 : i32
    %dma_wait3A_1624 = tpu.memref_slice %arg2[%add3A_6, %dma_wait3A_1623, %multiple_of3A_526] : memref<32x16x100000xf32, #tpu.memory_space<hbm>> -> memref<1x8x128xf32, #tpu.memory_space<hbm>>
    %dma_wait3A_1625 = tpu.memref_squeeze %dma_wait3A_1624 : memref<1x8x128xf32, #tpu.memory_space<hbm>> -> memref<8x128xf32, #tpu.memory_space<hbm>>
    tpu.wait_dma2 semaphore(%arg15 : memref<!tpu.dma_semaphore, #tpu.memory_space<semaphore_mem>>) src(%dma_wait3A_1625 : memref<8x128xf32, #tpu.memory_space<hbm>>) dst(%dma_wait3A_1622 : memref<8x128xf32, #tpu.memory_space<vmem>>)
    %dma_wait3A_1626 = arith.constant 14 : i32
    %dma_wait3A_1627 = arith.constant 0 : i32
    %dma_wait3A_1628 = arith.constant 0 : i32
    %dma_wait3A_1629 = tpu.memref_slice %arg10[%dma_wait3A_1626, %dma_wait3A_1627, %dma_wait3A_1628] : memref<32x8x128xf32, #tpu.memory_space<vmem>> -> memref<1x8x128xf32, #tpu.memory_space<vmem>>
    %dma_wait3A_1630 = tpu.memref_squeeze %dma_wait3A_1629 : memref<1x8x128xf32, #tpu.memory_space<vmem>> -> memref<8x128xf32, #tpu.memory_space<vmem>>
    %dma_wait3A_1631 = arith.constant 8 : i32
    %dma_wait3A_1632 = tpu.memref_slice %arg3[%add3A_6, %dma_wait3A_1631, %multiple_of3A_526] : memref<32x16x100000xf32, #tpu.memory_space<hbm>> -> memref<1x8x128xf32, #tpu.memory_space<hbm>>
    %dma_wait3A_1633 = tpu.memref_squeeze %dma_wait3A_1632 : memref<1x8x128xf32, #tpu.memory_space<hbm>> -> memref<8x128xf32, #tpu.memory_space<hbm>>
    %dma_wait3A_1634 = arith.constant 0 : i32
    %dma_wait3A_1635 = arith.constant 0 : i32
    %dma_wait3A_1636 = tpu.memref_slice %arg10[%dma_wait3A_1626, %dma_wait3A_1634, %dma_wait3A_1635] : memref<32x8x128xf32, #tpu.memory_space<vmem>> -> memref<1x8x128xf32, #tpu.memory_space<vmem>>
    %dma_wait3A_1637 = tpu.memref_squeeze %dma_wait3A_1636 : memref<1x8x128xf32, #tpu.memory_space<vmem>> -> memref<8x128xf32, #tpu.memory_space<vmem>>
    %dma_wait3A_1638 = arith.constant 8 : i32
    %dma_wait3A_1639 = tpu.memref_slice %arg3[%add3A_6, %dma_wait3A_1638, %multiple_of3A_526] : memref<32x16x100000xf32, #tpu.memory_space<hbm>> -> memref<1x8x128xf32, #tpu.memory_space<hbm>>
    %dma_wait3A_1640 = tpu.memref_squeeze %dma_wait3A_1639 : memref<1x8x128xf32, #tpu.memory_space<hbm>> -> memref<8x128xf32, #tpu.memory_space<hbm>>
    tpu.wait_dma2 semaphore(%arg16 : memref<!tpu.dma_semaphore, #tpu.memory_space<semaphore_mem>>) src(%dma_wait3A_1640 : memref<8x128xf32, #tpu.memory_space<hbm>>) dst(%dma_wait3A_1637 : memref<8x128xf32, #tpu.memory_space<vmem>>)
    %dma_wait3A_1641 = arith.constant 15 : i32
    %dma_wait3A_1642 = arith.constant 0 : i32
    %dma_wait3A_1643 = arith.constant 0 : i32
    %dma_wait3A_1644 = tpu.memref_slice %arg9[%dma_wait3A_1641, %dma_wait3A_1642, %dma_wait3A_1643] : memref<32x8x128xf32, #tpu.memory_space<vmem>> -> memref<1x8x128xf32, #tpu.memory_space<vmem>>
    %dma_wait3A_1645 = tpu.memref_squeeze %dma_wait3A_1644 : memref<1x8x128xf32, #tpu.memory_space<vmem>> -> memref<8x128xf32, #tpu.memory_space<vmem>>
    %dma_wait3A_1646 = arith.constant 8 : i32
    %dma_wait3A_1647 = tpu.memref_slice %arg2[%add3A_6, %dma_wait3A_1646, %multiple_of3A_563] : memref<32x16x100000xf32, #tpu.memory_space<hbm>> -> memref<1x8x128xf32, #tpu.memory_space<hbm>>
    %dma_wait3A_1648 = tpu.memref_squeeze %dma_wait3A_1647 : memref<1x8x128xf32, #tpu.memory_space<hbm>> -> memref<8x128xf32, #tpu.memory_space<hbm>>
    %dma_wait3A_1649 = arith.constant 0 : i32
    %dma_wait3A_1650 = arith.constant 0 : i32
    %dma_wait3A_1651 = tpu.memref_slice %arg9[%dma_wait3A_1641, %dma_wait3A_1649, %dma_wait3A_1650] : memref<32x8x128xf32, #tpu.memory_space<vmem>> -> memref<1x8x128xf32, #tpu.memory_space<vmem>>
    %dma_wait3A_1652 = tpu.memref_squeeze %dma_wait3A_1651 : memref<1x8x128xf32, #tpu.memory_space<vmem>> -> memref<8x128xf32, #tpu.memory_space<vmem>>
    %dma_wait3A_1653 = arith.constant 8 : i32
    %dma_wait3A_1654 = tpu.memref_slice %arg2[%add3A_6, %dma_wait3A_1653, %multiple_of3A_563] : memref<32x16x100000xf32, #tpu.memory_space<hbm>> -> memref<1x8x128xf32, #tpu.memory_space<hbm>>
    %dma_wait3A_1655 = tpu.memref_squeeze %dma_wait3A_1654 : memref<1x8x128xf32, #tpu.memory_space<hbm>> -> memref<8x128xf32, #tpu.memory_space<hbm>>
    tpu.wait_dma2 semaphore(%arg15 : memref<!tpu.dma_semaphore, #tpu.memory_space<semaphore_mem>>) src(%dma_wait3A_1655 : memref<8x128xf32, #tpu.memory_space<hbm>>) dst(%dma_wait3A_1652 : memref<8x128xf32, #tpu.memory_space<vmem>>)
    %dma_wait3A_1656 = arith.constant 15 : i32
    %dma_wait3A_1657 = arith.constant 0 : i32
    %dma_wait3A_1658 = arith.constant 0 : i32
    %dma_wait3A_1659 = tpu.memref_slice %arg10[%dma_wait3A_1656, %dma_wait3A_1657, %dma_wait3A_1658] : memref<32x8x128xf32, #tpu.memory_space<vmem>> -> memref<1x8x128xf32, #tpu.memory_space<vmem>>
    %dma_wait3A_1660 = tpu.memref_squeeze %dma_wait3A_1659 : memref<1x8x128xf32, #tpu.memory_space<vmem>> -> memref<8x128xf32, #tpu.memory_space<vmem>>
    %dma_wait3A_1661 = arith.constant 8 : i32
    %dma_wait3A_1662 = tpu.memref_slice %arg3[%add3A_6, %dma_wait3A_1661, %multiple_of3A_563] : memref<32x16x100000xf32, #tpu.memory_space<hbm>> -> memref<1x8x128xf32, #tpu.memory_space<hbm>>
    %dma_wait3A_1663 = tpu.memref_squeeze %dma_wait3A_1662 : memref<1x8x128xf32, #tpu.memory_space<hbm>> -> memref<8x128xf32, #tpu.memory_space<hbm>>
    %dma_wait3A_1664 = arith.constant 0 : i32
    %dma_wait3A_1665 = arith.constant 0 : i32
    %dma_wait3A_1666 = tpu.memref_slice %arg10[%dma_wait3A_1656, %dma_wait3A_1664, %dma_wait3A_1665] : memref<32x8x128xf32, #tpu.memory_space<vmem>> -> memref<1x8x128xf32, #tpu.memory_space<vmem>>
    %dma_wait3A_1667 = tpu.memref_squeeze %dma_wait3A_1666 : memref<1x8x128xf32, #tpu.memory_space<vmem>> -> memref<8x128xf32, #tpu.memory_space<vmem>>
    %dma_wait3A_1668 = arith.constant 8 : i32
    %dma_wait3A_1669 = tpu.memref_slice %arg3[%add3A_6, %dma_wait3A_1668, %multiple_of3A_563] : memref<32x16x100000xf32, #tpu.memory_space<hbm>> -> memref<1x8x128xf32, #tpu.memory_space<hbm>>
    %dma_wait3A_1670 = tpu.memref_squeeze %dma_wait3A_1669 : memref<1x8x128xf32, #tpu.memory_space<hbm>> -> memref<8x128xf32, #tpu.memory_space<hbm>>
    tpu.wait_dma2 semaphore(%arg16 : memref<!tpu.dma_semaphore, #tpu.memory_space<semaphore_mem>>) src(%dma_wait3A_1670 : memref<8x128xf32, #tpu.memory_space<hbm>>) dst(%dma_wait3A_1667 : memref<8x128xf32, #tpu.memory_space<vmem>>)
    %dma_wait3A_1671 = arith.constant 16 : i32
    %dma_wait3A_1672 = arith.constant 0 : i32
    %dma_wait3A_1673 = arith.constant 0 : i32
    %dma_wait3A_1674 = tpu.memref_slice %arg9[%dma_wait3A_1671, %dma_wait3A_1672, %dma_wait3A_1673] : memref<32x8x128xf32, #tpu.memory_space<vmem>> -> memref<1x8x128xf32, #tpu.memory_space<vmem>>
    %dma_wait3A_1675 = tpu.memref_squeeze %dma_wait3A_1674 : memref<1x8x128xf32, #tpu.memory_space<vmem>> -> memref<8x128xf32, #tpu.memory_space<vmem>>
    %dma_wait3A_1676 = arith.constant 0 : i32
    %dma_wait3A_1677 = tpu.memref_slice %arg2[%add3A_597, %dma_wait3A_1676, %multiple_of3A_606] : memref<32x16x100000xf32, #tpu.memory_space<hbm>> -> memref<1x8x128xf32, #tpu.memory_space<hbm>>
    %dma_wait3A_1678 = tpu.memref_squeeze %dma_wait3A_1677 : memref<1x8x128xf32, #tpu.memory_space<hbm>> -> memref<8x128xf32, #tpu.memory_space<hbm>>
    %dma_wait3A_1679 = arith.constant 0 : i32
    %dma_wait3A_1680 = arith.constant 0 : i32
    %dma_wait3A_1681 = tpu.memref_slice %arg9[%dma_wait3A_1671, %dma_wait3A_1679, %dma_wait3A_1680] : memref<32x8x128xf32, #tpu.memory_space<vmem>> -> memref<1x8x128xf32, #tpu.memory_space<vmem>>
    %dma_wait3A_1682 = tpu.memref_squeeze %dma_wait3A_1681 : memref<1x8x128xf32, #tpu.memory_space<vmem>> -> memref<8x128xf32, #tpu.memory_space<vmem>>
    %dma_wait3A_1683 = arith.constant 0 : i32
    %dma_wait3A_1684 = tpu.memref_slice %arg2[%add3A_597, %dma_wait3A_1683, %multiple_of3A_606] : memref<32x16x100000xf32, #tpu.memory_space<hbm>> -> memref<1x8x128xf32, #tpu.memory_space<hbm>>
    %dma_wait3A_1685 = tpu.memref_squeeze %dma_wait3A_1684 : memref<1x8x128xf32, #tpu.memory_space<hbm>> -> memref<8x128xf32, #tpu.memory_space<hbm>>
    tpu.wait_dma2 semaphore(%arg15 : memref<!tpu.dma_semaphore, #tpu.memory_space<semaphore_mem>>) src(%dma_wait3A_1685 : memref<8x128xf32, #tpu.memory_space<hbm>>) dst(%dma_wait3A_1682 : memref<8x128xf32, #tpu.memory_space<vmem>>)
    %dma_wait3A_1686 = arith.constant 16 : i32
    %dma_wait3A_1687 = arith.constant 0 : i32
    %dma_wait3A_1688 = arith.constant 0 : i32
    %dma_wait3A_1689 = tpu.memref_slice %arg10[%dma_wait3A_1686, %dma_wait3A_1687, %dma_wait3A_1688] : memref<32x8x128xf32, #tpu.memory_space<vmem>> -> memref<1x8x128xf32, #tpu.memory_space<vmem>>
    %dma_wait3A_1690 = tpu.memref_squeeze %dma_wait3A_1689 : memref<1x8x128xf32, #tpu.memory_space<vmem>> -> memref<8x128xf32, #tpu.memory_space<vmem>>
    %dma_wait3A_1691 = arith.constant 0 : i32
    %dma_wait3A_1692 = tpu.memref_slice %arg3[%add3A_597, %dma_wait3A_1691, %multiple_of3A_606] : memref<32x16x100000xf32, #tpu.memory_space<hbm>> -> memref<1x8x128xf32, #tpu.memory_space<hbm>>
    %dma_wait3A_1693 = tpu.memref_squeeze %dma_wait3A_1692 : memref<1x8x128xf32, #tpu.memory_space<hbm>> -> memref<8x128xf32, #tpu.memory_space<hbm>>
    %dma_wait3A_1694 = arith.constant 0 : i32
    %dma_wait3A_1695 = arith.constant 0 : i32
    %dma_wait3A_1696 = tpu.memref_slice %arg10[%dma_wait3A_1686, %dma_wait3A_1694, %dma_wait3A_1695] : memref<32x8x128xf32, #tpu.memory_space<vmem>> -> memref<1x8x128xf32, #tpu.memory_space<vmem>>
    %dma_wait3A_1697 = tpu.memref_squeeze %dma_wait3A_1696 : memref<1x8x128xf32, #tpu.memory_space<vmem>> -> memref<8x128xf32, #tpu.memory_space<vmem>>
    %dma_wait3A_1698 = arith.constant 0 : i32
    %dma_wait3A_1699 = tpu.memref_slice %arg3[%add3A_597, %dma_wait3A_1698, %multiple_of3A_606] : memref<32x16x100000xf32, #tpu.memory_space<hbm>> -> memref<1x8x128xf32, #tpu.memory_space<hbm>>
    %dma_wait3A_1700 = tpu.memref_squeeze %dma_wait3A_1699 : memref<1x8x128xf32, #tpu.memory_space<hbm>> -> memref<8x128xf32, #tpu.memory_space<hbm>>
    tpu.wait_dma2 semaphore(%arg16 : memref<!tpu.dma_semaphore, #tpu.memory_space<semaphore_mem>>) src(%dma_wait3A_1700 : memref<8x128xf32, #tpu.memory_space<hbm>>) dst(%dma_wait3A_1697 : memref<8x128xf32, #tpu.memory_space<vmem>>)
    %dma_wait3A_1701 = arith.constant 17 : i32
    %dma_wait3A_1702 = arith.constant 0 : i32
    %dma_wait3A_1703 = arith.constant 0 : i32
    %dma_wait3A_1704 = tpu.memref_slice %arg9[%dma_wait3A_1701, %dma_wait3A_1702, %dma_wait3A_1703] : memref<32x8x128xf32, #tpu.memory_space<vmem>> -> memref<1x8x128xf32, #tpu.memory_space<vmem>>
    %dma_wait3A_1705 = tpu.memref_squeeze %dma_wait3A_1704 : memref<1x8x128xf32, #tpu.memory_space<vmem>> -> memref<8x128xf32, #tpu.memory_space<vmem>>
    %dma_wait3A_1706 = arith.constant 0 : i32
    %dma_wait3A_1707 = tpu.memref_slice %arg2[%add3A_597, %dma_wait3A_1706, %multiple_of3A_643] : memref<32x16x100000xf32, #tpu.memory_space<hbm>> -> memref<1x8x128xf32, #tpu.memory_space<hbm>>
    %dma_wait3A_1708 = tpu.memref_squeeze %dma_wait3A_1707 : memref<1x8x128xf32, #tpu.memory_space<hbm>> -> memref<8x128xf32, #tpu.memory_space<hbm>>
    %dma_wait3A_1709 = arith.constant 0 : i32
    %dma_wait3A_1710 = arith.constant 0 : i32
    %dma_wait3A_1711 = tpu.memref_slice %arg9[%dma_wait3A_1701, %dma_wait3A_1709, %dma_wait3A_1710] : memref<32x8x128xf32, #tpu.memory_space<vmem>> -> memref<1x8x128xf32, #tpu.memory_space<vmem>>
    %dma_wait3A_1712 = tpu.memref_squeeze %dma_wait3A_1711 : memref<1x8x128xf32, #tpu.memory_space<vmem>> -> memref<8x128xf32, #tpu.memory_space<vmem>>
    %dma_wait3A_1713 = arith.constant 0 : i32
    %dma_wait3A_1714 = tpu.memref_slice %arg2[%add3A_597, %dma_wait3A_1713, %multiple_of3A_643] : memref<32x16x100000xf32, #tpu.memory_space<hbm>> -> memref<1x8x128xf32, #tpu.memory_space<hbm>>
    %dma_wait3A_1715 = tpu.memref_squeeze %dma_wait3A_1714 : memref<1x8x128xf32, #tpu.memory_space<hbm>> -> memref<8x128xf32, #tpu.memory_space<hbm>>
    tpu.wait_dma2 semaphore(%arg15 : memref<!tpu.dma_semaphore, #tpu.memory_space<semaphore_mem>>) src(%dma_wait3A_1715 : memref<8x128xf32, #tpu.memory_space<hbm>>) dst(%dma_wait3A_1712 : memref<8x128xf32, #tpu.memory_space<vmem>>)
    %dma_wait3A_1716 = arith.constant 17 : i32
    %dma_wait3A_1717 = arith.constant 0 : i32
    %dma_wait3A_1718 = arith.constant 0 : i32
    %dma_wait3A_1719 = tpu.memref_slice %arg10[%dma_wait3A_1716, %dma_wait3A_1717, %dma_wait3A_1718] : memref<32x8x128xf32, #tpu.memory_space<vmem>> -> memref<1x8x128xf32, #tpu.memory_space<vmem>>
    %dma_wait3A_1720 = tpu.memref_squeeze %dma_wait3A_1719 : memref<1x8x128xf32, #tpu.memory_space<vmem>> -> memref<8x128xf32, #tpu.memory_space<vmem>>
    %dma_wait3A_1721 = arith.constant 0 : i32
    %dma_wait3A_1722 = tpu.memref_slice %arg3[%add3A_597, %dma_wait3A_1721, %multiple_of3A_643] : memref<32x16x100000xf32, #tpu.memory_space<hbm>> -> memref<1x8x128xf32, #tpu.memory_space<hbm>>
    %dma_wait3A_1723 = tpu.memref_squeeze %dma_wait3A_1722 : memref<1x8x128xf32, #tpu.memory_space<hbm>> -> memref<8x128xf32, #tpu.memory_space<hbm>>
    %dma_wait3A_1724 = arith.constant 0 : i32
    %dma_wait3A_1725 = arith.constant 0 : i32
    %dma_wait3A_1726 = tpu.memref_slice %arg10[%dma_wait3A_1716, %dma_wait3A_1724, %dma_wait3A_1725] : memref<32x8x128xf32, #tpu.memory_space<vmem>> -> memref<1x8x128xf32, #tpu.memory_space<vmem>>
    %dma_wait3A_1727 = tpu.memref_squeeze %dma_wait3A_1726 : memref<1x8x128xf32, #tpu.memory_space<vmem>> -> memref<8x128xf32, #tpu.memory_space<vmem>>
    %dma_wait3A_1728 = arith.constant 0 : i32
    %dma_wait3A_1729 = tpu.memref_slice %arg3[%add3A_597, %dma_wait3A_1728, %multiple_of3A_643] : memref<32x16x100000xf32, #tpu.memory_space<hbm>> -> memref<1x8x128xf32, #tpu.memory_space<hbm>>
    %dma_wait3A_1730 = tpu.memref_squeeze %dma_wait3A_1729 : memref<1x8x128xf32, #tpu.memory_space<hbm>> -> memref<8x128xf32, #tpu.memory_space<hbm>>
    tpu.wait_dma2 semaphore(%arg16 : memref<!tpu.dma_semaphore, #tpu.memory_space<semaphore_mem>>) src(%dma_wait3A_1730 : memref<8x128xf32, #tpu.memory_space<hbm>>) dst(%dma_wait3A_1727 : memref<8x128xf32, #tpu.memory_space<vmem>>)
    %dma_wait3A_1731 = arith.constant 18 : i32
    %dma_wait3A_1732 = arith.constant 0 : i32
    %dma_wait3A_1733 = arith.constant 0 : i32
    %dma_wait3A_1734 = tpu.memref_slice %arg9[%dma_wait3A_1731, %dma_wait3A_1732, %dma_wait3A_1733] : memref<32x8x128xf32, #tpu.memory_space<vmem>> -> memref<1x8x128xf32, #tpu.memory_space<vmem>>
    %dma_wait3A_1735 = tpu.memref_squeeze %dma_wait3A_1734 : memref<1x8x128xf32, #tpu.memory_space<vmem>> -> memref<8x128xf32, #tpu.memory_space<vmem>>
    %dma_wait3A_1736 = arith.constant 0 : i32
    %dma_wait3A_1737 = tpu.memref_slice %arg2[%add3A_597, %dma_wait3A_1736, %multiple_of3A_680] : memref<32x16x100000xf32, #tpu.memory_space<hbm>> -> memref<1x8x128xf32, #tpu.memory_space<hbm>>
    %dma_wait3A_1738 = tpu.memref_squeeze %dma_wait3A_1737 : memref<1x8x128xf32, #tpu.memory_space<hbm>> -> memref<8x128xf32, #tpu.memory_space<hbm>>
    %dma_wait3A_1739 = arith.constant 0 : i32
    %dma_wait3A_1740 = arith.constant 0 : i32
    %dma_wait3A_1741 = tpu.memref_slice %arg9[%dma_wait3A_1731, %dma_wait3A_1739, %dma_wait3A_1740] : memref<32x8x128xf32, #tpu.memory_space<vmem>> -> memref<1x8x128xf32, #tpu.memory_space<vmem>>
    %dma_wait3A_1742 = tpu.memref_squeeze %dma_wait3A_1741 : memref<1x8x128xf32, #tpu.memory_space<vmem>> -> memref<8x128xf32, #tpu.memory_space<vmem>>
    %dma_wait3A_1743 = arith.constant 0 : i32
    %dma_wait3A_1744 = tpu.memref_slice %arg2[%add3A_597, %dma_wait3A_1743, %multiple_of3A_680] : memref<32x16x100000xf32, #tpu.memory_space<hbm>> -> memref<1x8x128xf32, #tpu.memory_space<hbm>>
    %dma_wait3A_1745 = tpu.memref_squeeze %dma_wait3A_1744 : memref<1x8x128xf32, #tpu.memory_space<hbm>> -> memref<8x128xf32, #tpu.memory_space<hbm>>
    tpu.wait_dma2 semaphore(%arg15 : memref<!tpu.dma_semaphore, #tpu.memory_space<semaphore_mem>>) src(%dma_wait3A_1745 : memref<8x128xf32, #tpu.memory_space<hbm>>) dst(%dma_wait3A_1742 : memref<8x128xf32, #tpu.memory_space<vmem>>)
    %dma_wait3A_1746 = arith.constant 18 : i32
    %dma_wait3A_1747 = arith.constant 0 : i32
    %dma_wait3A_1748 = arith.constant 0 : i32
    %dma_wait3A_1749 = tpu.memref_slice %arg10[%dma_wait3A_1746, %dma_wait3A_1747, %dma_wait3A_1748] : memref<32x8x128xf32, #tpu.memory_space<vmem>> -> memref<1x8x128xf32, #tpu.memory_space<vmem>>
    %dma_wait3A_1750 = tpu.memref_squeeze %dma_wait3A_1749 : memref<1x8x128xf32, #tpu.memory_space<vmem>> -> memref<8x128xf32, #tpu.memory_space<vmem>>
    %dma_wait3A_1751 = arith.constant 0 : i32
    %dma_wait3A_1752 = tpu.memref_slice %arg3[%add3A_597, %dma_wait3A_1751, %multiple_of3A_680] : memref<32x16x100000xf32, #tpu.memory_space<hbm>> -> memref<1x8x128xf32, #tpu.memory_space<hbm>>
    %dma_wait3A_1753 = tpu.memref_squeeze %dma_wait3A_1752 : memref<1x8x128xf32, #tpu.memory_space<hbm>> -> memref<8x128xf32, #tpu.memory_space<hbm>>
    %dma_wait3A_1754 = arith.constant 0 : i32
    %dma_wait3A_1755 = arith.constant 0 : i32
    %dma_wait3A_1756 = tpu.memref_slice %arg10[%dma_wait3A_1746, %dma_wait3A_1754, %dma_wait3A_1755] : memref<32x8x128xf32, #tpu.memory_space<vmem>> -> memref<1x8x128xf32, #tpu.memory_space<vmem>>
    %dma_wait3A_1757 = tpu.memref_squeeze %dma_wait3A_1756 : memref<1x8x128xf32, #tpu.memory_space<vmem>> -> memref<8x128xf32, #tpu.memory_space<vmem>>
    %dma_wait3A_1758 = arith.constant 0 : i32
    %dma_wait3A_1759 = tpu.memref_slice %arg3[%add3A_597, %dma_wait3A_1758, %multiple_of3A_680] : memref<32x16x100000xf32, #tpu.memory_space<hbm>> -> memref<1x8x128xf32, #tpu.memory_space<hbm>>
    %dma_wait3A_1760 = tpu.memref_squeeze %dma_wait3A_1759 : memref<1x8x128xf32, #tpu.memory_space<hbm>> -> memref<8x128xf32, #tpu.memory_space<hbm>>
    tpu.wait_dma2 semaphore(%arg16 : memref<!tpu.dma_semaphore, #tpu.memory_space<semaphore_mem>>) src(%dma_wait3A_1760 : memref<8x128xf32, #tpu.memory_space<hbm>>) dst(%dma_wait3A_1757 : memref<8x128xf32, #tpu.memory_space<vmem>>)
    %dma_wait3A_1761 = arith.constant 19 : i32
    %dma_wait3A_1762 = arith.constant 0 : i32
    %dma_wait3A_1763 = arith.constant 0 : i32
    %dma_wait3A_1764 = tpu.memref_slice %arg9[%dma_wait3A_1761, %dma_wait3A_1762, %dma_wait3A_1763] : memref<32x8x128xf32, #tpu.memory_space<vmem>> -> memref<1x8x128xf32, #tpu.memory_space<vmem>>
    %dma_wait3A_1765 = tpu.memref_squeeze %dma_wait3A_1764 : memref<1x8x128xf32, #tpu.memory_space<vmem>> -> memref<8x128xf32, #tpu.memory_space<vmem>>
    %dma_wait3A_1766 = arith.constant 0 : i32
    %dma_wait3A_1767 = tpu.memref_slice %arg2[%add3A_597, %dma_wait3A_1766, %multiple_of3A_717] : memref<32x16x100000xf32, #tpu.memory_space<hbm>> -> memref<1x8x128xf32, #tpu.memory_space<hbm>>
    %dma_wait3A_1768 = tpu.memref_squeeze %dma_wait3A_1767 : memref<1x8x128xf32, #tpu.memory_space<hbm>> -> memref<8x128xf32, #tpu.memory_space<hbm>>
    %dma_wait3A_1769 = arith.constant 0 : i32
    %dma_wait3A_1770 = arith.constant 0 : i32
    %dma_wait3A_1771 = tpu.memref_slice %arg9[%dma_wait3A_1761, %dma_wait3A_1769, %dma_wait3A_1770] : memref<32x8x128xf32, #tpu.memory_space<vmem>> -> memref<1x8x128xf32, #tpu.memory_space<vmem>>
    %dma_wait3A_1772 = tpu.memref_squeeze %dma_wait3A_1771 : memref<1x8x128xf32, #tpu.memory_space<vmem>> -> memref<8x128xf32, #tpu.memory_space<vmem>>
    %dma_wait3A_1773 = arith.constant 0 : i32
    %dma_wait3A_1774 = tpu.memref_slice %arg2[%add3A_597, %dma_wait3A_1773, %multiple_of3A_717] : memref<32x16x100000xf32, #tpu.memory_space<hbm>> -> memref<1x8x128xf32, #tpu.memory_space<hbm>>
    %dma_wait3A_1775 = tpu.memref_squeeze %dma_wait3A_1774 : memref<1x8x128xf32, #tpu.memory_space<hbm>> -> memref<8x128xf32, #tpu.memory_space<hbm>>
    tpu.wait_dma2 semaphore(%arg15 : memref<!tpu.dma_semaphore, #tpu.memory_space<semaphore_mem>>) src(%dma_wait3A_1775 : memref<8x128xf32, #tpu.memory_space<hbm>>) dst(%dma_wait3A_1772 : memref<8x128xf32, #tpu.memory_space<vmem>>)
    %dma_wait3A_1776 = arith.constant 19 : i32
    %dma_wait3A_1777 = arith.constant 0 : i32
    %dma_wait3A_1778 = arith.constant 0 : i32
    %dma_wait3A_1779 = tpu.memref_slice %arg10[%dma_wait3A_1776, %dma_wait3A_1777, %dma_wait3A_1778] : memref<32x8x128xf32, #tpu.memory_space<vmem>> -> memref<1x8x128xf32, #tpu.memory_space<vmem>>
    %dma_wait3A_1780 = tpu.memref_squeeze %dma_wait3A_1779 : memref<1x8x128xf32, #tpu.memory_space<vmem>> -> memref<8x128xf32, #tpu.memory_space<vmem>>
    %dma_wait3A_1781 = arith.constant 0 : i32
    %dma_wait3A_1782 = tpu.memref_slice %arg3[%add3A_597, %dma_wait3A_1781, %multiple_of3A_717] : memref<32x16x100000xf32, #tpu.memory_space<hbm>> -> memref<1x8x128xf32, #tpu.memory_space<hbm>>
    %dma_wait3A_1783 = tpu.memref_squeeze %dma_wait3A_1782 : memref<1x8x128xf32, #tpu.memory_space<hbm>> -> memref<8x128xf32, #tpu.memory_space<hbm>>
    %dma_wait3A_1784 = arith.constant 0 : i32
    %dma_wait3A_1785 = arith.constant 0 : i32
    %dma_wait3A_1786 = tpu.memref_slice %arg10[%dma_wait3A_1776, %dma_wait3A_1784, %dma_wait3A_1785] : memref<32x8x128xf32, #tpu.memory_space<vmem>> -> memref<1x8x128xf32, #tpu.memory_space<vmem>>
    %dma_wait3A_1787 = tpu.memref_squeeze %dma_wait3A_1786 : memref<1x8x128xf32, #tpu.memory_space<vmem>> -> memref<8x128xf32, #tpu.memory_space<vmem>>
    %dma_wait3A_1788 = arith.constant 0 : i32
    %dma_wait3A_1789 = tpu.memref_slice %arg3[%add3A_597, %dma_wait3A_1788, %multiple_of3A_717] : memref<32x16x100000xf32, #tpu.memory_space<hbm>> -> memref<1x8x128xf32, #tpu.memory_space<hbm>>
    %dma_wait3A_1790 = tpu.memref_squeeze %dma_wait3A_1789 : memref<1x8x128xf32, #tpu.memory_space<hbm>> -> memref<8x128xf32, #tpu.memory_space<hbm>>
    tpu.wait_dma2 semaphore(%arg16 : memref<!tpu.dma_semaphore, #tpu.memory_space<semaphore_mem>>) src(%dma_wait3A_1790 : memref<8x128xf32, #tpu.memory_space<hbm>>) dst(%dma_wait3A_1787 : memref<8x128xf32, #tpu.memory_space<vmem>>)
    %dma_wait3A_1791 = arith.constant 20 : i32
    %dma_wait3A_1792 = arith.constant 0 : i32
    %dma_wait3A_1793 = arith.constant 0 : i32
    %dma_wait3A_1794 = tpu.memref_slice %arg9[%dma_wait3A_1791, %dma_wait3A_1792, %dma_wait3A_1793] : memref<32x8x128xf32, #tpu.memory_space<vmem>> -> memref<1x8x128xf32, #tpu.memory_space<vmem>>
    %dma_wait3A_1795 = tpu.memref_squeeze %dma_wait3A_1794 : memref<1x8x128xf32, #tpu.memory_space<vmem>> -> memref<8x128xf32, #tpu.memory_space<vmem>>
    %dma_wait3A_1796 = arith.constant 0 : i32
    %dma_wait3A_1797 = tpu.memref_slice %arg2[%add3A_597, %dma_wait3A_1796, %multiple_of3A_754] : memref<32x16x100000xf32, #tpu.memory_space<hbm>> -> memref<1x8x128xf32, #tpu.memory_space<hbm>>
    %dma_wait3A_1798 = tpu.memref_squeeze %dma_wait3A_1797 : memref<1x8x128xf32, #tpu.memory_space<hbm>> -> memref<8x128xf32, #tpu.memory_space<hbm>>
    %dma_wait3A_1799 = arith.constant 0 : i32
    %dma_wait3A_1800 = arith.constant 0 : i32
    %dma_wait3A_1801 = tpu.memref_slice %arg9[%dma_wait3A_1791, %dma_wait3A_1799, %dma_wait3A_1800] : memref<32x8x128xf32, #tpu.memory_space<vmem>> -> memref<1x8x128xf32, #tpu.memory_space<vmem>>
    %dma_wait3A_1802 = tpu.memref_squeeze %dma_wait3A_1801 : memref<1x8x128xf32, #tpu.memory_space<vmem>> -> memref<8x128xf32, #tpu.memory_space<vmem>>
    %dma_wait3A_1803 = arith.constant 0 : i32
    %dma_wait3A_1804 = tpu.memref_slice %arg2[%add3A_597, %dma_wait3A_1803, %multiple_of3A_754] : memref<32x16x100000xf32, #tpu.memory_space<hbm>> -> memref<1x8x128xf32, #tpu.memory_space<hbm>>
    %dma_wait3A_1805 = tpu.memref_squeeze %dma_wait3A_1804 : memref<1x8x128xf32, #tpu.memory_space<hbm>> -> memref<8x128xf32, #tpu.memory_space<hbm>>
    tpu.wait_dma2 semaphore(%arg15 : memref<!tpu.dma_semaphore, #tpu.memory_space<semaphore_mem>>) src(%dma_wait3A_1805 : memref<8x128xf32, #tpu.memory_space<hbm>>) dst(%dma_wait3A_1802 : memref<8x128xf32, #tpu.memory_space<vmem>>)
    %dma_wait3A_1806 = arith.constant 20 : i32
    %dma_wait3A_1807 = arith.constant 0 : i32
    %dma_wait3A_1808 = arith.constant 0 : i32
    %dma_wait3A_1809 = tpu.memref_slice %arg10[%dma_wait3A_1806, %dma_wait3A_1807, %dma_wait3A_1808] : memref<32x8x128xf32, #tpu.memory_space<vmem>> -> memref<1x8x128xf32, #tpu.memory_space<vmem>>
    %dma_wait3A_1810 = tpu.memref_squeeze %dma_wait3A_1809 : memref<1x8x128xf32, #tpu.memory_space<vmem>> -> memref<8x128xf32, #tpu.memory_space<vmem>>
    %dma_wait3A_1811 = arith.constant 0 : i32
    %dma_wait3A_1812 = tpu.memref_slice %arg3[%add3A_597, %dma_wait3A_1811, %multiple_of3A_754] : memref<32x16x100000xf32, #tpu.memory_space<hbm>> -> memref<1x8x128xf32, #tpu.memory_space<hbm>>
    %dma_wait3A_1813 = tpu.memref_squeeze %dma_wait3A_1812 : memref<1x8x128xf32, #tpu.memory_space<hbm>> -> memref<8x128xf32, #tpu.memory_space<hbm>>
    %dma_wait3A_1814 = arith.constant 0 : i32
    %dma_wait3A_1815 = arith.constant 0 : i32
    %dma_wait3A_1816 = tpu.memref_slice %arg10[%dma_wait3A_1806, %dma_wait3A_1814, %dma_wait3A_1815] : memref<32x8x128xf32, #tpu.memory_space<vmem>> -> memref<1x8x128xf32, #tpu.memory_space<vmem>>
    %dma_wait3A_1817 = tpu.memref_squeeze %dma_wait3A_1816 : memref<1x8x128xf32, #tpu.memory_space<vmem>> -> memref<8x128xf32, #tpu.memory_space<vmem>>
    %dma_wait3A_1818 = arith.constant 0 : i32
    %dma_wait3A_1819 = tpu.memref_slice %arg3[%add3A_597, %dma_wait3A_1818, %multiple_of3A_754] : memref<32x16x100000xf32, #tpu.memory_space<hbm>> -> memref<1x8x128xf32, #tpu.memory_space<hbm>>
    %dma_wait3A_1820 = tpu.memref_squeeze %dma_wait3A_1819 : memref<1x8x128xf32, #tpu.memory_space<hbm>> -> memref<8x128xf32, #tpu.memory_space<hbm>>
    tpu.wait_dma2 semaphore(%arg16 : memref<!tpu.dma_semaphore, #tpu.memory_space<semaphore_mem>>) src(%dma_wait3A_1820 : memref<8x128xf32, #tpu.memory_space<hbm>>) dst(%dma_wait3A_1817 : memref<8x128xf32, #tpu.memory_space<vmem>>)
    %dma_wait3A_1821 = arith.constant 21 : i32
    %dma_wait3A_1822 = arith.constant 0 : i32
    %dma_wait3A_1823 = arith.constant 0 : i32
    %dma_wait3A_1824 = tpu.memref_slice %arg9[%dma_wait3A_1821, %dma_wait3A_1822, %dma_wait3A_1823] : memref<32x8x128xf32, #tpu.memory_space<vmem>> -> memref<1x8x128xf32, #tpu.memory_space<vmem>>
    %dma_wait3A_1825 = tpu.memref_squeeze %dma_wait3A_1824 : memref<1x8x128xf32, #tpu.memory_space<vmem>> -> memref<8x128xf32, #tpu.memory_space<vmem>>
    %dma_wait3A_1826 = arith.constant 0 : i32
    %dma_wait3A_1827 = tpu.memref_slice %arg2[%add3A_597, %dma_wait3A_1826, %multiple_of3A_791] : memref<32x16x100000xf32, #tpu.memory_space<hbm>> -> memref<1x8x128xf32, #tpu.memory_space<hbm>>
    %dma_wait3A_1828 = tpu.memref_squeeze %dma_wait3A_1827 : memref<1x8x128xf32, #tpu.memory_space<hbm>> -> memref<8x128xf32, #tpu.memory_space<hbm>>
    %dma_wait3A_1829 = arith.constant 0 : i32
    %dma_wait3A_1830 = arith.constant 0 : i32
    %dma_wait3A_1831 = tpu.memref_slice %arg9[%dma_wait3A_1821, %dma_wait3A_1829, %dma_wait3A_1830] : memref<32x8x128xf32, #tpu.memory_space<vmem>> -> memref<1x8x128xf32, #tpu.memory_space<vmem>>
    %dma_wait3A_1832 = tpu.memref_squeeze %dma_wait3A_1831 : memref<1x8x128xf32, #tpu.memory_space<vmem>> -> memref<8x128xf32, #tpu.memory_space<vmem>>
    %dma_wait3A_1833 = arith.constant 0 : i32
    %dma_wait3A_1834 = tpu.memref_slice %arg2[%add3A_597, %dma_wait3A_1833, %multiple_of3A_791] : memref<32x16x100000xf32, #tpu.memory_space<hbm>> -> memref<1x8x128xf32, #tpu.memory_space<hbm>>
    %dma_wait3A_1835 = tpu.memref_squeeze %dma_wait3A_1834 : memref<1x8x128xf32, #tpu.memory_space<hbm>> -> memref<8x128xf32, #tpu.memory_space<hbm>>
    tpu.wait_dma2 semaphore(%arg15 : memref<!tpu.dma_semaphore, #tpu.memory_space<semaphore_mem>>) src(%dma_wait3A_1835 : memref<8x128xf32, #tpu.memory_space<hbm>>) dst(%dma_wait3A_1832 : memref<8x128xf32, #tpu.memory_space<vmem>>)
    %dma_wait3A_1836 = arith.constant 21 : i32
    %dma_wait3A_1837 = arith.constant 0 : i32
    %dma_wait3A_1838 = arith.constant 0 : i32
    %dma_wait3A_1839 = tpu.memref_slice %arg10[%dma_wait3A_1836, %dma_wait3A_1837, %dma_wait3A_1838] : memref<32x8x128xf32, #tpu.memory_space<vmem>> -> memref<1x8x128xf32, #tpu.memory_space<vmem>>
    %dma_wait3A_1840 = tpu.memref_squeeze %dma_wait3A_1839 : memref<1x8x128xf32, #tpu.memory_space<vmem>> -> memref<8x128xf32, #tpu.memory_space<vmem>>
    %dma_wait3A_1841 = arith.constant 0 : i32
    %dma_wait3A_1842 = tpu.memref_slice %arg3[%add3A_597, %dma_wait3A_1841, %multiple_of3A_791] : memref<32x16x100000xf32, #tpu.memory_space<hbm>> -> memref<1x8x128xf32, #tpu.memory_space<hbm>>
    %dma_wait3A_1843 = tpu.memref_squeeze %dma_wait3A_1842 : memref<1x8x128xf32, #tpu.memory_space<hbm>> -> memref<8x128xf32, #tpu.memory_space<hbm>>
    %dma_wait3A_1844 = arith.constant 0 : i32
    %dma_wait3A_1845 = arith.constant 0 : i32
    %dma_wait3A_1846 = tpu.memref_slice %arg10[%dma_wait3A_1836, %dma_wait3A_1844, %dma_wait3A_1845] : memref<32x8x128xf32, #tpu.memory_space<vmem>> -> memref<1x8x128xf32, #tpu.memory_space<vmem>>
    %dma_wait3A_1847 = tpu.memref_squeeze %dma_wait3A_1846 : memref<1x8x128xf32, #tpu.memory_space<vmem>> -> memref<8x128xf32, #tpu.memory_space<vmem>>
    %dma_wait3A_1848 = arith.constant 0 : i32
    %dma_wait3A_1849 = tpu.memref_slice %arg3[%add3A_597, %dma_wait3A_1848, %multiple_of3A_791] : memref<32x16x100000xf32, #tpu.memory_space<hbm>> -> memref<1x8x128xf32, #tpu.memory_space<hbm>>
    %dma_wait3A_1850 = tpu.memref_squeeze %dma_wait3A_1849 : memref<1x8x128xf32, #tpu.memory_space<hbm>> -> memref<8x128xf32, #tpu.memory_space<hbm>>
    tpu.wait_dma2 semaphore(%arg16 : memref<!tpu.dma_semaphore, #tpu.memory_space<semaphore_mem>>) src(%dma_wait3A_1850 : memref<8x128xf32, #tpu.memory_space<hbm>>) dst(%dma_wait3A_1847 : memref<8x128xf32, #tpu.memory_space<vmem>>)
    %dma_wait3A_1851 = arith.constant 22 : i32
    %dma_wait3A_1852 = arith.constant 0 : i32
    %dma_wait3A_1853 = arith.constant 0 : i32
    %dma_wait3A_1854 = tpu.memref_slice %arg9[%dma_wait3A_1851, %dma_wait3A_1852, %dma_wait3A_1853] : memref<32x8x128xf32, #tpu.memory_space<vmem>> -> memref<1x8x128xf32, #tpu.memory_space<vmem>>
    %dma_wait3A_1855 = tpu.memref_squeeze %dma_wait3A_1854 : memref<1x8x128xf32, #tpu.memory_space<vmem>> -> memref<8x128xf32, #tpu.memory_space<vmem>>
    %dma_wait3A_1856 = arith.constant 0 : i32
    %dma_wait3A_1857 = tpu.memref_slice %arg2[%add3A_597, %dma_wait3A_1856, %multiple_of3A_828] : memref<32x16x100000xf32, #tpu.memory_space<hbm>> -> memref<1x8x128xf32, #tpu.memory_space<hbm>>
    %dma_wait3A_1858 = tpu.memref_squeeze %dma_wait3A_1857 : memref<1x8x128xf32, #tpu.memory_space<hbm>> -> memref<8x128xf32, #tpu.memory_space<hbm>>
    %dma_wait3A_1859 = arith.constant 0 : i32
    %dma_wait3A_1860 = arith.constant 0 : i32
    %dma_wait3A_1861 = tpu.memref_slice %arg9[%dma_wait3A_1851, %dma_wait3A_1859, %dma_wait3A_1860] : memref<32x8x128xf32, #tpu.memory_space<vmem>> -> memref<1x8x128xf32, #tpu.memory_space<vmem>>
    %dma_wait3A_1862 = tpu.memref_squeeze %dma_wait3A_1861 : memref<1x8x128xf32, #tpu.memory_space<vmem>> -> memref<8x128xf32, #tpu.memory_space<vmem>>
    %dma_wait3A_1863 = arith.constant 0 : i32
    %dma_wait3A_1864 = tpu.memref_slice %arg2[%add3A_597, %dma_wait3A_1863, %multiple_of3A_828] : memref<32x16x100000xf32, #tpu.memory_space<hbm>> -> memref<1x8x128xf32, #tpu.memory_space<hbm>>
    %dma_wait3A_1865 = tpu.memref_squeeze %dma_wait3A_1864 : memref<1x8x128xf32, #tpu.memory_space<hbm>> -> memref<8x128xf32, #tpu.memory_space<hbm>>
    tpu.wait_dma2 semaphore(%arg15 : memref<!tpu.dma_semaphore, #tpu.memory_space<semaphore_mem>>) src(%dma_wait3A_1865 : memref<8x128xf32, #tpu.memory_space<hbm>>) dst(%dma_wait3A_1862 : memref<8x128xf32, #tpu.memory_space<vmem>>)
    %dma_wait3A_1866 = arith.constant 22 : i32
    %dma_wait3A_1867 = arith.constant 0 : i32
    %dma_wait3A_1868 = arith.constant 0 : i32
    %dma_wait3A_1869 = tpu.memref_slice %arg10[%dma_wait3A_1866, %dma_wait3A_1867, %dma_wait3A_1868] : memref<32x8x128xf32, #tpu.memory_space<vmem>> -> memref<1x8x128xf32, #tpu.memory_space<vmem>>
    %dma_wait3A_1870 = tpu.memref_squeeze %dma_wait3A_1869 : memref<1x8x128xf32, #tpu.memory_space<vmem>> -> memref<8x128xf32, #tpu.memory_space<vmem>>
    %dma_wait3A_1871 = arith.constant 0 : i32
    %dma_wait3A_1872 = tpu.memref_slice %arg3[%add3A_597, %dma_wait3A_1871, %multiple_of3A_828] : memref<32x16x100000xf32, #tpu.memory_space<hbm>> -> memref<1x8x128xf32, #tpu.memory_space<hbm>>
    %dma_wait3A_1873 = tpu.memref_squeeze %dma_wait3A_1872 : memref<1x8x128xf32, #tpu.memory_space<hbm>> -> memref<8x128xf32, #tpu.memory_space<hbm>>
    %dma_wait3A_1874 = arith.constant 0 : i32
    %dma_wait3A_1875 = arith.constant 0 : i32
    %dma_wait3A_1876 = tpu.memref_slice %arg10[%dma_wait3A_1866, %dma_wait3A_1874, %dma_wait3A_1875] : memref<32x8x128xf32, #tpu.memory_space<vmem>> -> memref<1x8x128xf32, #tpu.memory_space<vmem>>
    %dma_wait3A_1877 = tpu.memref_squeeze %dma_wait3A_1876 : memref<1x8x128xf32, #tpu.memory_space<vmem>> -> memref<8x128xf32, #tpu.memory_space<vmem>>
    %dma_wait3A_1878 = arith.constant 0 : i32
    %dma_wait3A_1879 = tpu.memref_slice %arg3[%add3A_597, %dma_wait3A_1878, %multiple_of3A_828] : memref<32x16x100000xf32, #tpu.memory_space<hbm>> -> memref<1x8x128xf32, #tpu.memory_space<hbm>>
    %dma_wait3A_1880 = tpu.memref_squeeze %dma_wait3A_1879 : memref<1x8x128xf32, #tpu.memory_space<hbm>> -> memref<8x128xf32, #tpu.memory_space<hbm>>
    tpu.wait_dma2 semaphore(%arg16 : memref<!tpu.dma_semaphore, #tpu.memory_space<semaphore_mem>>) src(%dma_wait3A_1880 : memref<8x128xf32, #tpu.memory_space<hbm>>) dst(%dma_wait3A_1877 : memref<8x128xf32, #tpu.memory_space<vmem>>)
    %dma_wait3A_1881 = arith.constant 23 : i32
    %dma_wait3A_1882 = arith.constant 0 : i32
    %dma_wait3A_1883 = arith.constant 0 : i32
    %dma_wait3A_1884 = tpu.memref_slice %arg9[%dma_wait3A_1881, %dma_wait3A_1882, %dma_wait3A_1883] : memref<32x8x128xf32, #tpu.memory_space<vmem>> -> memref<1x8x128xf32, #tpu.memory_space<vmem>>
    %dma_wait3A_1885 = tpu.memref_squeeze %dma_wait3A_1884 : memref<1x8x128xf32, #tpu.memory_space<vmem>> -> memref<8x128xf32, #tpu.memory_space<vmem>>
    %dma_wait3A_1886 = arith.constant 0 : i32
    %dma_wait3A_1887 = tpu.memref_slice %arg2[%add3A_597, %dma_wait3A_1886, %multiple_of3A_865] : memref<32x16x100000xf32, #tpu.memory_space<hbm>> -> memref<1x8x128xf32, #tpu.memory_space<hbm>>
    %dma_wait3A_1888 = tpu.memref_squeeze %dma_wait3A_1887 : memref<1x8x128xf32, #tpu.memory_space<hbm>> -> memref<8x128xf32, #tpu.memory_space<hbm>>
    %dma_wait3A_1889 = arith.constant 0 : i32
    %dma_wait3A_1890 = arith.constant 0 : i32
    %dma_wait3A_1891 = tpu.memref_slice %arg9[%dma_wait3A_1881, %dma_wait3A_1889, %dma_wait3A_1890] : memref<32x8x128xf32, #tpu.memory_space<vmem>> -> memref<1x8x128xf32, #tpu.memory_space<vmem>>
    %dma_wait3A_1892 = tpu.memref_squeeze %dma_wait3A_1891 : memref<1x8x128xf32, #tpu.memory_space<vmem>> -> memref<8x128xf32, #tpu.memory_space<vmem>>
    %dma_wait3A_1893 = arith.constant 0 : i32
    %dma_wait3A_1894 = tpu.memref_slice %arg2[%add3A_597, %dma_wait3A_1893, %multiple_of3A_865] : memref<32x16x100000xf32, #tpu.memory_space<hbm>> -> memref<1x8x128xf32, #tpu.memory_space<hbm>>
    %dma_wait3A_1895 = tpu.memref_squeeze %dma_wait3A_1894 : memref<1x8x128xf32, #tpu.memory_space<hbm>> -> memref<8x128xf32, #tpu.memory_space<hbm>>
    tpu.wait_dma2 semaphore(%arg15 : memref<!tpu.dma_semaphore, #tpu.memory_space<semaphore_mem>>) src(%dma_wait3A_1895 : memref<8x128xf32, #tpu.memory_space<hbm>>) dst(%dma_wait3A_1892 : memref<8x128xf32, #tpu.memory_space<vmem>>)
    %dma_wait3A_1896 = arith.constant 23 : i32
    %dma_wait3A_1897 = arith.constant 0 : i32
    %dma_wait3A_1898 = arith.constant 0 : i32
    %dma_wait3A_1899 = tpu.memref_slice %arg10[%dma_wait3A_1896, %dma_wait3A_1897, %dma_wait3A_1898] : memref<32x8x128xf32, #tpu.memory_space<vmem>> -> memref<1x8x128xf32, #tpu.memory_space<vmem>>
    %dma_wait3A_1900 = tpu.memref_squeeze %dma_wait3A_1899 : memref<1x8x128xf32, #tpu.memory_space<vmem>> -> memref<8x128xf32, #tpu.memory_space<vmem>>
    %dma_wait3A_1901 = arith.constant 0 : i32
    %dma_wait3A_1902 = tpu.memref_slice %arg3[%add3A_597, %dma_wait3A_1901, %multiple_of3A_865] : memref<32x16x100000xf32, #tpu.memory_space<hbm>> -> memref<1x8x128xf32, #tpu.memory_space<hbm>>
    %dma_wait3A_1903 = tpu.memref_squeeze %dma_wait3A_1902 : memref<1x8x128xf32, #tpu.memory_space<hbm>> -> memref<8x128xf32, #tpu.memory_space<hbm>>
    %dma_wait3A_1904 = arith.constant 0 : i32
    %dma_wait3A_1905 = arith.constant 0 : i32
    %dma_wait3A_1906 = tpu.memref_slice %arg10[%dma_wait3A_1896, %dma_wait3A_1904, %dma_wait3A_1905] : memref<32x8x128xf32, #tpu.memory_space<vmem>> -> memref<1x8x128xf32, #tpu.memory_space<vmem>>
    %dma_wait3A_1907 = tpu.memref_squeeze %dma_wait3A_1906 : memref<1x8x128xf32, #tpu.memory_space<vmem>> -> memref<8x128xf32, #tpu.memory_space<vmem>>
    %dma_wait3A_1908 = arith.constant 0 : i32
    %dma_wait3A_1909 = tpu.memref_slice %arg3[%add3A_597, %dma_wait3A_1908, %multiple_of3A_865] : memref<32x16x100000xf32, #tpu.memory_space<hbm>> -> memref<1x8x128xf32, #tpu.memory_space<hbm>>
    %dma_wait3A_1910 = tpu.memref_squeeze %dma_wait3A_1909 : memref<1x8x128xf32, #tpu.memory_space<hbm>> -> memref<8x128xf32, #tpu.memory_space<hbm>>
    tpu.wait_dma2 semaphore(%arg16 : memref<!tpu.dma_semaphore, #tpu.memory_space<semaphore_mem>>) src(%dma_wait3A_1910 : memref<8x128xf32, #tpu.memory_space<hbm>>) dst(%dma_wait3A_1907 : memref<8x128xf32, #tpu.memory_space<vmem>>)
    %dma_wait3A_1911 = arith.constant 24 : i32
    %dma_wait3A_1912 = arith.constant 0 : i32
    %dma_wait3A_1913 = arith.constant 0 : i32
    %dma_wait3A_1914 = tpu.memref_slice %arg9[%dma_wait3A_1911, %dma_wait3A_1912, %dma_wait3A_1913] : memref<32x8x128xf32, #tpu.memory_space<vmem>> -> memref<1x8x128xf32, #tpu.memory_space<vmem>>
    %dma_wait3A_1915 = tpu.memref_squeeze %dma_wait3A_1914 : memref<1x8x128xf32, #tpu.memory_space<vmem>> -> memref<8x128xf32, #tpu.memory_space<vmem>>
    %dma_wait3A_1916 = arith.constant 8 : i32
    %dma_wait3A_1917 = tpu.memref_slice %arg2[%add3A_597, %dma_wait3A_1916, %multiple_of3A_902] : memref<32x16x100000xf32, #tpu.memory_space<hbm>> -> memref<1x8x128xf32, #tpu.memory_space<hbm>>
    %dma_wait3A_1918 = tpu.memref_squeeze %dma_wait3A_1917 : memref<1x8x128xf32, #tpu.memory_space<hbm>> -> memref<8x128xf32, #tpu.memory_space<hbm>>
    %dma_wait3A_1919 = arith.constant 0 : i32
    %dma_wait3A_1920 = arith.constant 0 : i32
    %dma_wait3A_1921 = tpu.memref_slice %arg9[%dma_wait3A_1911, %dma_wait3A_1919, %dma_wait3A_1920] : memref<32x8x128xf32, #tpu.memory_space<vmem>> -> memref<1x8x128xf32, #tpu.memory_space<vmem>>
    %dma_wait3A_1922 = tpu.memref_squeeze %dma_wait3A_1921 : memref<1x8x128xf32, #tpu.memory_space<vmem>> -> memref<8x128xf32, #tpu.memory_space<vmem>>
    %dma_wait3A_1923 = arith.constant 8 : i32
    %dma_wait3A_1924 = tpu.memref_slice %arg2[%add3A_597, %dma_wait3A_1923, %multiple_of3A_902] : memref<32x16x100000xf32, #tpu.memory_space<hbm>> -> memref<1x8x128xf32, #tpu.memory_space<hbm>>
    %dma_wait3A_1925 = tpu.memref_squeeze %dma_wait3A_1924 : memref<1x8x128xf32, #tpu.memory_space<hbm>> -> memref<8x128xf32, #tpu.memory_space<hbm>>
    tpu.wait_dma2 semaphore(%arg15 : memref<!tpu.dma_semaphore, #tpu.memory_space<semaphore_mem>>) src(%dma_wait3A_1925 : memref<8x128xf32, #tpu.memory_space<hbm>>) dst(%dma_wait3A_1922 : memref<8x128xf32, #tpu.memory_space<vmem>>)
    %dma_wait3A_1926 = arith.constant 24 : i32
    %dma_wait3A_1927 = arith.constant 0 : i32
    %dma_wait3A_1928 = arith.constant 0 : i32
    %dma_wait3A_1929 = tpu.memref_slice %arg10[%dma_wait3A_1926, %dma_wait3A_1927, %dma_wait3A_1928] : memref<32x8x128xf32, #tpu.memory_space<vmem>> -> memref<1x8x128xf32, #tpu.memory_space<vmem>>
    %dma_wait3A_1930 = tpu.memref_squeeze %dma_wait3A_1929 : memref<1x8x128xf32, #tpu.memory_space<vmem>> -> memref<8x128xf32, #tpu.memory_space<vmem>>
    %dma_wait3A_1931 = arith.constant 8 : i32
    %dma_wait3A_1932 = tpu.memref_slice %arg3[%add3A_597, %dma_wait3A_1931, %multiple_of3A_902] : memref<32x16x100000xf32, #tpu.memory_space<hbm>> -> memref<1x8x128xf32, #tpu.memory_space<hbm>>
    %dma_wait3A_1933 = tpu.memref_squeeze %dma_wait3A_1932 : memref<1x8x128xf32, #tpu.memory_space<hbm>> -> memref<8x128xf32, #tpu.memory_space<hbm>>
    %dma_wait3A_1934 = arith.constant 0 : i32
    %dma_wait3A_1935 = arith.constant 0 : i32
    %dma_wait3A_1936 = tpu.memref_slice %arg10[%dma_wait3A_1926, %dma_wait3A_1934, %dma_wait3A_1935] : memref<32x8x128xf32, #tpu.memory_space<vmem>> -> memref<1x8x128xf32, #tpu.memory_space<vmem>>
    %dma_wait3A_1937 = tpu.memref_squeeze %dma_wait3A_1936 : memref<1x8x128xf32, #tpu.memory_space<vmem>> -> memref<8x128xf32, #tpu.memory_space<vmem>>
    %dma_wait3A_1938 = arith.constant 8 : i32
    %dma_wait3A_1939 = tpu.memref_slice %arg3[%add3A_597, %dma_wait3A_1938, %multiple_of3A_902] : memref<32x16x100000xf32, #tpu.memory_space<hbm>> -> memref<1x8x128xf32, #tpu.memory_space<hbm>>
    %dma_wait3A_1940 = tpu.memref_squeeze %dma_wait3A_1939 : memref<1x8x128xf32, #tpu.memory_space<hbm>> -> memref<8x128xf32, #tpu.memory_space<hbm>>
    tpu.wait_dma2 semaphore(%arg16 : memref<!tpu.dma_semaphore, #tpu.memory_space<semaphore_mem>>) src(%dma_wait3A_1940 : memref<8x128xf32, #tpu.memory_space<hbm>>) dst(%dma_wait3A_1937 : memref<8x128xf32, #tpu.memory_space<vmem>>)
    %dma_wait3A_1941 = arith.constant 25 : i32
    %dma_wait3A_1942 = arith.constant 0 : i32
    %dma_wait3A_1943 = arith.constant 0 : i32
    %dma_wait3A_1944 = tpu.memref_slice %arg9[%dma_wait3A_1941, %dma_wait3A_1942, %dma_wait3A_1943] : memref<32x8x128xf32, #tpu.memory_space<vmem>> -> memref<1x8x128xf32, #tpu.memory_space<vmem>>
    %dma_wait3A_1945 = tpu.memref_squeeze %dma_wait3A_1944 : memref<1x8x128xf32, #tpu.memory_space<vmem>> -> memref<8x128xf32, #tpu.memory_space<vmem>>
    %dma_wait3A_1946 = arith.constant 8 : i32
    %dma_wait3A_1947 = tpu.memref_slice %arg2[%add3A_597, %dma_wait3A_1946, %multiple_of3A_939] : memref<32x16x100000xf32, #tpu.memory_space<hbm>> -> memref<1x8x128xf32, #tpu.memory_space<hbm>>
    %dma_wait3A_1948 = tpu.memref_squeeze %dma_wait3A_1947 : memref<1x8x128xf32, #tpu.memory_space<hbm>> -> memref<8x128xf32, #tpu.memory_space<hbm>>
    %dma_wait3A_1949 = arith.constant 0 : i32
    %dma_wait3A_1950 = arith.constant 0 : i32
    %dma_wait3A_1951 = tpu.memref_slice %arg9[%dma_wait3A_1941, %dma_wait3A_1949, %dma_wait3A_1950] : memref<32x8x128xf32, #tpu.memory_space<vmem>> -> memref<1x8x128xf32, #tpu.memory_space<vmem>>
    %dma_wait3A_1952 = tpu.memref_squeeze %dma_wait3A_1951 : memref<1x8x128xf32, #tpu.memory_space<vmem>> -> memref<8x128xf32, #tpu.memory_space<vmem>>
    %dma_wait3A_1953 = arith.constant 8 : i32
    %dma_wait3A_1954 = tpu.memref_slice %arg2[%add3A_597, %dma_wait3A_1953, %multiple_of3A_939] : memref<32x16x100000xf32, #tpu.memory_space<hbm>> -> memref<1x8x128xf32, #tpu.memory_space<hbm>>
    %dma_wait3A_1955 = tpu.memref_squeeze %dma_wait3A_1954 : memref<1x8x128xf32, #tpu.memory_space<hbm>> -> memref<8x128xf32, #tpu.memory_space<hbm>>
    tpu.wait_dma2 semaphore(%arg15 : memref<!tpu.dma_semaphore, #tpu.memory_space<semaphore_mem>>) src(%dma_wait3A_1955 : memref<8x128xf32, #tpu.memory_space<hbm>>) dst(%dma_wait3A_1952 : memref<8x128xf32, #tpu.memory_space<vmem>>)
    %dma_wait3A_1956 = arith.constant 25 : i32
    %dma_wait3A_1957 = arith.constant 0 : i32
    %dma_wait3A_1958 = arith.constant 0 : i32
    %dma_wait3A_1959 = tpu.memref_slice %arg10[%dma_wait3A_1956, %dma_wait3A_1957, %dma_wait3A_1958] : memref<32x8x128xf32, #tpu.memory_space<vmem>> -> memref<1x8x128xf32, #tpu.memory_space<vmem>>
    %dma_wait3A_1960 = tpu.memref_squeeze %dma_wait3A_1959 : memref<1x8x128xf32, #tpu.memory_space<vmem>> -> memref<8x128xf32, #tpu.memory_space<vmem>>
    %dma_wait3A_1961 = arith.constant 8 : i32
    %dma_wait3A_1962 = tpu.memref_slice %arg3[%add3A_597, %dma_wait3A_1961, %multiple_of3A_939] : memref<32x16x100000xf32, #tpu.memory_space<hbm>> -> memref<1x8x128xf32, #tpu.memory_space<hbm>>
    %dma_wait3A_1963 = tpu.memref_squeeze %dma_wait3A_1962 : memref<1x8x128xf32, #tpu.memory_space<hbm>> -> memref<8x128xf32, #tpu.memory_space<hbm>>
    %dma_wait3A_1964 = arith.constant 0 : i32
    %dma_wait3A_1965 = arith.constant 0 : i32
    %dma_wait3A_1966 = tpu.memref_slice %arg10[%dma_wait3A_1956, %dma_wait3A_1964, %dma_wait3A_1965] : memref<32x8x128xf32, #tpu.memory_space<vmem>> -> memref<1x8x128xf32, #tpu.memory_space<vmem>>
    %dma_wait3A_1967 = tpu.memref_squeeze %dma_wait3A_1966 : memref<1x8x128xf32, #tpu.memory_space<vmem>> -> memref<8x128xf32, #tpu.memory_space<vmem>>
    %dma_wait3A_1968 = arith.constant 8 : i32
    %dma_wait3A_1969 = tpu.memref_slice %arg3[%add3A_597, %dma_wait3A_1968, %multiple_of3A_939] : memref<32x16x100000xf32, #tpu.memory_space<hbm>> -> memref<1x8x128xf32, #tpu.memory_space<hbm>>
    %dma_wait3A_1970 = tpu.memref_squeeze %dma_wait3A_1969 : memref<1x8x128xf32, #tpu.memory_space<hbm>> -> memref<8x128xf32, #tpu.memory_space<hbm>>
    tpu.wait_dma2 semaphore(%arg16 : memref<!tpu.dma_semaphore, #tpu.memory_space<semaphore_mem>>) src(%dma_wait3A_1970 : memref<8x128xf32, #tpu.memory_space<hbm>>) dst(%dma_wait3A_1967 : memref<8x128xf32, #tpu.memory_space<vmem>>)
    %dma_wait3A_1971 = arith.constant 26 : i32
    %dma_wait3A_1972 = arith.constant 0 : i32
    %dma_wait3A_1973 = arith.constant 0 : i32
    %dma_wait3A_1974 = tpu.memref_slice %arg9[%dma_wait3A_1971, %dma_wait3A_1972, %dma_wait3A_1973] : memref<32x8x128xf32, #tpu.memory_space<vmem>> -> memref<1x8x128xf32, #tpu.memory_space<vmem>>
    %dma_wait3A_1975 = tpu.memref_squeeze %dma_wait3A_1974 : memref<1x8x128xf32, #tpu.memory_space<vmem>> -> memref<8x128xf32, #tpu.memory_space<vmem>>
    %dma_wait3A_1976 = arith.constant 8 : i32
    %dma_wait3A_1977 = tpu.memref_slice %arg2[%add3A_597, %dma_wait3A_1976, %multiple_of3A_976] : memref<32x16x100000xf32, #tpu.memory_space<hbm>> -> memref<1x8x128xf32, #tpu.memory_space<hbm>>
    %dma_wait3A_1978 = tpu.memref_squeeze %dma_wait3A_1977 : memref<1x8x128xf32, #tpu.memory_space<hbm>> -> memref<8x128xf32, #tpu.memory_space<hbm>>
    %dma_wait3A_1979 = arith.constant 0 : i32
    %dma_wait3A_1980 = arith.constant 0 : i32
    %dma_wait3A_1981 = tpu.memref_slice %arg9[%dma_wait3A_1971, %dma_wait3A_1979, %dma_wait3A_1980] : memref<32x8x128xf32, #tpu.memory_space<vmem>> -> memref<1x8x128xf32, #tpu.memory_space<vmem>>
    %dma_wait3A_1982 = tpu.memref_squeeze %dma_wait3A_1981 : memref<1x8x128xf32, #tpu.memory_space<vmem>> -> memref<8x128xf32, #tpu.memory_space<vmem>>
    %dma_wait3A_1983 = arith.constant 8 : i32
    %dma_wait3A_1984 = tpu.memref_slice %arg2[%add3A_597, %dma_wait3A_1983, %multiple_of3A_976] : memref<32x16x100000xf32, #tpu.memory_space<hbm>> -> memref<1x8x128xf32, #tpu.memory_space<hbm>>
    %dma_wait3A_1985 = tpu.memref_squeeze %dma_wait3A_1984 : memref<1x8x128xf32, #tpu.memory_space<hbm>> -> memref<8x128xf32, #tpu.memory_space<hbm>>
    tpu.wait_dma2 semaphore(%arg15 : memref<!tpu.dma_semaphore, #tpu.memory_space<semaphore_mem>>) src(%dma_wait3A_1985 : memref<8x128xf32, #tpu.memory_space<hbm>>) dst(%dma_wait3A_1982 : memref<8x128xf32, #tpu.memory_space<vmem>>)
    %dma_wait3A_1986 = arith.constant 26 : i32
    %dma_wait3A_1987 = arith.constant 0 : i32
    %dma_wait3A_1988 = arith.constant 0 : i32
    %dma_wait3A_1989 = tpu.memref_slice %arg10[%dma_wait3A_1986, %dma_wait3A_1987, %dma_wait3A_1988] : memref<32x8x128xf32, #tpu.memory_space<vmem>> -> memref<1x8x128xf32, #tpu.memory_space<vmem>>
    %dma_wait3A_1990 = tpu.memref_squeeze %dma_wait3A_1989 : memref<1x8x128xf32, #tpu.memory_space<vmem>> -> memref<8x128xf32, #tpu.memory_space<vmem>>
    %dma_wait3A_1991 = arith.constant 8 : i32
    %dma_wait3A_1992 = tpu.memref_slice %arg3[%add3A_597, %dma_wait3A_1991, %multiple_of3A_976] : memref<32x16x100000xf32, #tpu.memory_space<hbm>> -> memref<1x8x128xf32, #tpu.memory_space<hbm>>
    %dma_wait3A_1993 = tpu.memref_squeeze %dma_wait3A_1992 : memref<1x8x128xf32, #tpu.memory_space<hbm>> -> memref<8x128xf32, #tpu.memory_space<hbm>>
    %dma_wait3A_1994 = arith.constant 0 : i32
    %dma_wait3A_1995 = arith.constant 0 : i32
    %dma_wait3A_1996 = tpu.memref_slice %arg10[%dma_wait3A_1986, %dma_wait3A_1994, %dma_wait3A_1995] : memref<32x8x128xf32, #tpu.memory_space<vmem>> -> memref<1x8x128xf32, #tpu.memory_space<vmem>>
    %dma_wait3A_1997 = tpu.memref_squeeze %dma_wait3A_1996 : memref<1x8x128xf32, #tpu.memory_space<vmem>> -> memref<8x128xf32, #tpu.memory_space<vmem>>
    %dma_wait3A_1998 = arith.constant 8 : i32
    %dma_wait3A_1999 = tpu.memref_slice %arg3[%add3A_597, %dma_wait3A_1998, %multiple_of3A_976] : memref<32x16x100000xf32, #tpu.memory_space<hbm>> -> memref<1x8x128xf32, #tpu.memory_space<hbm>>
    %dma_wait3A_2000 = tpu.memref_squeeze %dma_wait3A_1999 : memref<1x8x128xf32, #tpu.memory_space<hbm>> -> memref<8x128xf32, #tpu.memory_space<hbm>>
    tpu.wait_dma2 semaphore(%arg16 : memref<!tpu.dma_semaphore, #tpu.memory_space<semaphore_mem>>) src(%dma_wait3A_2000 : memref<8x128xf32, #tpu.memory_space<hbm>>) dst(%dma_wait3A_1997 : memref<8x128xf32, #tpu.memory_space<vmem>>)
    %dma_wait3A_2001 = arith.constant 27 : i32
    %dma_wait3A_2002 = arith.constant 0 : i32
    %dma_wait3A_2003 = arith.constant 0 : i32
    %dma_wait3A_2004 = tpu.memref_slice %arg9[%dma_wait3A_2001, %dma_wait3A_2002, %dma_wait3A_2003] : memref<32x8x128xf32, #tpu.memory_space<vmem>> -> memref<1x8x128xf32, #tpu.memory_space<vmem>>
    %dma_wait3A_2005 = tpu.memref_squeeze %dma_wait3A_2004 : memref<1x8x128xf32, #tpu.memory_space<vmem>> -> memref<8x128xf32, #tpu.memory_space<vmem>>
    %dma_wait3A_2006 = arith.constant 8 : i32
    %dma_wait3A_2007 = tpu.memref_slice %arg2[%add3A_597, %dma_wait3A_2006, %multiple_of3A_1013] : memref<32x16x100000xf32, #tpu.memory_space<hbm>> -> memref<1x8x128xf32, #tpu.memory_space<hbm>>
    %dma_wait3A_2008 = tpu.memref_squeeze %dma_wait3A_2007 : memref<1x8x128xf32, #tpu.memory_space<hbm>> -> memref<8x128xf32, #tpu.memory_space<hbm>>
    %dma_wait3A_2009 = arith.constant 0 : i32
    %dma_wait3A_2010 = arith.constant 0 : i32
    %dma_wait3A_2011 = tpu.memref_slice %arg9[%dma_wait3A_2001, %dma_wait3A_2009, %dma_wait3A_2010] : memref<32x8x128xf32, #tpu.memory_space<vmem>> -> memref<1x8x128xf32, #tpu.memory_space<vmem>>
    %dma_wait3A_2012 = tpu.memref_squeeze %dma_wait3A_2011 : memref<1x8x128xf32, #tpu.memory_space<vmem>> -> memref<8x128xf32, #tpu.memory_space<vmem>>
    %dma_wait3A_2013 = arith.constant 8 : i32
    %dma_wait3A_2014 = tpu.memref_slice %arg2[%add3A_597, %dma_wait3A_2013, %multiple_of3A_1013] : memref<32x16x100000xf32, #tpu.memory_space<hbm>> -> memref<1x8x128xf32, #tpu.memory_space<hbm>>
    %dma_wait3A_2015 = tpu.memref_squeeze %dma_wait3A_2014 : memref<1x8x128xf32, #tpu.memory_space<hbm>> -> memref<8x128xf32, #tpu.memory_space<hbm>>
    tpu.wait_dma2 semaphore(%arg15 : memref<!tpu.dma_semaphore, #tpu.memory_space<semaphore_mem>>) src(%dma_wait3A_2015 : memref<8x128xf32, #tpu.memory_space<hbm>>) dst(%dma_wait3A_2012 : memref<8x128xf32, #tpu.memory_space<vmem>>)
    %dma_wait3A_2016 = arith.constant 27 : i32
    %dma_wait3A_2017 = arith.constant 0 : i32
    %dma_wait3A_2018 = arith.constant 0 : i32
    %dma_wait3A_2019 = tpu.memref_slice %arg10[%dma_wait3A_2016, %dma_wait3A_2017, %dma_wait3A_2018] : memref<32x8x128xf32, #tpu.memory_space<vmem>> -> memref<1x8x128xf32, #tpu.memory_space<vmem>>
    %dma_wait3A_2020 = tpu.memref_squeeze %dma_wait3A_2019 : memref<1x8x128xf32, #tpu.memory_space<vmem>> -> memref<8x128xf32, #tpu.memory_space<vmem>>
    %dma_wait3A_2021 = arith.constant 8 : i32
    %dma_wait3A_2022 = tpu.memref_slice %arg3[%add3A_597, %dma_wait3A_2021, %multiple_of3A_1013] : memref<32x16x100000xf32, #tpu.memory_space<hbm>> -> memref<1x8x128xf32, #tpu.memory_space<hbm>>
    %dma_wait3A_2023 = tpu.memref_squeeze %dma_wait3A_2022 : memref<1x8x128xf32, #tpu.memory_space<hbm>> -> memref<8x128xf32, #tpu.memory_space<hbm>>
    %dma_wait3A_2024 = arith.constant 0 : i32
    %dma_wait3A_2025 = arith.constant 0 : i32
    %dma_wait3A_2026 = tpu.memref_slice %arg10[%dma_wait3A_2016, %dma_wait3A_2024, %dma_wait3A_2025] : memref<32x8x128xf32, #tpu.memory_space<vmem>> -> memref<1x8x128xf32, #tpu.memory_space<vmem>>
    %dma_wait3A_2027 = tpu.memref_squeeze %dma_wait3A_2026 : memref<1x8x128xf32, #tpu.memory_space<vmem>> -> memref<8x128xf32, #tpu.memory_space<vmem>>
    %dma_wait3A_2028 = arith.constant 8 : i32
    %dma_wait3A_2029 = tpu.memref_slice %arg3[%add3A_597, %dma_wait3A_2028, %multiple_of3A_1013] : memref<32x16x100000xf32, #tpu.memory_space<hbm>> -> memref<1x8x128xf32, #tpu.memory_space<hbm>>
    %dma_wait3A_2030 = tpu.memref_squeeze %dma_wait3A_2029 : memref<1x8x128xf32, #tpu.memory_space<hbm>> -> memref<8x128xf32, #tpu.memory_space<hbm>>
    tpu.wait_dma2 semaphore(%arg16 : memref<!tpu.dma_semaphore, #tpu.memory_space<semaphore_mem>>) src(%dma_wait3A_2030 : memref<8x128xf32, #tpu.memory_space<hbm>>) dst(%dma_wait3A_2027 : memref<8x128xf32, #tpu.memory_space<vmem>>)
    %dma_wait3A_2031 = arith.constant 28 : i32
    %dma_wait3A_2032 = arith.constant 0 : i32
    %dma_wait3A_2033 = arith.constant 0 : i32
    %dma_wait3A_2034 = tpu.memref_slice %arg9[%dma_wait3A_2031, %dma_wait3A_2032, %dma_wait3A_2033] : memref<32x8x128xf32, #tpu.memory_space<vmem>> -> memref<1x8x128xf32, #tpu.memory_space<vmem>>
    %dma_wait3A_2035 = tpu.memref_squeeze %dma_wait3A_2034 : memref<1x8x128xf32, #tpu.memory_space<vmem>> -> memref<8x128xf32, #tpu.memory_space<vmem>>
    %dma_wait3A_2036 = arith.constant 8 : i32
    %dma_wait3A_2037 = tpu.memref_slice %arg2[%add3A_597, %dma_wait3A_2036, %multiple_of3A_1050] : memref<32x16x100000xf32, #tpu.memory_space<hbm>> -> memref<1x8x128xf32, #tpu.memory_space<hbm>>
    %dma_wait3A_2038 = tpu.memref_squeeze %dma_wait3A_2037 : memref<1x8x128xf32, #tpu.memory_space<hbm>> -> memref<8x128xf32, #tpu.memory_space<hbm>>
    %dma_wait3A_2039 = arith.constant 0 : i32
    %dma_wait3A_2040 = arith.constant 0 : i32
    %dma_wait3A_2041 = tpu.memref_slice %arg9[%dma_wait3A_2031, %dma_wait3A_2039, %dma_wait3A_2040] : memref<32x8x128xf32, #tpu.memory_space<vmem>> -> memref<1x8x128xf32, #tpu.memory_space<vmem>>
    %dma_wait3A_2042 = tpu.memref_squeeze %dma_wait3A_2041 : memref<1x8x128xf32, #tpu.memory_space<vmem>> -> memref<8x128xf32, #tpu.memory_space<vmem>>
    %dma_wait3A_2043 = arith.constant 8 : i32
    %dma_wait3A_2044 = tpu.memref_slice %arg2[%add3A_597, %dma_wait3A_2043, %multiple_of3A_1050] : memref<32x16x100000xf32, #tpu.memory_space<hbm>> -> memref<1x8x128xf32, #tpu.memory_space<hbm>>
    %dma_wait3A_2045 = tpu.memref_squeeze %dma_wait3A_2044 : memref<1x8x128xf32, #tpu.memory_space<hbm>> -> memref<8x128xf32, #tpu.memory_space<hbm>>
    tpu.wait_dma2 semaphore(%arg15 : memref<!tpu.dma_semaphore, #tpu.memory_space<semaphore_mem>>) src(%dma_wait3A_2045 : memref<8x128xf32, #tpu.memory_space<hbm>>) dst(%dma_wait3A_2042 : memref<8x128xf32, #tpu.memory_space<vmem>>)
    %dma_wait3A_2046 = arith.constant 28 : i32
    %dma_wait3A_2047 = arith.constant 0 : i32
    %dma_wait3A_2048 = arith.constant 0 : i32
    %dma_wait3A_2049 = tpu.memref_slice %arg10[%dma_wait3A_2046, %dma_wait3A_2047, %dma_wait3A_2048] : memref<32x8x128xf32, #tpu.memory_space<vmem>> -> memref<1x8x128xf32, #tpu.memory_space<vmem>>
    %dma_wait3A_2050 = tpu.memref_squeeze %dma_wait3A_2049 : memref<1x8x128xf32, #tpu.memory_space<vmem>> -> memref<8x128xf32, #tpu.memory_space<vmem>>
    %dma_wait3A_2051 = arith.constant 8 : i32
    %dma_wait3A_2052 = tpu.memref_slice %arg3[%add3A_597, %dma_wait3A_2051, %multiple_of3A_1050] : memref<32x16x100000xf32, #tpu.memory_space<hbm>> -> memref<1x8x128xf32, #tpu.memory_space<hbm>>
    %dma_wait3A_2053 = tpu.memref_squeeze %dma_wait3A_2052 : memref<1x8x128xf32, #tpu.memory_space<hbm>> -> memref<8x128xf32, #tpu.memory_space<hbm>>
    %dma_wait3A_2054 = arith.constant 0 : i32
    %dma_wait3A_2055 = arith.constant 0 : i32
    %dma_wait3A_2056 = tpu.memref_slice %arg10[%dma_wait3A_2046, %dma_wait3A_2054, %dma_wait3A_2055] : memref<32x8x128xf32, #tpu.memory_space<vmem>> -> memref<1x8x128xf32, #tpu.memory_space<vmem>>
    %dma_wait3A_2057 = tpu.memref_squeeze %dma_wait3A_2056 : memref<1x8x128xf32, #tpu.memory_space<vmem>> -> memref<8x128xf32, #tpu.memory_space<vmem>>
    %dma_wait3A_2058 = arith.constant 8 : i32
    %dma_wait3A_2059 = tpu.memref_slice %arg3[%add3A_597, %dma_wait3A_2058, %multiple_of3A_1050] : memref<32x16x100000xf32, #tpu.memory_space<hbm>> -> memref<1x8x128xf32, #tpu.memory_space<hbm>>
    %dma_wait3A_2060 = tpu.memref_squeeze %dma_wait3A_2059 : memref<1x8x128xf32, #tpu.memory_space<hbm>> -> memref<8x128xf32, #tpu.memory_space<hbm>>
    tpu.wait_dma2 semaphore(%arg16 : memref<!tpu.dma_semaphore, #tpu.memory_space<semaphore_mem>>) src(%dma_wait3A_2060 : memref<8x128xf32, #tpu.memory_space<hbm>>) dst(%dma_wait3A_2057 : memref<8x128xf32, #tpu.memory_space<vmem>>)
    %dma_wait3A_2061 = arith.constant 29 : i32
    %dma_wait3A_2062 = arith.constant 0 : i32
    %dma_wait3A_2063 = arith.constant 0 : i32
    %dma_wait3A_2064 = tpu.memref_slice %arg9[%dma_wait3A_2061, %dma_wait3A_2062, %dma_wait3A_2063] : memref<32x8x128xf32, #tpu.memory_space<vmem>> -> memref<1x8x128xf32, #tpu.memory_space<vmem>>
    %dma_wait3A_2065 = tpu.memref_squeeze %dma_wait3A_2064 : memref<1x8x128xf32, #tpu.memory_space<vmem>> -> memref<8x128xf32, #tpu.memory_space<vmem>>
    %dma_wait3A_2066 = arith.constant 8 : i32
    %dma_wait3A_2067 = tpu.memref_slice %arg2[%add3A_597, %dma_wait3A_2066, %multiple_of3A_1087] : memref<32x16x100000xf32, #tpu.memory_space<hbm>> -> memref<1x8x128xf32, #tpu.memory_space<hbm>>
    %dma_wait3A_2068 = tpu.memref_squeeze %dma_wait3A_2067 : memref<1x8x128xf32, #tpu.memory_space<hbm>> -> memref<8x128xf32, #tpu.memory_space<hbm>>
    %dma_wait3A_2069 = arith.constant 0 : i32
    %dma_wait3A_2070 = arith.constant 0 : i32
    %dma_wait3A_2071 = tpu.memref_slice %arg9[%dma_wait3A_2061, %dma_wait3A_2069, %dma_wait3A_2070] : memref<32x8x128xf32, #tpu.memory_space<vmem>> -> memref<1x8x128xf32, #tpu.memory_space<vmem>>
    %dma_wait3A_2072 = tpu.memref_squeeze %dma_wait3A_2071 : memref<1x8x128xf32, #tpu.memory_space<vmem>> -> memref<8x128xf32, #tpu.memory_space<vmem>>
    %dma_wait3A_2073 = arith.constant 8 : i32
    %dma_wait3A_2074 = tpu.memref_slice %arg2[%add3A_597, %dma_wait3A_2073, %multiple_of3A_1087] : memref<32x16x100000xf32, #tpu.memory_space<hbm>> -> memref<1x8x128xf32, #tpu.memory_space<hbm>>
    %dma_wait3A_2075 = tpu.memref_squeeze %dma_wait3A_2074 : memref<1x8x128xf32, #tpu.memory_space<hbm>> -> memref<8x128xf32, #tpu.memory_space<hbm>>
    tpu.wait_dma2 semaphore(%arg15 : memref<!tpu.dma_semaphore, #tpu.memory_space<semaphore_mem>>) src(%dma_wait3A_2075 : memref<8x128xf32, #tpu.memory_space<hbm>>) dst(%dma_wait3A_2072 : memref<8x128xf32, #tpu.memory_space<vmem>>)
    %dma_wait3A_2076 = arith.constant 29 : i32
    %dma_wait3A_2077 = arith.constant 0 : i32
    %dma_wait3A_2078 = arith.constant 0 : i32
    %dma_wait3A_2079 = tpu.memref_slice %arg10[%dma_wait3A_2076, %dma_wait3A_2077, %dma_wait3A_2078] : memref<32x8x128xf32, #tpu.memory_space<vmem>> -> memref<1x8x128xf32, #tpu.memory_space<vmem>>
    %dma_wait3A_2080 = tpu.memref_squeeze %dma_wait3A_2079 : memref<1x8x128xf32, #tpu.memory_space<vmem>> -> memref<8x128xf32, #tpu.memory_space<vmem>>
    %dma_wait3A_2081 = arith.constant 8 : i32
    %dma_wait3A_2082 = tpu.memref_slice %arg3[%add3A_597, %dma_wait3A_2081, %multiple_of3A_1087] : memref<32x16x100000xf32, #tpu.memory_space<hbm>> -> memref<1x8x128xf32, #tpu.memory_space<hbm>>
    %dma_wait3A_2083 = tpu.memref_squeeze %dma_wait3A_2082 : memref<1x8x128xf32, #tpu.memory_space<hbm>> -> memref<8x128xf32, #tpu.memory_space<hbm>>
    %dma_wait3A_2084 = arith.constant 0 : i32
    %dma_wait3A_2085 = arith.constant 0 : i32
    %dma_wait3A_2086 = tpu.memref_slice %arg10[%dma_wait3A_2076, %dma_wait3A_2084, %dma_wait3A_2085] : memref<32x8x128xf32, #tpu.memory_space<vmem>> -> memref<1x8x128xf32, #tpu.memory_space<vmem>>
    %dma_wait3A_2087 = tpu.memref_squeeze %dma_wait3A_2086 : memref<1x8x128xf32, #tpu.memory_space<vmem>> -> memref<8x128xf32, #tpu.memory_space<vmem>>
    %dma_wait3A_2088 = arith.constant 8 : i32
    %dma_wait3A_2089 = tpu.memref_slice %arg3[%add3A_597, %dma_wait3A_2088, %multiple_of3A_1087] : memref<32x16x100000xf32, #tpu.memory_space<hbm>> -> memref<1x8x128xf32, #tpu.memory_space<hbm>>
    %dma_wait3A_2090 = tpu.memref_squeeze %dma_wait3A_2089 : memref<1x8x128xf32, #tpu.memory_space<hbm>> -> memref<8x128xf32, #tpu.memory_space<hbm>>
    tpu.wait_dma2 semaphore(%arg16 : memref<!tpu.dma_semaphore, #tpu.memory_space<semaphore_mem>>) src(%dma_wait3A_2090 : memref<8x128xf32, #tpu.memory_space<hbm>>) dst(%dma_wait3A_2087 : memref<8x128xf32, #tpu.memory_space<vmem>>)
    %dma_wait3A_2091 = arith.constant 30 : i32
    %dma_wait3A_2092 = arith.constant 0 : i32
    %dma_wait3A_2093 = arith.constant 0 : i32
    %dma_wait3A_2094 = tpu.memref_slice %arg9[%dma_wait3A_2091, %dma_wait3A_2092, %dma_wait3A_2093] : memref<32x8x128xf32, #tpu.memory_space<vmem>> -> memref<1x8x128xf32, #tpu.memory_space<vmem>>
    %dma_wait3A_2095 = tpu.memref_squeeze %dma_wait3A_2094 : memref<1x8x128xf32, #tpu.memory_space<vmem>> -> memref<8x128xf32, #tpu.memory_space<vmem>>
    %dma_wait3A_2096 = arith.constant 8 : i32
    %dma_wait3A_2097 = tpu.memref_slice %arg2[%add3A_597, %dma_wait3A_2096, %multiple_of3A_1124] : memref<32x16x100000xf32, #tpu.memory_space<hbm>> -> memref<1x8x128xf32, #tpu.memory_space<hbm>>
    %dma_wait3A_2098 = tpu.memref_squeeze %dma_wait3A_2097 : memref<1x8x128xf32, #tpu.memory_space<hbm>> -> memref<8x128xf32, #tpu.memory_space<hbm>>
    %dma_wait3A_2099 = arith.constant 0 : i32
    %dma_wait3A_2100 = arith.constant 0 : i32
    %dma_wait3A_2101 = tpu.memref_slice %arg9[%dma_wait3A_2091, %dma_wait3A_2099, %dma_wait3A_2100] : memref<32x8x128xf32, #tpu.memory_space<vmem>> -> memref<1x8x128xf32, #tpu.memory_space<vmem>>
    %dma_wait3A_2102 = tpu.memref_squeeze %dma_wait3A_2101 : memref<1x8x128xf32, #tpu.memory_space<vmem>> -> memref<8x128xf32, #tpu.memory_space<vmem>>
    %dma_wait3A_2103 = arith.constant 8 : i32
    %dma_wait3A_2104 = tpu.memref_slice %arg2[%add3A_597, %dma_wait3A_2103, %multiple_of3A_1124] : memref<32x16x100000xf32, #tpu.memory_space<hbm>> -> memref<1x8x128xf32, #tpu.memory_space<hbm>>
    %dma_wait3A_2105 = tpu.memref_squeeze %dma_wait3A_2104 : memref<1x8x128xf32, #tpu.memory_space<hbm>> -> memref<8x128xf32, #tpu.memory_space<hbm>>
    tpu.wait_dma2 semaphore(%arg15 : memref<!tpu.dma_semaphore, #tpu.memory_space<semaphore_mem>>) src(%dma_wait3A_2105 : memref<8x128xf32, #tpu.memory_space<hbm>>) dst(%dma_wait3A_2102 : memref<8x128xf32, #tpu.memory_space<vmem>>)
    %dma_wait3A_2106 = arith.constant 30 : i32
    %dma_wait3A_2107 = arith.constant 0 : i32
    %dma_wait3A_2108 = arith.constant 0 : i32
    %dma_wait3A_2109 = tpu.memref_slice %arg10[%dma_wait3A_2106, %dma_wait3A_2107, %dma_wait3A_2108] : memref<32x8x128xf32, #tpu.memory_space<vmem>> -> memref<1x8x128xf32, #tpu.memory_space<vmem>>
    %dma_wait3A_2110 = tpu.memref_squeeze %dma_wait3A_2109 : memref<1x8x128xf32, #tpu.memory_space<vmem>> -> memref<8x128xf32, #tpu.memory_space<vmem>>
    %dma_wait3A_2111 = arith.constant 8 : i32
    %dma_wait3A_2112 = tpu.memref_slice %arg3[%add3A_597, %dma_wait3A_2111, %multiple_of3A_1124] : memref<32x16x100000xf32, #tpu.memory_space<hbm>> -> memref<1x8x128xf32, #tpu.memory_space<hbm>>
    %dma_wait3A_2113 = tpu.memref_squeeze %dma_wait3A_2112 : memref<1x8x128xf32, #tpu.memory_space<hbm>> -> memref<8x128xf32, #tpu.memory_space<hbm>>
    %dma_wait3A_2114 = arith.constant 0 : i32
    %dma_wait3A_2115 = arith.constant 0 : i32
    %dma_wait3A_2116 = tpu.memref_slice %arg10[%dma_wait3A_2106, %dma_wait3A_2114, %dma_wait3A_2115] : memref<32x8x128xf32, #tpu.memory_space<vmem>> -> memref<1x8x128xf32, #tpu.memory_space<vmem>>
    %dma_wait3A_2117 = tpu.memref_squeeze %dma_wait3A_2116 : memref<1x8x128xf32, #tpu.memory_space<vmem>> -> memref<8x128xf32, #tpu.memory_space<vmem>>
    %dma_wait3A_2118 = arith.constant 8 : i32
    %dma_wait3A_2119 = tpu.memref_slice %arg3[%add3A_597, %dma_wait3A_2118, %multiple_of3A_1124] : memref<32x16x100000xf32, #tpu.memory_space<hbm>> -> memref<1x8x128xf32, #tpu.memory_space<hbm>>
    %dma_wait3A_2120 = tpu.memref_squeeze %dma_wait3A_2119 : memref<1x8x128xf32, #tpu.memory_space<hbm>> -> memref<8x128xf32, #tpu.memory_space<hbm>>
    tpu.wait_dma2 semaphore(%arg16 : memref<!tpu.dma_semaphore, #tpu.memory_space<semaphore_mem>>) src(%dma_wait3A_2120 : memref<8x128xf32, #tpu.memory_space<hbm>>) dst(%dma_wait3A_2117 : memref<8x128xf32, #tpu.memory_space<vmem>>)
    %dma_wait3A_2121 = arith.constant 31 : i32
    %dma_wait3A_2122 = arith.constant 0 : i32
    %dma_wait3A_2123 = arith.constant 0 : i32
    %dma_wait3A_2124 = tpu.memref_slice %arg9[%dma_wait3A_2121, %dma_wait3A_2122, %dma_wait3A_2123] : memref<32x8x128xf32, #tpu.memory_space<vmem>> -> memref<1x8x128xf32, #tpu.memory_space<vmem>>
    %dma_wait3A_2125 = tpu.memref_squeeze %dma_wait3A_2124 : memref<1x8x128xf32, #tpu.memory_space<vmem>> -> memref<8x128xf32, #tpu.memory_space<vmem>>
    %dma_wait3A_2126 = arith.constant 8 : i32
    %dma_wait3A_2127 = tpu.memref_slice %arg2[%add3A_597, %dma_wait3A_2126, %multiple_of3A_1161] : memref<32x16x100000xf32, #tpu.memory_space<hbm>> -> memref<1x8x128xf32, #tpu.memory_space<hbm>>
    %dma_wait3A_2128 = tpu.memref_squeeze %dma_wait3A_2127 : memref<1x8x128xf32, #tpu.memory_space<hbm>> -> memref<8x128xf32, #tpu.memory_space<hbm>>
    %dma_wait3A_2129 = arith.constant 0 : i32
    %dma_wait3A_2130 = arith.constant 0 : i32
    %dma_wait3A_2131 = tpu.memref_slice %arg9[%dma_wait3A_2121, %dma_wait3A_2129, %dma_wait3A_2130] : memref<32x8x128xf32, #tpu.memory_space<vmem>> -> memref<1x8x128xf32, #tpu.memory_space<vmem>>
    %dma_wait3A_2132 = tpu.memref_squeeze %dma_wait3A_2131 : memref<1x8x128xf32, #tpu.memory_space<vmem>> -> memref<8x128xf32, #tpu.memory_space<vmem>>
    %dma_wait3A_2133 = arith.constant 8 : i32
    %dma_wait3A_2134 = tpu.memref_slice %arg2[%add3A_597, %dma_wait3A_2133, %multiple_of3A_1161] : memref<32x16x100000xf32, #tpu.memory_space<hbm>> -> memref<1x8x128xf32, #tpu.memory_space<hbm>>
    %dma_wait3A_2135 = tpu.memref_squeeze %dma_wait3A_2134 : memref<1x8x128xf32, #tpu.memory_space<hbm>> -> memref<8x128xf32, #tpu.memory_space<hbm>>
    tpu.wait_dma2 semaphore(%arg15 : memref<!tpu.dma_semaphore, #tpu.memory_space<semaphore_mem>>) src(%dma_wait3A_2135 : memref<8x128xf32, #tpu.memory_space<hbm>>) dst(%dma_wait3A_2132 : memref<8x128xf32, #tpu.memory_space<vmem>>)
    %dma_wait3A_2136 = arith.constant 31 : i32
    %dma_wait3A_2137 = arith.constant 0 : i32
    %dma_wait3A_2138 = arith.constant 0 : i32
    %dma_wait3A_2139 = tpu.memref_slice %arg10[%dma_wait3A_2136, %dma_wait3A_2137, %dma_wait3A_2138] : memref<32x8x128xf32, #tpu.memory_space<vmem>> -> memref<1x8x128xf32, #tpu.memory_space<vmem>>
    %dma_wait3A_2140 = tpu.memref_squeeze %dma_wait3A_2139 : memref<1x8x128xf32, #tpu.memory_space<vmem>> -> memref<8x128xf32, #tpu.memory_space<vmem>>
    %dma_wait3A_2141 = arith.constant 8 : i32
    %dma_wait3A_2142 = tpu.memref_slice %arg3[%add3A_597, %dma_wait3A_2141, %multiple_of3A_1161] : memref<32x16x100000xf32, #tpu.memory_space<hbm>> -> memref<1x8x128xf32, #tpu.memory_space<hbm>>
    %dma_wait3A_2143 = tpu.memref_squeeze %dma_wait3A_2142 : memref<1x8x128xf32, #tpu.memory_space<hbm>> -> memref<8x128xf32, #tpu.memory_space<hbm>>
    %dma_wait3A_2144 = arith.constant 0 : i32
    %dma_wait3A_2145 = arith.constant 0 : i32
    %dma_wait3A_2146 = tpu.memref_slice %arg10[%dma_wait3A_2136, %dma_wait3A_2144, %dma_wait3A_2145] : memref<32x8x128xf32, #tpu.memory_space<vmem>> -> memref<1x8x128xf32, #tpu.memory_space<vmem>>
    %dma_wait3A_2147 = tpu.memref_squeeze %dma_wait3A_2146 : memref<1x8x128xf32, #tpu.memory_space<vmem>> -> memref<8x128xf32, #tpu.memory_space<vmem>>
    %dma_wait3A_2148 = arith.constant 8 : i32
    %dma_wait3A_2149 = tpu.memref_slice %arg3[%add3A_597, %dma_wait3A_2148, %multiple_of3A_1161] : memref<32x16x100000xf32, #tpu.memory_space<hbm>> -> memref<1x8x128xf32, #tpu.memory_space<hbm>>
    %dma_wait3A_2150 = tpu.memref_squeeze %dma_wait3A_2149 : memref<1x8x128xf32, #tpu.memory_space<hbm>> -> memref<8x128xf32, #tpu.memory_space<hbm>>
    tpu.wait_dma2 semaphore(%arg16 : memref<!tpu.dma_semaphore, #tpu.memory_space<semaphore_mem>>) src(%dma_wait3A_2150 : memref<8x128xf32, #tpu.memory_space<hbm>>) dst(%dma_wait3A_2147 : memref<8x128xf32, #tpu.memory_space<vmem>>)
    %mul3A_2151 = arith.constant 2 : i32
    %mul3A_2152 = arith.muli %arg1, %mul3A_2151 : i32
    %add3A_2153 = arith.constant 0 : i32
    %add3A_2154 = arith.addi %mul3A_2152, %add3A_2153 : i32
    %broadcast_in_dim3A_2155 = vector.broadcast %add3A_2154 : i32 to vector<16xi32>
    %and3A_2156 = arith.constant 127 : i32
    %and3A_2157 = vector.broadcast %and3A_2156 : i32 to vector<16xi32>
    %and3A_2158 = arith.andi %gather3A, %and3A_2157 : vector<16xi32>
    %add3A_2159 = arith.constant 0 : i32
    %add3A_2160 = vector.broadcast %add3A_2159 : i32 to vector<16xi32>
    %add3A_2161 = arith.addi %iota3A, %add3A_2160 : vector<16xi32>
    %gather3A_2162 = tpu.vector_load_idx %arg9[%add3A_2161, %and3A_1, %and3A_2158] : memref<32x8x128xf32, #tpu.memory_space<vmem>>[vector<16xi32>, vector<16xi32>, vector<16xi32>], vector<16xf32>,
    %gather3A_2163 = tpu.vector_load_idx %arg10[%add3A_2161, %and3A_1, %and3A_2158] : memref<32x8x128xf32, #tpu.memory_space<vmem>>[vector<16xi32>, vector<16xi32>, vector<16xi32>], vector<16xf32>,
    %gather3A_2164 = tpu.vector_load_idx %arg8[%iota3A, %broadcast_in_dim3A_2155] : memref<16x32xf32, #tpu.memory_space<vmem>>[vector<16xi32>, vector<16xi32>], vector<16xf32>,
    %add3A_2165 = arith.addf %gather3A_2162, %gather3A_2163 : vector<16xf32>
    %mul3A_2166 = arith.mulf %add3A_2165, %gather3A_2164 : vector<16xf32>
    %add3A_2167 = arith.addf %broadcast_in_dim3A_2, %mul3A_2166 : vector<16xf32>
    %add3A_2168 = arith.addf %broadcast_in_dim3A_4, %gather3A_2164 : vector<16xf32>
    %mul3A_2169 = arith.constant 2 : i32
    %mul3A_2170 = arith.muli %arg1, %mul3A_2169 : i32
    %add3A_2171 = arith.constant 1 : i32
    %add3A_2172 = arith.addi %mul3A_2170, %add3A_2171 : i32
    %broadcast_in_dim3A_2173 = vector.broadcast %add3A_2172 : i32 to vector<16xi32>
    %and3A_2174 = arith.constant 127 : i32
    %and3A_2175 = vector.broadcast %and3A_2174 : i32 to vector<16xi32>
    %and3A_2176 = arith.andi %gather3A_599, %and3A_2175 : vector<16xi32>
    %add3A_2177 = arith.constant 16 : i32
    %add3A_2178 = vector.broadcast %add3A_2177 : i32 to vector<16xi32>
    %add3A_2179 = arith.addi %iota3A, %add3A_2178 : vector<16xi32>
    %gather3A_2180 = tpu.vector_load_idx %arg9[%add3A_2179, %and3A_1, %and3A_2176] : memref<32x8x128xf32, #tpu.memory_space<vmem>>[vector<16xi32>, vector<16xi32>, vector<16xi32>], vector<16xf32>,
    %gather3A_2181 = tpu.vector_load_idx %arg10[%add3A_2179, %and3A_1, %and3A_2176] : memref<32x8x128xf32, #tpu.memory_space<vmem>>[vector<16xi32>, vector<16xi32>, vector<16xi32>], vector<16xf32>,
    %gather3A_2182 = tpu.vector_load_idx %arg8[%iota3A, %broadcast_in_dim3A_2173] : memref<16x32xf32, #tpu.memory_space<vmem>>[vector<16xi32>, vector<16xi32>], vector<16xf32>,
    %add3A_2183 = arith.addf %gather3A_2180, %gather3A_2181 : vector<16xf32>
    %mul3A_2184 = arith.mulf %add3A_2183, %gather3A_2182 : vector<16xf32>
    %add3A_2185 = arith.addf %add3A_2167, %mul3A_2184 : vector<16xf32>
    %add3A_2186 = arith.addf %add3A_2168, %gather3A_2182 : vector<16xf32>
    %swap3A = arith.constant 0 : i32
    %swap3A_2187 = arith.index_cast %swap3A : i32 to index
    %swap3A_2188 = arith.constant 0 : index
    %swap3A_2189 = tpu.vector_load %arg11[%swap3A_2187, %swap3A_2188] {strides = array<i32>} : memref<2x16xf32, #tpu.memory_space<vmem>>, vector<16xf32>,
    tpu.vector_store %arg11[%swap3A_2187, %swap3A_2188], %add3A_2185 {strides = array<i32>} : memref<2x16xf32, #tpu.memory_space<vmem>>, vector<16xf32>,
    %swap3A_2190 = arith.constant 1 : i32
    %swap3A_2191 = arith.index_cast %swap3A_2190 : i32 to index
    %swap3A_2192 = arith.constant 0 : index
    %swap3A_2193 = tpu.vector_load %arg11[%swap3A_2191, %swap3A_2192] {strides = array<i32>} : memref<2x16xf32, #tpu.memory_space<vmem>>, vector<16xf32>,
    tpu.vector_store %arg11[%swap3A_2191, %swap3A_2192], %add3A_2186 {strides = array<i32>} : memref<2x16xf32, #tpu.memory_space<vmem>>, vector<16xf32>,
    "tpu.region"() ({
      %run_scoped3A = tpu.sem_alloc : memref<!tpu.dma_semaphore, #tpu.memory_space<semaphore_mem>>
      %dma_start3A_2196 = arith.constant 0 : i32
      %dma_start3A_2197 = arith.constant 0 : i32
      %dma_start3A_2198 = tpu.memref_slice %arg14[%arg1, %dma_start3A_2196, %dma_start3A_2197] : memref<16x2x16xf32, #tpu.memory_space<hbm>> -> memref<1x2x16xf32, #tpu.memory_space<hbm>>
      %dma_start3A_2199 = tpu.memref_squeeze %dma_start3A_2198 : memref<1x2x16xf32, #tpu.memory_space<hbm>> -> memref<2x16xf32, #tpu.memory_space<hbm>>
      %dma_start3A_2200 = arith.constant 0 : i32
      %dma_start3A_2201 = arith.constant 0 : i32
      %dma_start3A_2202 = tpu.memref_slice %arg14[%arg1, %dma_start3A_2200, %dma_start3A_2201] : memref<16x2x16xf32, #tpu.memory_space<hbm>> -> memref<1x2x16xf32, #tpu.memory_space<hbm>>
      %dma_start3A_2203 = tpu.memref_squeeze %dma_start3A_2202 : memref<1x2x16xf32, #tpu.memory_space<hbm>> -> memref<2x16xf32, #tpu.memory_space<hbm>>
      tpu.enqueue_dma source(%arg11 : memref<2x16xf32, #tpu.memory_space<vmem>>) target(%dma_start3A_2203 : memref<2x16xf32, #tpu.memory_space<hbm>>) target_semaphore(%run_scoped3A : memref<!tpu.dma_semaphore, #tpu.memory_space<semaphore_mem>>)
      %dma_wait3A_2204 = arith.constant 0 : i32
      %dma_wait3A_2205 = arith.constant 0 : i32
      %dma_wait3A_2206 = tpu.memref_slice %arg14[%arg1, %dma_wait3A_2204, %dma_wait3A_2205] : memref<16x2x16xf32, #tpu.memory_space<hbm>> -> memref<1x2x16xf32, #tpu.memory_space<hbm>>
      %dma_wait3A_2207 = tpu.memref_squeeze %dma_wait3A_2206 : memref<1x2x16xf32, #tpu.memory_space<hbm>> -> memref<2x16xf32, #tpu.memory_space<hbm>>
      %dma_wait3A_2208 = arith.constant 0 : i32
      %dma_wait3A_2209 = arith.constant 0 : i32
      %dma_wait3A_2210 = tpu.memref_slice %arg14[%arg1, %dma_wait3A_2208, %dma_wait3A_2209] : memref<16x2x16xf32, #tpu.memory_space<hbm>> -> memref<1x2x16xf32, #tpu.memory_space<hbm>>
      %dma_wait3A_2211 = tpu.memref_squeeze %dma_wait3A_2210 : memref<1x2x16xf32, #tpu.memory_space<hbm>> -> memref<2x16xf32, #tpu.memory_space<hbm>>
      tpu.wait_dma2 semaphore(%run_scoped3A : memref<!tpu.dma_semaphore, #tpu.memory_space<semaphore_mem>>) src(%arg11 : memref<2x16xf32, #tpu.memory_space<vmem>>) dst(%dma_wait3A_2211 : memref<2x16xf32, #tpu.memory_space<hbm>>)
      tpu.yield
    }) : () -> ()
    %barrier3A = arith.constant 0 : index
    tpu.barrier barrier_id(%barrier3A)
    %eq3A = arith.constant 0 : i32
    %eq3A_2194 = arith.cmpi eq, %arg1, %eq3A : i32
    %convert_element_type3A = arith.extui %eq3A_2194 : i1 to i32
    %cond3A = arith.constant 0 : i32
    %cond3A_2195 = arith.cmpi ne, %convert_element_type3A, %cond3A : i32
    scf.if %cond3A_2195 {
      "tpu.region"() ({
        %run_scoped3A = tpu.sem_alloc : memref<!tpu.dma_semaphore, #tpu.memory_space<semaphore_mem>>
        tpu.enqueue_dma source(%arg14 : memref<16x2x16xf32, #tpu.memory_space<hbm>>) target(%arg13 : memref<16x2x16xf32, #tpu.memory_space<vmem>>) target_semaphore(%run_scoped3A : memref<!tpu.dma_semaphore, #tpu.memory_space<semaphore_mem>>)
        tpu.wait_dma2 semaphore(%run_scoped3A : memref<!tpu.dma_semaphore, #tpu.memory_space<semaphore_mem>>) src(%arg14 : memref<16x2x16xf32, #tpu.memory_space<hbm>>) dst(%arg13 : memref<16x2x16xf32, #tpu.memory_space<vmem>>)
        tpu.yield
      }) : () -> ()
      %broadcast_in_dim3A_2196 = arith.constant 0.000000e+00 : f32
      %broadcast_in_dim3A_2197 = vector.broadcast %broadcast_in_dim3A_2196 : f32 to vector<16xf32>
      %broadcast_in_dim3A_2198 = arith.constant 0.000000e+00 : f32
      %broadcast_in_dim3A_2199 = vector.broadcast %broadcast_in_dim3A_2198 : f32 to vector<16xf32>
      %get3A = arith.constant 0 : i32
      %get3A_2200 = arith.constant 0 : i32
      %get3A_2201 = arith.index_cast %get3A : i32 to index
      %get3A_2202 = arith.index_cast %get3A_2200 : i32 to index
      %get3A_2203 = arith.constant 0 : index
      %get3A_2204 = tpu.vector_load %arg13[%get3A_2201, %get3A_2202, %get3A_2203] {strides = array<i32>} : memref<16x2x16xf32, #tpu.memory_space<vmem>>, vector<16xf32>,
      %add3A_2205 = arith.addf %broadcast_in_dim3A_2197, %get3A_2204 : vector<16xf32>
      %get3A_2206 = arith.constant 0 : i32
      %get3A_2207 = arith.constant 1 : i32
      %get3A_2208 = arith.index_cast %get3A_2206 : i32 to index
      %get3A_2209 = arith.index_cast %get3A_2207 : i32 to index
      %get3A_2210 = arith.constant 0 : index
      %get3A_2211 = tpu.vector_load %arg13[%get3A_2208, %get3A_2209, %get3A_2210] {strides = array<i32>} : memref<16x2x16xf32, #tpu.memory_space<vmem>>, vector<16xf32>,
      %add3A_2212 = arith.addf %broadcast_in_dim3A_2199, %get3A_2211 : vector<16xf32>
      %get3A_2213 = arith.constant 1 : i32
      %get3A_2214 = arith.constant 0 : i32
      %get3A_2215 = arith.index_cast %get3A_2213 : i32 to index
      %get3A_2216 = arith.index_cast %get3A_2214 : i32 to index
      %get3A_2217 = arith.constant 0 : index
      %get3A_2218 = tpu.vector_load %arg13[%get3A_2215, %get3A_2216, %get3A_2217] {strides = array<i32>} : memref<16x2x16xf32, #tpu.memory_space<vmem>>, vector<16xf32>,
      %add3A_2219 = arith.addf %add3A_2205, %get3A_2218 : vector<16xf32>
      %get3A_2220 = arith.constant 1 : i32
      %get3A_2221 = arith.constant 1 : i32
      %get3A_2222 = arith.index_cast %get3A_2220 : i32 to index
      %get3A_2223 = arith.index_cast %get3A_2221 : i32 to index
      %get3A_2224 = arith.constant 0 : index
      %get3A_2225 = tpu.vector_load %arg13[%get3A_2222, %get3A_2223, %get3A_2224] {strides = array<i32>} : memref<16x2x16xf32, #tpu.memory_space<vmem>>, vector<16xf32>,
      %add3A_2226 = arith.addf %add3A_2212, %get3A_2225 : vector<16xf32>
      %get3A_2227 = arith.constant 2 : i32
      %get3A_2228 = arith.constant 0 : i32
      %get3A_2229 = arith.index_cast %get3A_2227 : i32 to index
      %get3A_2230 = arith.index_cast %get3A_2228 : i32 to index
      %get3A_2231 = arith.constant 0 : index
      %get3A_2232 = tpu.vector_load %arg13[%get3A_2229, %get3A_2230, %get3A_2231] {strides = array<i32>} : memref<16x2x16xf32, #tpu.memory_space<vmem>>, vector<16xf32>,
      %add3A_2233 = arith.addf %add3A_2219, %get3A_2232 : vector<16xf32>
      %get3A_2234 = arith.constant 2 : i32
      %get3A_2235 = arith.constant 1 : i32
      %get3A_2236 = arith.index_cast %get3A_2234 : i32 to index
      %get3A_2237 = arith.index_cast %get3A_2235 : i32 to index
      %get3A_2238 = arith.constant 0 : index
      %get3A_2239 = tpu.vector_load %arg13[%get3A_2236, %get3A_2237, %get3A_2238] {strides = array<i32>} : memref<16x2x16xf32, #tpu.memory_space<vmem>>, vector<16xf32>,
      %add3A_2240 = arith.addf %add3A_2226, %get3A_2239 : vector<16xf32>
      %get3A_2241 = arith.constant 3 : i32
      %get3A_2242 = arith.constant 0 : i32
      %get3A_2243 = arith.index_cast %get3A_2241 : i32 to index
      %get3A_2244 = arith.index_cast %get3A_2242 : i32 to index
      %get3A_2245 = arith.constant 0 : index
      %get3A_2246 = tpu.vector_load %arg13[%get3A_2243, %get3A_2244, %get3A_2245] {strides = array<i32>} : memref<16x2x16xf32, #tpu.memory_space<vmem>>, vector<16xf32>,
      %add3A_2247 = arith.addf %add3A_2233, %get3A_2246 : vector<16xf32>
      %get3A_2248 = arith.constant 3 : i32
      %get3A_2249 = arith.constant 1 : i32
      %get3A_2250 = arith.index_cast %get3A_2248 : i32 to index
      %get3A_2251 = arith.index_cast %get3A_2249 : i32 to index
      %get3A_2252 = arith.constant 0 : index
      %get3A_2253 = tpu.vector_load %arg13[%get3A_2250, %get3A_2251, %get3A_2252] {strides = array<i32>} : memref<16x2x16xf32, #tpu.memory_space<vmem>>, vector<16xf32>,
      %add3A_2254 = arith.addf %add3A_2240, %get3A_2253 : vector<16xf32>
      %get3A_2255 = arith.constant 4 : i32
      %get3A_2256 = arith.constant 0 : i32
      %get3A_2257 = arith.index_cast %get3A_2255 : i32 to index
      %get3A_2258 = arith.index_cast %get3A_2256 : i32 to index
      %get3A_2259 = arith.constant 0 : index
      %get3A_2260 = tpu.vector_load %arg13[%get3A_2257, %get3A_2258, %get3A_2259] {strides = array<i32>} : memref<16x2x16xf32, #tpu.memory_space<vmem>>, vector<16xf32>,
      %add3A_2261 = arith.addf %add3A_2247, %get3A_2260 : vector<16xf32>
      %get3A_2262 = arith.constant 4 : i32
      %get3A_2263 = arith.constant 1 : i32
      %get3A_2264 = arith.index_cast %get3A_2262 : i32 to index
      %get3A_2265 = arith.index_cast %get3A_2263 : i32 to index
      %get3A_2266 = arith.constant 0 : index
      %get3A_2267 = tpu.vector_load %arg13[%get3A_2264, %get3A_2265, %get3A_2266] {strides = array<i32>} : memref<16x2x16xf32, #tpu.memory_space<vmem>>, vector<16xf32>,
      %add3A_2268 = arith.addf %add3A_2254, %get3A_2267 : vector<16xf32>
      %get3A_2269 = arith.constant 5 : i32
      %get3A_2270 = arith.constant 0 : i32
      %get3A_2271 = arith.index_cast %get3A_2269 : i32 to index
      %get3A_2272 = arith.index_cast %get3A_2270 : i32 to index
      %get3A_2273 = arith.constant 0 : index
      %get3A_2274 = tpu.vector_load %arg13[%get3A_2271, %get3A_2272, %get3A_2273] {strides = array<i32>} : memref<16x2x16xf32, #tpu.memory_space<vmem>>, vector<16xf32>,
      %add3A_2275 = arith.addf %add3A_2261, %get3A_2274 : vector<16xf32>
      %get3A_2276 = arith.constant 5 : i32
      %get3A_2277 = arith.constant 1 : i32
      %get3A_2278 = arith.index_cast %get3A_2276 : i32 to index
      %get3A_2279 = arith.index_cast %get3A_2277 : i32 to index
      %get3A_2280 = arith.constant 0 : index
      %get3A_2281 = tpu.vector_load %arg13[%get3A_2278, %get3A_2279, %get3A_2280] {strides = array<i32>} : memref<16x2x16xf32, #tpu.memory_space<vmem>>, vector<16xf32>,
      %add3A_2282 = arith.addf %add3A_2268, %get3A_2281 : vector<16xf32>
      %get3A_2283 = arith.constant 6 : i32
      %get3A_2284 = arith.constant 0 : i32
      %get3A_2285 = arith.index_cast %get3A_2283 : i32 to index
      %get3A_2286 = arith.index_cast %get3A_2284 : i32 to index
      %get3A_2287 = arith.constant 0 : index
      %get3A_2288 = tpu.vector_load %arg13[%get3A_2285, %get3A_2286, %get3A_2287] {strides = array<i32>} : memref<16x2x16xf32, #tpu.memory_space<vmem>>, vector<16xf32>,
      %add3A_2289 = arith.addf %add3A_2275, %get3A_2288 : vector<16xf32>
      %get3A_2290 = arith.constant 6 : i32
      %get3A_2291 = arith.constant 1 : i32
      %get3A_2292 = arith.index_cast %get3A_2290 : i32 to index
      %get3A_2293 = arith.index_cast %get3A_2291 : i32 to index
      %get3A_2294 = arith.constant 0 : index
      %get3A_2295 = tpu.vector_load %arg13[%get3A_2292, %get3A_2293, %get3A_2294] {strides = array<i32>} : memref<16x2x16xf32, #tpu.memory_space<vmem>>, vector<16xf32>,
      %add3A_2296 = arith.addf %add3A_2282, %get3A_2295 : vector<16xf32>
      %get3A_2297 = arith.constant 7 : i32
      %get3A_2298 = arith.constant 0 : i32
      %get3A_2299 = arith.index_cast %get3A_2297 : i32 to index
      %get3A_2300 = arith.index_cast %get3A_2298 : i32 to index
      %get3A_2301 = arith.constant 0 : index
      %get3A_2302 = tpu.vector_load %arg13[%get3A_2299, %get3A_2300, %get3A_2301] {strides = array<i32>} : memref<16x2x16xf32, #tpu.memory_space<vmem>>, vector<16xf32>,
      %add3A_2303 = arith.addf %add3A_2289, %get3A_2302 : vector<16xf32>
      %get3A_2304 = arith.constant 7 : i32
      %get3A_2305 = arith.constant 1 : i32
      %get3A_2306 = arith.index_cast %get3A_2304 : i32 to index
      %get3A_2307 = arith.index_cast %get3A_2305 : i32 to index
      %get3A_2308 = arith.constant 0 : index
      %get3A_2309 = tpu.vector_load %arg13[%get3A_2306, %get3A_2307, %get3A_2308] {strides = array<i32>} : memref<16x2x16xf32, #tpu.memory_space<vmem>>, vector<16xf32>,
      %add3A_2310 = arith.addf %add3A_2296, %get3A_2309 : vector<16xf32>
      %get3A_2311 = arith.constant 8 : i32
      %get3A_2312 = arith.constant 0 : i32
      %get3A_2313 = arith.index_cast %get3A_2311 : i32 to index
      %get3A_2314 = arith.index_cast %get3A_2312 : i32 to index
      %get3A_2315 = arith.constant 0 : index
      %get3A_2316 = tpu.vector_load %arg13[%get3A_2313, %get3A_2314, %get3A_2315] {strides = array<i32>} : memref<16x2x16xf32, #tpu.memory_space<vmem>>, vector<16xf32>,
      %add3A_2317 = arith.addf %add3A_2303, %get3A_2316 : vector<16xf32>
      %get3A_2318 = arith.constant 8 : i32
      %get3A_2319 = arith.constant 1 : i32
      %get3A_2320 = arith.index_cast %get3A_2318 : i32 to index
      %get3A_2321 = arith.index_cast %get3A_2319 : i32 to index
      %get3A_2322 = arith.constant 0 : index
      %get3A_2323 = tpu.vector_load %arg13[%get3A_2320, %get3A_2321, %get3A_2322] {strides = array<i32>} : memref<16x2x16xf32, #tpu.memory_space<vmem>>, vector<16xf32>,
      %add3A_2324 = arith.addf %add3A_2310, %get3A_2323 : vector<16xf32>
      %get3A_2325 = arith.constant 9 : i32
      %get3A_2326 = arith.constant 0 : i32
      %get3A_2327 = arith.index_cast %get3A_2325 : i32 to index
      %get3A_2328 = arith.index_cast %get3A_2326 : i32 to index
      %get3A_2329 = arith.constant 0 : index
      %get3A_2330 = tpu.vector_load %arg13[%get3A_2327, %get3A_2328, %get3A_2329] {strides = array<i32>} : memref<16x2x16xf32, #tpu.memory_space<vmem>>, vector<16xf32>,
      %add3A_2331 = arith.addf %add3A_2317, %get3A_2330 : vector<16xf32>
      %get3A_2332 = arith.constant 9 : i32
      %get3A_2333 = arith.constant 1 : i32
      %get3A_2334 = arith.index_cast %get3A_2332 : i32 to index
      %get3A_2335 = arith.index_cast %get3A_2333 : i32 to index
      %get3A_2336 = arith.constant 0 : index
      %get3A_2337 = tpu.vector_load %arg13[%get3A_2334, %get3A_2335, %get3A_2336] {strides = array<i32>} : memref<16x2x16xf32, #tpu.memory_space<vmem>>, vector<16xf32>,
      %add3A_2338 = arith.addf %add3A_2324, %get3A_2337 : vector<16xf32>
      %get3A_2339 = arith.constant 10 : i32
      %get3A_2340 = arith.constant 0 : i32
      %get3A_2341 = arith.index_cast %get3A_2339 : i32 to index
      %get3A_2342 = arith.index_cast %get3A_2340 : i32 to index
      %get3A_2343 = arith.constant 0 : index
      %get3A_2344 = tpu.vector_load %arg13[%get3A_2341, %get3A_2342, %get3A_2343] {strides = array<i32>} : memref<16x2x16xf32, #tpu.memory_space<vmem>>, vector<16xf32>,
      %add3A_2345 = arith.addf %add3A_2331, %get3A_2344 : vector<16xf32>
      %get3A_2346 = arith.constant 10 : i32
      %get3A_2347 = arith.constant 1 : i32
      %get3A_2348 = arith.index_cast %get3A_2346 : i32 to index
      %get3A_2349 = arith.index_cast %get3A_2347 : i32 to index
      %get3A_2350 = arith.constant 0 : index
      %get3A_2351 = tpu.vector_load %arg13[%get3A_2348, %get3A_2349, %get3A_2350] {strides = array<i32>} : memref<16x2x16xf32, #tpu.memory_space<vmem>>, vector<16xf32>,
      %add3A_2352 = arith.addf %add3A_2338, %get3A_2351 : vector<16xf32>
      %get3A_2353 = arith.constant 11 : i32
      %get3A_2354 = arith.constant 0 : i32
      %get3A_2355 = arith.index_cast %get3A_2353 : i32 to index
      %get3A_2356 = arith.index_cast %get3A_2354 : i32 to index
      %get3A_2357 = arith.constant 0 : index
      %get3A_2358 = tpu.vector_load %arg13[%get3A_2355, %get3A_2356, %get3A_2357] {strides = array<i32>} : memref<16x2x16xf32, #tpu.memory_space<vmem>>, vector<16xf32>,
      %add3A_2359 = arith.addf %add3A_2345, %get3A_2358 : vector<16xf32>
      %get3A_2360 = arith.constant 11 : i32
      %get3A_2361 = arith.constant 1 : i32
      %get3A_2362 = arith.index_cast %get3A_2360 : i32 to index
      %get3A_2363 = arith.index_cast %get3A_2361 : i32 to index
      %get3A_2364 = arith.constant 0 : index
      %get3A_2365 = tpu.vector_load %arg13[%get3A_2362, %get3A_2363, %get3A_2364] {strides = array<i32>} : memref<16x2x16xf32, #tpu.memory_space<vmem>>, vector<16xf32>,
      %add3A_2366 = arith.addf %add3A_2352, %get3A_2365 : vector<16xf32>
      %get3A_2367 = arith.constant 12 : i32
      %get3A_2368 = arith.constant 0 : i32
      %get3A_2369 = arith.index_cast %get3A_2367 : i32 to index
      %get3A_2370 = arith.index_cast %get3A_2368 : i32 to index
      %get3A_2371 = arith.constant 0 : index
      %get3A_2372 = tpu.vector_load %arg13[%get3A_2369, %get3A_2370, %get3A_2371] {strides = array<i32>} : memref<16x2x16xf32, #tpu.memory_space<vmem>>, vector<16xf32>,
      %add3A_2373 = arith.addf %add3A_2359, %get3A_2372 : vector<16xf32>
      %get3A_2374 = arith.constant 12 : i32
      %get3A_2375 = arith.constant 1 : i32
      %get3A_2376 = arith.index_cast %get3A_2374 : i32 to index
      %get3A_2377 = arith.index_cast %get3A_2375 : i32 to index
      %get3A_2378 = arith.constant 0 : index
      %get3A_2379 = tpu.vector_load %arg13[%get3A_2376, %get3A_2377, %get3A_2378] {strides = array<i32>} : memref<16x2x16xf32, #tpu.memory_space<vmem>>, vector<16xf32>,
      %add3A_2380 = arith.addf %add3A_2366, %get3A_2379 : vector<16xf32>
      %get3A_2381 = arith.constant 13 : i32
      %get3A_2382 = arith.constant 0 : i32
      %get3A_2383 = arith.index_cast %get3A_2381 : i32 to index
      %get3A_2384 = arith.index_cast %get3A_2382 : i32 to index
      %get3A_2385 = arith.constant 0 : index
      %get3A_2386 = tpu.vector_load %arg13[%get3A_2383, %get3A_2384, %get3A_2385] {strides = array<i32>} : memref<16x2x16xf32, #tpu.memory_space<vmem>>, vector<16xf32>,
      %add3A_2387 = arith.addf %add3A_2373, %get3A_2386 : vector<16xf32>
      %get3A_2388 = arith.constant 13 : i32
      %get3A_2389 = arith.constant 1 : i32
      %get3A_2390 = arith.index_cast %get3A_2388 : i32 to index
      %get3A_2391 = arith.index_cast %get3A_2389 : i32 to index
      %get3A_2392 = arith.constant 0 : index
      %get3A_2393 = tpu.vector_load %arg13[%get3A_2390, %get3A_2391, %get3A_2392] {strides = array<i32>} : memref<16x2x16xf32, #tpu.memory_space<vmem>>, vector<16xf32>,
      %add3A_2394 = arith.addf %add3A_2380, %get3A_2393 : vector<16xf32>
      %get3A_2395 = arith.constant 14 : i32
      %get3A_2396 = arith.constant 0 : i32
      %get3A_2397 = arith.index_cast %get3A_2395 : i32 to index
      %get3A_2398 = arith.index_cast %get3A_2396 : i32 to index
      %get3A_2399 = arith.constant 0 : index
      %get3A_2400 = tpu.vector_load %arg13[%get3A_2397, %get3A_2398, %get3A_2399] {strides = array<i32>} : memref<16x2x16xf32, #tpu.memory_space<vmem>>, vector<16xf32>,
      %add3A_2401 = arith.addf %add3A_2387, %get3A_2400 : vector<16xf32>
      %get3A_2402 = arith.constant 14 : i32
      %get3A_2403 = arith.constant 1 : i32
      %get3A_2404 = arith.index_cast %get3A_2402 : i32 to index
      %get3A_2405 = arith.index_cast %get3A_2403 : i32 to index
      %get3A_2406 = arith.constant 0 : index
      %get3A_2407 = tpu.vector_load %arg13[%get3A_2404, %get3A_2405, %get3A_2406] {strides = array<i32>} : memref<16x2x16xf32, #tpu.memory_space<vmem>>, vector<16xf32>,
      %add3A_2408 = arith.addf %add3A_2394, %get3A_2407 : vector<16xf32>
      %get3A_2409 = arith.constant 15 : i32
      %get3A_2410 = arith.constant 0 : i32
      %get3A_2411 = arith.index_cast %get3A_2409 : i32 to index
      %get3A_2412 = arith.index_cast %get3A_2410 : i32 to index
      %get3A_2413 = arith.constant 0 : index
      %get3A_2414 = tpu.vector_load %arg13[%get3A_2411, %get3A_2412, %get3A_2413] {strides = array<i32>} : memref<16x2x16xf32, #tpu.memory_space<vmem>>, vector<16xf32>,
      %add3A_2415 = arith.addf %add3A_2401, %get3A_2414 : vector<16xf32>
      %get3A_2416 = arith.constant 15 : i32
      %get3A_2417 = arith.constant 1 : i32
      %get3A_2418 = arith.index_cast %get3A_2416 : i32 to index
      %get3A_2419 = arith.index_cast %get3A_2417 : i32 to index
      %get3A_2420 = arith.constant 0 : index
      %get3A_2421 = tpu.vector_load %arg13[%get3A_2418, %get3A_2419, %get3A_2420] {strides = array<i32>} : memref<16x2x16xf32, #tpu.memory_space<vmem>>, vector<16xf32>,
      %add3A_2422 = arith.addf %add3A_2408, %get3A_2421 : vector<16xf32>
      %broadcast_in_dim3A_2423 = arith.constant true
      %broadcast_in_dim3A_2424 = vector.broadcast %broadcast_in_dim3A_2423 : i1 to vector<16xi1>
      %masked_cumsum3A = tpu.scan <sum>, %add3A_2415 masked %broadcast_in_dim3A_2424 : vector<16xf32>, vector<16xi1> -> vector<16xf32>
      %slice3A_2425 = vector.extract_strided_slice %masked_cumsum3A {offsets = [15], sizes = [1], strides = [1]} : vector<16xf32> to vector<1xf32>
      %squeeze3A_2426 = vector.extract %slice3A_2425[0] : f32 from vector<1xf32>
      %broadcast_in_dim3A_2427 = arith.constant true
      %broadcast_in_dim3A_2428 = vector.broadcast %broadcast_in_dim3A_2427 : i1 to vector<16xi1>
      %masked_cumsum3A_2429 = tpu.scan <sum>, %add3A_2422 masked %broadcast_in_dim3A_2428 : vector<16xf32>, vector<16xi1> -> vector<16xf32>
      %slice3A_2430 = vector.extract_strided_slice %masked_cumsum3A_2429 {offsets = [15], sizes = [1], strides = [1]} : vector<16xf32> to vector<1xf32>
      %squeeze3A_2431 = vector.extract %slice3A_2430[0] : f32 from vector<1xf32>
      %neg3A = arith.constant 0.000000e+00 : f32
      %neg3A_2432 = arith.subf %neg3A, %squeeze3A_2426 : f32
      %broadcast_in_dim3A_2433 = vector.broadcast %neg3A_2432 : f32 to vector<16xf32>
      %broadcast_in_dim3A_2434 = vector.broadcast %squeeze3A_2431 : f32 to vector<16xf32>
      %div3A = arith.divf %broadcast_in_dim3A_2433, %broadcast_in_dim3A_2434 : vector<16xf32>
      %swap3A_2435 = arith.constant 0 : index
      %swap3A_2436 = tpu.vector_load %arg12[%swap3A_2435] {strides = array<i32>} : memref<16xf32, #tpu.memory_space<vmem>>, vector<16xf32>,
      tpu.vector_store %arg12[%swap3A_2435], %div3A {strides = array<i32>} : memref<16xf32, #tpu.memory_space<vmem>>, vector<16xf32>,
      "tpu.region"() ({
        %run_scoped3A = tpu.sem_alloc : memref<!tpu.dma_semaphore, #tpu.memory_space<semaphore_mem>>
        tpu.enqueue_dma source(%arg12 : memref<16xf32, #tpu.memory_space<vmem>>) target(%arg6 : memref<16xf32, #tpu.memory_space<hbm>>) target_semaphore(%run_scoped3A : memref<!tpu.dma_semaphore, #tpu.memory_space<semaphore_mem>>)
        tpu.wait_dma2 semaphore(%run_scoped3A : memref<!tpu.dma_semaphore, #tpu.memory_space<semaphore_mem>>) src(%arg12 : memref<16xf32, #tpu.memory_space<vmem>>) dst(%arg6 : memref<16xf32, #tpu.memory_space<hbm>>)
        tpu.yield
      }) : () -> ()
    } else {
    }
    return
  }
}

</mosaic_0001>

<sc_bundles>
// kernel: kernel.3.cloned.1.call-start
scs
__scs_entry_jumppad:
0x0: {  	(pc) =	sbr.rel $0x88, $3  }
0x1: {  	(tag) =	ssettag $0x0;
	lr =	simm.s32 $0x1  }
0x2: {  	[smem:$0x3F9D] =	sst lr;
	_ =	strace $0xD0000000  }
0x3: {  	_ = 	snop  }
0x4: {  	_ = 	snop  }
0x5: {  	_ = 	snop  }
0x6: {  	_ = 	snop  }
0x7: {  	_ = 	snop  }
__scs_overlays_trampoline_lowered:
0x8: {  	[smem:$0x3FAC] =	sst s0  }
0x9: {  	[smem:$0x3FAD] =	sst s1  }
0xa: {  	[smem:$0x3FAE] =	sst s2  }
0xb: {  	[smem:$0x3FAF] =	sst s3  }
0xc: {  	[smem:$0x3FB0] =	sst s4  }
0xd: {  	[smem:$0x3FB1] =	sst s5  }
0xe: {  	[smem:$0x3FB2] =	sst s6  }
0xf: {  	[smem:$0x3FB3] =	sst s7  }
0x10: {  	[smem:$0x3FB4] =	sst s8  }
0x11: {  	[smem:$0x3FB5] =	sst s9;
	s0 =	simm.s32 @!p0 $0x0  }
0x12: {  	s1 =	sld [smem:$0x3F9B];
	s0 =	simm.s32 @p0 $0x1  }
0x13: {  	[smem:$0x3FB6] =	sst s0;
	s0 =	simm.s32 @!p1 $0x0  }
0x14: {  	s2 =	sld [smem:$0x3F9A];
	s0 =	simm.s32 @p1 $0x1  }
0x15: {  	[smem:$0x3FB7] =	sst s0;
	s0 =	simm.s32 @!p2 $0x0  }
0x16: {  	s3 =	sld [smem:$0x3FDB];
	s0 =	simm.s32 @p2 $0x1  }
0x17: {  	s4 =	simm.s32 $0x1BF5;
	[smem:$0x3FB9] =	sst s0  }
0x18: {  	s0 =	sld [smem:$0x3F9C];
	_ =	swait.ge [sflag:s4], $0x0  }
0x19: {  	s7 =	sld [smem:$0x3F9D]  }
0x1a: {  	s8 =	sadd.s32 $0xFFFFE003, lr  }
0x1b: {  	s9 =	sadd.s32 $0xFFFFFEF7, lr;
	s5 =	simm.s32 $0xFFFFFFFF;
	p2 =	slt.u32 s8, $0xFFFFF086  }
0x1c: {  	p1 =	slt.u32 s9, $0xF7A;
	s5 =	simm.s32 @!p2 $0x0  }
0x1d: {  	s5 =	simm.s32 @p1 $0x1;
	p0 =	seq.s32 s7, s2  }
0x1e: {  	s7 =	smul.u32 @!p0 $0xF7A, s2;
	p2 =	seq.s32 @!p0 s5, $0x0  }
0x1f: {  	s9 =	smul.u32 $0xF7A, s1;
	s8 =	simm.s32 @!p0 $0x1BF5;
	p2 =	por !p2, p0  }
0x20: {  	[sflag:s8] =	ssyncset.s32 @!p0 $0xFFFFF086;
	s6 =	sadd.s32 @!p0 s3, s7;
	s7 =	simm.s32 @!p0 $0x108  }
0x21: {  	s3 =	sadd.s32 s3, s9;
	s6 =	sadd.s32 @!p0 $0x88, s6;
	s7 =	simm.s32 @p2 $0x1082  }
0x22: {  	[simem:s7], [sflag:s8] =	dma.local @!p0 [hbm:s6], $0xF7A  }
0x23: {  	s9 =	sor.u32 $0xD0000000, s2;
	s6 =	simm.s32 $0x108;
	_ =	swait.ge @!p0 [sflag:s8], $0x0  }
0x24: {  	s3 =	sadd.s32 $0x88, s3;
	s6 =	simm.s32 @!p1 $0x1082;
	[sflag:s4] =	ssyncset.s32 $0xFFFFF086  }
0x25: {  	[simem:s6], [sflag:s4] =	dma.local [hbm:s3], $0xF7A  }
0x26: {  	[smem:$0x3F9D] =	sst s1;
	(tag) =	ssettag s2;
	_ =	strace s9  }
0x27: {  	s1 =	sld [smem:$0x3FAD]  }
0x28: {  	s2 =	sld [smem:$0x3FAE]  }
0x29: {  	s4 =	sld [smem:$0x3FB0]  }
0x2a: {  	p0 =	seq.s32 s5, $0x0;
	s5 =	sld [smem:$0x3FB1]  }
0x2b: {  	s6 =	sld [smem:$0x3FB2]  }
0x2c: {  	s7 =	sld [smem:$0x3FB3]  }
0x2d: {  	s3 =	simm.s32 $0x108;
	s8 =	sld [smem:$0x3FB4]  }
0x2e: {  	s3 =	simm.s32 @!p0 $0x1082;
	s9 =	sld [smem:$0x3FB5]  }
0x2f: {  	lr =	sadd.s32 s0, s3;
	s0 =	sld [smem:$0x3FAC]  }
0x30: {  	s3 =	sld [smem:$0x3FAF]  }
0x31: {  	[smem:$0x3FB8] =	sst s10  }
0x32: {  	s10 =	sld [smem:$0x3FB6];
	_ =	sdelay $0x3  }
0x33: {  	p0 =	seq.s32 s10, $0x1;
	s10 =	sld [smem:$0x3FB8];
	_ =	sdelay $0x3  }
0x34: {  	[smem:$0x3FB8] =	sst s10  }
0x35: {  	s10 =	sld [smem:$0x3FB7];
	_ =	sdelay $0x3  }
0x36: {  	p1 =	seq.s32 s10, $0x1;
	s10 =	sld [smem:$0x3FB8];
	_ =	sdelay $0x3  }
0x37: {  	[smem:$0x3FB8] =	sst s10  }
0x38: {  	s10 =	sld [smem:$0x3FB9]  }
0x39: {  	_ = 	snop;
	(pc) =	sbr.ind lr, $3  }
0x3a: {  	_ = 	snop  }
0x3b: {  	_ = 	snop  }
0x3c: {  	p2 =	seq.s32 s10, $0x1;
	s10 =	sld [smem:$0x3FB8]  }
0x3d: {  	_ =	shalt  }
0x3e: {  	_ =	shalt  }
0x3f: {  	_ =	shalt  }
0x40: {  	_ =	shalt  }
0x41: {  	_ =	shalt  }
0x42: {  	_ =	shalt  }
0x43: {  	_ =	shalt  }
0x44: {  	_ =	shalt  }
0x45: {  	_ =	shalt  }
0x46: {  	_ =	shalt  }
0x47: {  	_ =	shalt  }
0x48: {  	_ =	shalt  }
0x49: {  	_ =	shalt  }
0x4a: {  	_ =	shalt  }
0x4b: {  	_ =	shalt  }
0x4c: {  	_ =	shalt  }
0x4d: {  	_ =	shalt  }
0x4e: {  	_ =	shalt  }
0x4f: {  	_ =	shalt  }
0x50: {  	_ =	shalt  }
0x51: {  	_ =	shalt  }
0x52: {  	_ =	shalt  }
0x53: {  	_ =	shalt  }
0x54: {  	_ =	shalt  }
0x55: {  	_ =	shalt  }
0x56: {  	_ =	shalt  }
0x57: {  	_ =	shalt  }
0x58: {  	_ =	shalt  }
0x59: {  	_ =	shalt  }
0x5a: {  	_ =	shalt  }
0x5b: {  	_ =	shalt  }
0x5c: {  	_ =	shalt  }
0x5d: {  	_ =	shalt  }
0x5e: {  	_ =	shalt  }
0x5f: {  	_ =	shalt  }
0x60: {  	_ =	shalt  }
0x61: {  	_ =	shalt  }
0x62: {  	_ =	shalt  }
0x63: {  	_ =	shalt  }
0x64: {  	_ =	shalt  }
0x65: {  	_ =	shalt  }
0x66: {  	_ =	shalt  }
0x67: {  	_ =	shalt  }
0x68: {  	_ =	shalt  }
0x69: {  	_ =	shalt  }
0x6a: {  	_ =	shalt  }
0x6b: {  	_ =	shalt  }
0x6c: {  	_ =	shalt  }
0x6d: {  	_ =	shalt  }
0x6e: {  	_ =	shalt  }
0x6f: {  	_ =	shalt  }
0x70: {  	_ =	shalt  }
0x71: {  	_ =	shalt  }
0x72: {  	_ =	shalt  }
0x73: {  	_ =	shalt  }
0x74: {  	_ =	shalt  }
0x75: {  	_ =	shalt  }
0x76: {  	_ =	shalt  }
0x77: {  	_ =	shalt  }
0x78: {  	_ =	shalt  }
0x79: {  	_ =	shalt  }
0x7a: {  	_ =	shalt  }
0x7b: {  	_ =	shalt  }
0x7c: {  	_ =	shalt  }
0x7d: {  	_ =	shalt  }
0x7e: {  	_ =	shalt  }
0x7f: {  	_ =	shalt  }
0x80: {  	_ =	shalt  }
0x81: {  	_ =	shalt  }
0x82: {  	_ =	shalt  }
0x83: {  	_ =	shalt  }
0x84: {  	_ =	shalt  }
0x85: {  	_ =	shalt  }
0x86: {  	_ =	shalt  }
0x87: {  	_ =	shalt  }
.Lfunc_end0:
.L_simem_size_0:
called_computation_lowered:
.L_overlay_start_0:
0x88: {  	s0 =	sld [smem:$0x3FD9]  }
0x89: {  	s1 =	sld [smem:$0x3FFE];
	_ =	sdelay $0x3  }
0x8a: {  	s0 =	sadd.s32 s1, s0  }
0x8b: {  	[smem:$0x3FC4] =	sst s0  }
0x8c: {  	_ = 	snop  }
0x8d: {  	s17 =	sld [smem:$0x3FC9]  }
0x8e: {  	s2 =	sld [smem:$0x3FC8]  }
0x8f: {  	s3 =	sld [smem:$0x3FC7]  }
0x90: {  	s4 =	sld [smem:$0x3FC6]  }
0x91: {  	s5 =	sld [smem:$0x3FD0];
	(tm) =	ssettm $0x1  }
0x92: {  	s6 =	sld [smem:$0x3FFB];
	_ =	sdelay $0x3  }
0x93: {  	_ =	strace s6  }
0x94: {  	s6 =	sld [smem:$0x3FFC];
	_ =	sdelay $0x3  }
0x95: {  	_ =	strace s6  }
0x96: {  	s6 =	sld [smem:$0x3FFD];
	_ =	sdelay $0x3  }
0x97: {  	_ =	strace s6  }
0x98: {  	_ =	strace $0x8FFFFFFF  }
0x99: {  	s18 =	sld [smem:$0x3FDB];
	_ =	sdelay $0x1  }
0x9a: {  	s7 =	simm.s32 $_scs_section_size  }
0x9b: {  	s8 =	simm.s32 $_size__tile_overlayer_lowered;
	s9 =	simm.s32 $_tile_overlayer_lowered  }
0x9c: {  	s21 =	simm.s32 $0x1BFF;
	s20 =	sshll.u32 s9, $0x1;
	s6 =	sadd.s32 s7, s18  }
0x9d: {  	s10 =	simm.s32 $0x0;
	s19 =	sshll.u32 s8, $0x1;
	s8 =	sadd.s32 s20, s6  }
0x9e: {  	[timem:s10], [sflag:s21] =	dma.local [hbm:s8], s19  }
0x9f: {  	_ =	swait.ge [sflag:s21], s19  }
0xa0: {  	s7 =	ssub.s32 $0x0, s19;
	[sflag:s21] =	ssyncset.done $0x0  }
0xa1: {  	[sflag:s21] =	ssyncadd.s32 s7;
	_ =	sdelay $0x1  }
0xa2: {  	s22 =	simm.s32 $0x1B8B  }
0xa3: {  	_ =	swait.ge [sflag:s22], $0x1  }
0xa4: {  	[sflag:s22] =	ssyncset.done $0x0  }
0xa5: {  	s23 =	simm.s32 $0x1B8E;
	[sflag:s22] =	ssyncadd.s32 $0xFFFFFFFF  }
0xa6: {  	s24 =	simm.s32 $execute0_lowered;
	[smem:$0x3FD2] =	sst s23  }
0xa7: {  	s7 =	sshll.u32 s24, $0x1;
	_ =	strace $0x80000046;
	[dreg:$0x1] =	wrdreg $0xFFFFFFFF  }
0xa8: {  	s25 =	simm.s32 $_size_execute0_lowered;
	s6 =	sadd.s32 s6, s7;
	[dreg:$0x0] =	wrdreg $0x0  }
0xa9: {  	s7 =	sshll.u32 s25, $0x1;
	[dreg:$0x2] =	wrdreg s6  }
0xaa: {  	[dreg:$0x3] =	wrdreg s7  }
0xab: {  	[dreg:$0x4] =	wrdreg $0xC0  }
0xac: {  	_ =	task [dreg:s10], $0x5FFFF  }
0xad: {  	[dreg:$0x1] =	wrdreg $0xFFFFFFFF  }
0xae: {  	[dreg:$0x0] =	wrdreg $0x60  }
0xaf: {  	[dreg:$0x2] =	wrdreg s17  }
0xb0: {  	[dreg:$0x3] =	wrdreg s2  }
0xb1: {  	[dreg:$0x4] =	wrdreg s3  }
0xb2: {  	[dreg:$0x5] =	wrdreg s4  }
0xb3: {  	s0 =	sadd.s32 $0x400, s0;
	[dreg:$0x6] =	wrdreg s5  }
0xb4: {  	[dreg:$0x7] =	wrdreg s0  }
0xb5: {  	[dreg:$0x8] =	wrdreg $0x9  }
0xb6: {  	_ =	task.clear_ibuf [dreg:s10], $0x9FFFF;
	_ =	strace $0x90000046  }
0xb7: {  	s26 =	simm.s32 $0x9;
	_ =	strace $0x80000048  }
0xb8: {  	_ =	swait.ge [sflag:s26], $0x1  }
0xb9: {  	[sflag:s26] =	ssyncadd.s32 $0xFFFFFFFF  }
0xba: {  	_ =	strace $0x90000048  }
0xbb: {  	_ =	sfence  }
0xbc: {  	s28 =	sld [smem:$0x0];
	_ =	sdelay $0x1  }
0xbd: {  	s29 =	srdreg.scid  }
0xbe: {  	s30 =	sshll.u32 s29, $0xD;
	s31 =	sshrl.u32 s29, $0x2  }
0xbf: {  	s1 =	sand.u32 $0x1, s29;
	s2 =	sand.u32 $0x4000, s30;
	s0 =	sadd.s32 s31, s28  }
0xc0: {  	s1 =	sor.u32 s2, s1;
	s0 =	sshll.u32 s0, $0x11  }
0xc1: {  	s0 =	sor.u32 s0, s1  }
0xc2: {  	s0 =	sadd.s32 $0x8F2B, s0  }
0xc3: {  	[sflag:s0] =	ssyncadd.remote.s32 $0x1  }
0xc4: {  	_ =	sfence.sel $0xFFFF  }
0xc5: {  	[dreg:$0x0] =	wrdreg $0xFFFFFFFF;
	(pc) =	sbr.abs _section_cstart, $3  }
0xc6: {  	[dreg:$0x1] =	wrdreg $0xFFFFFFFF  }
0xc7: {  	_ =	task.clear_ibuf [dreg:s10], $0x2FFFF;
	_ =	strace $0x9FFFFFFF  }
0xc8: {  	(tm) =	ssettm $0x7FFFFFFF  }
0xc9: {  	_ =	shalt  }
tec
execute0_lowered:
.L_overlay_start_1:
0x0: {  	(tag) =	ssettag $0x1  }
0x1: {  	s10 =	rddreg [dreg:$0x0]  }
0x2: {  	s9 =	rddreg [dreg:$0x1]  }
0x3: {  	s3 =	rddreg [dreg:$0x2]  }
0x4: {  	s7 =	rddreg [dreg:$0x3]  }
0x5: {  	s1 =	rddreg [dreg:$0x4]  }
0x6: {  	s4 =	rddreg [dreg:$0x5];
	s2 =	simm.s32 $0x0  }
0x7: {  	s5 =	stileid.u32;
	v0 =	vlaneseq.u32;
	[smem:$0x7FF] =	sst s2  }
0x8: {  	s0 =	rddreg [dreg:$0x6];
	s6 =	sshll.u32 s5, $0x1;
	v2 =	vmul.u32 $0x80, v0;
	_ =	strace $0x80000047  }
0x9: {  	[tilespmem:s2], [sflag:$0x4] =	stream.linear.gather [hbm4b:s3+s2], $0x800, $0x38;
	[tilespmem:$0x12180] =	vst v63  }
0xa: {  	v0 =	vor.u32 s6, v2;
	s3 =	simm.s32 $0x4  }
0xb: {  	_ =	swait.ge [sflag:s3], $0x800  }
0xc: {  	[sflag:s3] =	ssyncset.done $0x0  }
0xd: {  	s6 =	simm.s32 $0x800;
	[sflag:s3] =	ssyncadd.s32 $0xFFFFF800  }
0xe: {  	[tilespmem:s6], [sflag:$0x3] =	stream.linear.gather [hbm4b:s7+s2], $0x800, $0x38;
	[tilespmem:$0x12180] =	vst v63  }
0xf: {  	v1 =	vld.idx.msk [tilespmem:v0+s2+$0x0], $0xffff;
	_ =	sdelay $0x4  }
0x10: {  	v3 =	vshll.u32 v1, $0x3  }
0x11: {  	(v2sf) =	vpush v3, $0x0;
	_ =	sdelay $0x4  }
0x12: {  	(v2sf) =	vpush v3, $0x1;
	_ =	sdelay $0x9  }
0x13: {  	s16 =	spop (v2sf);
	(v2sf) =	vpush v3, $0x2  }
0x14: {  	s11 =	smul.u32 $0x30E000, s5  }
0x15: {  	s7 =	sand.u32 $0x7FFFFC00, s16  }
0x16: {  	s7 =	sadd.s32 s11, s7  }
0x17: {  	s8 =	sshrl.u32 s7, $0x3  }
0x18: {  	s18 =	spop (v2sf);
	s7 =	simm.s32 $0x1000;
	s12 =	sadd.s32 s10, s8  }
0x19: {  	(v2sf) =	vpush v3, $0x3;
	[tilespmem:s7], [sflag:$0x1] =	stream.linear.gather [hbm4b:s12+s2], $0x400, $0x38;
	[tilespmem:$0x12180] =	vst v63  }
0x1a: {  	s12 =	sand.u32 $0x7FFFFC00, s18  }
0x1b: {  	s17 =	sadd.s32 s9, s8;
	s8 =	simm.s32 $0x9000;
	s12 =	sadd.s32 s11, s12  }
0x1c: {  	[tilespmem:s8], [sflag:$0x2] =	stream.linear.gather [hbm4b:s17+s2], $0x400, $0x38;
	[tilespmem:$0x12180] =	vst v63  }
0x1d: {  	s12 =	sshrl.u32 s12, $0x3  }
0x1e: {  	s14 =	simm.s32 $0x1400;
	s13 =	sadd.s32 s10, s12  }
0x1f: {  	[tilespmem:s14], [sflag:$0x1] =	stream.linear.gather [hbm4b:s13+s2], $0x400, $0x38;
	[tilespmem:$0x12180] =	vst v63  }
0x20: {  	s19 =	simm.s32 $0x9400;
	s12 =	sadd.s32 s9, s12  }
0x21: {  	[tilespmem:s19], [sflag:$0x2] =	stream.linear.gather [hbm4b:s12+s2], $0x400, $0x38;
	[tilespmem:$0x12180] =	vst v63  }
0x22: {  	s20 =	spop (v2sf);
	(v2sf) =	vpush v3, $0x4  }
0x23: {  	s12 =	sand.u32 $0x7FFFFC00, s20  }
0x24: {  	s12 =	sadd.s32 s11, s12  }
0x25: {  	s12 =	sshrl.u32 s12, $0x3  }
0x26: {  	s22 =	simm.s32 $0x1800;
	s21 =	sadd.s32 s10, s12  }
0x27: {  	[tilespmem:s22], [sflag:$0x1] =	stream.linear.gather [hbm4b:s21+s2], $0x400, $0x38;
	[tilespmem:$0x12180] =	vst v63  }
0x28: {  	s23 =	simm.s32 $0x9800;
	s24 =	spop (v2sf);
	(v2sf) =	vpush v3, $0x5;
	s12 =	sadd.s32 s9, s12  }
0x29: {  	[tilespmem:s23], [sflag:$0x2] =	stream.linear.gather [hbm4b:s12+s2], $0x400, $0x38;
	[tilespmem:$0x12180] =	vst v63  }
0x2a: {  	s12 =	sand.u32 $0x7FFFFC00, s24  }
0x2b: {  	s12 =	sadd.s32 s11, s12  }
0x2c: {  	s12 =	sshrl.u32 s12, $0x3  }
0x2d: {  	s26 =	simm.s32 $0x1C00;
	s25 =	sadd.s32 s10, s12  }
0x2e: {  	[tilespmem:s26], [sflag:$0x1] =	stream.linear.gather [hbm4b:s25+s2], $0x400, $0x38;
	[tilespmem:$0x12180] =	vst v63  }
0x2f: {  	s28 =	simm.s32 $0x9C00;
	s12 =	sadd.s32 s9, s12  }
0x30: {  	[tilespmem:s28], [sflag:$0x2] =	stream.linear.gather [hbm4b:s12+s2], $0x400, $0x38;
	[tilespmem:$0x12180] =	vst v63  }
0x31: {  	s29 =	spop (v2sf);
	(v2sf) =	vpush v3, $0x6  }
0x32: {  	s12 =	sand.u32 $0x7FFFFC00, s29  }
0x33: {  	s12 =	sadd.s32 s11, s12  }
0x34: {  	s12 =	sshrl.u32 s12, $0x3  }
0x35: {  	s31 =	simm.s32 $0x2000;
	s30 =	sadd.s32 s10, s12  }
0x36: {  	[tilespmem:s31], [sflag:$0x1] =	stream.linear.gather [hbm4b:s30+s2], $0x400, $0x38;
	[tilespmem:$0x12180] =	vst v63  }
0x37: {  	s15 =	simm.s32 $0xA000;
	s16 =	spop (v2sf);
	(v2sf) =	vpush v3, $0x7;
	s12 =	sadd.s32 s9, s12  }
0x38: {  	[tilespmem:s15], [sflag:$0x2] =	stream.linear.gather [hbm4b:s12+s2], $0x400, $0x38;
	[tilespmem:$0x12180] =	vst v63  }
0x39: {  	s12 =	sand.u32 $0x7FFFFC00, s16  }
0x3a: {  	s12 =	sadd.s32 s11, s12  }
0x3b: {  	s12 =	sshrl.u32 s12, $0x3  }
0x3c: {  	s18 =	simm.s32 $0x2400;
	s17 =	sadd.s32 s10, s12  }
0x3d: {  	[tilespmem:s18], [sflag:$0x1] =	stream.linear.gather [hbm4b:s17+s2], $0x400, $0x38;
	[tilespmem:$0x12180] =	vst v63  }
0x3e: {  	s19 =	simm.s32 $0xA400;
	s12 =	sadd.s32 s9, s12  }
0x3f: {  	[tilespmem:s19], [sflag:$0x2] =	stream.linear.gather [hbm4b:s12+s2], $0x400, $0x38;
	[tilespmem:$0x12180] =	vst v63  }
0x40: {  	s20 =	spop (v2sf);
	(v2sf) =	vpush v3, $0x8  }
0x41: {  	s12 =	sand.u32 $0x7FFFFC00, s20  }
0x42: {  	s12 =	sadd.s32 s11, s12  }
0x43: {  	s12 =	sshrl.u32 s12, $0x3  }
0x44: {  	s22 =	simm.s32 $0x2800;
	s21 =	sadd.s32 s10, s12  }
0x45: {  	[tilespmem:s22], [sflag:$0x1] =	stream.linear.gather [hbm4b:s21+s2], $0x400, $0x38;
	[tilespmem:$0x12180] =	vst v63  }
0x46: {  	s23 =	simm.s32 $0xA800;
	s24 =	spop (v2sf);
	(v2sf) =	vpush v3, $0x9;
	s12 =	sadd.s32 s9, s12  }
0x47: {  	[tilespmem:s23], [sflag:$0x2] =	stream.linear.gather [hbm4b:s12+s2], $0x400, $0x38;
	[tilespmem:$0x12180] =	vst v63  }
0x48: {  	s12 =	sand.u32 $0x7FFFFC00, s24  }
0x49: {  	s12 =	sadd.s32 s11, s12  }
0x4a: {  	s12 =	sshrl.u32 s12, $0x3  }
0x4b: {  	s26 =	simm.s32 $0x2C00;
	s25 =	sadd.s32 s10, s12  }
0x4c: {  	[tilespmem:s26], [sflag:$0x1] =	stream.linear.gather [hbm4b:s25+s2], $0x400, $0x38;
	[tilespmem:$0x12180] =	vst v63  }
0x4d: {  	s28 =	simm.s32 $0xAC00;
	s12 =	sadd.s32 s9, s12  }
0x4e: {  	[tilespmem:s28], [sflag:$0x2] =	stream.linear.gather [hbm4b:s12+s2], $0x400, $0x38;
	[tilespmem:$0x12180] =	vst v63  }
0x4f: {  	s29 =	spop (v2sf);
	(v2sf) =	vpush v3, $0xA  }
0x50: {  	s11 =	sadd.s32 $0xC3800, s11;
	s12 =	sand.u32 $0x7FFFFC00, s29  }
0x51: {  	s12 =	sadd.s32 s12, s11  }
0x52: {  	s12 =	sshrl.u32 s12, $0x3  }
0x53: {  	s31 =	simm.s32 $0x3000;
	s30 =	sadd.s32 s10, s12  }
0x54: {  	[tilespmem:s31], [sflag:$0x1] =	stream.linear.gather [hbm4b:s30+s2], $0x400, $0x38;
	[tilespmem:$0x12180] =	vst v63  }
0x55: {  	s14 =	simm.s32 $0xB000;
	s15 =	spop (v2sf);
	(v2sf) =	vpush v3, $0xB;
	s12 =	sadd.s32 s9, s12  }
0x56: {  	[tilespmem:s14], [sflag:$0x2] =	stream.linear.gather [hbm4b:s12+s2], $0x400, $0x38;
	[tilespmem:$0x12180] =	vst v63  }
0x57: {  	s12 =	sand.u32 $0x7FFFFC00, s15  }
0x58: {  	s12 =	sadd.s32 s12, s11  }
0x59: {  	s12 =	sshrl.u32 s12, $0x3  }
0x5a: {  	s17 =	simm.s32 $0x3400;
	s16 =	sadd.s32 s10, s12  }
0x5b: {  	[tilespmem:s17], [sflag:$0x1] =	stream.linear.gather [hbm4b:s16+s2], $0x400, $0x38;
	[tilespmem:$0x12180] =	vst v63  }
0x5c: {  	s18 =	simm.s32 $0xB400;
	s12 =	sadd.s32 s9, s12  }
0x5d: {  	[tilespmem:s18], [sflag:$0x2] =	stream.linear.gather [hbm4b:s12+s2], $0x400, $0x38;
	[tilespmem:$0x12180] =	vst v63  }
0x5e: {  	s19 =	spop (v2sf);
	(v2sf) =	vpush v3, $0xC  }
0x5f: {  	s12 =	sand.u32 $0x7FFFFC00, s19  }
0x60: {  	s12 =	sadd.s32 s12, s11  }
0x61: {  	s12 =	sshrl.u32 s12, $0x3  }
0x62: {  	s21 =	simm.s32 $0x3800;
	s20 =	sadd.s32 s10, s12  }
0x63: {  	[tilespmem:s21], [sflag:$0x1] =	stream.linear.gather [hbm4b:s20+s2], $0x400, $0x38;
	[tilespmem:$0x12180] =	vst v63  }
0x64: {  	s22 =	simm.s32 $0xB800;
	s23 =	spop (v2sf);
	(v2sf) =	vpush v3, $0xD;
	s12 =	sadd.s32 s9, s12  }
0x65: {  	[tilespmem:s22], [sflag:$0x2] =	stream.linear.gather [hbm4b:s12+s2], $0x400, $0x38;
	[tilespmem:$0x12180] =	vst v63  }
0x66: {  	s12 =	sand.u32 $0x7FFFFC00, s23  }
0x67: {  	s12 =	sadd.s32 s12, s11  }
0x68: {  	s12 =	sshrl.u32 s12, $0x3  }
0x69: {  	s25 =	simm.s32 $0x3C00;
	s24 =	sadd.s32 s10, s12  }
0x6a: {  	[tilespmem:s25], [sflag:$0x1] =	stream.linear.gather [hbm4b:s24+s2], $0x400, $0x38;
	[tilespmem:$0x12180] =	vst v63  }
0x6b: {  	s26 =	simm.s32 $0xBC00;
	s12 =	sadd.s32 s9, s12  }
0x6c: {  	[tilespmem:s26], [sflag:$0x2] =	stream.linear.gather [hbm4b:s12+s2], $0x400, $0x38;
	[tilespmem:$0x12180] =	vst v63  }
0x6d: {  	s28 =	spop (v2sf);
	(v2sf) =	vpush v3, $0xE  }
0x6e: {  	s12 =	sand.u32 $0x7FFFFC00, s28  }
0x6f: {  	s12 =	sadd.s32 s12, s11  }
0x70: {  	s12 =	sshrl.u32 s12, $0x3  }
0x71: {  	s30 =	simm.s32 $0x4000;
	s29 =	sadd.s32 s10, s12  }
0x72: {  	[tilespmem:s30], [sflag:$0x1] =	stream.linear.gather [hbm4b:s29+s2], $0x400, $0x38;
	[tilespmem:$0x12180] =	vst v63  }
0x73: {  	s31 =	simm.s32 $0xC000;
	s14 =	spop (v2sf);
	(v2sf) =	vpush v3, $0xF;
	s12 =	sadd.s32 s9, s12  }
0x74: {  	[tilespmem:s31], [sflag:$0x2] =	stream.linear.gather [hbm4b:s12+s2], $0x400, $0x38;
	[tilespmem:$0x12180] =	vst v63  }
0x75: {  	s12 =	sand.u32 $0x7FFFFC00, s14  }
0x76: {  	s12 =	sadd.s32 s12, s11  }
0x77: {  	s12 =	sshrl.u32 s12, $0x3  }
0x78: {  	s16 =	simm.s32 $0x4400;
	s15 =	sadd.s32 s10, s12  }
0x79: {  	[tilespmem:s16], [sflag:$0x1] =	stream.linear.gather [hbm4b:s15+s2], $0x400, $0x38;
	[tilespmem:$0x12180] =	vst v63  }
0x7a: {  	s17 =	simm.s32 $0xC400;
	s12 =	sadd.s32 s9, s12  }
0x7b: {  	[tilespmem:s17], [sflag:$0x2] =	stream.linear.gather [hbm4b:s12+s2], $0x400, $0x38;
	[tilespmem:$0x12180] =	vst v63  }
0x7c: {  	s18 =	spop (v2sf)  }
0x7d: {  	s12 =	sand.u32 $0x7FFFFC00, s18  }
0x7e: {  	s12 =	sadd.s32 s12, s11  }
0x7f: {  	s12 =	sshrl.u32 s12, $0x3  }
0x80: {  	s20 =	simm.s32 $0x4800;
	s21 =	sshllo.u32 s5, $0x1;
	s19 =	sadd.s32 s10, s12  }
0x81: {  	[tilespmem:s20], [sflag:$0x1] =	stream.linear.gather [hbm4b:s19+s2], $0x400, $0x38;
	[tilespmem:$0x12180] =	vst v63  }
0x82: {  	s22 =	simm.s32 $0xC800;
	s23 =	spop (v2sf);
	s12 =	sadd.s32 s9, s12  }
0x83: {  	v59 =	vmov s21;
	[tilespmem:s22], [sflag:$0x2] =	stream.linear.gather [hbm4b:s12+s2], $0x400, $0x38;
	[tilespmem:$0x12180] =	vst v63  }
0x84: {  	v3 =	vbroadcast v59, $0x0;
	s12 =	sand.u32 $0x7FFFFC00, s23  }
0x85: {  	s11 =	sadd.s32 s12, s11  }
0x86: {  	v2 =	vor.u32 v2, v3;
	s11 =	sshrl.u32 s11, $0x3  }
0x87: {  	s25 =	simm.s32 $0x4C00;
	s24 =	sadd.s32 s10, s11  }
0x88: {  	[tilespmem:s25], [sflag:$0x1] =	stream.linear.gather [hbm4b:s24+s2], $0x400, $0x38;
	[tilespmem:$0x12180] =	vst v63  }
0x89: {  	s26 =	simm.s32 $0xCC00;
	s11 =	sadd.s32 s9, s11  }
0x8a: {  	[tilespmem:s26], [sflag:$0x2] =	stream.linear.gather [hbm4b:s11+s2], $0x400, $0x38;
	[tilespmem:$0x12180] =	vst v63  }
0x8b: {  	v3 =	vld.idx.msk [tilespmem:v2+s2+$0x0], $0xffff;
	_ =	sdelay $0x4  }
0x8c: {  	v4 =	vshll.u32 v3, $0x3  }
0x8d: {  	(v2sf) =	vpush v4, $0x0;
	_ =	sdelay $0x3  }
0x8e: {  	(v2sf) =	vpush v4, $0x1;
	_ =	sdelay $0x8  }
0x8f: {  	(v2sf) =	vpush v4, $0x2;
	_ =	sdelay $0x1  }
0x90: {  	s11 =	smul.u32 $0x187000, s21;
	s28 =	spop (v2sf);
	(v2sf) =	vpush v4, $0x3  }
0x91: {  	s12 =	sand.u32 $0x7FFFFC00, s28  }
0x92: {  	s12 =	sadd.s32 s11, s12  }
0x93: {  	s12 =	sshrl.u32 s12, $0x3  }
0x94: {  	s30 =	simm.s32 $0x5000;
	s13 =	spop (v2sf);
	s29 =	sadd.s32 s10, s12  }
0x95: {  	(v2sf) =	vpush v4, $0x4;
	[tilespmem:s30], [sflag:$0x1] =	stream.linear.gather [hbm4b:s29+s2], $0x400, $0x38;
	[tilespmem:$0x12180] =	vst v63  }
0x96: {  	s31 =	simm.s32 $0xD000;
	s12 =	sadd.s32 s9, s12  }
0x97: {  	[tilespmem:s31], [sflag:$0x2] =	stream.linear.gather [hbm4b:s12+s2], $0x400, $0x38;
	[tilespmem:$0x12180] =	vst v63  }
0x98: {  	s12 =	sand.u32 $0x7FFFFC00, s13  }
0x99: {  	s12 =	sadd.s32 s11, s12  }
0x9a: {  	s12 =	sshrl.u32 s12, $0x3  }
0x9b: {  	s15 =	simm.s32 $0x5400;
	s14 =	sadd.s32 s10, s12  }
0x9c: {  	[tilespmem:s15], [sflag:$0x1] =	stream.linear.gather [hbm4b:s14+s2], $0x400, $0x38;
	[tilespmem:$0x12180] =	vst v63  }
0x9d: {  	s16 =	simm.s32 $0xD400;
	s17 =	spop (v2sf);
	s12 =	sadd.s32 s9, s12  }
0x9e: {  	[tilespmem:s16], [sflag:$0x2] =	stream.linear.gather [hbm4b:s12+s2], $0x400, $0x38;
	[tilespmem:$0x12180] =	vst v63  }
0x9f: {  	s18 =	sand.u32 $0x7FFFFC00, s17;
	s22 =	spop (v2sf);
	(v2sf) =	vpush v4, $0x5  }
0xa0: {  	s12 =	sadd.s32 s11, s18  }
0xa1: {  	s12 =	sshrl.u32 s12, $0x3  }
0xa2: {  	s20 =	simm.s32 $0x5800;
	s19 =	sadd.s32 s10, s12  }
0xa3: {  	[tilespmem:s20], [sflag:$0x1] =	stream.linear.gather [hbm4b:s19+s2], $0x400, $0x38;
	[tilespmem:$0x12180] =	vst v63  }
0xa4: {  	s26 =	spop (v2sf);
	(v2sf) =	vpush v4, $0x6  }
0xa5: {  	s21 =	simm.s32 $0xD800;
	s12 =	sadd.s32 s9, s12  }
0xa6: {  	[tilespmem:s21], [sflag:$0x2] =	stream.linear.gather [hbm4b:s12+s2], $0x400, $0x38;
	[tilespmem:$0x12180] =	vst v63  }
0xa7: {  	s12 =	sand.u32 $0x7FFFFC00, s22  }
0xa8: {  	s12 =	sadd.s32 s11, s12  }
0xa9: {  	s12 =	sshrl.u32 s12, $0x3  }
0xaa: {  	s24 =	simm.s32 $0x5C00;
	s23 =	sadd.s32 s10, s12  }
0xab: {  	[tilespmem:s24], [sflag:$0x1] =	stream.linear.gather [hbm4b:s23+s2], $0x400, $0x38;
	[tilespmem:$0x12180] =	vst v63  }
0xac: {  	s25 =	simm.s32 $0xDC00;
	s12 =	sadd.s32 s9, s12  }
0xad: {  	[tilespmem:s25], [sflag:$0x2] =	stream.linear.gather [hbm4b:s12+s2], $0x400, $0x38;
	[tilespmem:$0x12180] =	vst v63  }
0xae: {  	s28 =	sand.u32 $0x7FFFFC00, s26;
	s13 =	spop (v2sf);
	(v2sf) =	vpush v4, $0x7  }
0xaf: {  	s12 =	sadd.s32 s11, s28  }
0xb0: {  	s12 =	sshrl.u32 s12, $0x3  }
0xb1: {  	s30 =	simm.s32 $0x6000;
	s29 =	sadd.s32 s10, s12  }
0xb2: {  	[tilespmem:s30], [sflag:$0x1] =	stream.linear.gather [hbm4b:s29+s2], $0x400, $0x38;
	[tilespmem:$0x12180] =	vst v63  }
0xb3: {  	s17 =	spop (v2sf);
	(v2sf) =	vpush v4, $0x8  }
0xb4: {  	s31 =	simm.s32 $0xE000;
	s12 =	sadd.s32 s9, s12  }
0xb5: {  	[tilespmem:s31], [sflag:$0x2] =	stream.linear.gather [hbm4b:s12+s2], $0x400, $0x38;
	[tilespmem:$0x12180] =	vst v63  }
0xb6: {  	s12 =	sand.u32 $0x7FFFFC00, s13  }
0xb7: {  	s12 =	sadd.s32 s11, s12  }
0xb8: {  	s12 =	sshrl.u32 s12, $0x3  }
0xb9: {  	s15 =	simm.s32 $0x6400;
	s14 =	sadd.s32 s10, s12  }
0xba: {  	[tilespmem:s15], [sflag:$0x1] =	stream.linear.gather [hbm4b:s14+s2], $0x400, $0x38;
	[tilespmem:$0x12180] =	vst v63  }
0xbb: {  	s16 =	simm.s32 $0xE400;
	s12 =	sadd.s32 s9, s12  }
0xbc: {  	[tilespmem:s16], [sflag:$0x2] =	stream.linear.gather [hbm4b:s12+s2], $0x400, $0x38;
	[tilespmem:$0x12180] =	vst v63  }
0xbd: {  	s18 =	sand.u32 $0x7FFFFC00, s17;
	s22 =	spop (v2sf);
	(v2sf) =	vpush v4, $0x9  }
0xbe: {  	s12 =	sadd.s32 s11, s18  }
0xbf: {  	s12 =	sshrl.u32 s12, $0x3  }
0xc0: {  	s20 =	simm.s32 $0x6800;
	s19 =	sadd.s32 s10, s12  }
0xc1: {  	[tilespmem:s20], [sflag:$0x1] =	stream.linear.gather [hbm4b:s19+s2], $0x400, $0x38;
	[tilespmem:$0x12180] =	vst v63  }
0xc2: {  	s21 =	simm.s32 $0xE800;
	s12 =	sadd.s32 s9, s12;
	s26 =	spop (v2sf);
	(v2sf) =	vpush v4, $0xA  }
0xc3: {  	[tilespmem:s21], [sflag:$0x2] =	stream.linear.gather [hbm4b:s12+s2], $0x400, $0x38;
	[tilespmem:$0x12180] =	vst v63  }
0xc4: {  	s12 =	sand.u32 $0x7FFFFC00, s22  }
0xc5: {  	s12 =	sadd.s32 s11, s12  }
0xc6: {  	s12 =	sshrl.u32 s12, $0x3  }
0xc7: {  	s24 =	simm.s32 $0x6C00;
	s25 =	simm.s32 $0xEC00;
	s23 =	sadd.s32 s10, s12  }
0xc8: {  	[tilespmem:s24], [sflag:$0x1] =	stream.linear.gather [hbm4b:s23+s2], $0x400, $0x38;
	[tilespmem:$0x12180] =	vst v63  }
0xc9: {  	s11 =	sadd.s32 $0xC3800, s11;
	s28 =	sand.u32 $0x7FFFFC00, s26;
	s12 =	sadd.s32 s9, s12  }
0xca: {  	[tilespmem:s25], [sflag:$0x2] =	stream.linear.gather [hbm4b:s12+s2], $0x400, $0x38;
	[tilespmem:$0x12180] =	vst v63  }
0xcb: {  	s12 =	sadd.s32 s28, s11  }
0xcc: {  	s12 =	sshrl.u32 s12, $0x3;
	s13 =	spop (v2sf);
	(v2sf) =	vpush v4, $0xB  }
0xcd: {  	s30 =	simm.s32 $0x7000;
	s29 =	sadd.s32 s10, s12  }
0xce: {  	[tilespmem:s30], [sflag:$0x1] =	stream.linear.gather [hbm4b:s29+s2], $0x400, $0x38;
	[tilespmem:$0x12180] =	vst v63  }
0xcf: {  	s31 =	simm.s32 $0xF000;
	s12 =	sadd.s32 s9, s12  }
0xd0: {  	[tilespmem:s31], [sflag:$0x2] =	stream.linear.gather [hbm4b:s12+s2], $0x400, $0x38;
	[tilespmem:$0x12180] =	vst v63  }
0xd1: {  	s17 =	spop (v2sf);
	(v2sf) =	vpush v4, $0xC  }
0xd2: {  	s12 =	sand.u32 $0x7FFFFC00, s13  }
0xd3: {  	s12 =	sadd.s32 s12, s11  }
0xd4: {  	s12 =	sshrl.u32 s12, $0x3  }
0xd5: {  	s15 =	simm.s32 $0x7400;
	s14 =	sadd.s32 s10, s12  }
0xd6: {  	[tilespmem:s15], [sflag:$0x1] =	stream.linear.gather [hbm4b:s14+s2], $0x400, $0x38;
	[tilespmem:$0x12180] =	vst v63  }
0xd7: {  	s16 =	simm.s32 $0xF400;
	s18 =	sand.u32 $0x7FFFFC00, s17;
	s12 =	sadd.s32 s9, s12  }
0xd8: {  	[tilespmem:s16], [sflag:$0x2] =	stream.linear.gather [hbm4b:s12+s2], $0x400, $0x38;
	[tilespmem:$0x12180] =	vst v63  }
0xd9: {  	s12 =	sadd.s32 s18, s11  }
0xda: {  	s12 =	sshrl.u32 s12, $0x3  }
0xdb: {  	s20 =	simm.s32 $0x7800;
	s19 =	sadd.s32 s10, s12;
	s22 =	spop (v2sf);
	(v2sf) =	vpush v4, $0xD  }
0xdc: {  	[tilespmem:s20], [sflag:$0x1] =	stream.linear.gather [hbm4b:s19+s2], $0x400, $0x38;
	[tilespmem:$0x12180] =	vst v63  }
0xdd: {  	s21 =	simm.s32 $0xF800;
	s12 =	sadd.s32 s9, s12  }
0xde: {  	[tilespmem:s21], [sflag:$0x2] =	stream.linear.gather [hbm4b:s12+s2], $0x400, $0x38;
	[tilespmem:$0x12180] =	vst v63  }
0xdf: {  	s12 =	sand.u32 $0x7FFFFC00, s22  }
0xe0: {  	s26 =	spop (v2sf);
	(v2sf) =	vpush v4, $0xE;
	s12 =	sadd.s32 s12, s11  }
0xe1: {  	s12 =	sshrl.u32 s12, $0x3  }
0xe2: {  	s24 =	simm.s32 $0x7C00;
	s23 =	sadd.s32 s10, s12  }
0xe3: {  	[tilespmem:s24], [sflag:$0x1] =	stream.linear.gather [hbm4b:s23+s2], $0x400, $0x38;
	[tilespmem:$0x12180] =	vst v63  }
0xe4: {  	s25 =	simm.s32 $0xFC00;
	s28 =	sand.u32 $0x7FFFFC00, s26;
	s12 =	sadd.s32 s9, s12  }
0xe5: {  	[tilespmem:s25], [sflag:$0x2] =	stream.linear.gather [hbm4b:s12+s2], $0x400, $0x38;
	[tilespmem:$0x12180] =	vst v63  }
0xe6: {  	s12 =	sadd.s32 s28, s11  }
0xe7: {  	s12 =	sshrl.u32 s12, $0x3  }
0xe8: {  	s30 =	simm.s32 $0x8000;
	s29 =	sadd.s32 s10, s12  }
0xe9: {  	[tilespmem:s30], [sflag:$0x1] =	stream.linear.gather [hbm4b:s29+s2], $0x400, $0x38;
	[tilespmem:$0x12180] =	vst v63  }
0xea: {  	s31 =	simm.s32 $0x10000;
	s12 =	sadd.s32 s9, s12;
	s14 =	spop (v2sf);
	(v2sf) =	vpush v4, $0xF  }
0xeb: {  	[tilespmem:s31], [sflag:$0x2] =	stream.linear.gather [hbm4b:s12+s2], $0x400, $0x38;
	[tilespmem:$0x12180] =	vst v63  }
0xec: {  	s12 =	sand.u32 $0x7FFFFC00, s14  }
0xed: {  	s12 =	sadd.s32 s12, s11  }
0xee: {  	s12 =	sshrl.u32 s12, $0x3  }
0xef: {  	s16 =	simm.s32 $0x8400;
	s17 =	spop (v2sf);
	s15 =	sadd.s32 s10, s12  }
0xf0: {  	[tilespmem:s16], [sflag:$0x1] =	stream.linear.gather [hbm4b:s15+s2], $0x400, $0x38;
	[tilespmem:$0x12180] =	vst v63  }
0xf1: {  	s18 =	simm.s32 $0x10400;
	s19 =	sand.u32 $0x7FFFFC00, s17;
	s12 =	sadd.s32 s9, s12  }
0xf2: {  	[tilespmem:s18], [sflag:$0x2] =	stream.linear.gather [hbm4b:s12+s2], $0x400, $0x38;
	[tilespmem:$0x12180] =	vst v63  }
0xf3: {  	s12 =	sadd.s32 s19, s11  }
0xf4: {  	s12 =	sshrl.u32 s12, $0x3  }
0xf5: {  	s21 =	simm.s32 $0x8800;
	s20 =	sadd.s32 s10, s12  }
0xf6: {  	[tilespmem:s21], [sflag:$0x1] =	stream.linear.gather [hbm4b:s20+s2], $0x400, $0x38;
	[tilespmem:$0x12180] =	vst v63  }
0xf7: {  	s22 =	simm.s32 $0x10800;
	s12 =	sadd.s32 s9, s12  }
0xf8: {  	[tilespmem:s22], [sflag:$0x2] =	stream.linear.gather [hbm4b:s12+s2], $0x400, $0x38;
	[tilespmem:$0x12180] =	vst v63  }
0xf9: {  	s23 =	spop (v2sf)  }
0xfa: {  	s12 =	sand.u32 $0x7FFFFC00, s23  }
0xfb: {  	s11 =	sadd.s32 s12, s11  }
0xfc: {  	s11 =	sshrl.u32 s11, $0x3  }
0xfd: {  	s24 =	simm.s32 $0x8C00;
	s10 =	sadd.s32 s10, s11  }
0xfe: {  	[tilespmem:s24], [sflag:$0x1] =	stream.linear.gather [hbm4b:s10+s2], $0x400, $0x38;
	[tilespmem:$0x12180] =	vst v63  }
0xff: {  	s26 =	simm.s32 $0x3;
	s25 =	simm.s32 $0x10C00;
	s9 =	sadd.s32 s9, s11  }
0x100: {  	[tilespmem:s25], [sflag:$0x2] =	stream.linear.gather [hbm4b:s9+s2], $0x400, $0x38;
	[tilespmem:$0x12180] =	vst v63  }
0x101: {  	_ =	swait.ge [sflag:s26], $0x800  }
0x102: {  	[sflag:s26] =	ssyncset.done $0x0  }
0x103: {  	s28 =	simm.s32 $0x1;
	[sflag:s26] =	ssyncadd.s32 $0xFFFFF800  }
0x104: {  	_ =	swait.ge [sflag:s28], $0x400  }
0x105: {  	[sflag:s28] =	ssyncset.done $0x0  }
0x106: {  	s29 =	simm.s32 $0x2;
	[sflag:s28] =	ssyncadd.s32 $0xFFFFFC00  }
0x107: {  	_ =	swait.ge [sflag:s29], $0x400  }
0x108: {  	[sflag:s29] =	ssyncset.done $0x0  }
0x109: {  	[sflag:s29] =	ssyncadd.s32 $0xFFFFFC00  }
0x10a: {  	_ =	swait.ge [sflag:s28], $0x400  }
0x10b: {  	[sflag:s28] =	ssyncset.done $0x0  }
0x10c: {  	[sflag:s28] =	ssyncadd.s32 $0xFFFFFC00  }
0x10d: {  	_ =	swait.ge [sflag:s29], $0x400  }
0x10e: {  	[sflag:s29] =	ssyncset.done $0x0  }
0x10f: {  	[sflag:s29] =	ssyncadd.s32 $0xFFFFFC00  }
0x110: {  	_ =	swait.ge [sflag:s28], $0x400  }
0x111: {  	[sflag:s28] =	ssyncset.done $0x0  }
0x112: {  	[sflag:s28] =	ssyncadd.s32 $0xFFFFFC00  }
0x113: {  	_ =	swait.ge [sflag:s29], $0x400  }
0x114: {  	[sflag:s29] =	ssyncset.done $0x0  }
0x115: {  	[sflag:s29] =	ssyncadd.s32 $0xFFFFFC00  }
0x116: {  	_ =	swait.ge [sflag:s28], $0x400  }
0x117: {  	[sflag:s28] =	ssyncset.done $0x0  }
0x118: {  	[sflag:s28] =	ssyncadd.s32 $0xFFFFFC00  }
0x119: {  	_ =	swait.ge [sflag:s29], $0x400  }
0x11a: {  	[sflag:s29] =	ssyncset.done $0x0  }
0x11b: {  	[sflag:s29] =	ssyncadd.s32 $0xFFFFFC00  }
0x11c: {  	_ =	swait.ge [sflag:s28], $0x400  }
0x11d: {  	[sflag:s28] =	ssyncset.done $0x0  }
0x11e: {  	[sflag:s28] =	ssyncadd.s32 $0xFFFFFC00  }
0x11f: {  	_ =	swait.ge [sflag:s29], $0x400  }
0x120: {  	[sflag:s29] =	ssyncset.done $0x0  }
0x121: {  	[sflag:s29] =	ssyncadd.s32 $0xFFFFFC00  }
0x122: {  	_ =	swait.ge [sflag:s28], $0x400  }
0x123: {  	[sflag:s28] =	ssyncset.done $0x0  }
0x124: {  	[sflag:s28] =	ssyncadd.s32 $0xFFFFFC00  }
0x125: {  	_ =	swait.ge [sflag:s29], $0x400  }
0x126: {  	[sflag:s29] =	ssyncset.done $0x0  }
0x127: {  	[sflag:s29] =	ssyncadd.s32 $0xFFFFFC00  }
0x128: {  	_ =	swait.ge [sflag:s28], $0x400  }
0x129: {  	[sflag:s28] =	ssyncset.done $0x0  }
0x12a: {  	[sflag:s28] =	ssyncadd.s32 $0xFFFFFC00  }
0x12b: {  	_ =	swait.ge [sflag:s29], $0x400  }
0x12c: {  	[sflag:s29] =	ssyncset.done $0x0  }
0x12d: {  	[sflag:s29] =	ssyncadd.s32 $0xFFFFFC00  }
0x12e: {  	_ =	swait.ge [sflag:s28], $0x400  }
0x12f: {  	[sflag:s28] =	ssyncset.done $0x0  }
0x130: {  	[sflag:s28] =	ssyncadd.s32 $0xFFFFFC00  }
0x131: {  	_ =	swait.ge [sflag:s29], $0x400  }
0x132: {  	[sflag:s29] =	ssyncset.done $0x0  }
0x133: {  	[sflag:s29] =	ssyncadd.s32 $0xFFFFFC00  }
0x134: {  	_ =	swait.ge [sflag:s28], $0x400  }
0x135: {  	[sflag:s28] =	ssyncset.done $0x0  }
0x136: {  	[sflag:s28] =	ssyncadd.s32 $0xFFFFFC00  }
0x137: {  	_ =	swait.ge [sflag:s29], $0x400  }
0x138: {  	[sflag:s29] =	ssyncset.done $0x0  }
0x139: {  	[sflag:s29] =	ssyncadd.s32 $0xFFFFFC00  }
0x13a: {  	_ =	swait.ge [sflag:s28], $0x400  }
0x13b: {  	[sflag:s28] =	ssyncset.done $0x0  }
0x13c: {  	[sflag:s28] =	ssyncadd.s32 $0xFFFFFC00  }
0x13d: {  	_ =	swait.ge [sflag:s29], $0x400  }
0x13e: {  	[sflag:s29] =	ssyncset.done $0x0  }
0x13f: {  	[sflag:s29] =	ssyncadd.s32 $0xFFFFFC00  }
0x140: {  	_ =	swait.ge [sflag:s28], $0x400  }
0x141: {  	[sflag:s28] =	ssyncset.done $0x0  }
0x142: {  	[sflag:s28] =	ssyncadd.s32 $0xFFFFFC00  }
0x143: {  	_ =	swait.ge [sflag:s29], $0x400  }
0x144: {  	[sflag:s29] =	ssyncset.done $0x0  }
0x145: {  	[sflag:s29] =	ssyncadd.s32 $0xFFFFFC00  }
0x146: {  	_ =	swait.ge [sflag:s28], $0x400  }
0x147: {  	[sflag:s28] =	ssyncset.done $0x0  }
0x148: {  	[sflag:s28] =	ssyncadd.s32 $0xFFFFFC00  }
0x149: {  	_ =	swait.ge [sflag:s29], $0x400  }
0x14a: {  	[sflag:s29] =	ssyncset.done $0x0  }
0x14b: {  	[sflag:s29] =	ssyncadd.s32 $0xFFFFFC00  }
0x14c: {  	_ =	swait.ge [sflag:s28], $0x400  }
0x14d: {  	[sflag:s28] =	ssyncset.done $0x0  }
0x14e: {  	[sflag:s28] =	ssyncadd.s32 $0xFFFFFC00  }
0x14f: {  	_ =	swait.ge [sflag:s29], $0x400  }
0x150: {  	[sflag:s29] =	ssyncset.done $0x0  }
0x151: {  	[sflag:s29] =	ssyncadd.s32 $0xFFFFFC00  }
0x152: {  	_ =	swait.ge [sflag:s28], $0x400  }
0x153: {  	[sflag:s28] =	ssyncset.done $0x0  }
0x154: {  	[sflag:s28] =	ssyncadd.s32 $0xFFFFFC00  }
0x155: {  	_ =	swait.ge [sflag:s29], $0x400  }
0x156: {  	[sflag:s29] =	ssyncset.done $0x0  }
0x157: {  	[sflag:s29] =	ssyncadd.s32 $0xFFFFFC00  }
0x158: {  	_ =	swait.ge [sflag:s28], $0x400  }
0x159: {  	[sflag:s28] =	ssyncset.done $0x0  }
0x15a: {  	[sflag:s28] =	ssyncadd.s32 $0xFFFFFC00  }
0x15b: {  	_ =	swait.ge [sflag:s29], $0x400  }
0x15c: {  	[sflag:s29] =	ssyncset.done $0x0  }
0x15d: {  	[sflag:s29] =	ssyncadd.s32 $0xFFFFFC00  }
0x15e: {  	_ =	swait.ge [sflag:s28], $0x400  }
0x15f: {  	[sflag:s28] =	ssyncset.done $0x0  }
0x160: {  	[sflag:s28] =	ssyncadd.s32 $0xFFFFFC00  }
0x161: {  	_ =	swait.ge [sflag:s29], $0x400  }
0x162: {  	[sflag:s29] =	ssyncset.done $0x0  }
0x163: {  	[sflag:s29] =	ssyncadd.s32 $0xFFFFFC00  }
0x164: {  	_ =	swait.ge [sflag:s28], $0x400  }
0x165: {  	[sflag:s28] =	ssyncset.done $0x0  }
0x166: {  	[sflag:s28] =	ssyncadd.s32 $0xFFFFFC00  }
0x167: {  	_ =	swait.ge [sflag:s29], $0x400  }
0x168: {  	[sflag:s29] =	ssyncset.done $0x0  }
0x169: {  	[sflag:s29] =	ssyncadd.s32 $0xFFFFFC00  }
0x16a: {  	_ =	swait.ge [sflag:s28], $0x400  }
0x16b: {  	[sflag:s28] =	ssyncset.done $0x0  }
0x16c: {  	[sflag:s28] =	ssyncadd.s32 $0xFFFFFC00  }
0x16d: {  	_ =	swait.ge [sflag:s29], $0x400  }
0x16e: {  	[sflag:s29] =	ssyncset.done $0x0  }
0x16f: {  	[sflag:s29] =	ssyncadd.s32 $0xFFFFFC00  }
0x170: {  	_ =	swait.ge [sflag:s28], $0x400  }
0x171: {  	[sflag:s28] =	ssyncset.done $0x0  }
0x172: {  	[sflag:s28] =	ssyncadd.s32 $0xFFFFFC00  }
0x173: {  	_ =	swait.ge [sflag:s29], $0x400  }
0x174: {  	[sflag:s29] =	ssyncset.done $0x0  }
0x175: {  	[sflag:s29] =	ssyncadd.s32 $0xFFFFFC00  }
0x176: {  	_ =	swait.ge [sflag:s28], $0x400  }
0x177: {  	[sflag:s28] =	ssyncset.done $0x0  }
0x178: {  	[sflag:s28] =	ssyncadd.s32 $0xFFFFFC00  }
0x179: {  	_ =	swait.ge [sflag:s29], $0x400  }
0x17a: {  	[sflag:s29] =	ssyncset.done $0x0  }
0x17b: {  	[sflag:s29] =	ssyncadd.s32 $0xFFFFFC00  }
0x17c: {  	_ =	swait.ge [sflag:s28], $0x400  }
0x17d: {  	[sflag:s28] =	ssyncset.done $0x0  }
0x17e: {  	[sflag:s28] =	ssyncadd.s32 $0xFFFFFC00  }
0x17f: {  	_ =	swait.ge [sflag:s29], $0x400  }
0x180: {  	[sflag:s29] =	ssyncset.done $0x0  }
0x181: {  	[sflag:s29] =	ssyncadd.s32 $0xFFFFFC00  }
0x182: {  	_ =	swait.ge [sflag:s28], $0x400  }
0x183: {  	[sflag:s28] =	ssyncset.done $0x0  }
0x184: {  	[sflag:s28] =	ssyncadd.s32 $0xFFFFFC00  }
0x185: {  	_ =	swait.ge [sflag:s29], $0x400  }
0x186: {  	[sflag:s29] =	ssyncset.done $0x0  }
0x187: {  	[sflag:s29] =	ssyncadd.s32 $0xFFFFFC00  }
0x188: {  	_ =	swait.ge [sflag:s28], $0x400  }
0x189: {  	[sflag:s28] =	ssyncset.done $0x0  }
0x18a: {  	[sflag:s28] =	ssyncadd.s32 $0xFFFFFC00  }
0x18b: {  	_ =	swait.ge [sflag:s29], $0x400  }
0x18c: {  	[sflag:s29] =	ssyncset.done $0x0  }
0x18d: {  	[sflag:s29] =	ssyncadd.s32 $0xFFFFFC00  }
0x18e: {  	_ =	swait.ge [sflag:s28], $0x400  }
0x18f: {  	[sflag:s28] =	ssyncset.done $0x0  }
0x190: {  	[sflag:s28] =	ssyncadd.s32 $0xFFFFFC00  }
0x191: {  	_ =	swait.ge [sflag:s29], $0x400  }
0x192: {  	[sflag:s29] =	ssyncset.done $0x0  }
0x193: {  	[sflag:s29] =	ssyncadd.s32 $0xFFFFFC00  }
0x194: {  	_ =	swait.ge [sflag:s28], $0x400  }
0x195: {  	[sflag:s28] =	ssyncset.done $0x0  }
0x196: {  	[sflag:s28] =	ssyncadd.s32 $0xFFFFFC00  }
0x197: {  	_ =	swait.ge [sflag:s29], $0x400  }
0x198: {  	[sflag:s29] =	ssyncset.done $0x0  }
0x199: {  	[sflag:s29] =	ssyncadd.s32 $0xFFFFFC00  }
0x19a: {  	_ =	swait.ge [sflag:s28], $0x400  }
0x19b: {  	[sflag:s28] =	ssyncset.done $0x0  }
0x19c: {  	[sflag:s28] =	ssyncadd.s32 $0xFFFFFC00  }
0x19d: {  	_ =	swait.ge [sflag:s29], $0x400  }
0x19e: {  	[sflag:s29] =	ssyncset.done $0x0  }
0x19f: {  	[sflag:s29] =	ssyncadd.s32 $0xFFFFFC00  }
0x1a0: {  	_ =	swait.ge [sflag:s28], $0x400  }
0x1a1: {  	[sflag:s28] =	ssyncset.done $0x0  }
0x1a2: {  	[sflag:s28] =	ssyncadd.s32 $0xFFFFFC00  }
0x1a3: {  	_ =	swait.ge [sflag:s29], $0x400  }
0x1a4: {  	[sflag:s29] =	ssyncset.done $0x0  }
0x1a5: {  	[sflag:s29] =	ssyncadd.s32 $0xFFFFFC00  }
0x1a6: {  	_ =	swait.ge [sflag:s28], $0x400  }
0x1a7: {  	[sflag:s28] =	ssyncset.done $0x0  }
0x1a8: {  	[sflag:s28] =	ssyncadd.s32 $0xFFFFFC00  }
0x1a9: {  	_ =	swait.ge [sflag:s29], $0x400  }
0x1aa: {  	[sflag:s29] =	ssyncset.done $0x0  }
0x1ab: {  	[sflag:s29] =	ssyncadd.s32 $0xFFFFFC00  }
0x1ac: {  	_ =	swait.ge [sflag:s28], $0x400  }
0x1ad: {  	[sflag:s28] =	ssyncset.done $0x0  }
0x1ae: {  	[sflag:s28] =	ssyncadd.s32 $0xFFFFFC00  }
0x1af: {  	v60 =	vimm.s32 $0x3F80;
	vm0 =	vcmask $0x300;
	_ =	swait.ge [sflag:s29], $0x400  }
0x1b0: {  	vm1 =	vcmask $0x704;
	v4 =	vsel vm0, $0x0, v60;
	[sflag:s29] =	ssyncset.done $0x0  }
0x1b1: {  	vm2 =	vcmask $0xB08;
	v4 =	vsel vm1, $0x480, v4;
	[sflag:s29] =	ssyncadd.s32 $0xFFFFFC00  }
0x1b2: {  	vm3 =	vcmask $0xF0C;
	v5 =	vimm.s32 $0x7F80;
	v4 =	vsel vm2, $0x900, v4;
	_ =	swait.ge [sflag:s28], $0x400  }
0x1b3: {  	vm4 =	vcmask $0x1310;
	v5 =	vsel vm0, $0x4000, v5;
	v4 =	vsel vm3, $0xD80, v4;
	[sflag:s28] =	ssyncset.done $0x0  }
0x1b4: {  	vm14 =	vcmask $0x1714;
	v5 =	vsel vm1, $0x4480, v5;
	v4 =	vsel vm4, $0x1200, v4;
	[sflag:s28] =	ssyncadd.s32 $0xFFFFFC00  }
0x1b5: {  	vm15 =	vcmask $0x1B18;
	v5 =	vsel vm2, $0x4900, v5;
	v4 =	vsel vm14, $0x1680, v4;
	_ =	swait.ge [sflag:s29], $0x400  }
0x1b6: {  	vm8 =	vcmask $0x1F1C;
	v5 =	vsel vm3, $0x4D80, v5;
	v4 =	vsel vm15, $0x1B00, v4;
	[sflag:s29] =	ssyncset.done $0x0  }
0x1b7: {  	vm9 =	vcmask $0x2320;
	v5 =	vsel vm4, $0x5200, v5;
	v4 =	vsel vm8, $0x1F80, v4;
	[sflag:s29] =	ssyncadd.s32 $0xFFFFFC00  }
0x1b8: {  	vm10 =	vcmask $0x2724;
	v5 =	vsel vm14, $0x5680, v5;
	v4 =	vsel vm9, $0x2000, v4;
	_ =	swait.ge [sflag:s28], $0x400  }
0x1b9: {  	vm11 =	vcmask $0x2B28;
	v5 =	vsel vm15, $0x5B00, v5;
	v4 =	vsel vm10, $0x2480, v4;
	[sflag:s28] =	ssyncset.done $0x0  }
0x1ba: {  	vm12 =	vcmask $0x2F2C;
	v5 =	vsel vm8, $0x5F80, v5;
	v4 =	vsel vm11, $0x2900, v4;
	[sflag:s28] =	ssyncadd.s32 $0xFFFFFC00  }
0x1bb: {  	vm13 =	vcmask $0x3330;
	v5 =	vsel vm9, $0x6000, v5;
	v4 =	vsel vm12, $0x2D80, v4;
	_ =	swait.ge [sflag:s29], $0x400  }
0x1bc: {  	v5 =	vsel vm10, $0x6480, v5;
	vm14 =	vcmask $0x3734;
	v4 =	vsel vm13, $0x3200, v4;
	[sflag:s29] =	ssyncset.done $0x0  }
0x1bd: {  	v5 =	vsel vm11, $0x6900, v5;
	vm15 =	vcmask $0x3B38;
	v4 =	vsel vm14, $0x3680, v4;
	[sflag:s29] =	ssyncadd.s32 $0xFFFFFC00  }
0x1be: {  	v5 =	vsel vm12, $0x6D80, v5;
	v1 =	vand.u32 $0x7F, v1;
	v4 =	vsel vm15, $0x3B00, v4;
	_ =	swait.ge [sflag:s28], $0x400  }
0x1bf: {  	v61 =	vsel vm13, $0x7200, v5;
	v1 =	vor.u32 v4, v1;
	[sflag:s28] =	ssyncset.done $0x0  }
0x1c0: {  	v4 =	vsel vm14, $0x7680, v61;
	[sflag:s28] =	ssyncadd.s32 $0xFFFFFC00  }
0x1c1: {  	v3 =	vand.u32 $0x7F, v3;
	v4 =	vsel vm15, $0x7B00, v4;
	_ =	swait.ge [sflag:s29], $0x400  }
0x1c2: {  	v3 =	vor.u32 v4, v3;
	[sflag:s29] =	ssyncset.done $0x0  }
0x1c3: {  	[sflag:s29] =	ssyncadd.s32 $0xFFFFFC00  }
0x1c4: {  	v62 =	vld.idx.msk [tilespmem:v1+s7+$0x0], $0xffff  }
0x1c5: {  	v1 =	vld.idx.msk [tilespmem:v1+s8+$0x0], $0xffff  }
0x1c6: {  	v0 =	vld.idx.msk [tilespmem:v0+s6+$0x0], $0xffff  }
0x1c7: {  	v63 =	vld.idx.msk [tilespmem:v3+s7+$0x0], $0xffff  }
0x1c8: {  	v3 =	vld.idx.msk [tilespmem:v3+s8+$0x0], $0xffff;
	_ =	sdelay $0x1  }
0x1c9: {  	v2 =	vld.idx.msk [tilespmem:v2+s6+$0x0], $0xffff  }
0x1ca: {  	v1 =	vadd.f32 v1, v62;
	_ =	sdelay $0x1  }
0x1cb: {  	v3 =	vadd.f32 v3, v63;
	v1 =	vmul.f32 v0, v1  }
0x1cc: {  	v0 =	vadd.f32 $0.0e+00, v0  }
0x1cd: {  	v3 =	vmul.f32 v2, v3;
	v1 =	vadd.f32 $0.0e+00, v1  }
0x1ce: {  	v0 =	vadd.f32 v2, v0  }
0x1cf: {  	v1 =	vadd.f32 v3, v1  }
0x1d0: {  	s30 =	sshll.u32 s5, $0x5;
	[tilespmem:$0x11080] =	vst v0  }
0x1d1: {  	s31 =	simm.s32 $0x11000;
	s6 =	sadd.s32 s30, s4;
	[tilespmem:$0x11000] =	vst v1  }
0x1d2: {  	[hbm4b:s6+s2] =	stream.linear.scatter [tilespmem:s31], [sflag:$0x4], $0x100, $0x38;
	[tilespmem:$0x12180] =	vst v63  }
0x1d3: {  	_ =	swait.ge [sflag:s3], $0x100  }
0x1d4: {  	[sflag:s3] =	ssyncset.done $0x0  }
0x1d5: {  	[sflag:s3] =	ssyncadd.s32 $0xFFFFFF00  }
0x1d6: {  	p0 =	sne.s32 s5, $0x0;
	[bflag:$0x0] =	sbarrier.arrive $0xFFFF  }
0x1d7: {  	_ =	sfence.sel @p0 $0x180000  }
0x1d8: {  	[bflag:$0x0] =	sbarrier.arrive @p0 $0xFFFF  }
0x1d9: {  	_ =	strace @p0 $0x90000047  }
0x1da: {  	[bflag:$0x2] =	sbarrier.arrive @p0 $0xFFFF  }
0x1db: {  	_ =	shalt @p0  }
.LBB2_1:
0x1dc: {  	s5 =	simm.s32 $0x11180  }
0x1dd: {  	[tilespmem:s5], [sflag:$0x4] =	stream.linear.gather [hbm4b:s4+s2], $0x1000, $0x38;
	[tilespmem:$0x12180] =	vst v63  }
0x1de: {  	_ =	swait.ge [sflag:s3], $0x1000  }
0x1df: {  	[sflag:s3] =	ssyncset.done $0x0  }
0x1e0: {  	[sflag:s3] =	ssyncadd.s32 $0xFFFFF000  }
0x1e1: {  	v0 =	vld [tilespmem:$0x11180];
	_ =	sdelay $0x1  }
0x1e2: {  	v1 =	vld [tilespmem:$0x11280];
	_ =	sdelay $0x1  }
0x1e3: {  	v2 =	vld [tilespmem:$0x11380]  }
0x1e4: {  	v3 =	vld [tilespmem:$0x11200];
	v0 =	vadd.f32 $0.0e+00, v0  }
0x1e5: {  	v4 =	vld [tilespmem:$0x11480]  }
0x1e6: {  	v37 =	vld [tilespmem:$0x11300];
	v0 =	vadd.f32 v1, v0  }
0x1e7: {  	v5 =	vld [tilespmem:$0x11580]  }
0x1e8: {  	v38 =	vld [tilespmem:$0x11400];
	v0 =	vadd.f32 v2, v0  }
0x1e9: {  	v6 =	vld [tilespmem:$0x11680]  }
0x1ea: {  	v39 =	vld [tilespmem:$0x11500];
	v3 =	vadd.f32 $0.0e+00, v3;
	v0 =	vadd.f32 v4, v0  }
0x1eb: {  	v7 =	vld [tilespmem:$0x11780]  }
0x1ec: {  	v40 =	vld [tilespmem:$0x11600];
	v1 =	vadd.f32 v37, v3;
	v0 =	vadd.f32 v5, v0  }
0x1ed: {  	v41 =	vld [tilespmem:$0x11880]  }
0x1ee: {  	v42 =	vld [tilespmem:$0x11700];
	v1 =	vadd.f32 v38, v1;
	v0 =	vadd.f32 v6, v0  }
0x1ef: {  	v43 =	vld [tilespmem:$0x11980]  }
0x1f0: {  	v44 =	vld [tilespmem:$0x11800];
	v1 =	vadd.f32 v39, v1;
	v0 =	vadd.f32 v7, v0  }
0x1f1: {  	v45 =	vld [tilespmem:$0x11A80]  }
0x1f2: {  	v46 =	vld [tilespmem:$0x11900];
	v1 =	vadd.f32 v40, v1;
	v0 =	vadd.f32 v41, v0  }
0x1f3: {  	v47 =	vld [tilespmem:$0x11B80]  }
0x1f4: {  	v48 =	vld [tilespmem:$0x11A00];
	v1 =	vadd.f32 v42, v1;
	v0 =	vadd.f32 v43, v0  }
0x1f5: {  	v49 =	vld [tilespmem:$0x11C80]  }
0x1f6: {  	v50 =	vld [tilespmem:$0x11B00];
	v1 =	vadd.f32 v44, v1;
	v0 =	vadd.f32 v45, v0  }
0x1f7: {  	v51 =	vld [tilespmem:$0x11D80]  }
0x1f8: {  	v52 =	vld [tilespmem:$0x11C00];
	v1 =	vadd.f32 v46, v1;
	v0 =	vadd.f32 v47, v0  }
0x1f9: {  	v53 =	vld [tilespmem:$0x11E80]  }
0x1fa: {  	v54 =	vld [tilespmem:$0x11D00];
	v1 =	vadd.f32 v48, v1;
	v0 =	vadd.f32 v49, v0  }
0x1fb: {  	v55 =	vld [tilespmem:$0x11F80]  }
0x1fc: {  	v56 =	vld [tilespmem:$0x11E00];
	v1 =	vadd.f32 v50, v1;
	v0 =	vadd.f32 v51, v0  }
0x1fd: {  	v57 =	vld [tilespmem:$0x12080]  }
0x1fe: {  	v1 =	vadd.f32 v52, v1;
	v0 =	vadd.f32 v53, v0  }
0x1ff: {  	v58 =	vld [tilespmem:$0x11F00]  }
0x200: {  	v1 =	vadd.f32 v54, v1;
	v0 =	vadd.f32 v55, v0  }
0x201: {  	v59 =	vld [tilespmem:$0x12000]  }
0x202: {  	v1 =	vadd.f32 v56, v1;
	v0 =	vadd.f32 v57, v0  }
0x203: {  	v60 =	vld [tilespmem:$0x12100]  }
0x204: {  	v1 =	vadd.f32 v58, v1;
	(xrf2) =	vadd.scan.msk.f32 $0xffff, v0;
	_ =	sdelay $0x1  }
0x205: {  	v61 =	vadd.f32 v59, v1;
	_ =	sdelay $0x1  }
0x206: {  	v0 =	vadd.f32 v60, v61;
	_ =	sdelay $0x1  }
0x207: {  	(xrf2) =	vadd.scan.msk.f32 $0xffff, v0;
	_ =	sdelay $0x3  }
0x208: {  	v62, _, _ =	vpop (xrf2)  }
0x209: {  	(v2sf) =	vpush v62, $0xF;
	_ =	sdelay $0x4  }
0x20a: {  	v63, _, _ =	vpop (xrf2)  }
0x20b: {  	v0 =	vbroadcast v63, $0xF;
	_ =	sdelay $0x1  }
0x20c: {  	(erf) = vrcp.f32 v0;
	_ =	sdelay $0x6  }
0x20d: {  	s30 =	spop (v2sf)  }
0x20e: {  	s4 =	ssub.f32 $0.0e+00, s30  }
0x20f: {  	v0 =	vpop (erf)  }
0x210: {  	v0 =	vmul.f32 s4, v0;
	_ =	sdelay $0x1  }
0x211: {  	s31 =	simm.s32 $0x11100;
	[tilespmem:$0x11100] =	vst v0  }
0x212: {  	[hbm4b:s1+s2] =	stream.linear.scatter [tilespmem:s31], [sflag:$0x4], $0x80, $0x38;
	[tilespmem:$0x12180] =	vst v63  }
0x213: {  	_ =	swait.ge [sflag:s3], $0x80  }
0x214: {  	[sflag:s3] =	ssyncset.done $0x0  }
0x215: {  	[sflag:s3] =	ssyncadd.s32 $0xFFFFFF80  }
0x216: {  	_ =	sfence.sel $0x180000  }
0x217: {  	[bflag:$0x0] =	sbarrier.arrive $0xFFFF  }
0x218: {  	_ =	strace $0x90000047  }
0x219: {  	s0 =	sadd.s32 $0x100000, s0;
	[bflag:$0x2] =	sbarrier.arrive $0xFFFF  }
0x21a: {  	[sflag:s0] =	ssyncadd.tile.s32 $0x1;
	_ =	shalt  }
.Lfunc_end2:
_tile_overlayer_lowered:
.L_overlay_start_2:
0x21b: {  	(tag) =	ssettag $0x2  }
0x21c: {  	s0 =	rddreg [dreg:$0x0];
	s2 =	stileid.u32  }
0x21d: {  	s1 =	rddreg [dreg:$0x1];
	p0 =	sne.s32 s2, $0x0  }
0x21e: {  	s3 =	rddreg [dreg:$0x2];
	[bflag:$0x3] =	sbarrier.arrive $0xFFFF;
	s2 =	simm.s32 @!p0 $0x1C04  }
0x21f: {  	[timem:s3], [sflag:s2] =	dma.local @!p0 [hbm:s0], s1  }
0x220: {  	s0 =	simm.s32 @!p0 $0x4  }
0x221: {  	_ =	swait.ge @!p0 [sflag:s0], s1  }
0x222: {  	s1 =	ssub.s32 @!p0 $0x0, s1;
	[sflag:s0] =	ssyncset.done @!p0 $0x0  }
0x223: {  	[sflag:s0] =	ssyncadd.s32 @!p0 s1  }
0x224: {  	[bflag:$0x3] =	sbarrier.arrive $0xFFFF  }
0x225: {  	_ =	shalt  }

</sc_bundles>
